<compile_context>
chip_gen: v7x
topology: tpu7x:2x2x1
jax: 0.10.2.dev20260603
libtpu: 0.0.44.dev20260713+nightly
codegen_flags: <defaults>
</compile_context>

<pallas_src>
import jax
import jax.numpy as jnp
import numpy as np
from jax import lax
from jax.experimental import pallas as pl
from jax.experimental.pallas import tpu as pltpu
from jax.experimental.pallas import tpu_sc as plsc

N, C, H, W = 1, 96, 224, 224
NUMANGLE, NUMRHO = 100, 100
NP = H * W

NC, NS = 2, 16
NW = NC * NS
PX_PER_W = NP // NW
GROUPS_PER_W = PX_PER_W // 16
PB = 8
NPAIR = C // 2
NPASS = NPAIR // PB
GPB = 7
NB = GROUPS_PER_W // GPB
AR = NUMANGLE * NUMRHO


def _r_idx_table() -> np.ndarray:
    irho = int(np.sqrt(H * H + W * W) + 1) / float(NUMRHO)
    itheta = np.pi / NUMANGLE
    angles = np.arange(NUMANGLE) * itheta
    tab_cos = np.cos(angles) / irho
    tab_sin = np.sin(angles) / irho
    ys, xs = np.meshgrid(np.arange(H), np.arange(W), indexing='ij')
    xrel = (xs - W // 2).astype(np.float64)
    yrel = (ys - H // 2).astype(np.float64)
    r = np.round(xrel[None, :, :] * tab_cos[:, None, None]
                 + yrel[None, :, :] * tab_sin[:, None, None]).astype(np.int64)
    r = np.clip(r + NUMRHO // 2, 0, NUMRHO - 1)
    r = r.reshape(NUMANGLE, NP // 16, 16)
    r = np.transpose(r, (1, 0, 2))
    return np.ascontiguousarray(r).astype(np.int32)


_R_IDX_GM = _r_idx_table()


def _sc_body(table_hbm, idx_hbm, out_hbm, tab_buf, idx_buf, out_buf,
             idx_sems, out_sems):
    wid = lax.axis_index("s") * NC + lax.axis_index("c")
    g0 = wid * GROUPS_PER_W
    px0 = wid * PX_PER_W

    def idx_copy(batch, buf):
        return pltpu.make_async_copy(
            idx_hbm.at[pl.ds(g0 + batch * GPB, GPB)],
            idx_buf.at[buf], idx_sems[buf])

    def out_copy(p, batch, buf):
        return pltpu.make_async_copy(
            out_buf.at[buf],
            out_hbm.at[pl.ds(p * 2 * PB, 2 * PB),
                       pl.ds(px0 + batch * GPB * 16, GPB * 16)],
            out_sems[buf])

    @pl.loop(0, NPASS)
    def _pass(p):
        pltpu.sync_copy(table_hbm.at[pl.ds(p * PB, PB)], tab_buf)
        idx_copy(0, 0).start()

        @pl.loop(0, NB // 2)
        def _batches(bb):
            for sub in range(2):
                b = bb * 2 + sub
                idx_copy(b, sub).wait()

                nxt = b + 1

                @pl.when(nxt < NB)
                def _prefetch():
                    idx_copy(nxt, 1 - sub).start()

                gb = p * NB + b

                @pl.when(gb >= 2)
                def _drain():
                    out_copy(p, b, sub).wait()

                for g in range(GPB):
                    zeros = tuple(jnp.zeros((16,), jnp.float32)
                                  for _ in range(2 * PB))

                    @pl.loop(0, NUMANGLE, init_carry=zeros)
                    def _angles(a, accs):
                        rho = idx_buf[sub, g, a, :]
                        addr = rho + a * NUMRHO
                        out = []
                        for q in range(PB):
                            v = plsc.load_gather(
                                tab_buf, [jnp.full((16,), q, jnp.int32), addr])
                            lo = plsc.bitcast(
                                v << 16, jnp.float32)
                            hi = plsc.bitcast(v, jnp.float32)
                            out.append(accs[2 * q] + lo)
                            out.append(accs[2 * q + 1] + hi)
                        return tuple(out)

                    for c in range(2 * PB):
                        out_buf[sub, c, pl.ds(g * 16, 16)] = _angles[c]

                out_copy(p, b, sub).start()

    for sub in range(2):
        out_copy(NPASS - 1, NB - 2 + sub, sub).wait()


@jax.jit
def _iht_sc(table, idx):
    mesh = plsc.VectorSubcoreMesh(core_axis_name="c", subcore_axis_name="s")
    kern = pl.kernel(
        _sc_body,
        out_type=jax.ShapeDtypeStruct((C, NP), jnp.float32),
        mesh=mesh,
        scratch_types=[
            pltpu.VMEM((PB, AR), jnp.int32),
            pltpu.VMEM((2, GPB, NUMANGLE, 16), jnp.int32),
            pltpu.VMEM((2, 2 * PB, GPB * 16), jnp.float32),
            [pltpu.SemaphoreType.DMA] * 2,
            [pltpu.SemaphoreType.DMA] * 2,
        ],
        compiler_params=pltpu.CompilerParams(use_tc_tiling_on_sc=False,
                                             needs_layout_passes=False),
    )
    return kern(table, idx)


def kernel(hough_feat):
    hf = hough_feat[0].reshape(C, AR)
    u = lax.bitcast_convert_type(hf.astype(jnp.bfloat16), jnp.uint16)
    u = u.astype(jnp.uint32)
    packed = u[0::2] | (u[1::2] << 16)
    table = lax.bitcast_convert_type(packed, jnp.int32)
    idx = jnp.asarray(_R_IDX_GM)
    out = _iht_sc(table, idx)
    return out.reshape(N, C, H, W)

# --- scband reference (transcript-rebuilt; emitter-appended) ---
"""Pipeline reference for scband-c-iht-28046136442969 (READ-ONLY COPY).

The authoritative reference and input builder live on the scoring server;
editing this copy changes nothing except your own understanding.
"""

import jax, jax.numpy as jnp
import numpy as np

N, C, H, W = 1, 96, 224, 224
NUMANGLE, NUMRHO = 100, 100


def _r_indices():
    # Same parametrization as deep-hough-transform CUDA kernel (dh.inverse):
    # irho normalizes rho by the image diagonal, theta spans [0, pi).
    irho = int(np.sqrt(H * H + W * W) + 1) / float(NUMRHO)
    itheta = np.pi / NUMANGLE
    angles = np.arange(NUMANGLE) * itheta
    tab_cos = np.cos(angles) / irho
    tab_sin = np.sin(angles) / irho
    ys, xs = np.meshgrid(np.arange(H), np.arange(W), indexing='ij')
    xrel = (xs - W // 2).astype(np.float64)
    yrel = (ys - H // 2).astype(np.float64)
    r = np.round(xrel[None, :, :] * tab_cos[:, None, None]
                 + yrel[None, :, :] * tab_sin[:, None, None]).astype(np.int64)
    r = r + NUMRHO // 2
    r = np.clip(r, 0, NUMRHO - 1)
    return jnp.asarray(r)  # [NUMANGLE, H, W]


def setup_inputs(seed: int = 0) -> dict:
    key = jax.random.key(seed)
    hough_feat = jax.random.normal(key, (N, C, NUMANGLE, NUMRHO), dtype=jnp.float32)
    return {"hough_feat": hough_feat}


def reference(hough_feat):
    # Inverse Hough transform: out[n,c,y,x] = sum_a hough[n,c,a,r_idx[a,y,x]]
    r_idx = _r_indices()
    out = jnp.zeros((N, C, H, W), dtype=hough_feat.dtype)
    for a in range(NUMANGLE):
        # gather rho bins for this angle at every pixel -> [N, C, H, W]
        out = out + jnp.take(hough_feat[:, :, a, :], r_idx[a], axis=2)
    return out

if __name__ == "__main__":
    import jax
    _d = setup_inputs()
    print(jax.jit(kernel)(*tuple(_d.values())))

</pallas_src>

<mosaic_0001>
#map = affine_map<(d0, d1) -> (0, 0)>
#map1 = affine_map<(d0, d1) -> (0, 0, 0)>
module attributes {stable_mosaic.version = 14 : i64} {
  func.func @_sc_body(%arg0: i32, %arg1: i32, %arg2: memref<48x10000xi32, #tpu.memory_space<hbm>>, %arg3: memref<3136x100x16xi32, #tpu.memory_space<hbm>>, %arg4: memref<96x50176xf32, #tpu.memory_space<hbm>>, %arg5: memref<8x10000xi32, #tpu.memory_space<vmem>>, %arg6: memref<2x7x100x16xi32, #tpu.memory_space<vmem>>, %arg7: memref<2x16x112xf32, #tpu.memory_space<vmem>>, %arg8: memref<!tpu.dma_semaphore, #tpu.memory_space<semaphore_mem>>, %arg9: memref<!tpu.dma_semaphore, #tpu.memory_space<semaphore_mem>>, %arg10: memref<!tpu.dma_semaphore, #tpu.memory_space<semaphore_mem>>, %arg11: memref<!tpu.dma_semaphore, #tpu.memory_space<semaphore_mem>>) attributes {dimension_semantics = [#tpu.dimension_semantics<core_parallel>, #tpu.dimension_semantics<subcore_parallel>], iteration_bounds = array<i64: 2, 16>, scalar_prefetch = 0 : i64, scratch_operands = 7 : i64, tpu.core_type = #tpu.core_type<sc_vector_subcore>, window_params = [{transform_indices = #map}, {transform_indices = #map1}, {transform_indices = #map}]} {
    %mul3A = arith.constant 2 : i32
    %mul3A_0 = arith.muli %arg1, %mul3A : i32
    %add3A = arith.addi %mul3A_0, %arg0 : i32
    %mul3A_1 = arith.constant 98 : i32
    %mul3A_2 = arith.muli %add3A, %mul3A_1 : i32
    %mul3A_3 = arith.constant 1568 : i32
    %mul3A_4 = arith.muli %add3A, %mul3A_3 : i32
    %scan3A = arith.constant 0 : i32
    %scan3A_5 = arith.constant 6 : i32
    %scan3A_6 = arith.addi %scan3A, %scan3A_5 : i32
    %scan3A_7 = arith.constant 1 : i32
    scf.for %scan3A_38 = %scan3A to %scan3A_6 step %scan3A_7  : i32 {
      %mul3A_39 = arith.constant 1 : i32
      %mul3A_40 = arith.muli %scan3A_38, %mul3A_39 : i32
      %add3A_41 = arith.constant 0 : i32
      %add3A_42 = arith.addi %add3A_41, %mul3A_40 : i32
      %mul3A_43 = arith.constant 8 : i32
      %mul3A_44 = arith.muli %add3A_42, %mul3A_43 : i32
      "tpu.region"() ({
        %run_scoped3A = tpu.sem_alloc : memref<!tpu.dma_semaphore, #tpu.memory_space<semaphore_mem>>
        %dma_start3A_68 = arith.constant 0 : i32
        %dma_start3A_69 = tpu.memref_slice %arg2[%mul3A_44, %dma_start3A_68] : memref<48x10000xi32, #tpu.memory_space<hbm>> -> memref<8x10000xi32, #tpu.memory_space<hbm>>
        %dma_start3A_70 = arith.constant 0 : i32
        %dma_start3A_71 = tpu.memref_slice %arg2[%mul3A_44, %dma_start3A_70] : memref<48x10000xi32, #tpu.memory_space<hbm>> -> memref<8x10000xi32, #tpu.memory_space<hbm>>
        tpu.enqueue_dma source(%dma_start3A_71 : memref<8x10000xi32, #tpu.memory_space<hbm>>) target(%arg5 : memref<8x10000xi32, #tpu.memory_space<vmem>>) target_semaphore(%run_scoped3A : memref<!tpu.dma_semaphore, #tpu.memory_space<semaphore_mem>>)
        %dma_wait3A_72 = arith.constant 0 : i32
        %dma_wait3A_73 = tpu.memref_slice %arg2[%mul3A_44, %dma_wait3A_72] : memref<48x10000xi32, #tpu.memory_space<hbm>> -> memref<8x10000xi32, #tpu.memory_space<hbm>>
        %dma_wait3A_74 = arith.constant 0 : i32
        %dma_wait3A_75 = tpu.memref_slice %arg2[%mul3A_44, %dma_wait3A_74] : memref<48x10000xi32, #tpu.memory_space<hbm>> -> memref<8x10000xi32, #tpu.memory_space<hbm>>
        tpu.wait_dma2 semaphore(%run_scoped3A : memref<!tpu.dma_semaphore, #tpu.memory_space<semaphore_mem>>) src(%dma_wait3A_75 : memref<8x10000xi32, #tpu.memory_space<hbm>>) dst(%arg5 : memref<8x10000xi32, #tpu.memory_space<vmem>>)
        tpu.yield
      }) : () -> ()
      %add3A_45 = arith.constant 0 : i32
      %add3A_46 = arith.addi %mul3A_2, %add3A_45 : i32
      %dma_start3A = arith.constant 0 : i32
      %dma_start3A_47 = arith.constant 0 : i32
      %dma_start3A_48 = arith.constant 0 : i32
      %dma_start3A_49 = arith.constant 0 : i32
      %dma_start3A_50 = tpu.memref_slice %arg6[%dma_start3A, %dma_start3A_47, %dma_start3A_48, %dma_start3A_49] : memref<2x7x100x16xi32, #tpu.memory_space<vmem>> -> memref<1x7x100x16xi32, #tpu.memory_space<vmem>>
      %dma_start3A_51 = tpu.memref_squeeze %dma_start3A_50 : memref<1x7x100x16xi32, #tpu.memory_space<vmem>> -> memref<7x100x16xi32, #tpu.memory_space<vmem>>
      %dma_start3A_52 = arith.constant 0 : i32
      %dma_start3A_53 = arith.constant 0 : i32
      %dma_start3A_54 = tpu.memref_slice %arg3[%add3A_46, %dma_start3A_52, %dma_start3A_53] : memref<3136x100x16xi32, #tpu.memory_space<hbm>> -> memref<7x100x16xi32, #tpu.memory_space<hbm>>
      %dma_start3A_55 = arith.constant 0 : i32
      %dma_start3A_56 = arith.constant 0 : i32
      %dma_start3A_57 = arith.constant 0 : i32
      %dma_start3A_58 = tpu.memref_slice %arg6[%dma_start3A, %dma_start3A_55, %dma_start3A_56, %dma_start3A_57] : memref<2x7x100x16xi32, #tpu.memory_space<vmem>> -> memref<1x7x100x16xi32, #tpu.memory_space<vmem>>
      %dma_start3A_59 = tpu.memref_squeeze %dma_start3A_58 : memref<1x7x100x16xi32, #tpu.memory_space<vmem>> -> memref<7x100x16xi32, #tpu.memory_space<vmem>>
      %dma_start3A_60 = arith.constant 0 : i32
      %dma_start3A_61 = arith.constant 0 : i32
      %dma_start3A_62 = tpu.memref_slice %arg3[%add3A_46, %dma_start3A_60, %dma_start3A_61] : memref<3136x100x16xi32, #tpu.memory_space<hbm>> -> memref<7x100x16xi32, #tpu.memory_space<hbm>>
      tpu.enqueue_dma source(%dma_start3A_62 : memref<7x100x16xi32, #tpu.memory_space<hbm>>) target(%dma_start3A_59 : memref<7x100x16xi32, #tpu.memory_space<vmem>>) target_semaphore(%arg8 : memref<!tpu.dma_semaphore, #tpu.memory_space<semaphore_mem>>)
      %scan3A_63 = arith.constant 0 : i32
      %scan3A_64 = arith.constant 7 : i32
      %scan3A_65 = arith.addi %scan3A_63, %scan3A_64 : i32
      %scan3A_66 = arith.constant 1 : i32
      scf.for %scan3A_68 = %scan3A_63 to %scan3A_65 step %scan3A_66  : i32 {
        %mul3A_69 = arith.constant 1 : i32
        %mul3A_70 = arith.muli %scan3A_68, %mul3A_69 : i32
        %add3A_71 = arith.constant 0 : i32
        %add3A_72 = arith.addi %add3A_71, %mul3A_70 : i32
        %mul3A_73 = arith.constant 2 : i32
        %mul3A_74 = arith.muli %add3A_72, %mul3A_73 : i32
        %add3A_75 = arith.constant 0 : i32
        %add3A_76 = arith.addi %mul3A_74, %add3A_75 : i32
        %mul3A_77 = arith.constant 7 : i32
        %mul3A_78 = arith.muli %add3A_76, %mul3A_77 : i32
        %add3A_79 = arith.addi %mul3A_2, %mul3A_78 : i32
        %dma_wait3A_80 = arith.constant 0 : i32
        %dma_wait3A_81 = arith.constant 0 : i32
        %dma_wait3A_82 = arith.constant 0 : i32
        %dma_wait3A_83 = arith.constant 0 : i32
        %dma_wait3A_84 = tpu.memref_slice %arg6[%dma_wait3A_80, %dma_wait3A_81, %dma_wait3A_82, %dma_wait3A_83] : memref<2x7x100x16xi32, #tpu.memory_space<vmem>> -> memref<1x7x100x16xi32, #tpu.memory_space<vmem>>
        %dma_wait3A_85 = tpu.memref_squeeze %dma_wait3A_84 : memref<1x7x100x16xi32, #tpu.memory_space<vmem>> -> memref<7x100x16xi32, #tpu.memory_space<vmem>>
        %dma_wait3A_86 = arith.constant 0 : i32
        %dma_wait3A_87 = arith.constant 0 : i32
        %dma_wait3A_88 = tpu.memref_slice %arg3[%add3A_79, %dma_wait3A_86, %dma_wait3A_87] : memref<3136x100x16xi32, #tpu.memory_space<hbm>> -> memref<7x100x16xi32, #tpu.memory_space<hbm>>
        %dma_wait3A_89 = arith.constant 0 : i32
        %dma_wait3A_90 = arith.constant 0 : i32
        %dma_wait3A_91 = arith.constant 0 : i32
        %dma_wait3A_92 = tpu.memref_slice %arg6[%dma_wait3A_80, %dma_wait3A_89, %dma_wait3A_90, %dma_wait3A_91] : memref<2x7x100x16xi32, #tpu.memory_space<vmem>> -> memref<1x7x100x16xi32, #tpu.memory_space<vmem>>
        %dma_wait3A_93 = tpu.memref_squeeze %dma_wait3A_92 : memref<1x7x100x16xi32, #tpu.memory_space<vmem>> -> memref<7x100x16xi32, #tpu.memory_space<vmem>>
        %dma_wait3A_94 = arith.constant 0 : i32
        %dma_wait3A_95 = arith.constant 0 : i32
        %dma_wait3A_96 = tpu.memref_slice %arg3[%add3A_79, %dma_wait3A_94, %dma_wait3A_95] : memref<3136x100x16xi32, #tpu.memory_space<hbm>> -> memref<7x100x16xi32, #tpu.memory_space<hbm>>
        tpu.wait_dma2 semaphore(%arg8 : memref<!tpu.dma_semaphore, #tpu.memory_space<semaphore_mem>>) src(%dma_wait3A_96 : memref<7x100x16xi32, #tpu.memory_space<hbm>>) dst(%dma_wait3A_93 : memref<7x100x16xi32, #tpu.memory_space<vmem>>)
        %add3A_97 = arith.constant 1 : i32
        %add3A_98 = arith.addi %add3A_76, %add3A_97 : i32
        %lt3A = arith.constant 14 : i32
        %lt3A_99 = arith.cmpi slt, %add3A_98, %lt3A : i32
        %convert_element_type3A = arith.extui %lt3A_99 : i1 to i32
        %cond3A = arith.constant 0 : i32
        %cond3A_100 = arith.cmpi ne, %convert_element_type3A, %cond3A : i32
        scf.if %cond3A_100 {
          %mul3A_2061 = arith.constant 7 : i32
          %mul3A_2062 = arith.muli %add3A_98, %mul3A_2061 : i32
          %add3A_2063 = arith.addi %mul3A_2, %mul3A_2062 : i32
          %dma_start3A_2064 = arith.constant 1 : i32
          %dma_start3A_2065 = arith.constant 0 : i32
          %dma_start3A_2066 = arith.constant 0 : i32
          %dma_start3A_2067 = arith.constant 0 : i32
          %dma_start3A_2068 = tpu.memref_slice %arg6[%dma_start3A_2064, %dma_start3A_2065, %dma_start3A_2066, %dma_start3A_2067] : memref<2x7x100x16xi32, #tpu.memory_space<vmem>> -> memref<1x7x100x16xi32, #tpu.memory_space<vmem>>
          %dma_start3A_2069 = tpu.memref_squeeze %dma_start3A_2068 : memref<1x7x100x16xi32, #tpu.memory_space<vmem>> -> memref<7x100x16xi32, #tpu.memory_space<vmem>>
          %dma_start3A_2070 = arith.constant 0 : i32
          %dma_start3A_2071 = arith.constant 0 : i32
          %dma_start3A_2072 = tpu.memref_slice %arg3[%add3A_2063, %dma_start3A_2070, %dma_start3A_2071] : memref<3136x100x16xi32, #tpu.memory_space<hbm>> -> memref<7x100x16xi32, #tpu.memory_space<hbm>>
          %dma_start3A_2073 = arith.constant 0 : i32
          %dma_start3A_2074 = arith.constant 0 : i32
          %dma_start3A_2075 = arith.constant 0 : i32
          %dma_start3A_2076 = tpu.memref_slice %arg6[%dma_start3A_2064, %dma_start3A_2073, %dma_start3A_2074, %dma_start3A_2075] : memref<2x7x100x16xi32, #tpu.memory_space<vmem>> -> memref<1x7x100x16xi32, #tpu.memory_space<vmem>>
          %dma_start3A_2077 = tpu.memref_squeeze %dma_start3A_2076 : memref<1x7x100x16xi32, #tpu.memory_space<vmem>> -> memref<7x100x16xi32, #tpu.memory_space<vmem>>
          %dma_start3A_2078 = arith.constant 0 : i32
          %dma_start3A_2079 = arith.constant 0 : i32
          %dma_start3A_2080 = tpu.memref_slice %arg3[%add3A_2063, %dma_start3A_2078, %dma_start3A_2079] : memref<3136x100x16xi32, #tpu.memory_space<hbm>> -> memref<7x100x16xi32, #tpu.memory_space<hbm>>
          tpu.enqueue_dma source(%dma_start3A_2080 : memref<7x100x16xi32, #tpu.memory_space<hbm>>) target(%dma_start3A_2077 : memref<7x100x16xi32, #tpu.memory_space<vmem>>) target_semaphore(%arg9 : memref<!tpu.dma_semaphore, #tpu.memory_space<semaphore_mem>>)
        } else {
        }
        %mul3A_101 = arith.constant 14 : i32
        %mul3A_102 = arith.muli %add3A_42, %mul3A_101 : i32
        %add3A_103 = arith.addi %mul3A_102, %add3A_76 : i32
        %ge3A = arith.constant 2 : i32
        %ge3A_104 = arith.cmpi sge, %add3A_103, %ge3A : i32
        %convert_element_type3A_105 = arith.extui %ge3A_104 : i1 to i32
        %cond3A_106 = arith.constant 0 : i32
        %cond3A_107 = arith.cmpi ne, %convert_element_type3A_105, %cond3A_106 : i32
        scf.if %cond3A_107 {
          %mul3A_2061 = arith.constant 2 : i32
          %mul3A_2062 = arith.muli %add3A_42, %mul3A_2061 : i32
          %mul3A_2063 = arith.constant 8 : i32
          %mul3A_2064 = arith.muli %mul3A_2062, %mul3A_2063 : i32
          %mul3A_2065 = arith.constant 7 : i32
          %mul3A_2066 = arith.muli %add3A_76, %mul3A_2065 : i32
          %mul3A_2067 = arith.constant 16 : i32
          %mul3A_2068 = arith.muli %mul3A_2066, %mul3A_2067 : i32
          %add3A_2069 = arith.addi %mul3A_4, %mul3A_2068 : i32
          %dma_wait3A_2070 = arith.constant 0 : i32
          %dma_wait3A_2071 = arith.constant 0 : i32
          %dma_wait3A_2072 = arith.constant 0 : i32
          %dma_wait3A_2073 = tpu.memref_slice %arg7[%dma_wait3A_2070, %dma_wait3A_2071, %dma_wait3A_2072] : memref<2x16x112xf32, #tpu.memory_space<vmem>> -> memref<1x16x112xf32, #tpu.memory_space<vmem>>
          %dma_wait3A_2074 = tpu.memref_squeeze %dma_wait3A_2073 : memref<1x16x112xf32, #tpu.memory_space<vmem>> -> memref<16x112xf32, #tpu.memory_space<vmem>>
          %dma_wait3A_2075 = tpu.memref_slice %arg4[%mul3A_2064, %add3A_2069] : memref<96x50176xf32, #tpu.memory_space<hbm>> -> memref<16x112xf32, #tpu.memory_space<hbm>>
          %dma_wait3A_2076 = tpu.memref_slice %arg4[%mul3A_2064, %add3A_2069] : memref<96x50176xf32, #tpu.memory_space<hbm>> -> memref<16x112xf32, #tpu.memory_space<hbm>>
          %dma_wait3A_2077 = arith.constant 0 : i32
          %dma_wait3A_2078 = arith.constant 0 : i32
          %dma_wait3A_2079 = tpu.memref_slice %arg7[%dma_wait3A_2070, %dma_wait3A_2077, %dma_wait3A_2078] : memref<2x16x112xf32, #tpu.memory_space<vmem>> -> memref<1x16x112xf32, #tpu.memory_space<vmem>>
          %dma_wait3A_2080 = tpu.memref_squeeze %dma_wait3A_2079 : memref<1x16x112xf32, #tpu.memory_space<vmem>> -> memref<16x112xf32, #tpu.memory_space<vmem>>
          tpu.wait_dma2 semaphore(%arg10 : memref<!tpu.dma_semaphore, #tpu.memory_space<semaphore_mem>>) src(%dma_wait3A_2080 : memref<16x112xf32, #tpu.memory_space<vmem>>) dst(%dma_wait3A_2076 : memref<16x112xf32, #tpu.memory_space<hbm>>)
        } else {
        }
        %broadcast_in_dim3A = arith.constant 0.000000e+00 : f32
        %broadcast_in_dim3A_108 = vector.broadcast %broadcast_in_dim3A : f32 to vector<16xf32>
        %broadcast_in_dim3A_109 = arith.constant 0.000000e+00 : f32
        %broadcast_in_dim3A_110 = vector.broadcast %broadcast_in_dim3A_109 : f32 to vector<16xf32>
        %broadcast_in_dim3A_111 = arith.constant 0.000000e+00 : f32
        %broadcast_in_dim3A_112 = vector.broadcast %broadcast_in_dim3A_111 : f32 to vector<16xf32>
        %broadcast_in_dim3A_113 = arith.constant 0.000000e+00 : f32
        %broadcast_in_dim3A_114 = vector.broadcast %broadcast_in_dim3A_113 : f32 to vector<16xf32>
        %broadcast_in_dim3A_115 = arith.constant 0.000000e+00 : f32
        %broadcast_in_dim3A_116 = vector.broadcast %broadcast_in_dim3A_115 : f32 to vector<16xf32>
        %broadcast_in_dim3A_117 = arith.constant 0.000000e+00 : f32
        %broadcast_in_dim3A_118 = vector.broadcast %broadcast_in_dim3A_117 : f32 to vector<16xf32>
        %broadcast_in_dim3A_119 = arith.constant 0.000000e+00 : f32
        %broadcast_in_dim3A_120 = vector.broadcast %broadcast_in_dim3A_119 : f32 to vector<16xf32>
        %broadcast_in_dim3A_121 = arith.constant 0.000000e+00 : f32
        %broadcast_in_dim3A_122 = vector.broadcast %broadcast_in_dim3A_121 : f32 to vector<16xf32>
        %broadcast_in_dim3A_123 = arith.constant 0.000000e+00 : f32
        %broadcast_in_dim3A_124 = vector.broadcast %broadcast_in_dim3A_123 : f32 to vector<16xf32>
        %broadcast_in_dim3A_125 = arith.constant 0.000000e+00 : f32
        %broadcast_in_dim3A_126 = vector.broadcast %broadcast_in_dim3A_125 : f32 to vector<16xf32>
        %broadcast_in_dim3A_127 = arith.constant 0.000000e+00 : f32
        %broadcast_in_dim3A_128 = vector.broadcast %broadcast_in_dim3A_127 : f32 to vector<16xf32>
        %broadcast_in_dim3A_129 = arith.constant 0.000000e+00 : f32
        %broadcast_in_dim3A_130 = vector.broadcast %broadcast_in_dim3A_129 : f32 to vector<16xf32>
        %broadcast_in_dim3A_131 = arith.constant 0.000000e+00 : f32
        %broadcast_in_dim3A_132 = vector.broadcast %broadcast_in_dim3A_131 : f32 to vector<16xf32>
        %broadcast_in_dim3A_133 = arith.constant 0.000000e+00 : f32
        %broadcast_in_dim3A_134 = vector.broadcast %broadcast_in_dim3A_133 : f32 to vector<16xf32>
        %broadcast_in_dim3A_135 = arith.constant 0.000000e+00 : f32
        %broadcast_in_dim3A_136 = vector.broadcast %broadcast_in_dim3A_135 : f32 to vector<16xf32>
        %broadcast_in_dim3A_137 = arith.constant 0.000000e+00 : f32
        %broadcast_in_dim3A_138 = vector.broadcast %broadcast_in_dim3A_137 : f32 to vector<16xf32>
        %scan3A_139 = arith.constant 0 : i32
        %scan3A_140 = arith.constant 100 : i32
        %scan3A_141 = arith.addi %scan3A_139, %scan3A_140 : i32
        %scan3A_142 = arith.constant 1 : i32
        %scan3A_143:16 = scf.for %scan3A_2061 = %scan3A_139 to %scan3A_141 step %scan3A_142 iter_args(%scan3A_2062 = %broadcast_in_dim3A_108, %scan3A_2063 = %broadcast_in_dim3A_110, %scan3A_2064 = %broadcast_in_dim3A_112, %scan3A_2065 = %broadcast_in_dim3A_114, %scan3A_2066 = %broadcast_in_dim3A_116, %scan3A_2067 = %broadcast_in_dim3A_118, %scan3A_2068 = %broadcast_in_dim3A_120, %scan3A_2069 = %broadcast_in_dim3A_122, %scan3A_2070 = %broadcast_in_dim3A_124, %scan3A_2071 = %broadcast_in_dim3A_126, %scan3A_2072 = %broadcast_in_dim3A_128, %scan3A_2073 = %broadcast_in_dim3A_130, %scan3A_2074 = %broadcast_in_dim3A_132, %scan3A_2075 = %broadcast_in_dim3A_134, %scan3A_2076 = %broadcast_in_dim3A_136, %scan3A_2077 = %broadcast_in_dim3A_138) -> (vector<16xf32>, vector<16xf32>, vector<16xf32>, vector<16xf32>, vector<16xf32>, vector<16xf32>, vector<16xf32>, vector<16xf32>, vector<16xf32>, vector<16xf32>, vector<16xf32>, vector<16xf32>, vector<16xf32>, vector<16xf32>, vector<16xf32>, vector<16xf32>)  : i32 {
          %mul3A_2078 = arith.constant 1 : i32
          %mul3A_2079 = arith.muli %scan3A_2061, %mul3A_2078 : i32
          %add3A_2080 = arith.constant 0 : i32
          %add3A_2081 = arith.addi %add3A_2080, %mul3A_2079 : i32
          %get3A = arith.constant 0 : i32
          %get3A_2082 = arith.constant 0 : i32
          %get3A_2083 = arith.index_cast %get3A : i32 to index
          %get3A_2084 = arith.index_cast %get3A_2082 : i32 to index
          %get3A_2085 = arith.index_cast %add3A_2081 : i32 to index
          %get3A_2086 = arith.constant 0 : index
          %get3A_2087 = tpu.vector_load %arg6[%get3A_2083, %get3A_2084, %get3A_2085, %get3A_2086] {strides = array<i32>} : memref<2x7x100x16xi32, #tpu.memory_space<vmem>>, vector<16xi32>,
          %mul3A_2088 = arith.constant 100 : i32
          %mul3A_2089 = arith.muli %add3A_2081, %mul3A_2088 : i32
          %add3A_2090 = vector.broadcast %mul3A_2089 : i32 to vector<16xi32>
          %add3A_2091 = arith.addi %get3A_2087, %add3A_2090 : vector<16xi32>
          %broadcast_in_dim3A_2092 = arith.constant 0 : i32
          %broadcast_in_dim3A_2093 = vector.broadcast %broadcast_in_dim3A_2092 : i32 to vector<16xi32>
          %gather3A = tpu.vector_load_idx %arg5[%broadcast_in_dim3A_2093, %add3A_2091] : memref<8x10000xi32, #tpu.memory_space<vmem>>[vector<16xi32>, vector<16xi32>], vector<16xi32>,
          %shift_left3A = arith.constant 16 : i32
          %shift_left3A_2094 = vector.broadcast %shift_left3A : i32 to vector<16xi32>
          %shift_left3A_2095 = arith.shli %gather3A, %shift_left3A_2094 : vector<16xi32>
          %bitcast3A = vector.bitcast %shift_left3A_2095 : vector<16xi32> to vector<16xf32>
          %bitcast3A_2096 = vector.bitcast %gather3A : vector<16xi32> to vector<16xf32>
          %add3A_2097 = arith.addf %scan3A_2062, %bitcast3A : vector<16xf32>
          %add3A_2098 = arith.addf %scan3A_2063, %bitcast3A_2096 : vector<16xf32>
          %broadcast_in_dim3A_2099 = arith.constant 1 : i32
          %broadcast_in_dim3A_2100 = vector.broadcast %broadcast_in_dim3A_2099 : i32 to vector<16xi32>
          %gather3A_2101 = tpu.vector_load_idx %arg5[%broadcast_in_dim3A_2100, %add3A_2091] : memref<8x10000xi32, #tpu.memory_space<vmem>>[vector<16xi32>, vector<16xi32>], vector<16xi32>,
          %shift_left3A_2102 = arith.constant 16 : i32
          %shift_left3A_2103 = vector.broadcast %shift_left3A_2102 : i32 to vector<16xi32>
          %shift_left3A_2104 = arith.shli %gather3A_2101, %shift_left3A_2103 : vector<16xi32>
          %bitcast3A_2105 = vector.bitcast %shift_left3A_2104 : vector<16xi32> to vector<16xf32>
          %bitcast3A_2106 = vector.bitcast %gather3A_2101 : vector<16xi32> to vector<16xf32>
          %add3A_2107 = arith.addf %scan3A_2064, %bitcast3A_2105 : vector<16xf32>
          %add3A_2108 = arith.addf %scan3A_2065, %bitcast3A_2106 : vector<16xf32>
          %broadcast_in_dim3A_2109 = arith.constant 2 : i32
          %broadcast_in_dim3A_2110 = vector.broadcast %broadcast_in_dim3A_2109 : i32 to vector<16xi32>
          %gather3A_2111 = tpu.vector_load_idx %arg5[%broadcast_in_dim3A_2110, %add3A_2091] : memref<8x10000xi32, #tpu.memory_space<vmem>>[vector<16xi32>, vector<16xi32>], vector<16xi32>,
          %shift_left3A_2112 = arith.constant 16 : i32
          %shift_left3A_2113 = vector.broadcast %shift_left3A_2112 : i32 to vector<16xi32>
          %shift_left3A_2114 = arith.shli %gather3A_2111, %shift_left3A_2113 : vector<16xi32>
          %bitcast3A_2115 = vector.bitcast %shift_left3A_2114 : vector<16xi32> to vector<16xf32>
          %bitcast3A_2116 = vector.bitcast %gather3A_2111 : vector<16xi32> to vector<16xf32>
          %add3A_2117 = arith.addf %scan3A_2066, %bitcast3A_2115 : vector<16xf32>
          %add3A_2118 = arith.addf %scan3A_2067, %bitcast3A_2116 : vector<16xf32>
          %broadcast_in_dim3A_2119 = arith.constant 3 : i32
          %broadcast_in_dim3A_2120 = vector.broadcast %broadcast_in_dim3A_2119 : i32 to vector<16xi32>
          %gather3A_2121 = tpu.vector_load_idx %arg5[%broadcast_in_dim3A_2120, %add3A_2091] : memref<8x10000xi32, #tpu.memory_space<vmem>>[vector<16xi32>, vector<16xi32>], vector<16xi32>,
          %shift_left3A_2122 = arith.constant 16 : i32
          %shift_left3A_2123 = vector.broadcast %shift_left3A_2122 : i32 to vector<16xi32>
          %shift_left3A_2124 = arith.shli %gather3A_2121, %shift_left3A_2123 : vector<16xi32>
          %bitcast3A_2125 = vector.bitcast %shift_left3A_2124 : vector<16xi32> to vector<16xf32>
          %bitcast3A_2126 = vector.bitcast %gather3A_2121 : vector<16xi32> to vector<16xf32>
          %add3A_2127 = arith.addf %scan3A_2068, %bitcast3A_2125 : vector<16xf32>
          %add3A_2128 = arith.addf %scan3A_2069, %bitcast3A_2126 : vector<16xf32>
          %broadcast_in_dim3A_2129 = arith.constant 4 : i32
          %broadcast_in_dim3A_2130 = vector.broadcast %broadcast_in_dim3A_2129 : i32 to vector<16xi32>
          %gather3A_2131 = tpu.vector_load_idx %arg5[%broadcast_in_dim3A_2130, %add3A_2091] : memref<8x10000xi32, #tpu.memory_space<vmem>>[vector<16xi32>, vector<16xi32>], vector<16xi32>,
          %shift_left3A_2132 = arith.constant 16 : i32
          %shift_left3A_2133 = vector.broadcast %shift_left3A_2132 : i32 to vector<16xi32>
          %shift_left3A_2134 = arith.shli %gather3A_2131, %shift_left3A_2133 : vector<16xi32>
          %bitcast3A_2135 = vector.bitcast %shift_left3A_2134 : vector<16xi32> to vector<16xf32>
          %bitcast3A_2136 = vector.bitcast %gather3A_2131 : vector<16xi32> to vector<16xf32>
          %add3A_2137 = arith.addf %scan3A_2070, %bitcast3A_2135 : vector<16xf32>
          %add3A_2138 = arith.addf %scan3A_2071, %bitcast3A_2136 : vector<16xf32>
          %broadcast_in_dim3A_2139 = arith.constant 5 : i32
          %broadcast_in_dim3A_2140 = vector.broadcast %broadcast_in_dim3A_2139 : i32 to vector<16xi32>
          %gather3A_2141 = tpu.vector_load_idx %arg5[%broadcast_in_dim3A_2140, %add3A_2091] : memref<8x10000xi32, #tpu.memory_space<vmem>>[vector<16xi32>, vector<16xi32>], vector<16xi32>,
          %shift_left3A_2142 = arith.constant 16 : i32
          %shift_left3A_2143 = vector.broadcast %shift_left3A_2142 : i32 to vector<16xi32>
          %shift_left3A_2144 = arith.shli %gather3A_2141, %shift_left3A_2143 : vector<16xi32>
          %bitcast3A_2145 = vector.bitcast %shift_left3A_2144 : vector<16xi32> to vector<16xf32>
          %bitcast3A_2146 = vector.bitcast %gather3A_2141 : vector<16xi32> to vector<16xf32>
          %add3A_2147 = arith.addf %scan3A_2072, %bitcast3A_2145 : vector<16xf32>
          %add3A_2148 = arith.addf %scan3A_2073, %bitcast3A_2146 : vector<16xf32>
          %broadcast_in_dim3A_2149 = arith.constant 6 : i32
          %broadcast_in_dim3A_2150 = vector.broadcast %broadcast_in_dim3A_2149 : i32 to vector<16xi32>
          %gather3A_2151 = tpu.vector_load_idx %arg5[%broadcast_in_dim3A_2150, %add3A_2091] : memref<8x10000xi32, #tpu.memory_space<vmem>>[vector<16xi32>, vector<16xi32>], vector<16xi32>,
          %shift_left3A_2152 = arith.constant 16 : i32
          %shift_left3A_2153 = vector.broadcast %shift_left3A_2152 : i32 to vector<16xi32>
          %shift_left3A_2154 = arith.shli %gather3A_2151, %shift_left3A_2153 : vector<16xi32>
          %bitcast3A_2155 = vector.bitcast %shift_left3A_2154 : vector<16xi32> to vector<16xf32>
          %bitcast3A_2156 = vector.bitcast %gather3A_2151 : vector<16xi32> to vector<16xf32>
          %add3A_2157 = arith.addf %scan3A_2074, %bitcast3A_2155 : vector<16xf32>
          %add3A_2158 = arith.addf %scan3A_2075, %bitcast3A_2156 : vector<16xf32>
          %broadcast_in_dim3A_2159 = arith.constant 7 : i32
          %broadcast_in_dim3A_2160 = vector.broadcast %broadcast_in_dim3A_2159 : i32 to vector<16xi32>
          %gather3A_2161 = tpu.vector_load_idx %arg5[%broadcast_in_dim3A_2160, %add3A_2091] : memref<8x10000xi32, #tpu.memory_space<vmem>>[vector<16xi32>, vector<16xi32>], vector<16xi32>,
          %shift_left3A_2162 = arith.constant 16 : i32
          %shift_left3A_2163 = vector.broadcast %shift_left3A_2162 : i32 to vector<16xi32>
          %shift_left3A_2164 = arith.shli %gather3A_2161, %shift_left3A_2163 : vector<16xi32>
          %bitcast3A_2165 = vector.bitcast %shift_left3A_2164 : vector<16xi32> to vector<16xf32>
          %bitcast3A_2166 = vector.bitcast %gather3A_2161 : vector<16xi32> to vector<16xf32>
          %add3A_2167 = arith.addf %scan3A_2076, %bitcast3A_2165 : vector<16xf32>
          %add3A_2168 = arith.addf %scan3A_2077, %bitcast3A_2166 : vector<16xf32>
          scf.yield %add3A_2097, %add3A_2098, %add3A_2107, %add3A_2108, %add3A_2117, %add3A_2118, %add3A_2127, %add3A_2128, %add3A_2137, %add3A_2138, %add3A_2147, %add3A_2148, %add3A_2157, %add3A_2158, %add3A_2167, %add3A_2168 : vector<16xf32>, vector<16xf32>, vector<16xf32>, vector<16xf32>, vector<16xf32>, vector<16xf32>, vector<16xf32>, vector<16xf32>, vector<16xf32>, vector<16xf32>, vector<16xf32>, vector<16xf32>, vector<16xf32>, vector<16xf32>, vector<16xf32>, vector<16xf32>
        }
        %scan3A_144 = arith.constant 100 : i32
        %swap3A = arith.constant 0 : i32
        %swap3A_145 = arith.constant 0 : i32
        %swap3A_146 = arith.index_cast %swap3A : i32 to index
        %swap3A_147 = arith.index_cast %swap3A_145 : i32 to index
        %swap3A_148 = arith.constant 0 : index
        %swap3A_149 = tpu.vector_load %arg7[%swap3A_146, %swap3A_147, %swap3A_148] {strides = array<i32>} : memref<2x16x112xf32, #tpu.memory_space<vmem>>, vector<16xf32>,
        tpu.vector_store %arg7[%swap3A_146, %swap3A_147, %swap3A_148], %scan3A_143#0 {strides = array<i32>} : memref<2x16x112xf32, #tpu.memory_space<vmem>>, vector<16xf32>,
        %swap3A_150 = arith.constant 0 : i32
        %swap3A_151 = arith.constant 1 : i32
        %swap3A_152 = arith.index_cast %swap3A_150 : i32 to index
        %swap3A_153 = arith.index_cast %swap3A_151 : i32 to index
        %swap3A_154 = arith.constant 0 : index
        %swap3A_155 = tpu.vector_load %arg7[%swap3A_152, %swap3A_153, %swap3A_154] {strides = array<i32>} : memref<2x16x112xf32, #tpu.memory_space<vmem>>, vector<16xf32>,
        tpu.vector_store %arg7[%swap3A_152, %swap3A_153, %swap3A_154], %scan3A_143#1 {strides = array<i32>} : memref<2x16x112xf32, #tpu.memory_space<vmem>>, vector<16xf32>,
        %swap3A_156 = arith.constant 0 : i32
        %swap3A_157 = arith.constant 2 : i32
        %swap3A_158 = arith.index_cast %swap3A_156 : i32 to index
        %swap3A_159 = arith.index_cast %swap3A_157 : i32 to index
        %swap3A_160 = arith.constant 0 : index
        %swap3A_161 = tpu.vector_load %arg7[%swap3A_158, %swap3A_159, %swap3A_160] {strides = array<i32>} : memref<2x16x112xf32, #tpu.memory_space<vmem>>, vector<16xf32>,
        tpu.vector_store %arg7[%swap3A_158, %swap3A_159, %swap3A_160], %scan3A_143#2 {strides = array<i32>} : memref<2x16x112xf32, #tpu.memory_space<vmem>>, vector<16xf32>,
        %swap3A_162 = arith.constant 0 : i32
        %swap3A_163 = arith.constant 3 : i32
        %swap3A_164 = arith.index_cast %swap3A_162 : i32 to index
        %swap3A_165 = arith.index_cast %swap3A_163 : i32 to index
        %swap3A_166 = arith.constant 0 : index
        %swap3A_167 = tpu.vector_load %arg7[%swap3A_164, %swap3A_165, %swap3A_166] {strides = array<i32>} : memref<2x16x112xf32, #tpu.memory_space<vmem>>, vector<16xf32>,
        tpu.vector_store %arg7[%swap3A_164, %swap3A_165, %swap3A_166], %scan3A_143#3 {strides = array<i32>} : memref<2x16x112xf32, #tpu.memory_space<vmem>>, vector<16xf32>,
        %swap3A_168 = arith.constant 0 : i32
        %swap3A_169 = arith.constant 4 : i32
        %swap3A_170 = arith.index_cast %swap3A_168 : i32 to index
        %swap3A_171 = arith.index_cast %swap3A_169 : i32 to index
        %swap3A_172 = arith.constant 0 : index
        %swap3A_173 = tpu.vector_load %arg7[%swap3A_170, %swap3A_171, %swap3A_172] {strides = array<i32>} : memref<2x16x112xf32, #tpu.memory_space<vmem>>, vector<16xf32>,
        tpu.vector_store %arg7[%swap3A_170, %swap3A_171, %swap3A_172], %scan3A_143#4 {strides = array<i32>} : memref<2x16x112xf32, #tpu.memory_space<vmem>>, vector<16xf32>,
        %swap3A_174 = arith.constant 0 : i32
        %swap3A_175 = arith.constant 5 : i32
        %swap3A_176 = arith.index_cast %swap3A_174 : i32 to index
        %swap3A_177 = arith.index_cast %swap3A_175 : i32 to index
        %swap3A_178 = arith.constant 0 : index
        %swap3A_179 = tpu.vector_load %arg7[%swap3A_176, %swap3A_177, %swap3A_178] {strides = array<i32>} : memref<2x16x112xf32, #tpu.memory_space<vmem>>, vector<16xf32>,
        tpu.vector_store %arg7[%swap3A_176, %swap3A_177, %swap3A_178], %scan3A_143#5 {strides = array<i32>} : memref<2x16x112xf32, #tpu.memory_space<vmem>>, vector<16xf32>,
        %swap3A_180 = arith.constant 0 : i32
        %swap3A_181 = arith.constant 6 : i32
        %swap3A_182 = arith.index_cast %swap3A_180 : i32 to index
        %swap3A_183 = arith.index_cast %swap3A_181 : i32 to index
        %swap3A_184 = arith.constant 0 : index
        %swap3A_185 = tpu.vector_load %arg7[%swap3A_182, %swap3A_183, %swap3A_184] {strides = array<i32>} : memref<2x16x112xf32, #tpu.memory_space<vmem>>, vector<16xf32>,
        tpu.vector_store %arg7[%swap3A_182, %swap3A_183, %swap3A_184], %scan3A_143#6 {strides = array<i32>} : memref<2x16x112xf32, #tpu.memory_space<vmem>>, vector<16xf32>,
        %swap3A_186 = arith.constant 0 : i32
        %swap3A_187 = arith.constant 7 : i32
        %swap3A_188 = arith.index_cast %swap3A_186 : i32 to index
        %swap3A_189 = arith.index_cast %swap3A_187 : i32 to index
        %swap3A_190 = arith.constant 0 : index
        %swap3A_191 = tpu.vector_load %arg7[%swap3A_188, %swap3A_189, %swap3A_190] {strides = array<i32>} : memref<2x16x112xf32, #tpu.memory_space<vmem>>, vector<16xf32>,
        tpu.vector_store %arg7[%swap3A_188, %swap3A_189, %swap3A_190], %scan3A_143#7 {strides = array<i32>} : memref<2x16x112xf32, #tpu.memory_space<vmem>>, vector<16xf32>,
        %swap3A_192 = arith.constant 0 : i32
        %swap3A_193 = arith.constant 8 : i32
        %swap3A_194 = arith.index_cast %swap3A_192 : i32 to index
        %swap3A_195 = arith.index_cast %swap3A_193 : i32 to index
        %swap3A_196 = arith.constant 0 : index
        %swap3A_197 = tpu.vector_load %arg7[%swap3A_194, %swap3A_195, %swap3A_196] {strides = array<i32>} : memref<2x16x112xf32, #tpu.memory_space<vmem>>, vector<16xf32>,
        tpu.vector_store %arg7[%swap3A_194, %swap3A_195, %swap3A_196], %scan3A_143#8 {strides = array<i32>} : memref<2x16x112xf32, #tpu.memory_space<vmem>>, vector<16xf32>,
        %swap3A_198 = arith.constant 0 : i32
        %swap3A_199 = arith.constant 9 : i32
        %swap3A_200 = arith.index_cast %swap3A_198 : i32 to index
        %swap3A_201 = arith.index_cast %swap3A_199 : i32 to index
        %swap3A_202 = arith.constant 0 : index
        %swap3A_203 = tpu.vector_load %arg7[%swap3A_200, %swap3A_201, %swap3A_202] {strides = array<i32>} : memref<2x16x112xf32, #tpu.memory_space<vmem>>, vector<16xf32>,
        tpu.vector_store %arg7[%swap3A_200, %swap3A_201, %swap3A_202], %scan3A_143#9 {strides = array<i32>} : memref<2x16x112xf32, #tpu.memory_space<vmem>>, vector<16xf32>,
        %swap3A_204 = arith.constant 0 : i32
        %swap3A_205 = arith.constant 10 : i32
        %swap3A_206 = arith.index_cast %swap3A_204 : i32 to index
        %swap3A_207 = arith.index_cast %swap3A_205 : i32 to index
        %swap3A_208 = arith.constant 0 : index
        %swap3A_209 = tpu.vector_load %arg7[%swap3A_206, %swap3A_207, %swap3A_208] {strides = array<i32>} : memref<2x16x112xf32, #tpu.memory_space<vmem>>, vector<16xf32>,
        tpu.vector_store %arg7[%swap3A_206, %swap3A_207, %swap3A_208], %scan3A_143#10 {strides = array<i32>} : memref<2x16x112xf32, #tpu.memory_space<vmem>>, vector<16xf32>,
        %swap3A_210 = arith.constant 0 : i32
        %swap3A_211 = arith.constant 11 : i32
        %swap3A_212 = arith.index_cast %swap3A_210 : i32 to index
        %swap3A_213 = arith.index_cast %swap3A_211 : i32 to index
        %swap3A_214 = arith.constant 0 : index
        %swap3A_215 = tpu.vector_load %arg7[%swap3A_212, %swap3A_213, %swap3A_214] {strides = array<i32>} : memref<2x16x112xf32, #tpu.memory_space<vmem>>, vector<16xf32>,
        tpu.vector_store %arg7[%swap3A_212, %swap3A_213, %swap3A_214], %scan3A_143#11 {strides = array<i32>} : memref<2x16x112xf32, #tpu.memory_space<vmem>>, vector<16xf32>,
        %swap3A_216 = arith.constant 0 : i32
        %swap3A_217 = arith.constant 12 : i32
        %swap3A_218 = arith.index_cast %swap3A_216 : i32 to index
        %swap3A_219 = arith.index_cast %swap3A_217 : i32 to index
        %swap3A_220 = arith.constant 0 : index
        %swap3A_221 = tpu.vector_load %arg7[%swap3A_218, %swap3A_219, %swap3A_220] {strides = array<i32>} : memref<2x16x112xf32, #tpu.memory_space<vmem>>, vector<16xf32>,
        tpu.vector_store %arg7[%swap3A_218, %swap3A_219, %swap3A_220], %scan3A_143#12 {strides = array<i32>} : memref<2x16x112xf32, #tpu.memory_space<vmem>>, vector<16xf32>,
        %swap3A_222 = arith.constant 0 : i32
        %swap3A_223 = arith.constant 13 : i32
        %swap3A_224 = arith.index_cast %swap3A_222 : i32 to index
        %swap3A_225 = arith.index_cast %swap3A_223 : i32 to index
        %swap3A_226 = arith.constant 0 : index
        %swap3A_227 = tpu.vector_load %arg7[%swap3A_224, %swap3A_225, %swap3A_226] {strides = array<i32>} : memref<2x16x112xf32, #tpu.memory_space<vmem>>, vector<16xf32>,
        tpu.vector_store %arg7[%swap3A_224, %swap3A_225, %swap3A_226], %scan3A_143#13 {strides = array<i32>} : memref<2x16x112xf32, #tpu.memory_space<vmem>>, vector<16xf32>,
        %swap3A_228 = arith.constant 0 : i32
        %swap3A_229 = arith.constant 14 : i32
        %swap3A_230 = arith.index_cast %swap3A_228 : i32 to index
        %swap3A_231 = arith.index_cast %swap3A_229 : i32 to index
        %swap3A_232 = arith.constant 0 : index
        %swap3A_233 = tpu.vector_load %arg7[%swap3A_230, %swap3A_231, %swap3A_232] {strides = array<i32>} : memref<2x16x112xf32, #tpu.memory_space<vmem>>, vector<16xf32>,
        tpu.vector_store %arg7[%swap3A_230, %swap3A_231, %swap3A_232], %scan3A_143#14 {strides = array<i32>} : memref<2x16x112xf32, #tpu.memory_space<vmem>>, vector<16xf32>,
        %swap3A_234 = arith.constant 0 : i32
        %swap3A_235 = arith.constant 15 : i32
        %swap3A_236 = arith.index_cast %swap3A_234 : i32 to index
        %swap3A_237 = arith.index_cast %swap3A_235 : i32 to index
        %swap3A_238 = arith.constant 0 : index
        %swap3A_239 = tpu.vector_load %arg7[%swap3A_236, %swap3A_237, %swap3A_238] {strides = array<i32>} : memref<2x16x112xf32, #tpu.memory_space<vmem>>, vector<16xf32>,
        tpu.vector_store %arg7[%swap3A_236, %swap3A_237, %swap3A_238], %scan3A_143#15 {strides = array<i32>} : memref<2x16x112xf32, #tpu.memory_space<vmem>>, vector<16xf32>,
        %broadcast_in_dim3A_240 = arith.constant 0.000000e+00 : f32
        %broadcast_in_dim3A_241 = vector.broadcast %broadcast_in_dim3A_240 : f32 to vector<16xf32>
        %broadcast_in_dim3A_242 = arith.constant 0.000000e+00 : f32
        %broadcast_in_dim3A_243 = vector.broadcast %broadcast_in_dim3A_242 : f32 to vector<16xf32>
        %broadcast_in_dim3A_244 = arith.constant 0.000000e+00 : f32
        %broadcast_in_dim3A_245 = vector.broadcast %broadcast_in_dim3A_244 : f32 to vector<16xf32>
        %broadcast_in_dim3A_246 = arith.constant 0.000000e+00 : f32
        %broadcast_in_dim3A_247 = vector.broadcast %broadcast_in_dim3A_246 : f32 to vector<16xf32>
        %broadcast_in_dim3A_248 = arith.constant 0.000000e+00 : f32
        %broadcast_in_dim3A_249 = vector.broadcast %broadcast_in_dim3A_248 : f32 to vector<16xf32>
        %broadcast_in_dim3A_250 = arith.constant 0.000000e+00 : f32
        %broadcast_in_dim3A_251 = vector.broadcast %broadcast_in_dim3A_250 : f32 to vector<16xf32>
        %broadcast_in_dim3A_252 = arith.constant 0.000000e+00 : f32
        %broadcast_in_dim3A_253 = vector.broadcast %broadcast_in_dim3A_252 : f32 to vector<16xf32>
        %broadcast_in_dim3A_254 = arith.constant 0.000000e+00 : f32
        %broadcast_in_dim3A_255 = vector.broadcast %broadcast_in_dim3A_254 : f32 to vector<16xf32>
        %broadcast_in_dim3A_256 = arith.constant 0.000000e+00 : f32
        %broadcast_in_dim3A_257 = vector.broadcast %broadcast_in_dim3A_256 : f32 to vector<16xf32>
        %broadcast_in_dim3A_258 = arith.constant 0.000000e+00 : f32
        %broadcast_in_dim3A_259 = vector.broadcast %broadcast_in_dim3A_258 : f32 to vector<16xf32>
        %broadcast_in_dim3A_260 = arith.constant 0.000000e+00 : f32
        %broadcast_in_dim3A_261 = vector.broadcast %broadcast_in_dim3A_260 : f32 to vector<16xf32>
        %broadcast_in_dim3A_262 = arith.constant 0.000000e+00 : f32
        %broadcast_in_dim3A_263 = vector.broadcast %broadcast_in_dim3A_262 : f32 to vector<16xf32>
        %broadcast_in_dim3A_264 = arith.constant 0.000000e+00 : f32
        %broadcast_in_dim3A_265 = vector.broadcast %broadcast_in_dim3A_264 : f32 to vector<16xf32>
        %broadcast_in_dim3A_266 = arith.constant 0.000000e+00 : f32
        %broadcast_in_dim3A_267 = vector.broadcast %broadcast_in_dim3A_266 : f32 to vector<16xf32>
        %broadcast_in_dim3A_268 = arith.constant 0.000000e+00 : f32
        %broadcast_in_dim3A_269 = vector.broadcast %broadcast_in_dim3A_268 : f32 to vector<16xf32>
        %broadcast_in_dim3A_270 = arith.constant 0.000000e+00 : f32
        %broadcast_in_dim3A_271 = vector.broadcast %broadcast_in_dim3A_270 : f32 to vector<16xf32>
        %scan3A_272 = arith.constant 0 : i32
        %scan3A_273 = arith.constant 100 : i32
        %scan3A_274 = arith.addi %scan3A_272, %scan3A_273 : i32
        %scan3A_275 = arith.constant 1 : i32
        %scan3A_276:16 = scf.for %scan3A_2061 = %scan3A_272 to %scan3A_274 step %scan3A_275 iter_args(%scan3A_2062 = %broadcast_in_dim3A_241, %scan3A_2063 = %broadcast_in_dim3A_243, %scan3A_2064 = %broadcast_in_dim3A_245, %scan3A_2065 = %broadcast_in_dim3A_247, %scan3A_2066 = %broadcast_in_dim3A_249, %scan3A_2067 = %broadcast_in_dim3A_251, %scan3A_2068 = %broadcast_in_dim3A_253, %scan3A_2069 = %broadcast_in_dim3A_255, %scan3A_2070 = %broadcast_in_dim3A_257, %scan3A_2071 = %broadcast_in_dim3A_259, %scan3A_2072 = %broadcast_in_dim3A_261, %scan3A_2073 = %broadcast_in_dim3A_263, %scan3A_2074 = %broadcast_in_dim3A_265, %scan3A_2075 = %broadcast_in_dim3A_267, %scan3A_2076 = %broadcast_in_dim3A_269, %scan3A_2077 = %broadcast_in_dim3A_271) -> (vector<16xf32>, vector<16xf32>, vector<16xf32>, vector<16xf32>, vector<16xf32>, vector<16xf32>, vector<16xf32>, vector<16xf32>, vector<16xf32>, vector<16xf32>, vector<16xf32>, vector<16xf32>, vector<16xf32>, vector<16xf32>, vector<16xf32>, vector<16xf32>)  : i32 {
          %mul3A_2078 = arith.constant 1 : i32
          %mul3A_2079 = arith.muli %scan3A_2061, %mul3A_2078 : i32
          %add3A_2080 = arith.constant 0 : i32
          %add3A_2081 = arith.addi %add3A_2080, %mul3A_2079 : i32
          %get3A = arith.constant 0 : i32
          %get3A_2082 = arith.constant 1 : i32
          %get3A_2083 = arith.index_cast %get3A : i32 to index
          %get3A_2084 = arith.index_cast %get3A_2082 : i32 to index
          %get3A_2085 = arith.index_cast %add3A_2081 : i32 to index
          %get3A_2086 = arith.constant 0 : index
          %get3A_2087 = tpu.vector_load %arg6[%get3A_2083, %get3A_2084, %get3A_2085, %get3A_2086] {strides = array<i32>} : memref<2x7x100x16xi32, #tpu.memory_space<vmem>>, vector<16xi32>,
          %mul3A_2088 = arith.constant 100 : i32
          %mul3A_2089 = arith.muli %add3A_2081, %mul3A_2088 : i32
          %add3A_2090 = vector.broadcast %mul3A_2089 : i32 to vector<16xi32>
          %add3A_2091 = arith.addi %get3A_2087, %add3A_2090 : vector<16xi32>
          %broadcast_in_dim3A_2092 = arith.constant 0 : i32
          %broadcast_in_dim3A_2093 = vector.broadcast %broadcast_in_dim3A_2092 : i32 to vector<16xi32>
          %gather3A = tpu.vector_load_idx %arg5[%broadcast_in_dim3A_2093, %add3A_2091] : memref<8x10000xi32, #tpu.memory_space<vmem>>[vector<16xi32>, vector<16xi32>], vector<16xi32>,
          %shift_left3A = arith.constant 16 : i32
          %shift_left3A_2094 = vector.broadcast %shift_left3A : i32 to vector<16xi32>
          %shift_left3A_2095 = arith.shli %gather3A, %shift_left3A_2094 : vector<16xi32>
          %bitcast3A = vector.bitcast %shift_left3A_2095 : vector<16xi32> to vector<16xf32>
          %bitcast3A_2096 = vector.bitcast %gather3A : vector<16xi32> to vector<16xf32>
          %add3A_2097 = arith.addf %scan3A_2062, %bitcast3A : vector<16xf32>
          %add3A_2098 = arith.addf %scan3A_2063, %bitcast3A_2096 : vector<16xf32>
          %broadcast_in_dim3A_2099 = arith.constant 1 : i32
          %broadcast_in_dim3A_2100 = vector.broadcast %broadcast_in_dim3A_2099 : i32 to vector<16xi32>
          %gather3A_2101 = tpu.vector_load_idx %arg5[%broadcast_in_dim3A_2100, %add3A_2091] : memref<8x10000xi32, #tpu.memory_space<vmem>>[vector<16xi32>, vector<16xi32>], vector<16xi32>,
          %shift_left3A_2102 = arith.constant 16 : i32
          %shift_left3A_2103 = vector.broadcast %shift_left3A_2102 : i32 to vector<16xi32>
          %shift_left3A_2104 = arith.shli %gather3A_2101, %shift_left3A_2103 : vector<16xi32>
          %bitcast3A_2105 = vector.bitcast %shift_left3A_2104 : vector<16xi32> to vector<16xf32>
          %bitcast3A_2106 = vector.bitcast %gather3A_2101 : vector<16xi32> to vector<16xf32>
          %add3A_2107 = arith.addf %scan3A_2064, %bitcast3A_2105 : vector<16xf32>
          %add3A_2108 = arith.addf %scan3A_2065, %bitcast3A_2106 : vector<16xf32>
          %broadcast_in_dim3A_2109 = arith.constant 2 : i32
          %broadcast_in_dim3A_2110 = vector.broadcast %broadcast_in_dim3A_2109 : i32 to vector<16xi32>
          %gather3A_2111 = tpu.vector_load_idx %arg5[%broadcast_in_dim3A_2110, %add3A_2091] : memref<8x10000xi32, #tpu.memory_space<vmem>>[vector<16xi32>, vector<16xi32>], vector<16xi32>,
          %shift_left3A_2112 = arith.constant 16 : i32
          %shift_left3A_2113 = vector.broadcast %shift_left3A_2112 : i32 to vector<16xi32>
          %shift_left3A_2114 = arith.shli %gather3A_2111, %shift_left3A_2113 : vector<16xi32>
          %bitcast3A_2115 = vector.bitcast %shift_left3A_2114 : vector<16xi32> to vector<16xf32>
          %bitcast3A_2116 = vector.bitcast %gather3A_2111 : vector<16xi32> to vector<16xf32>
          %add3A_2117 = arith.addf %scan3A_2066, %bitcast3A_2115 : vector<16xf32>
          %add3A_2118 = arith.addf %scan3A_2067, %bitcast3A_2116 : vector<16xf32>
          %broadcast_in_dim3A_2119 = arith.constant 3 : i32
          %broadcast_in_dim3A_2120 = vector.broadcast %broadcast_in_dim3A_2119 : i32 to vector<16xi32>
          %gather3A_2121 = tpu.vector_load_idx %arg5[%broadcast_in_dim3A_2120, %add3A_2091] : memref<8x10000xi32, #tpu.memory_space<vmem>>[vector<16xi32>, vector<16xi32>], vector<16xi32>,
          %shift_left3A_2122 = arith.constant 16 : i32
          %shift_left3A_2123 = vector.broadcast %shift_left3A_2122 : i32 to vector<16xi32>
          %shift_left3A_2124 = arith.shli %gather3A_2121, %shift_left3A_2123 : vector<16xi32>
          %bitcast3A_2125 = vector.bitcast %shift_left3A_2124 : vector<16xi32> to vector<16xf32>
          %bitcast3A_2126 = vector.bitcast %gather3A_2121 : vector<16xi32> to vector<16xf32>
          %add3A_2127 = arith.addf %scan3A_2068, %bitcast3A_2125 : vector<16xf32>
          %add3A_2128 = arith.addf %scan3A_2069, %bitcast3A_2126 : vector<16xf32>
          %broadcast_in_dim3A_2129 = arith.constant 4 : i32
          %broadcast_in_dim3A_2130 = vector.broadcast %broadcast_in_dim3A_2129 : i32 to vector<16xi32>
          %gather3A_2131 = tpu.vector_load_idx %arg5[%broadcast_in_dim3A_2130, %add3A_2091] : memref<8x10000xi32, #tpu.memory_space<vmem>>[vector<16xi32>, vector<16xi32>], vector<16xi32>,
          %shift_left3A_2132 = arith.constant 16 : i32
          %shift_left3A_2133 = vector.broadcast %shift_left3A_2132 : i32 to vector<16xi32>
          %shift_left3A_2134 = arith.shli %gather3A_2131, %shift_left3A_2133 : vector<16xi32>
          %bitcast3A_2135 = vector.bitcast %shift_left3A_2134 : vector<16xi32> to vector<16xf32>
          %bitcast3A_2136 = vector.bitcast %gather3A_2131 : vector<16xi32> to vector<16xf32>
          %add3A_2137 = arith.addf %scan3A_2070, %bitcast3A_2135 : vector<16xf32>
          %add3A_2138 = arith.addf %scan3A_2071, %bitcast3A_2136 : vector<16xf32>
          %broadcast_in_dim3A_2139 = arith.constant 5 : i32
          %broadcast_in_dim3A_2140 = vector.broadcast %broadcast_in_dim3A_2139 : i32 to vector<16xi32>
          %gather3A_2141 = tpu.vector_load_idx %arg5[%broadcast_in_dim3A_2140, %add3A_2091] : memref<8x10000xi32, #tpu.memory_space<vmem>>[vector<16xi32>, vector<16xi32>], vector<16xi32>,
          %shift_left3A_2142 = arith.constant 16 : i32
          %shift_left3A_2143 = vector.broadcast %shift_left3A_2142 : i32 to vector<16xi32>
          %shift_left3A_2144 = arith.shli %gather3A_2141, %shift_left3A_2143 : vector<16xi32>
          %bitcast3A_2145 = vector.bitcast %shift_left3A_2144 : vector<16xi32> to vector<16xf32>
          %bitcast3A_2146 = vector.bitcast %gather3A_2141 : vector<16xi32> to vector<16xf32>
          %add3A_2147 = arith.addf %scan3A_2072, %bitcast3A_2145 : vector<16xf32>
          %add3A_2148 = arith.addf %scan3A_2073, %bitcast3A_2146 : vector<16xf32>
          %broadcast_in_dim3A_2149 = arith.constant 6 : i32
          %broadcast_in_dim3A_2150 = vector.broadcast %broadcast_in_dim3A_2149 : i32 to vector<16xi32>
          %gather3A_2151 = tpu.vector_load_idx %arg5[%broadcast_in_dim3A_2150, %add3A_2091] : memref<8x10000xi32, #tpu.memory_space<vmem>>[vector<16xi32>, vector<16xi32>], vector<16xi32>,
          %shift_left3A_2152 = arith.constant 16 : i32
          %shift_left3A_2153 = vector.broadcast %shift_left3A_2152 : i32 to vector<16xi32>
          %shift_left3A_2154 = arith.shli %gather3A_2151, %shift_left3A_2153 : vector<16xi32>
          %bitcast3A_2155 = vector.bitcast %shift_left3A_2154 : vector<16xi32> to vector<16xf32>
          %bitcast3A_2156 = vector.bitcast %gather3A_2151 : vector<16xi32> to vector<16xf32>
          %add3A_2157 = arith.addf %scan3A_2074, %bitcast3A_2155 : vector<16xf32>
          %add3A_2158 = arith.addf %scan3A_2075, %bitcast3A_2156 : vector<16xf32>
          %broadcast_in_dim3A_2159 = arith.constant 7 : i32
          %broadcast_in_dim3A_2160 = vector.broadcast %broadcast_in_dim3A_2159 : i32 to vector<16xi32>
          %gather3A_2161 = tpu.vector_load_idx %arg5[%broadcast_in_dim3A_2160, %add3A_2091] : memref<8x10000xi32, #tpu.memory_space<vmem>>[vector<16xi32>, vector<16xi32>], vector<16xi32>,
          %shift_left3A_2162 = arith.constant 16 : i32
          %shift_left3A_2163 = vector.broadcast %shift_left3A_2162 : i32 to vector<16xi32>
          %shift_left3A_2164 = arith.shli %gather3A_2161, %shift_left3A_2163 : vector<16xi32>
          %bitcast3A_2165 = vector.bitcast %shift_left3A_2164 : vector<16xi32> to vector<16xf32>
          %bitcast3A_2166 = vector.bitcast %gather3A_2161 : vector<16xi32> to vector<16xf32>
          %add3A_2167 = arith.addf %scan3A_2076, %bitcast3A_2165 : vector<16xf32>
          %add3A_2168 = arith.addf %scan3A_2077, %bitcast3A_2166 : vector<16xf32>
          scf.yield %add3A_2097, %add3A_2098, %add3A_2107, %add3A_2108, %add3A_2117, %add3A_2118, %add3A_2127, %add3A_2128, %add3A_2137, %add3A_2138, %add3A_2147, %add3A_2148, %add3A_2157, %add3A_2158, %add3A_2167, %add3A_2168 : vector<16xf32>, vector<16xf32>, vector<16xf32>, vector<16xf32>, vector<16xf32>, vector<16xf32>, vector<16xf32>, vector<16xf32>, vector<16xf32>, vector<16xf32>, vector<16xf32>, vector<16xf32>, vector<16xf32>, vector<16xf32>, vector<16xf32>, vector<16xf32>
        }
        %scan3A_277 = arith.constant 100 : i32
        %swap3A_278 = arith.constant 0 : i32
        %swap3A_279 = arith.constant 0 : i32
        %swap3A_280 = arith.index_cast %swap3A_278 : i32 to index
        %swap3A_281 = arith.index_cast %swap3A_279 : i32 to index
        %swap3A_282 = arith.constant 16 : index
        %swap3A_283 = tpu.vector_load %arg7[%swap3A_280, %swap3A_281, %swap3A_282] {strides = array<i32>} : memref<2x16x112xf32, #tpu.memory_space<vmem>>, vector<16xf32>,
        tpu.vector_store %arg7[%swap3A_280, %swap3A_281, %swap3A_282], %scan3A_276#0 {strides = array<i32>} : memref<2x16x112xf32, #tpu.memory_space<vmem>>, vector<16xf32>,
        %swap3A_284 = arith.constant 0 : i32
        %swap3A_285 = arith.constant 1 : i32
        %swap3A_286 = arith.index_cast %swap3A_284 : i32 to index
        %swap3A_287 = arith.index_cast %swap3A_285 : i32 to index
        %swap3A_288 = arith.constant 16 : index
        %swap3A_289 = tpu.vector_load %arg7[%swap3A_286, %swap3A_287, %swap3A_288] {strides = array<i32>} : memref<2x16x112xf32, #tpu.memory_space<vmem>>, vector<16xf32>,
        tpu.vector_store %arg7[%swap3A_286, %swap3A_287, %swap3A_288], %scan3A_276#1 {strides = array<i32>} : memref<2x16x112xf32, #tpu.memory_space<vmem>>, vector<16xf32>,
        %swap3A_290 = arith.constant 0 : i32
        %swap3A_291 = arith.constant 2 : i32
        %swap3A_292 = arith.index_cast %swap3A_290 : i32 to index
        %swap3A_293 = arith.index_cast %swap3A_291 : i32 to index
        %swap3A_294 = arith.constant 16 : index
        %swap3A_295 = tpu.vector_load %arg7[%swap3A_292, %swap3A_293, %swap3A_294] {strides = array<i32>} : memref<2x16x112xf32, #tpu.memory_space<vmem>>, vector<16xf32>,
        tpu.vector_store %arg7[%swap3A_292, %swap3A_293, %swap3A_294], %scan3A_276#2 {strides = array<i32>} : memref<2x16x112xf32, #tpu.memory_space<vmem>>, vector<16xf32>,
        %swap3A_296 = arith.constant 0 : i32
        %swap3A_297 = arith.constant 3 : i32
        %swap3A_298 = arith.index_cast %swap3A_296 : i32 to index
        %swap3A_299 = arith.index_cast %swap3A_297 : i32 to index
        %swap3A_300 = arith.constant 16 : index
        %swap3A_301 = tpu.vector_load %arg7[%swap3A_298, %swap3A_299, %swap3A_300] {strides = array<i32>} : memref<2x16x112xf32, #tpu.memory_space<vmem>>, vector<16xf32>,
        tpu.vector_store %arg7[%swap3A_298, %swap3A_299, %swap3A_300], %scan3A_276#3 {strides = array<i32>} : memref<2x16x112xf32, #tpu.memory_space<vmem>>, vector<16xf32>,
        %swap3A_302 = arith.constant 0 : i32
        %swap3A_303 = arith.constant 4 : i32
        %swap3A_304 = arith.index_cast %swap3A_302 : i32 to index
        %swap3A_305 = arith.index_cast %swap3A_303 : i32 to index
        %swap3A_306 = arith.constant 16 : index
        %swap3A_307 = tpu.vector_load %arg7[%swap3A_304, %swap3A_305, %swap3A_306] {strides = array<i32>} : memref<2x16x112xf32, #tpu.memory_space<vmem>>, vector<16xf32>,
        tpu.vector_store %arg7[%swap3A_304, %swap3A_305, %swap3A_306], %scan3A_276#4 {strides = array<i32>} : memref<2x16x112xf32, #tpu.memory_space<vmem>>, vector<16xf32>,
        %swap3A_308 = arith.constant 0 : i32
        %swap3A_309 = arith.constant 5 : i32
        %swap3A_310 = arith.index_cast %swap3A_308 : i32 to index
        %swap3A_311 = arith.index_cast %swap3A_309 : i32 to index
        %swap3A_312 = arith.constant 16 : index
        %swap3A_313 = tpu.vector_load %arg7[%swap3A_310, %swap3A_311, %swap3A_312] {strides = array<i32>} : memref<2x16x112xf32, #tpu.memory_space<vmem>>, vector<16xf32>,
        tpu.vector_store %arg7[%swap3A_310, %swap3A_311, %swap3A_312], %scan3A_276#5 {strides = array<i32>} : memref<2x16x112xf32, #tpu.memory_space<vmem>>, vector<16xf32>,
        %swap3A_314 = arith.constant 0 : i32
        %swap3A_315 = arith.constant 6 : i32
        %swap3A_316 = arith.index_cast %swap3A_314 : i32 to index
        %swap3A_317 = arith.index_cast %swap3A_315 : i32 to index
        %swap3A_318 = arith.constant 16 : index
        %swap3A_319 = tpu.vector_load %arg7[%swap3A_316, %swap3A_317, %swap3A_318] {strides = array<i32>} : memref<2x16x112xf32, #tpu.memory_space<vmem>>, vector<16xf32>,
        tpu.vector_store %arg7[%swap3A_316, %swap3A_317, %swap3A_318], %scan3A_276#6 {strides = array<i32>} : memref<2x16x112xf32, #tpu.memory_space<vmem>>, vector<16xf32>,
        %swap3A_320 = arith.constant 0 : i32
        %swap3A_321 = arith.constant 7 : i32
        %swap3A_322 = arith.index_cast %swap3A_320 : i32 to index
        %swap3A_323 = arith.index_cast %swap3A_321 : i32 to index
        %swap3A_324 = arith.constant 16 : index
        %swap3A_325 = tpu.vector_load %arg7[%swap3A_322, %swap3A_323, %swap3A_324] {strides = array<i32>} : memref<2x16x112xf32, #tpu.memory_space<vmem>>, vector<16xf32>,
        tpu.vector_store %arg7[%swap3A_322, %swap3A_323, %swap3A_324], %scan3A_276#7 {strides = array<i32>} : memref<2x16x112xf32, #tpu.memory_space<vmem>>, vector<16xf32>,
        %swap3A_326 = arith.constant 0 : i32
        %swap3A_327 = arith.constant 8 : i32
        %swap3A_328 = arith.index_cast %swap3A_326 : i32 to index
        %swap3A_329 = arith.index_cast %swap3A_327 : i32 to index
        %swap3A_330 = arith.constant 16 : index
        %swap3A_331 = tpu.vector_load %arg7[%swap3A_328, %swap3A_329, %swap3A_330] {strides = array<i32>} : memref<2x16x112xf32, #tpu.memory_space<vmem>>, vector<16xf32>,
        tpu.vector_store %arg7[%swap3A_328, %swap3A_329, %swap3A_330], %scan3A_276#8 {strides = array<i32>} : memref<2x16x112xf32, #tpu.memory_space<vmem>>, vector<16xf32>,
        %swap3A_332 = arith.constant 0 : i32
        %swap3A_333 = arith.constant 9 : i32
        %swap3A_334 = arith.index_cast %swap3A_332 : i32 to index
        %swap3A_335 = arith.index_cast %swap3A_333 : i32 to index
        %swap3A_336 = arith.constant 16 : index
        %swap3A_337 = tpu.vector_load %arg7[%swap3A_334, %swap3A_335, %swap3A_336] {strides = array<i32>} : memref<2x16x112xf32, #tpu.memory_space<vmem>>, vector<16xf32>,
        tpu.vector_store %arg7[%swap3A_334, %swap3A_335, %swap3A_336], %scan3A_276#9 {strides = array<i32>} : memref<2x16x112xf32, #tpu.memory_space<vmem>>, vector<16xf32>,
        %swap3A_338 = arith.constant 0 : i32
        %swap3A_339 = arith.constant 10 : i32
        %swap3A_340 = arith.index_cast %swap3A_338 : i32 to index
        %swap3A_341 = arith.index_cast %swap3A_339 : i32 to index
        %swap3A_342 = arith.constant 16 : index
        %swap3A_343 = tpu.vector_load %arg7[%swap3A_340, %swap3A_341, %swap3A_342] {strides = array<i32>} : memref<2x16x112xf32, #tpu.memory_space<vmem>>, vector<16xf32>,
        tpu.vector_store %arg7[%swap3A_340, %swap3A_341, %swap3A_342], %scan3A_276#10 {strides = array<i32>} : memref<2x16x112xf32, #tpu.memory_space<vmem>>, vector<16xf32>,
        %swap3A_344 = arith.constant 0 : i32
        %swap3A_345 = arith.constant 11 : i32
        %swap3A_346 = arith.index_cast %swap3A_344 : i32 to index
        %swap3A_347 = arith.index_cast %swap3A_345 : i32 to index
        %swap3A_348 = arith.constant 16 : index
        %swap3A_349 = tpu.vector_load %arg7[%swap3A_346, %swap3A_347, %swap3A_348] {strides = array<i32>} : memref<2x16x112xf32, #tpu.memory_space<vmem>>, vector<16xf32>,
        tpu.vector_store %arg7[%swap3A_346, %swap3A_347, %swap3A_348], %scan3A_276#11 {strides = array<i32>} : memref<2x16x112xf32, #tpu.memory_space<vmem>>, vector<16xf32>,
        %swap3A_350 = arith.constant 0 : i32
        %swap3A_351 = arith.constant 12 : i32
        %swap3A_352 = arith.index_cast %swap3A_350 : i32 to index
        %swap3A_353 = arith.index_cast %swap3A_351 : i32 to index
        %swap3A_354 = arith.constant 16 : index
        %swap3A_355 = tpu.vector_load %arg7[%swap3A_352, %swap3A_353, %swap3A_354] {strides = array<i32>} : memref<2x16x112xf32, #tpu.memory_space<vmem>>, vector<16xf32>,
        tpu.vector_store %arg7[%swap3A_352, %swap3A_353, %swap3A_354], %scan3A_276#12 {strides = array<i32>} : memref<2x16x112xf32, #tpu.memory_space<vmem>>, vector<16xf32>,
        %swap3A_356 = arith.constant 0 : i32
        %swap3A_357 = arith.constant 13 : i32
        %swap3A_358 = arith.index_cast %swap3A_356 : i32 to index
        %swap3A_359 = arith.index_cast %swap3A_357 : i32 to index
        %swap3A_360 = arith.constant 16 : index
        %swap3A_361 = tpu.vector_load %arg7[%swap3A_358, %swap3A_359, %swap3A_360] {strides = array<i32>} : memref<2x16x112xf32, #tpu.memory_space<vmem>>, vector<16xf32>,
        tpu.vector_store %arg7[%swap3A_358, %swap3A_359, %swap3A_360], %scan3A_276#13 {strides = array<i32>} : memref<2x16x112xf32, #tpu.memory_space<vmem>>, vector<16xf32>,
        %swap3A_362 = arith.constant 0 : i32
        %swap3A_363 = arith.constant 14 : i32
        %swap3A_364 = arith.index_cast %swap3A_362 : i32 to index
        %swap3A_365 = arith.index_cast %swap3A_363 : i32 to index
        %swap3A_366 = arith.constant 16 : index
        %swap3A_367 = tpu.vector_load %arg7[%swap3A_364, %swap3A_365, %swap3A_366] {strides = array<i32>} : memref<2x16x112xf32, #tpu.memory_space<vmem>>, vector<16xf32>,
        tpu.vector_store %arg7[%swap3A_364, %swap3A_365, %swap3A_366], %scan3A_276#14 {strides = array<i32>} : memref<2x16x112xf32, #tpu.memory_space<vmem>>, vector<16xf32>,
        %swap3A_368 = arith.constant 0 : i32
        %swap3A_369 = arith.constant 15 : i32
        %swap3A_370 = arith.index_cast %swap3A_368 : i32 to index
        %swap3A_371 = arith.index_cast %swap3A_369 : i32 to index
        %swap3A_372 = arith.constant 16 : index
        %swap3A_373 = tpu.vector_load %arg7[%swap3A_370, %swap3A_371, %swap3A_372] {strides = array<i32>} : memref<2x16x112xf32, #tpu.memory_space<vmem>>, vector<16xf32>,
        tpu.vector_store %arg7[%swap3A_370, %swap3A_371, %swap3A_372], %scan3A_276#15 {strides = array<i32>} : memref<2x16x112xf32, #tpu.memory_space<vmem>>, vector<16xf32>,
        %broadcast_in_dim3A_374 = arith.constant 0.000000e+00 : f32
        %broadcast_in_dim3A_375 = vector.broadcast %broadcast_in_dim3A_374 : f32 to vector<16xf32>
        %broadcast_in_dim3A_376 = arith.constant 0.000000e+00 : f32
        %broadcast_in_dim3A_377 = vector.broadcast %broadcast_in_dim3A_376 : f32 to vector<16xf32>
        %broadcast_in_dim3A_378 = arith.constant 0.000000e+00 : f32
        %broadcast_in_dim3A_379 = vector.broadcast %broadcast_in_dim3A_378 : f32 to vector<16xf32>
        %broadcast_in_dim3A_380 = arith.constant 0.000000e+00 : f32
        %broadcast_in_dim3A_381 = vector.broadcast %broadcast_in_dim3A_380 : f32 to vector<16xf32>
        %broadcast_in_dim3A_382 = arith.constant 0.000000e+00 : f32
        %broadcast_in_dim3A_383 = vector.broadcast %broadcast_in_dim3A_382 : f32 to vector<16xf32>
        %broadcast_in_dim3A_384 = arith.constant 0.000000e+00 : f32
        %broadcast_in_dim3A_385 = vector.broadcast %broadcast_in_dim3A_384 : f32 to vector<16xf32>
        %broadcast_in_dim3A_386 = arith.constant 0.000000e+00 : f32
        %broadcast_in_dim3A_387 = vector.broadcast %broadcast_in_dim3A_386 : f32 to vector<16xf32>
        %broadcast_in_dim3A_388 = arith.constant 0.000000e+00 : f32
        %broadcast_in_dim3A_389 = vector.broadcast %broadcast_in_dim3A_388 : f32 to vector<16xf32>
        %broadcast_in_dim3A_390 = arith.constant 0.000000e+00 : f32
        %broadcast_in_dim3A_391 = vector.broadcast %broadcast_in_dim3A_390 : f32 to vector<16xf32>
        %broadcast_in_dim3A_392 = arith.constant 0.000000e+00 : f32
        %broadcast_in_dim3A_393 = vector.broadcast %broadcast_in_dim3A_392 : f32 to vector<16xf32>
        %broadcast_in_dim3A_394 = arith.constant 0.000000e+00 : f32
        %broadcast_in_dim3A_395 = vector.broadcast %broadcast_in_dim3A_394 : f32 to vector<16xf32>
        %broadcast_in_dim3A_396 = arith.constant 0.000000e+00 : f32
        %broadcast_in_dim3A_397 = vector.broadcast %broadcast_in_dim3A_396 : f32 to vector<16xf32>
        %broadcast_in_dim3A_398 = arith.constant 0.000000e+00 : f32
        %broadcast_in_dim3A_399 = vector.broadcast %broadcast_in_dim3A_398 : f32 to vector<16xf32>
        %broadcast_in_dim3A_400 = arith.constant 0.000000e+00 : f32
        %broadcast_in_dim3A_401 = vector.broadcast %broadcast_in_dim3A_400 : f32 to vector<16xf32>
        %broadcast_in_dim3A_402 = arith.constant 0.000000e+00 : f32
        %broadcast_in_dim3A_403 = vector.broadcast %broadcast_in_dim3A_402 : f32 to vector<16xf32>
        %broadcast_in_dim3A_404 = arith.constant 0.000000e+00 : f32
        %broadcast_in_dim3A_405 = vector.broadcast %broadcast_in_dim3A_404 : f32 to vector<16xf32>
        %scan3A_406 = arith.constant 0 : i32
        %scan3A_407 = arith.constant 100 : i32
        %scan3A_408 = arith.addi %scan3A_406, %scan3A_407 : i32
        %scan3A_409 = arith.constant 1 : i32
        %scan3A_410:16 = scf.for %scan3A_2061 = %scan3A_406 to %scan3A_408 step %scan3A_409 iter_args(%scan3A_2062 = %broadcast_in_dim3A_375, %scan3A_2063 = %broadcast_in_dim3A_377, %scan3A_2064 = %broadcast_in_dim3A_379, %scan3A_2065 = %broadcast_in_dim3A_381, %scan3A_2066 = %broadcast_in_dim3A_383, %scan3A_2067 = %broadcast_in_dim3A_385, %scan3A_2068 = %broadcast_in_dim3A_387, %scan3A_2069 = %broadcast_in_dim3A_389, %scan3A_2070 = %broadcast_in_dim3A_391, %scan3A_2071 = %broadcast_in_dim3A_393, %scan3A_2072 = %broadcast_in_dim3A_395, %scan3A_2073 = %broadcast_in_dim3A_397, %scan3A_2074 = %broadcast_in_dim3A_399, %scan3A_2075 = %broadcast_in_dim3A_401, %scan3A_2076 = %broadcast_in_dim3A_403, %scan3A_2077 = %broadcast_in_dim3A_405) -> (vector<16xf32>, vector<16xf32>, vector<16xf32>, vector<16xf32>, vector<16xf32>, vector<16xf32>, vector<16xf32>, vector<16xf32>, vector<16xf32>, vector<16xf32>, vector<16xf32>, vector<16xf32>, vector<16xf32>, vector<16xf32>, vector<16xf32>, vector<16xf32>)  : i32 {
          %mul3A_2078 = arith.constant 1 : i32
          %mul3A_2079 = arith.muli %scan3A_2061, %mul3A_2078 : i32
          %add3A_2080 = arith.constant 0 : i32
          %add3A_2081 = arith.addi %add3A_2080, %mul3A_2079 : i32
          %get3A = arith.constant 0 : i32
          %get3A_2082 = arith.constant 2 : i32
          %get3A_2083 = arith.index_cast %get3A : i32 to index
          %get3A_2084 = arith.index_cast %get3A_2082 : i32 to index
          %get3A_2085 = arith.index_cast %add3A_2081 : i32 to index
          %get3A_2086 = arith.constant 0 : index
          %get3A_2087 = tpu.vector_load %arg6[%get3A_2083, %get3A_2084, %get3A_2085, %get3A_2086] {strides = array<i32>} : memref<2x7x100x16xi32, #tpu.memory_space<vmem>>, vector<16xi32>,
          %mul3A_2088 = arith.constant 100 : i32
          %mul3A_2089 = arith.muli %add3A_2081, %mul3A_2088 : i32
          %add3A_2090 = vector.broadcast %mul3A_2089 : i32 to vector<16xi32>
          %add3A_2091 = arith.addi %get3A_2087, %add3A_2090 : vector<16xi32>
          %broadcast_in_dim3A_2092 = arith.constant 0 : i32
          %broadcast_in_dim3A_2093 = vector.broadcast %broadcast_in_dim3A_2092 : i32 to vector<16xi32>
          %gather3A = tpu.vector_load_idx %arg5[%broadcast_in_dim3A_2093, %add3A_2091] : memref<8x10000xi32, #tpu.memory_space<vmem>>[vector<16xi32>, vector<16xi32>], vector<16xi32>,
          %shift_left3A = arith.constant 16 : i32
          %shift_left3A_2094 = vector.broadcast %shift_left3A : i32 to vector<16xi32>
          %shift_left3A_2095 = arith.shli %gather3A, %shift_left3A_2094 : vector<16xi32>
          %bitcast3A = vector.bitcast %shift_left3A_2095 : vector<16xi32> to vector<16xf32>
          %bitcast3A_2096 = vector.bitcast %gather3A : vector<16xi32> to vector<16xf32>
          %add3A_2097 = arith.addf %scan3A_2062, %bitcast3A : vector<16xf32>
          %add3A_2098 = arith.addf %scan3A_2063, %bitcast3A_2096 : vector<16xf32>
          %broadcast_in_dim3A_2099 = arith.constant 1 : i32
          %broadcast_in_dim3A_2100 = vector.broadcast %broadcast_in_dim3A_2099 : i32 to vector<16xi32>
          %gather3A_2101 = tpu.vector_load_idx %arg5[%broadcast_in_dim3A_2100, %add3A_2091] : memref<8x10000xi32, #tpu.memory_space<vmem>>[vector<16xi32>, vector<16xi32>], vector<16xi32>,
          %shift_left3A_2102 = arith.constant 16 : i32
          %shift_left3A_2103 = vector.broadcast %shift_left3A_2102 : i32 to vector<16xi32>
          %shift_left3A_2104 = arith.shli %gather3A_2101, %shift_left3A_2103 : vector<16xi32>
          %bitcast3A_2105 = vector.bitcast %shift_left3A_2104 : vector<16xi32> to vector<16xf32>
          %bitcast3A_2106 = vector.bitcast %gather3A_2101 : vector<16xi32> to vector<16xf32>
          %add3A_2107 = arith.addf %scan3A_2064, %bitcast3A_2105 : vector<16xf32>
          %add3A_2108 = arith.addf %scan3A_2065, %bitcast3A_2106 : vector<16xf32>
          %broadcast_in_dim3A_2109 = arith.constant 2 : i32
          %broadcast_in_dim3A_2110 = vector.broadcast %broadcast_in_dim3A_2109 : i32 to vector<16xi32>
          %gather3A_2111 = tpu.vector_load_idx %arg5[%broadcast_in_dim3A_2110, %add3A_2091] : memref<8x10000xi32, #tpu.memory_space<vmem>>[vector<16xi32>, vector<16xi32>], vector<16xi32>,
          %shift_left3A_2112 = arith.constant 16 : i32
          %shift_left3A_2113 = vector.broadcast %shift_left3A_2112 : i32 to vector<16xi32>
          %shift_left3A_2114 = arith.shli %gather3A_2111, %shift_left3A_2113 : vector<16xi32>
          %bitcast3A_2115 = vector.bitcast %shift_left3A_2114 : vector<16xi32> to vector<16xf32>
          %bitcast3A_2116 = vector.bitcast %gather3A_2111 : vector<16xi32> to vector<16xf32>
          %add3A_2117 = arith.addf %scan3A_2066, %bitcast3A_2115 : vector<16xf32>
          %add3A_2118 = arith.addf %scan3A_2067, %bitcast3A_2116 : vector<16xf32>
          %broadcast_in_dim3A_2119 = arith.constant 3 : i32
          %broadcast_in_dim3A_2120 = vector.broadcast %broadcast_in_dim3A_2119 : i32 to vector<16xi32>
          %gather3A_2121 = tpu.vector_load_idx %arg5[%broadcast_in_dim3A_2120, %add3A_2091] : memref<8x10000xi32, #tpu.memory_space<vmem>>[vector<16xi32>, vector<16xi32>], vector<16xi32>,
          %shift_left3A_2122 = arith.constant 16 : i32
          %shift_left3A_2123 = vector.broadcast %shift_left3A_2122 : i32 to vector<16xi32>
          %shift_left3A_2124 = arith.shli %gather3A_2121, %shift_left3A_2123 : vector<16xi32>
          %bitcast3A_2125 = vector.bitcast %shift_left3A_2124 : vector<16xi32> to vector<16xf32>
          %bitcast3A_2126 = vector.bitcast %gather3A_2121 : vector<16xi32> to vector<16xf32>
          %add3A_2127 = arith.addf %scan3A_2068, %bitcast3A_2125 : vector<16xf32>
          %add3A_2128 = arith.addf %scan3A_2069, %bitcast3A_2126 : vector<16xf32>
          %broadcast_in_dim3A_2129 = arith.constant 4 : i32
          %broadcast_in_dim3A_2130 = vector.broadcast %broadcast_in_dim3A_2129 : i32 to vector<16xi32>
          %gather3A_2131 = tpu.vector_load_idx %arg5[%broadcast_in_dim3A_2130, %add3A_2091] : memref<8x10000xi32, #tpu.memory_space<vmem>>[vector<16xi32>, vector<16xi32>], vector<16xi32>,
          %shift_left3A_2132 = arith.constant 16 : i32
          %shift_left3A_2133 = vector.broadcast %shift_left3A_2132 : i32 to vector<16xi32>
          %shift_left3A_2134 = arith.shli %gather3A_2131, %shift_left3A_2133 : vector<16xi32>
          %bitcast3A_2135 = vector.bitcast %shift_left3A_2134 : vector<16xi32> to vector<16xf32>
          %bitcast3A_2136 = vector.bitcast %gather3A_2131 : vector<16xi32> to vector<16xf32>
          %add3A_2137 = arith.addf %scan3A_2070, %bitcast3A_2135 : vector<16xf32>
          %add3A_2138 = arith.addf %scan3A_2071, %bitcast3A_2136 : vector<16xf32>
          %broadcast_in_dim3A_2139 = arith.constant 5 : i32
          %broadcast_in_dim3A_2140 = vector.broadcast %broadcast_in_dim3A_2139 : i32 to vector<16xi32>
          %gather3A_2141 = tpu.vector_load_idx %arg5[%broadcast_in_dim3A_2140, %add3A_2091] : memref<8x10000xi32, #tpu.memory_space<vmem>>[vector<16xi32>, vector<16xi32>], vector<16xi32>,
          %shift_left3A_2142 = arith.constant 16 : i32
          %shift_left3A_2143 = vector.broadcast %shift_left3A_2142 : i32 to vector<16xi32>
          %shift_left3A_2144 = arith.shli %gather3A_2141, %shift_left3A_2143 : vector<16xi32>
          %bitcast3A_2145 = vector.bitcast %shift_left3A_2144 : vector<16xi32> to vector<16xf32>
          %bitcast3A_2146 = vector.bitcast %gather3A_2141 : vector<16xi32> to vector<16xf32>
          %add3A_2147 = arith.addf %scan3A_2072, %bitcast3A_2145 : vector<16xf32>
          %add3A_2148 = arith.addf %scan3A_2073, %bitcast3A_2146 : vector<16xf32>
          %broadcast_in_dim3A_2149 = arith.constant 6 : i32
          %broadcast_in_dim3A_2150 = vector.broadcast %broadcast_in_dim3A_2149 : i32 to vector<16xi32>
          %gather3A_2151 = tpu.vector_load_idx %arg5[%broadcast_in_dim3A_2150, %add3A_2091] : memref<8x10000xi32, #tpu.memory_space<vmem>>[vector<16xi32>, vector<16xi32>], vector<16xi32>,
          %shift_left3A_2152 = arith.constant 16 : i32
          %shift_left3A_2153 = vector.broadcast %shift_left3A_2152 : i32 to vector<16xi32>
          %shift_left3A_2154 = arith.shli %gather3A_2151, %shift_left3A_2153 : vector<16xi32>
          %bitcast3A_2155 = vector.bitcast %shift_left3A_2154 : vector<16xi32> to vector<16xf32>
          %bitcast3A_2156 = vector.bitcast %gather3A_2151 : vector<16xi32> to vector<16xf32>
          %add3A_2157 = arith.addf %scan3A_2074, %bitcast3A_2155 : vector<16xf32>
          %add3A_2158 = arith.addf %scan3A_2075, %bitcast3A_2156 : vector<16xf32>
          %broadcast_in_dim3A_2159 = arith.constant 7 : i32
          %broadcast_in_dim3A_2160 = vector.broadcast %broadcast_in_dim3A_2159 : i32 to vector<16xi32>
          %gather3A_2161 = tpu.vector_load_idx %arg5[%broadcast_in_dim3A_2160, %add3A_2091] : memref<8x10000xi32, #tpu.memory_space<vmem>>[vector<16xi32>, vector<16xi32>], vector<16xi32>,
          %shift_left3A_2162 = arith.constant 16 : i32
          %shift_left3A_2163 = vector.broadcast %shift_left3A_2162 : i32 to vector<16xi32>
          %shift_left3A_2164 = arith.shli %gather3A_2161, %shift_left3A_2163 : vector<16xi32>
          %bitcast3A_2165 = vector.bitcast %shift_left3A_2164 : vector<16xi32> to vector<16xf32>
          %bitcast3A_2166 = vector.bitcast %gather3A_2161 : vector<16xi32> to vector<16xf32>
          %add3A_2167 = arith.addf %scan3A_2076, %bitcast3A_2165 : vector<16xf32>
          %add3A_2168 = arith.addf %scan3A_2077, %bitcast3A_2166 : vector<16xf32>
          scf.yield %add3A_2097, %add3A_2098, %add3A_2107, %add3A_2108, %add3A_2117, %add3A_2118, %add3A_2127, %add3A_2128, %add3A_2137, %add3A_2138, %add3A_2147, %add3A_2148, %add3A_2157, %add3A_2158, %add3A_2167, %add3A_2168 : vector<16xf32>, vector<16xf32>, vector<16xf32>, vector<16xf32>, vector<16xf32>, vector<16xf32>, vector<16xf32>, vector<16xf32>, vector<16xf32>, vector<16xf32>, vector<16xf32>, vector<16xf32>, vector<16xf32>, vector<16xf32>, vector<16xf32>, vector<16xf32>
        }
        %scan3A_411 = arith.constant 100 : i32
        %swap3A_412 = arith.constant 0 : i32
        %swap3A_413 = arith.constant 0 : i32
        %swap3A_414 = arith.index_cast %swap3A_412 : i32 to index
        %swap3A_415 = arith.index_cast %swap3A_413 : i32 to index
        %swap3A_416 = arith.constant 32 : index
        %swap3A_417 = tpu.vector_load %arg7[%swap3A_414, %swap3A_415, %swap3A_416] {strides = array<i32>} : memref<2x16x112xf32, #tpu.memory_space<vmem>>, vector<16xf32>,
        tpu.vector_store %arg7[%swap3A_414, %swap3A_415, %swap3A_416], %scan3A_410#0 {strides = array<i32>} : memref<2x16x112xf32, #tpu.memory_space<vmem>>, vector<16xf32>,
        %swap3A_418 = arith.constant 0 : i32
        %swap3A_419 = arith.constant 1 : i32
        %swap3A_420 = arith.index_cast %swap3A_418 : i32 to index
        %swap3A_421 = arith.index_cast %swap3A_419 : i32 to index
        %swap3A_422 = arith.constant 32 : index
        %swap3A_423 = tpu.vector_load %arg7[%swap3A_420, %swap3A_421, %swap3A_422] {strides = array<i32>} : memref<2x16x112xf32, #tpu.memory_space<vmem>>, vector<16xf32>,
        tpu.vector_store %arg7[%swap3A_420, %swap3A_421, %swap3A_422], %scan3A_410#1 {strides = array<i32>} : memref<2x16x112xf32, #tpu.memory_space<vmem>>, vector<16xf32>,
        %swap3A_424 = arith.constant 0 : i32
        %swap3A_425 = arith.constant 2 : i32
        %swap3A_426 = arith.index_cast %swap3A_424 : i32 to index
        %swap3A_427 = arith.index_cast %swap3A_425 : i32 to index
        %swap3A_428 = arith.constant 32 : index
        %swap3A_429 = tpu.vector_load %arg7[%swap3A_426, %swap3A_427, %swap3A_428] {strides = array<i32>} : memref<2x16x112xf32, #tpu.memory_space<vmem>>, vector<16xf32>,
        tpu.vector_store %arg7[%swap3A_426, %swap3A_427, %swap3A_428], %scan3A_410#2 {strides = array<i32>} : memref<2x16x112xf32, #tpu.memory_space<vmem>>, vector<16xf32>,
        %swap3A_430 = arith.constant 0 : i32
        %swap3A_431 = arith.constant 3 : i32
        %swap3A_432 = arith.index_cast %swap3A_430 : i32 to index
        %swap3A_433 = arith.index_cast %swap3A_431 : i32 to index
        %swap3A_434 = arith.constant 32 : index
        %swap3A_435 = tpu.vector_load %arg7[%swap3A_432, %swap3A_433, %swap3A_434] {strides = array<i32>} : memref<2x16x112xf32, #tpu.memory_space<vmem>>, vector<16xf32>,
        tpu.vector_store %arg7[%swap3A_432, %swap3A_433, %swap3A_434], %scan3A_410#3 {strides = array<i32>} : memref<2x16x112xf32, #tpu.memory_space<vmem>>, vector<16xf32>,
        %swap3A_436 = arith.constant 0 : i32
        %swap3A_437 = arith.constant 4 : i32
        %swap3A_438 = arith.index_cast %swap3A_436 : i32 to index
        %swap3A_439 = arith.index_cast %swap3A_437 : i32 to index
        %swap3A_440 = arith.constant 32 : index
        %swap3A_441 = tpu.vector_load %arg7[%swap3A_438, %swap3A_439, %swap3A_440] {strides = array<i32>} : memref<2x16x112xf32, #tpu.memory_space<vmem>>, vector<16xf32>,
        tpu.vector_store %arg7[%swap3A_438, %swap3A_439, %swap3A_440], %scan3A_410#4 {strides = array<i32>} : memref<2x16x112xf32, #tpu.memory_space<vmem>>, vector<16xf32>,
        %swap3A_442 = arith.constant 0 : i32
        %swap3A_443 = arith.constant 5 : i32
        %swap3A_444 = arith.index_cast %swap3A_442 : i32 to index
        %swap3A_445 = arith.index_cast %swap3A_443 : i32 to index
        %swap3A_446 = arith.constant 32 : index
        %swap3A_447 = tpu.vector_load %arg7[%swap3A_444, %swap3A_445, %swap3A_446] {strides = array<i32>} : memref<2x16x112xf32, #tpu.memory_space<vmem>>, vector<16xf32>,
        tpu.vector_store %arg7[%swap3A_444, %swap3A_445, %swap3A_446], %scan3A_410#5 {strides = array<i32>} : memref<2x16x112xf32, #tpu.memory_space<vmem>>, vector<16xf32>,
        %swap3A_448 = arith.constant 0 : i32
        %swap3A_449 = arith.constant 6 : i32
        %swap3A_450 = arith.index_cast %swap3A_448 : i32 to index
        %swap3A_451 = arith.index_cast %swap3A_449 : i32 to index
        %swap3A_452 = arith.constant 32 : index
        %swap3A_453 = tpu.vector_load %arg7[%swap3A_450, %swap3A_451, %swap3A_452] {strides = array<i32>} : memref<2x16x112xf32, #tpu.memory_space<vmem>>, vector<16xf32>,
        tpu.vector_store %arg7[%swap3A_450, %swap3A_451, %swap3A_452], %scan3A_410#6 {strides = array<i32>} : memref<2x16x112xf32, #tpu.memory_space<vmem>>, vector<16xf32>,
        %swap3A_454 = arith.constant 0 : i32
        %swap3A_455 = arith.constant 7 : i32
        %swap3A_456 = arith.index_cast %swap3A_454 : i32 to index
        %swap3A_457 = arith.index_cast %swap3A_455 : i32 to index
        %swap3A_458 = arith.constant 32 : index
        %swap3A_459 = tpu.vector_load %arg7[%swap3A_456, %swap3A_457, %swap3A_458] {strides = array<i32>} : memref<2x16x112xf32, #tpu.memory_space<vmem>>, vector<16xf32>,
        tpu.vector_store %arg7[%swap3A_456, %swap3A_457, %swap3A_458], %scan3A_410#7 {strides = array<i32>} : memref<2x16x112xf32, #tpu.memory_space<vmem>>, vector<16xf32>,
        %swap3A_460 = arith.constant 0 : i32
        %swap3A_461 = arith.constant 8 : i32
        %swap3A_462 = arith.index_cast %swap3A_460 : i32 to index
        %swap3A_463 = arith.index_cast %swap3A_461 : i32 to index
        %swap3A_464 = arith.constant 32 : index
        %swap3A_465 = tpu.vector_load %arg7[%swap3A_462, %swap3A_463, %swap3A_464] {strides = array<i32>} : memref<2x16x112xf32, #tpu.memory_space<vmem>>, vector<16xf32>,
        tpu.vector_store %arg7[%swap3A_462, %swap3A_463, %swap3A_464], %scan3A_410#8 {strides = array<i32>} : memref<2x16x112xf32, #tpu.memory_space<vmem>>, vector<16xf32>,
        %swap3A_466 = arith.constant 0 : i32
        %swap3A_467 = arith.constant 9 : i32
        %swap3A_468 = arith.index_cast %swap3A_466 : i32 to index
        %swap3A_469 = arith.index_cast %swap3A_467 : i32 to index
        %swap3A_470 = arith.constant 32 : index
        %swap3A_471 = tpu.vector_load %arg7[%swap3A_468, %swap3A_469, %swap3A_470] {strides = array<i32>} : memref<2x16x112xf32, #tpu.memory_space<vmem>>, vector<16xf32>,
        tpu.vector_store %arg7[%swap3A_468, %swap3A_469, %swap3A_470], %scan3A_410#9 {strides = array<i32>} : memref<2x16x112xf32, #tpu.memory_space<vmem>>, vector<16xf32>,
        %swap3A_472 = arith.constant 0 : i32
        %swap3A_473 = arith.constant 10 : i32
        %swap3A_474 = arith.index_cast %swap3A_472 : i32 to index
        %swap3A_475 = arith.index_cast %swap3A_473 : i32 to index
        %swap3A_476 = arith.constant 32 : index
        %swap3A_477 = tpu.vector_load %arg7[%swap3A_474, %swap3A_475, %swap3A_476] {strides = array<i32>} : memref<2x16x112xf32, #tpu.memory_space<vmem>>, vector<16xf32>,
        tpu.vector_store %arg7[%swap3A_474, %swap3A_475, %swap3A_476], %scan3A_410#10 {strides = array<i32>} : memref<2x16x112xf32, #tpu.memory_space<vmem>>, vector<16xf32>,
        %swap3A_478 = arith.constant 0 : i32
        %swap3A_479 = arith.constant 11 : i32
        %swap3A_480 = arith.index_cast %swap3A_478 : i32 to index
        %swap3A_481 = arith.index_cast %swap3A_479 : i32 to index
        %swap3A_482 = arith.constant 32 : index
        %swap3A_483 = tpu.vector_load %arg7[%swap3A_480, %swap3A_481, %swap3A_482] {strides = array<i32>} : memref<2x16x112xf32, #tpu.memory_space<vmem>>, vector<16xf32>,
        tpu.vector_store %arg7[%swap3A_480, %swap3A_481, %swap3A_482], %scan3A_410#11 {strides = array<i32>} : memref<2x16x112xf32, #tpu.memory_space<vmem>>, vector<16xf32>,
        %swap3A_484 = arith.constant 0 : i32
        %swap3A_485 = arith.constant 12 : i32
        %swap3A_486 = arith.index_cast %swap3A_484 : i32 to index
        %swap3A_487 = arith.index_cast %swap3A_485 : i32 to index
        %swap3A_488 = arith.constant 32 : index
        %swap3A_489 = tpu.vector_load %arg7[%swap3A_486, %swap3A_487, %swap3A_488] {strides = array<i32>} : memref<2x16x112xf32, #tpu.memory_space<vmem>>, vector<16xf32>,
        tpu.vector_store %arg7[%swap3A_486, %swap3A_487, %swap3A_488], %scan3A_410#12 {strides = array<i32>} : memref<2x16x112xf32, #tpu.memory_space<vmem>>, vector<16xf32>,
        %swap3A_490 = arith.constant 0 : i32
        %swap3A_491 = arith.constant 13 : i32
        %swap3A_492 = arith.index_cast %swap3A_490 : i32 to index
        %swap3A_493 = arith.index_cast %swap3A_491 : i32 to index
        %swap3A_494 = arith.constant 32 : index
        %swap3A_495 = tpu.vector_load %arg7[%swap3A_492, %swap3A_493, %swap3A_494] {strides = array<i32>} : memref<2x16x112xf32, #tpu.memory_space<vmem>>, vector<16xf32>,
        tpu.vector_store %arg7[%swap3A_492, %swap3A_493, %swap3A_494], %scan3A_410#13 {strides = array<i32>} : memref<2x16x112xf32, #tpu.memory_space<vmem>>, vector<16xf32>,
        %swap3A_496 = arith.constant 0 : i32
        %swap3A_497 = arith.constant 14 : i32
        %swap3A_498 = arith.index_cast %swap3A_496 : i32 to index
        %swap3A_499 = arith.index_cast %swap3A_497 : i32 to index
        %swap3A_500 = arith.constant 32 : index
        %swap3A_501 = tpu.vector_load %arg7[%swap3A_498, %swap3A_499, %swap3A_500] {strides = array<i32>} : memref<2x16x112xf32, #tpu.memory_space<vmem>>, vector<16xf32>,
        tpu.vector_store %arg7[%swap3A_498, %swap3A_499, %swap3A_500], %scan3A_410#14 {strides = array<i32>} : memref<2x16x112xf32, #tpu.memory_space<vmem>>, vector<16xf32>,
        %swap3A_502 = arith.constant 0 : i32
        %swap3A_503 = arith.constant 15 : i32
        %swap3A_504 = arith.index_cast %swap3A_502 : i32 to index
        %swap3A_505 = arith.index_cast %swap3A_503 : i32 to index
        %swap3A_506 = arith.constant 32 : index
        %swap3A_507 = tpu.vector_load %arg7[%swap3A_504, %swap3A_505, %swap3A_506] {strides = array<i32>} : memref<2x16x112xf32, #tpu.memory_space<vmem>>, vector<16xf32>,
        tpu.vector_store %arg7[%swap3A_504, %swap3A_505, %swap3A_506], %scan3A_410#15 {strides = array<i32>} : memref<2x16x112xf32, #tpu.memory_space<vmem>>, vector<16xf32>,
        %broadcast_in_dim3A_508 = arith.constant 0.000000e+00 : f32
        %broadcast_in_dim3A_509 = vector.broadcast %broadcast_in_dim3A_508 : f32 to vector<16xf32>
        %broadcast_in_dim3A_510 = arith.constant 0.000000e+00 : f32
        %broadcast_in_dim3A_511 = vector.broadcast %broadcast_in_dim3A_510 : f32 to vector<16xf32>
        %broadcast_in_dim3A_512 = arith.constant 0.000000e+00 : f32
        %broadcast_in_dim3A_513 = vector.broadcast %broadcast_in_dim3A_512 : f32 to vector<16xf32>
        %broadcast_in_dim3A_514 = arith.constant 0.000000e+00 : f32
        %broadcast_in_dim3A_515 = vector.broadcast %broadcast_in_dim3A_514 : f32 to vector<16xf32>
        %broadcast_in_dim3A_516 = arith.constant 0.000000e+00 : f32
        %broadcast_in_dim3A_517 = vector.broadcast %broadcast_in_dim3A_516 : f32 to vector<16xf32>
        %broadcast_in_dim3A_518 = arith.constant 0.000000e+00 : f32
        %broadcast_in_dim3A_519 = vector.broadcast %broadcast_in_dim3A_518 : f32 to vector<16xf32>
        %broadcast_in_dim3A_520 = arith.constant 0.000000e+00 : f32
        %broadcast_in_dim3A_521 = vector.broadcast %broadcast_in_dim3A_520 : f32 to vector<16xf32>
        %broadcast_in_dim3A_522 = arith.constant 0.000000e+00 : f32
        %broadcast_in_dim3A_523 = vector.broadcast %broadcast_in_dim3A_522 : f32 to vector<16xf32>
        %broadcast_in_dim3A_524 = arith.constant 0.000000e+00 : f32
        %broadcast_in_dim3A_525 = vector.broadcast %broadcast_in_dim3A_524 : f32 to vector<16xf32>
        %broadcast_in_dim3A_526 = arith.constant 0.000000e+00 : f32
        %broadcast_in_dim3A_527 = vector.broadcast %broadcast_in_dim3A_526 : f32 to vector<16xf32>
        %broadcast_in_dim3A_528 = arith.constant 0.000000e+00 : f32
        %broadcast_in_dim3A_529 = vector.broadcast %broadcast_in_dim3A_528 : f32 to vector<16xf32>
        %broadcast_in_dim3A_530 = arith.constant 0.000000e+00 : f32
        %broadcast_in_dim3A_531 = vector.broadcast %broadcast_in_dim3A_530 : f32 to vector<16xf32>
        %broadcast_in_dim3A_532 = arith.constant 0.000000e+00 : f32
        %broadcast_in_dim3A_533 = vector.broadcast %broadcast_in_dim3A_532 : f32 to vector<16xf32>
        %broadcast_in_dim3A_534 = arith.constant 0.000000e+00 : f32
        %broadcast_in_dim3A_535 = vector.broadcast %broadcast_in_dim3A_534 : f32 to vector<16xf32>
        %broadcast_in_dim3A_536 = arith.constant 0.000000e+00 : f32
        %broadcast_in_dim3A_537 = vector.broadcast %broadcast_in_dim3A_536 : f32 to vector<16xf32>
        %broadcast_in_dim3A_538 = arith.constant 0.000000e+00 : f32
        %broadcast_in_dim3A_539 = vector.broadcast %broadcast_in_dim3A_538 : f32 to vector<16xf32>
        %scan3A_540 = arith.constant 0 : i32
        %scan3A_541 = arith.constant 100 : i32
        %scan3A_542 = arith.addi %scan3A_540, %scan3A_541 : i32
        %scan3A_543 = arith.constant 1 : i32
        %scan3A_544:16 = scf.for %scan3A_2061 = %scan3A_540 to %scan3A_542 step %scan3A_543 iter_args(%scan3A_2062 = %broadcast_in_dim3A_509, %scan3A_2063 = %broadcast_in_dim3A_511, %scan3A_2064 = %broadcast_in_dim3A_513, %scan3A_2065 = %broadcast_in_dim3A_515, %scan3A_2066 = %broadcast_in_dim3A_517, %scan3A_2067 = %broadcast_in_dim3A_519, %scan3A_2068 = %broadcast_in_dim3A_521, %scan3A_2069 = %broadcast_in_dim3A_523, %scan3A_2070 = %broadcast_in_dim3A_525, %scan3A_2071 = %broadcast_in_dim3A_527, %scan3A_2072 = %broadcast_in_dim3A_529, %scan3A_2073 = %broadcast_in_dim3A_531, %scan3A_2074 = %broadcast_in_dim3A_533, %scan3A_2075 = %broadcast_in_dim3A_535, %scan3A_2076 = %broadcast_in_dim3A_537, %scan3A_2077 = %broadcast_in_dim3A_539) -> (vector<16xf32>, vector<16xf32>, vector<16xf32>, vector<16xf32>, vector<16xf32>, vector<16xf32>, vector<16xf32>, vector<16xf32>, vector<16xf32>, vector<16xf32>, vector<16xf32>, vector<16xf32>, vector<16xf32>, vector<16xf32>, vector<16xf32>, vector<16xf32>)  : i32 {
          %mul3A_2078 = arith.constant 1 : i32
          %mul3A_2079 = arith.muli %scan3A_2061, %mul3A_2078 : i32
          %add3A_2080 = arith.constant 0 : i32
          %add3A_2081 = arith.addi %add3A_2080, %mul3A_2079 : i32
          %get3A = arith.constant 0 : i32
          %get3A_2082 = arith.constant 3 : i32
          %get3A_2083 = arith.index_cast %get3A : i32 to index
          %get3A_2084 = arith.index_cast %get3A_2082 : i32 to index
          %get3A_2085 = arith.index_cast %add3A_2081 : i32 to index
          %get3A_2086 = arith.constant 0 : index
          %get3A_2087 = tpu.vector_load %arg6[%get3A_2083, %get3A_2084, %get3A_2085, %get3A_2086] {strides = array<i32>} : memref<2x7x100x16xi32, #tpu.memory_space<vmem>>, vector<16xi32>,
          %mul3A_2088 = arith.constant 100 : i32
          %mul3A_2089 = arith.muli %add3A_2081, %mul3A_2088 : i32
          %add3A_2090 = vector.broadcast %mul3A_2089 : i32 to vector<16xi32>
          %add3A_2091 = arith.addi %get3A_2087, %add3A_2090 : vector<16xi32>
          %broadcast_in_dim3A_2092 = arith.constant 0 : i32
          %broadcast_in_dim3A_2093 = vector.broadcast %broadcast_in_dim3A_2092 : i32 to vector<16xi32>
          %gather3A = tpu.vector_load_idx %arg5[%broadcast_in_dim3A_2093, %add3A_2091] : memref<8x10000xi32, #tpu.memory_space<vmem>>[vector<16xi32>, vector<16xi32>], vector<16xi32>,
          %shift_left3A = arith.constant 16 : i32
          %shift_left3A_2094 = vector.broadcast %shift_left3A : i32 to vector<16xi32>
          %shift_left3A_2095 = arith.shli %gather3A, %shift_left3A_2094 : vector<16xi32>
          %bitcast3A = vector.bitcast %shift_left3A_2095 : vector<16xi32> to vector<16xf32>
          %bitcast3A_2096 = vector.bitcast %gather3A : vector<16xi32> to vector<16xf32>
          %add3A_2097 = arith.addf %scan3A_2062, %bitcast3A : vector<16xf32>
          %add3A_2098 = arith.addf %scan3A_2063, %bitcast3A_2096 : vector<16xf32>
          %broadcast_in_dim3A_2099 = arith.constant 1 : i32
          %broadcast_in_dim3A_2100 = vector.broadcast %broadcast_in_dim3A_2099 : i32 to vector<16xi32>
          %gather3A_2101 = tpu.vector_load_idx %arg5[%broadcast_in_dim3A_2100, %add3A_2091] : memref<8x10000xi32, #tpu.memory_space<vmem>>[vector<16xi32>, vector<16xi32>], vector<16xi32>,
          %shift_left3A_2102 = arith.constant 16 : i32
          %shift_left3A_2103 = vector.broadcast %shift_left3A_2102 : i32 to vector<16xi32>
          %shift_left3A_2104 = arith.shli %gather3A_2101, %shift_left3A_2103 : vector<16xi32>
          %bitcast3A_2105 = vector.bitcast %shift_left3A_2104 : vector<16xi32> to vector<16xf32>
          %bitcast3A_2106 = vector.bitcast %gather3A_2101 : vector<16xi32> to vector<16xf32>
          %add3A_2107 = arith.addf %scan3A_2064, %bitcast3A_2105 : vector<16xf32>
          %add3A_2108 = arith.addf %scan3A_2065, %bitcast3A_2106 : vector<16xf32>
          %broadcast_in_dim3A_2109 = arith.constant 2 : i32
          %broadcast_in_dim3A_2110 = vector.broadcast %broadcast_in_dim3A_2109 : i32 to vector<16xi32>
          %gather3A_2111 = tpu.vector_load_idx %arg5[%broadcast_in_dim3A_2110, %add3A_2091] : memref<8x10000xi32, #tpu.memory_space<vmem>>[vector<16xi32>, vector<16xi32>], vector<16xi32>,
          %shift_left3A_2112 = arith.constant 16 : i32
          %shift_left3A_2113 = vector.broadcast %shift_left3A_2112 : i32 to vector<16xi32>
          %shift_left3A_2114 = arith.shli %gather3A_2111, %shift_left3A_2113 : vector<16xi32>
          %bitcast3A_2115 = vector.bitcast %shift_left3A_2114 : vector<16xi32> to vector<16xf32>
          %bitcast3A_2116 = vector.bitcast %gather3A_2111 : vector<16xi32> to vector<16xf32>
          %add3A_2117 = arith.addf %scan3A_2066, %bitcast3A_2115 : vector<16xf32>
          %add3A_2118 = arith.addf %scan3A_2067, %bitcast3A_2116 : vector<16xf32>
          %broadcast_in_dim3A_2119 = arith.constant 3 : i32
          %broadcast_in_dim3A_2120 = vector.broadcast %broadcast_in_dim3A_2119 : i32 to vector<16xi32>
          %gather3A_2121 = tpu.vector_load_idx %arg5[%broadcast_in_dim3A_2120, %add3A_2091] : memref<8x10000xi32, #tpu.memory_space<vmem>>[vector<16xi32>, vector<16xi32>], vector<16xi32>,
          %shift_left3A_2122 = arith.constant 16 : i32
          %shift_left3A_2123 = vector.broadcast %shift_left3A_2122 : i32 to vector<16xi32>
          %shift_left3A_2124 = arith.shli %gather3A_2121, %shift_left3A_2123 : vector<16xi32>
          %bitcast3A_2125 = vector.bitcast %shift_left3A_2124 : vector<16xi32> to vector<16xf32>
          %bitcast3A_2126 = vector.bitcast %gather3A_2121 : vector<16xi32> to vector<16xf32>
          %add3A_2127 = arith.addf %scan3A_2068, %bitcast3A_2125 : vector<16xf32>
          %add3A_2128 = arith.addf %scan3A_2069, %bitcast3A_2126 : vector<16xf32>
          %broadcast_in_dim3A_2129 = arith.constant 4 : i32
          %broadcast_in_dim3A_2130 = vector.broadcast %broadcast_in_dim3A_2129 : i32 to vector<16xi32>
          %gather3A_2131 = tpu.vector_load_idx %arg5[%broadcast_in_dim3A_2130, %add3A_2091] : memref<8x10000xi32, #tpu.memory_space<vmem>>[vector<16xi32>, vector<16xi32>], vector<16xi32>,
          %shift_left3A_2132 = arith.constant 16 : i32
          %shift_left3A_2133 = vector.broadcast %shift_left3A_2132 : i32 to vector<16xi32>
          %shift_left3A_2134 = arith.shli %gather3A_2131, %shift_left3A_2133 : vector<16xi32>
          %bitcast3A_2135 = vector.bitcast %shift_left3A_2134 : vector<16xi32> to vector<16xf32>
          %bitcast3A_2136 = vector.bitcast %gather3A_2131 : vector<16xi32> to vector<16xf32>
          %add3A_2137 = arith.addf %scan3A_2070, %bitcast3A_2135 : vector<16xf32>
          %add3A_2138 = arith.addf %scan3A_2071, %bitcast3A_2136 : vector<16xf32>
          %broadcast_in_dim3A_2139 = arith.constant 5 : i32
          %broadcast_in_dim3A_2140 = vector.broadcast %broadcast_in_dim3A_2139 : i32 to vector<16xi32>
          %gather3A_2141 = tpu.vector_load_idx %arg5[%broadcast_in_dim3A_2140, %add3A_2091] : memref<8x10000xi32, #tpu.memory_space<vmem>>[vector<16xi32>, vector<16xi32>], vector<16xi32>,
          %shift_left3A_2142 = arith.constant 16 : i32
          %shift_left3A_2143 = vector.broadcast %shift_left3A_2142 : i32 to vector<16xi32>
          %shift_left3A_2144 = arith.shli %gather3A_2141, %shift_left3A_2143 : vector<16xi32>
          %bitcast3A_2145 = vector.bitcast %shift_left3A_2144 : vector<16xi32> to vector<16xf32>
          %bitcast3A_2146 = vector.bitcast %gather3A_2141 : vector<16xi32> to vector<16xf32>
          %add3A_2147 = arith.addf %scan3A_2072, %bitcast3A_2145 : vector<16xf32>
          %add3A_2148 = arith.addf %scan3A_2073, %bitcast3A_2146 : vector<16xf32>
          %broadcast_in_dim3A_2149 = arith.constant 6 : i32
          %broadcast_in_dim3A_2150 = vector.broadcast %broadcast_in_dim3A_2149 : i32 to vector<16xi32>
          %gather3A_2151 = tpu.vector_load_idx %arg5[%broadcast_in_dim3A_2150, %add3A_2091] : memref<8x10000xi32, #tpu.memory_space<vmem>>[vector<16xi32>, vector<16xi32>], vector<16xi32>,
          %shift_left3A_2152 = arith.constant 16 : i32
          %shift_left3A_2153 = vector.broadcast %shift_left3A_2152 : i32 to vector<16xi32>
          %shift_left3A_2154 = arith.shli %gather3A_2151, %shift_left3A_2153 : vector<16xi32>
          %bitcast3A_2155 = vector.bitcast %shift_left3A_2154 : vector<16xi32> to vector<16xf32>
          %bitcast3A_2156 = vector.bitcast %gather3A_2151 : vector<16xi32> to vector<16xf32>
          %add3A_2157 = arith.addf %scan3A_2074, %bitcast3A_2155 : vector<16xf32>
          %add3A_2158 = arith.addf %scan3A_2075, %bitcast3A_2156 : vector<16xf32>
          %broadcast_in_dim3A_2159 = arith.constant 7 : i32
          %broadcast_in_dim3A_2160 = vector.broadcast %broadcast_in_dim3A_2159 : i32 to vector<16xi32>
          %gather3A_2161 = tpu.vector_load_idx %arg5[%broadcast_in_dim3A_2160, %add3A_2091] : memref<8x10000xi32, #tpu.memory_space<vmem>>[vector<16xi32>, vector<16xi32>], vector<16xi32>,
          %shift_left3A_2162 = arith.constant 16 : i32
          %shift_left3A_2163 = vector.broadcast %shift_left3A_2162 : i32 to vector<16xi32>
          %shift_left3A_2164 = arith.shli %gather3A_2161, %shift_left3A_2163 : vector<16xi32>
          %bitcast3A_2165 = vector.bitcast %shift_left3A_2164 : vector<16xi32> to vector<16xf32>
          %bitcast3A_2166 = vector.bitcast %gather3A_2161 : vector<16xi32> to vector<16xf32>
          %add3A_2167 = arith.addf %scan3A_2076, %bitcast3A_2165 : vector<16xf32>
          %add3A_2168 = arith.addf %scan3A_2077, %bitcast3A_2166 : vector<16xf32>
          scf.yield %add3A_2097, %add3A_2098, %add3A_2107, %add3A_2108, %add3A_2117, %add3A_2118, %add3A_2127, %add3A_2128, %add3A_2137, %add3A_2138, %add3A_2147, %add3A_2148, %add3A_2157, %add3A_2158, %add3A_2167, %add3A_2168 : vector<16xf32>, vector<16xf32>, vector<16xf32>, vector<16xf32>, vector<16xf32>, vector<16xf32>, vector<16xf32>, vector<16xf32>, vector<16xf32>, vector<16xf32>, vector<16xf32>, vector<16xf32>, vector<16xf32>, vector<16xf32>, vector<16xf32>, vector<16xf32>
        }
        %scan3A_545 = arith.constant 100 : i32
        %swap3A_546 = arith.constant 0 : i32
        %swap3A_547 = arith.constant 0 : i32
        %swap3A_548 = arith.index_cast %swap3A_546 : i32 to index
        %swap3A_549 = arith.index_cast %swap3A_547 : i32 to index
        %swap3A_550 = arith.constant 48 : index
        %swap3A_551 = tpu.vector_load %arg7[%swap3A_548, %swap3A_549, %swap3A_550] {strides = array<i32>} : memref<2x16x112xf32, #tpu.memory_space<vmem>>, vector<16xf32>,
        tpu.vector_store %arg7[%swap3A_548, %swap3A_549, %swap3A_550], %scan3A_544#0 {strides = array<i32>} : memref<2x16x112xf32, #tpu.memory_space<vmem>>, vector<16xf32>,
        %swap3A_552 = arith.constant 0 : i32
        %swap3A_553 = arith.constant 1 : i32
        %swap3A_554 = arith.index_cast %swap3A_552 : i32 to index
        %swap3A_555 = arith.index_cast %swap3A_553 : i32 to index
        %swap3A_556 = arith.constant 48 : index
        %swap3A_557 = tpu.vector_load %arg7[%swap3A_554, %swap3A_555, %swap3A_556] {strides = array<i32>} : memref<2x16x112xf32, #tpu.memory_space<vmem>>, vector<16xf32>,
        tpu.vector_store %arg7[%swap3A_554, %swap3A_555, %swap3A_556], %scan3A_544#1 {strides = array<i32>} : memref<2x16x112xf32, #tpu.memory_space<vmem>>, vector<16xf32>,
        %swap3A_558 = arith.constant 0 : i32
        %swap3A_559 = arith.constant 2 : i32
        %swap3A_560 = arith.index_cast %swap3A_558 : i32 to index
        %swap3A_561 = arith.index_cast %swap3A_559 : i32 to index
        %swap3A_562 = arith.constant 48 : index
        %swap3A_563 = tpu.vector_load %arg7[%swap3A_560, %swap3A_561, %swap3A_562] {strides = array<i32>} : memref<2x16x112xf32, #tpu.memory_space<vmem>>, vector<16xf32>,
        tpu.vector_store %arg7[%swap3A_560, %swap3A_561, %swap3A_562], %scan3A_544#2 {strides = array<i32>} : memref<2x16x112xf32, #tpu.memory_space<vmem>>, vector<16xf32>,
        %swap3A_564 = arith.constant 0 : i32
        %swap3A_565 = arith.constant 3 : i32
        %swap3A_566 = arith.index_cast %swap3A_564 : i32 to index
        %swap3A_567 = arith.index_cast %swap3A_565 : i32 to index
        %swap3A_568 = arith.constant 48 : index
        %swap3A_569 = tpu.vector_load %arg7[%swap3A_566, %swap3A_567, %swap3A_568] {strides = array<i32>} : memref<2x16x112xf32, #tpu.memory_space<vmem>>, vector<16xf32>,
        tpu.vector_store %arg7[%swap3A_566, %swap3A_567, %swap3A_568], %scan3A_544#3 {strides = array<i32>} : memref<2x16x112xf32, #tpu.memory_space<vmem>>, vector<16xf32>,
        %swap3A_570 = arith.constant 0 : i32
        %swap3A_571 = arith.constant 4 : i32
        %swap3A_572 = arith.index_cast %swap3A_570 : i32 to index
        %swap3A_573 = arith.index_cast %swap3A_571 : i32 to index
        %swap3A_574 = arith.constant 48 : index
        %swap3A_575 = tpu.vector_load %arg7[%swap3A_572, %swap3A_573, %swap3A_574] {strides = array<i32>} : memref<2x16x112xf32, #tpu.memory_space<vmem>>, vector<16xf32>,
        tpu.vector_store %arg7[%swap3A_572, %swap3A_573, %swap3A_574], %scan3A_544#4 {strides = array<i32>} : memref<2x16x112xf32, #tpu.memory_space<vmem>>, vector<16xf32>,
        %swap3A_576 = arith.constant 0 : i32
        %swap3A_577 = arith.constant 5 : i32
        %swap3A_578 = arith.index_cast %swap3A_576 : i32 to index
        %swap3A_579 = arith.index_cast %swap3A_577 : i32 to index
        %swap3A_580 = arith.constant 48 : index
        %swap3A_581 = tpu.vector_load %arg7[%swap3A_578, %swap3A_579, %swap3A_580] {strides = array<i32>} : memref<2x16x112xf32, #tpu.memory_space<vmem>>, vector<16xf32>,
        tpu.vector_store %arg7[%swap3A_578, %swap3A_579, %swap3A_580], %scan3A_544#5 {strides = array<i32>} : memref<2x16x112xf32, #tpu.memory_space<vmem>>, vector<16xf32>,
        %swap3A_582 = arith.constant 0 : i32
        %swap3A_583 = arith.constant 6 : i32
        %swap3A_584 = arith.index_cast %swap3A_582 : i32 to index
        %swap3A_585 = arith.index_cast %swap3A_583 : i32 to index
        %swap3A_586 = arith.constant 48 : index
        %swap3A_587 = tpu.vector_load %arg7[%swap3A_584, %swap3A_585, %swap3A_586] {strides = array<i32>} : memref<2x16x112xf32, #tpu.memory_space<vmem>>, vector<16xf32>,
        tpu.vector_store %arg7[%swap3A_584, %swap3A_585, %swap3A_586], %scan3A_544#6 {strides = array<i32>} : memref<2x16x112xf32, #tpu.memory_space<vmem>>, vector<16xf32>,
        %swap3A_588 = arith.constant 0 : i32
        %swap3A_589 = arith.constant 7 : i32
        %swap3A_590 = arith.index_cast %swap3A_588 : i32 to index
        %swap3A_591 = arith.index_cast %swap3A_589 : i32 to index
        %swap3A_592 = arith.constant 48 : index
        %swap3A_593 = tpu.vector_load %arg7[%swap3A_590, %swap3A_591, %swap3A_592] {strides = array<i32>} : memref<2x16x112xf32, #tpu.memory_space<vmem>>, vector<16xf32>,
        tpu.vector_store %arg7[%swap3A_590, %swap3A_591, %swap3A_592], %scan3A_544#7 {strides = array<i32>} : memref<2x16x112xf32, #tpu.memory_space<vmem>>, vector<16xf32>,
        %swap3A_594 = arith.constant 0 : i32
        %swap3A_595 = arith.constant 8 : i32
        %swap3A_596 = arith.index_cast %swap3A_594 : i32 to index
        %swap3A_597 = arith.index_cast %swap3A_595 : i32 to index
        %swap3A_598 = arith.constant 48 : index
        %swap3A_599 = tpu.vector_load %arg7[%swap3A_596, %swap3A_597, %swap3A_598] {strides = array<i32>} : memref<2x16x112xf32, #tpu.memory_space<vmem>>, vector<16xf32>,
        tpu.vector_store %arg7[%swap3A_596, %swap3A_597, %swap3A_598], %scan3A_544#8 {strides = array<i32>} : memref<2x16x112xf32, #tpu.memory_space<vmem>>, vector<16xf32>,
        %swap3A_600 = arith.constant 0 : i32
        %swap3A_601 = arith.constant 9 : i32
        %swap3A_602 = arith.index_cast %swap3A_600 : i32 to index
        %swap3A_603 = arith.index_cast %swap3A_601 : i32 to index
        %swap3A_604 = arith.constant 48 : index
        %swap3A_605 = tpu.vector_load %arg7[%swap3A_602, %swap3A_603, %swap3A_604] {strides = array<i32>} : memref<2x16x112xf32, #tpu.memory_space<vmem>>, vector<16xf32>,
        tpu.vector_store %arg7[%swap3A_602, %swap3A_603, %swap3A_604], %scan3A_544#9 {strides = array<i32>} : memref<2x16x112xf32, #tpu.memory_space<vmem>>, vector<16xf32>,
        %swap3A_606 = arith.constant 0 : i32
        %swap3A_607 = arith.constant 10 : i32
        %swap3A_608 = arith.index_cast %swap3A_606 : i32 to index
        %swap3A_609 = arith.index_cast %swap3A_607 : i32 to index
        %swap3A_610 = arith.constant 48 : index
        %swap3A_611 = tpu.vector_load %arg7[%swap3A_608, %swap3A_609, %swap3A_610] {strides = array<i32>} : memref<2x16x112xf32, #tpu.memory_space<vmem>>, vector<16xf32>,
        tpu.vector_store %arg7[%swap3A_608, %swap3A_609, %swap3A_610], %scan3A_544#10 {strides = array<i32>} : memref<2x16x112xf32, #tpu.memory_space<vmem>>, vector<16xf32>,
        %swap3A_612 = arith.constant 0 : i32
        %swap3A_613 = arith.constant 11 : i32
        %swap3A_614 = arith.index_cast %swap3A_612 : i32 to index
        %swap3A_615 = arith.index_cast %swap3A_613 : i32 to index
        %swap3A_616 = arith.constant 48 : index
        %swap3A_617 = tpu.vector_load %arg7[%swap3A_614, %swap3A_615, %swap3A_616] {strides = array<i32>} : memref<2x16x112xf32, #tpu.memory_space<vmem>>, vector<16xf32>,
        tpu.vector_store %arg7[%swap3A_614, %swap3A_615, %swap3A_616], %scan3A_544#11 {strides = array<i32>} : memref<2x16x112xf32, #tpu.memory_space<vmem>>, vector<16xf32>,
        %swap3A_618 = arith.constant 0 : i32
        %swap3A_619 = arith.constant 12 : i32
        %swap3A_620 = arith.index_cast %swap3A_618 : i32 to index
        %swap3A_621 = arith.index_cast %swap3A_619 : i32 to index
        %swap3A_622 = arith.constant 48 : index
        %swap3A_623 = tpu.vector_load %arg7[%swap3A_620, %swap3A_621, %swap3A_622] {strides = array<i32>} : memref<2x16x112xf32, #tpu.memory_space<vmem>>, vector<16xf32>,
        tpu.vector_store %arg7[%swap3A_620, %swap3A_621, %swap3A_622], %scan3A_544#12 {strides = array<i32>} : memref<2x16x112xf32, #tpu.memory_space<vmem>>, vector<16xf32>,
        %swap3A_624 = arith.constant 0 : i32
        %swap3A_625 = arith.constant 13 : i32
        %swap3A_626 = arith.index_cast %swap3A_624 : i32 to index
        %swap3A_627 = arith.index_cast %swap3A_625 : i32 to index
        %swap3A_628 = arith.constant 48 : index
        %swap3A_629 = tpu.vector_load %arg7[%swap3A_626, %swap3A_627, %swap3A_628] {strides = array<i32>} : memref<2x16x112xf32, #tpu.memory_space<vmem>>, vector<16xf32>,
        tpu.vector_store %arg7[%swap3A_626, %swap3A_627, %swap3A_628], %scan3A_544#13 {strides = array<i32>} : memref<2x16x112xf32, #tpu.memory_space<vmem>>, vector<16xf32>,
        %swap3A_630 = arith.constant 0 : i32
        %swap3A_631 = arith.constant 14 : i32
        %swap3A_632 = arith.index_cast %swap3A_630 : i32 to index
        %swap3A_633 = arith.index_cast %swap3A_631 : i32 to index
        %swap3A_634 = arith.constant 48 : index
        %swap3A_635 = tpu.vector_load %arg7[%swap3A_632, %swap3A_633, %swap3A_634] {strides = array<i32>} : memref<2x16x112xf32, #tpu.memory_space<vmem>>, vector<16xf32>,
        tpu.vector_store %arg7[%swap3A_632, %swap3A_633, %swap3A_634], %scan3A_544#14 {strides = array<i32>} : memref<2x16x112xf32, #tpu.memory_space<vmem>>, vector<16xf32>,
        %swap3A_636 = arith.constant 0 : i32
        %swap3A_637 = arith.constant 15 : i32
        %swap3A_638 = arith.index_cast %swap3A_636 : i32 to index
        %swap3A_639 = arith.index_cast %swap3A_637 : i32 to index
        %swap3A_640 = arith.constant 48 : index
        %swap3A_641 = tpu.vector_load %arg7[%swap3A_638, %swap3A_639, %swap3A_640] {strides = array<i32>} : memref<2x16x112xf32, #tpu.memory_space<vmem>>, vector<16xf32>,
        tpu.vector_store %arg7[%swap3A_638, %swap3A_639, %swap3A_640], %scan3A_544#15 {strides = array<i32>} : memref<2x16x112xf32, #tpu.memory_space<vmem>>, vector<16xf32>,
        %broadcast_in_dim3A_642 = arith.constant 0.000000e+00 : f32
        %broadcast_in_dim3A_643 = vector.broadcast %broadcast_in_dim3A_642 : f32 to vector<16xf32>
        %broadcast_in_dim3A_644 = arith.constant 0.000000e+00 : f32
        %broadcast_in_dim3A_645 = vector.broadcast %broadcast_in_dim3A_644 : f32 to vector<16xf32>
        %broadcast_in_dim3A_646 = arith.constant 0.000000e+00 : f32
        %broadcast_in_dim3A_647 = vector.broadcast %broadcast_in_dim3A_646 : f32 to vector<16xf32>
        %broadcast_in_dim3A_648 = arith.constant 0.000000e+00 : f32
        %broadcast_in_dim3A_649 = vector.broadcast %broadcast_in_dim3A_648 : f32 to vector<16xf32>
        %broadcast_in_dim3A_650 = arith.constant 0.000000e+00 : f32
        %broadcast_in_dim3A_651 = vector.broadcast %broadcast_in_dim3A_650 : f32 to vector<16xf32>
        %broadcast_in_dim3A_652 = arith.constant 0.000000e+00 : f32
        %broadcast_in_dim3A_653 = vector.broadcast %broadcast_in_dim3A_652 : f32 to vector<16xf32>
        %broadcast_in_dim3A_654 = arith.constant 0.000000e+00 : f32
        %broadcast_in_dim3A_655 = vector.broadcast %broadcast_in_dim3A_654 : f32 to vector<16xf32>
        %broadcast_in_dim3A_656 = arith.constant 0.000000e+00 : f32
        %broadcast_in_dim3A_657 = vector.broadcast %broadcast_in_dim3A_656 : f32 to vector<16xf32>
        %broadcast_in_dim3A_658 = arith.constant 0.000000e+00 : f32
        %broadcast_in_dim3A_659 = vector.broadcast %broadcast_in_dim3A_658 : f32 to vector<16xf32>
        %broadcast_in_dim3A_660 = arith.constant 0.000000e+00 : f32
        %broadcast_in_dim3A_661 = vector.broadcast %broadcast_in_dim3A_660 : f32 to vector<16xf32>
        %broadcast_in_dim3A_662 = arith.constant 0.000000e+00 : f32
        %broadcast_in_dim3A_663 = vector.broadcast %broadcast_in_dim3A_662 : f32 to vector<16xf32>
        %broadcast_in_dim3A_664 = arith.constant 0.000000e+00 : f32
        %broadcast_in_dim3A_665 = vector.broadcast %broadcast_in_dim3A_664 : f32 to vector<16xf32>
        %broadcast_in_dim3A_666 = arith.constant 0.000000e+00 : f32
        %broadcast_in_dim3A_667 = vector.broadcast %broadcast_in_dim3A_666 : f32 to vector<16xf32>
        %broadcast_in_dim3A_668 = arith.constant 0.000000e+00 : f32
        %broadcast_in_dim3A_669 = vector.broadcast %broadcast_in_dim3A_668 : f32 to vector<16xf32>
        %broadcast_in_dim3A_670 = arith.constant 0.000000e+00 : f32
        %broadcast_in_dim3A_671 = vector.broadcast %broadcast_in_dim3A_670 : f32 to vector<16xf32>
        %broadcast_in_dim3A_672 = arith.constant 0.000000e+00 : f32
        %broadcast_in_dim3A_673 = vector.broadcast %broadcast_in_dim3A_672 : f32 to vector<16xf32>
        %scan3A_674 = arith.constant 0 : i32
        %scan3A_675 = arith.constant 100 : i32
        %scan3A_676 = arith.addi %scan3A_674, %scan3A_675 : i32
        %scan3A_677 = arith.constant 1 : i32
        %scan3A_678:16 = scf.for %scan3A_2061 = %scan3A_674 to %scan3A_676 step %scan3A_677 iter_args(%scan3A_2062 = %broadcast_in_dim3A_643, %scan3A_2063 = %broadcast_in_dim3A_645, %scan3A_2064 = %broadcast_in_dim3A_647, %scan3A_2065 = %broadcast_in_dim3A_649, %scan3A_2066 = %broadcast_in_dim3A_651, %scan3A_2067 = %broadcast_in_dim3A_653, %scan3A_2068 = %broadcast_in_dim3A_655, %scan3A_2069 = %broadcast_in_dim3A_657, %scan3A_2070 = %broadcast_in_dim3A_659, %scan3A_2071 = %broadcast_in_dim3A_661, %scan3A_2072 = %broadcast_in_dim3A_663, %scan3A_2073 = %broadcast_in_dim3A_665, %scan3A_2074 = %broadcast_in_dim3A_667, %scan3A_2075 = %broadcast_in_dim3A_669, %scan3A_2076 = %broadcast_in_dim3A_671, %scan3A_2077 = %broadcast_in_dim3A_673) -> (vector<16xf32>, vector<16xf32>, vector<16xf32>, vector<16xf32>, vector<16xf32>, vector<16xf32>, vector<16xf32>, vector<16xf32>, vector<16xf32>, vector<16xf32>, vector<16xf32>, vector<16xf32>, vector<16xf32>, vector<16xf32>, vector<16xf32>, vector<16xf32>)  : i32 {
          %mul3A_2078 = arith.constant 1 : i32
          %mul3A_2079 = arith.muli %scan3A_2061, %mul3A_2078 : i32
          %add3A_2080 = arith.constant 0 : i32
          %add3A_2081 = arith.addi %add3A_2080, %mul3A_2079 : i32
          %get3A = arith.constant 0 : i32
          %get3A_2082 = arith.constant 4 : i32
          %get3A_2083 = arith.index_cast %get3A : i32 to index
          %get3A_2084 = arith.index_cast %get3A_2082 : i32 to index
          %get3A_2085 = arith.index_cast %add3A_2081 : i32 to index
          %get3A_2086 = arith.constant 0 : index
          %get3A_2087 = tpu.vector_load %arg6[%get3A_2083, %get3A_2084, %get3A_2085, %get3A_2086] {strides = array<i32>} : memref<2x7x100x16xi32, #tpu.memory_space<vmem>>, vector<16xi32>,
          %mul3A_2088 = arith.constant 100 : i32
          %mul3A_2089 = arith.muli %add3A_2081, %mul3A_2088 : i32
          %add3A_2090 = vector.broadcast %mul3A_2089 : i32 to vector<16xi32>
          %add3A_2091 = arith.addi %get3A_2087, %add3A_2090 : vector<16xi32>
          %broadcast_in_dim3A_2092 = arith.constant 0 : i32
          %broadcast_in_dim3A_2093 = vector.broadcast %broadcast_in_dim3A_2092 : i32 to vector<16xi32>
          %gather3A = tpu.vector_load_idx %arg5[%broadcast_in_dim3A_2093, %add3A_2091] : memref<8x10000xi32, #tpu.memory_space<vmem>>[vector<16xi32>, vector<16xi32>], vector<16xi32>,
          %shift_left3A = arith.constant 16 : i32
          %shift_left3A_2094 = vector.broadcast %shift_left3A : i32 to vector<16xi32>
          %shift_left3A_2095 = arith.shli %gather3A, %shift_left3A_2094 : vector<16xi32>
          %bitcast3A = vector.bitcast %shift_left3A_2095 : vector<16xi32> to vector<16xf32>
          %bitcast3A_2096 = vector.bitcast %gather3A : vector<16xi32> to vector<16xf32>
          %add3A_2097 = arith.addf %scan3A_2062, %bitcast3A : vector<16xf32>
          %add3A_2098 = arith.addf %scan3A_2063, %bitcast3A_2096 : vector<16xf32>
          %broadcast_in_dim3A_2099 = arith.constant 1 : i32
          %broadcast_in_dim3A_2100 = vector.broadcast %broadcast_in_dim3A_2099 : i32 to vector<16xi32>
          %gather3A_2101 = tpu.vector_load_idx %arg5[%broadcast_in_dim3A_2100, %add3A_2091] : memref<8x10000xi32, #tpu.memory_space<vmem>>[vector<16xi32>, vector<16xi32>], vector<16xi32>,
          %shift_left3A_2102 = arith.constant 16 : i32
          %shift_left3A_2103 = vector.broadcast %shift_left3A_2102 : i32 to vector<16xi32>
          %shift_left3A_2104 = arith.shli %gather3A_2101, %shift_left3A_2103 : vector<16xi32>
          %bitcast3A_2105 = vector.bitcast %shift_left3A_2104 : vector<16xi32> to vector<16xf32>
          %bitcast3A_2106 = vector.bitcast %gather3A_2101 : vector<16xi32> to vector<16xf32>
          %add3A_2107 = arith.addf %scan3A_2064, %bitcast3A_2105 : vector<16xf32>
          %add3A_2108 = arith.addf %scan3A_2065, %bitcast3A_2106 : vector<16xf32>
          %broadcast_in_dim3A_2109 = arith.constant 2 : i32
          %broadcast_in_dim3A_2110 = vector.broadcast %broadcast_in_dim3A_2109 : i32 to vector<16xi32>
          %gather3A_2111 = tpu.vector_load_idx %arg5[%broadcast_in_dim3A_2110, %add3A_2091] : memref<8x10000xi32, #tpu.memory_space<vmem>>[vector<16xi32>, vector<16xi32>], vector<16xi32>,
          %shift_left3A_2112 = arith.constant 16 : i32
          %shift_left3A_2113 = vector.broadcast %shift_left3A_2112 : i32 to vector<16xi32>
          %shift_left3A_2114 = arith.shli %gather3A_2111, %shift_left3A_2113 : vector<16xi32>
          %bitcast3A_2115 = vector.bitcast %shift_left3A_2114 : vector<16xi32> to vector<16xf32>
          %bitcast3A_2116 = vector.bitcast %gather3A_2111 : vector<16xi32> to vector<16xf32>
          %add3A_2117 = arith.addf %scan3A_2066, %bitcast3A_2115 : vector<16xf32>
          %add3A_2118 = arith.addf %scan3A_2067, %bitcast3A_2116 : vector<16xf32>
          %broadcast_in_dim3A_2119 = arith.constant 3 : i32
          %broadcast_in_dim3A_2120 = vector.broadcast %broadcast_in_dim3A_2119 : i32 to vector<16xi32>
          %gather3A_2121 = tpu.vector_load_idx %arg5[%broadcast_in_dim3A_2120, %add3A_2091] : memref<8x10000xi32, #tpu.memory_space<vmem>>[vector<16xi32>, vector<16xi32>], vector<16xi32>,
          %shift_left3A_2122 = arith.constant 16 : i32
          %shift_left3A_2123 = vector.broadcast %shift_left3A_2122 : i32 to vector<16xi32>
          %shift_left3A_2124 = arith.shli %gather3A_2121, %shift_left3A_2123 : vector<16xi32>
          %bitcast3A_2125 = vector.bitcast %shift_left3A_2124 : vector<16xi32> to vector<16xf32>
          %bitcast3A_2126 = vector.bitcast %gather3A_2121 : vector<16xi32> to vector<16xf32>
          %add3A_2127 = arith.addf %scan3A_2068, %bitcast3A_2125 : vector<16xf32>
          %add3A_2128 = arith.addf %scan3A_2069, %bitcast3A_2126 : vector<16xf32>
          %broadcast_in_dim3A_2129 = arith.constant 4 : i32
          %broadcast_in_dim3A_2130 = vector.broadcast %broadcast_in_dim3A_2129 : i32 to vector<16xi32>
          %gather3A_2131 = tpu.vector_load_idx %arg5[%broadcast_in_dim3A_2130, %add3A_2091] : memref<8x10000xi32, #tpu.memory_space<vmem>>[vector<16xi32>, vector<16xi32>], vector<16xi32>,
          %shift_left3A_2132 = arith.constant 16 : i32
          %shift_left3A_2133 = vector.broadcast %shift_left3A_2132 : i32 to vector<16xi32>
          %shift_left3A_2134 = arith.shli %gather3A_2131, %shift_left3A_2133 : vector<16xi32>
          %bitcast3A_2135 = vector.bitcast %shift_left3A_2134 : vector<16xi32> to vector<16xf32>
          %bitcast3A_2136 = vector.bitcast %gather3A_2131 : vector<16xi32> to vector<16xf32>
          %add3A_2137 = arith.addf %scan3A_2070, %bitcast3A_2135 : vector<16xf32>
          %add3A_2138 = arith.addf %scan3A_2071, %bitcast3A_2136 : vector<16xf32>
          %broadcast_in_dim3A_2139 = arith.constant 5 : i32
          %broadcast_in_dim3A_2140 = vector.broadcast %broadcast_in_dim3A_2139 : i32 to vector<16xi32>
          %gather3A_2141 = tpu.vector_load_idx %arg5[%broadcast_in_dim3A_2140, %add3A_2091] : memref<8x10000xi32, #tpu.memory_space<vmem>>[vector<16xi32>, vector<16xi32>], vector<16xi32>,
          %shift_left3A_2142 = arith.constant 16 : i32
          %shift_left3A_2143 = vector.broadcast %shift_left3A_2142 : i32 to vector<16xi32>
          %shift_left3A_2144 = arith.shli %gather3A_2141, %shift_left3A_2143 : vector<16xi32>
          %bitcast3A_2145 = vector.bitcast %shift_left3A_2144 : vector<16xi32> to vector<16xf32>
          %bitcast3A_2146 = vector.bitcast %gather3A_2141 : vector<16xi32> to vector<16xf32>
          %add3A_2147 = arith.addf %scan3A_2072, %bitcast3A_2145 : vector<16xf32>
          %add3A_2148 = arith.addf %scan3A_2073, %bitcast3A_2146 : vector<16xf32>
          %broadcast_in_dim3A_2149 = arith.constant 6 : i32
          %broadcast_in_dim3A_2150 = vector.broadcast %broadcast_in_dim3A_2149 : i32 to vector<16xi32>
          %gather3A_2151 = tpu.vector_load_idx %arg5[%broadcast_in_dim3A_2150, %add3A_2091] : memref<8x10000xi32, #tpu.memory_space<vmem>>[vector<16xi32>, vector<16xi32>], vector<16xi32>,
          %shift_left3A_2152 = arith.constant 16 : i32
          %shift_left3A_2153 = vector.broadcast %shift_left3A_2152 : i32 to vector<16xi32>
          %shift_left3A_2154 = arith.shli %gather3A_2151, %shift_left3A_2153 : vector<16xi32>
          %bitcast3A_2155 = vector.bitcast %shift_left3A_2154 : vector<16xi32> to vector<16xf32>
          %bitcast3A_2156 = vector.bitcast %gather3A_2151 : vector<16xi32> to vector<16xf32>
          %add3A_2157 = arith.addf %scan3A_2074, %bitcast3A_2155 : vector<16xf32>
          %add3A_2158 = arith.addf %scan3A_2075, %bitcast3A_2156 : vector<16xf32>
          %broadcast_in_dim3A_2159 = arith.constant 7 : i32
          %broadcast_in_dim3A_2160 = vector.broadcast %broadcast_in_dim3A_2159 : i32 to vector<16xi32>
          %gather3A_2161 = tpu.vector_load_idx %arg5[%broadcast_in_dim3A_2160, %add3A_2091] : memref<8x10000xi32, #tpu.memory_space<vmem>>[vector<16xi32>, vector<16xi32>], vector<16xi32>,
          %shift_left3A_2162 = arith.constant 16 : i32
          %shift_left3A_2163 = vector.broadcast %shift_left3A_2162 : i32 to vector<16xi32>
          %shift_left3A_2164 = arith.shli %gather3A_2161, %shift_left3A_2163 : vector<16xi32>
          %bitcast3A_2165 = vector.bitcast %shift_left3A_2164 : vector<16xi32> to vector<16xf32>
          %bitcast3A_2166 = vector.bitcast %gather3A_2161 : vector<16xi32> to vector<16xf32>
          %add3A_2167 = arith.addf %scan3A_2076, %bitcast3A_2165 : vector<16xf32>
          %add3A_2168 = arith.addf %scan3A_2077, %bitcast3A_2166 : vector<16xf32>
          scf.yield %add3A_2097, %add3A_2098, %add3A_2107, %add3A_2108, %add3A_2117, %add3A_2118, %add3A_2127, %add3A_2128, %add3A_2137, %add3A_2138, %add3A_2147, %add3A_2148, %add3A_2157, %add3A_2158, %add3A_2167, %add3A_2168 : vector<16xf32>, vector<16xf32>, vector<16xf32>, vector<16xf32>, vector<16xf32>, vector<16xf32>, vector<16xf32>, vector<16xf32>, vector<16xf32>, vector<16xf32>, vector<16xf32>, vector<16xf32>, vector<16xf32>, vector<16xf32>, vector<16xf32>, vector<16xf32>
        }
        %scan3A_679 = arith.constant 100 : i32
        %swap3A_680 = arith.constant 0 : i32
        %swap3A_681 = arith.constant 0 : i32
        %swap3A_682 = arith.index_cast %swap3A_680 : i32 to index
        %swap3A_683 = arith.index_cast %swap3A_681 : i32 to index
        %swap3A_684 = arith.constant 64 : index
        %swap3A_685 = tpu.vector_load %arg7[%swap3A_682, %swap3A_683, %swap3A_684] {strides = array<i32>} : memref<2x16x112xf32, #tpu.memory_space<vmem>>, vector<16xf32>,
        tpu.vector_store %arg7[%swap3A_682, %swap3A_683, %swap3A_684], %scan3A_678#0 {strides = array<i32>} : memref<2x16x112xf32, #tpu.memory_space<vmem>>, vector<16xf32>,
        %swap3A_686 = arith.constant 0 : i32
        %swap3A_687 = arith.constant 1 : i32
        %swap3A_688 = arith.index_cast %swap3A_686 : i32 to index
        %swap3A_689 = arith.index_cast %swap3A_687 : i32 to index
        %swap3A_690 = arith.constant 64 : index
        %swap3A_691 = tpu.vector_load %arg7[%swap3A_688, %swap3A_689, %swap3A_690] {strides = array<i32>} : memref<2x16x112xf32, #tpu.memory_space<vmem>>, vector<16xf32>,
        tpu.vector_store %arg7[%swap3A_688, %swap3A_689, %swap3A_690], %scan3A_678#1 {strides = array<i32>} : memref<2x16x112xf32, #tpu.memory_space<vmem>>, vector<16xf32>,
        %swap3A_692 = arith.constant 0 : i32
        %swap3A_693 = arith.constant 2 : i32
        %swap3A_694 = arith.index_cast %swap3A_692 : i32 to index
        %swap3A_695 = arith.index_cast %swap3A_693 : i32 to index
        %swap3A_696 = arith.constant 64 : index
        %swap3A_697 = tpu.vector_load %arg7[%swap3A_694, %swap3A_695, %swap3A_696] {strides = array<i32>} : memref<2x16x112xf32, #tpu.memory_space<vmem>>, vector<16xf32>,
        tpu.vector_store %arg7[%swap3A_694, %swap3A_695, %swap3A_696], %scan3A_678#2 {strides = array<i32>} : memref<2x16x112xf32, #tpu.memory_space<vmem>>, vector<16xf32>,
        %swap3A_698 = arith.constant 0 : i32
        %swap3A_699 = arith.constant 3 : i32
        %swap3A_700 = arith.index_cast %swap3A_698 : i32 to index
        %swap3A_701 = arith.index_cast %swap3A_699 : i32 to index
        %swap3A_702 = arith.constant 64 : index
        %swap3A_703 = tpu.vector_load %arg7[%swap3A_700, %swap3A_701, %swap3A_702] {strides = array<i32>} : memref<2x16x112xf32, #tpu.memory_space<vmem>>, vector<16xf32>,
        tpu.vector_store %arg7[%swap3A_700, %swap3A_701, %swap3A_702], %scan3A_678#3 {strides = array<i32>} : memref<2x16x112xf32, #tpu.memory_space<vmem>>, vector<16xf32>,
        %swap3A_704 = arith.constant 0 : i32
        %swap3A_705 = arith.constant 4 : i32
        %swap3A_706 = arith.index_cast %swap3A_704 : i32 to index
        %swap3A_707 = arith.index_cast %swap3A_705 : i32 to index
        %swap3A_708 = arith.constant 64 : index
        %swap3A_709 = tpu.vector_load %arg7[%swap3A_706, %swap3A_707, %swap3A_708] {strides = array<i32>} : memref<2x16x112xf32, #tpu.memory_space<vmem>>, vector<16xf32>,
        tpu.vector_store %arg7[%swap3A_706, %swap3A_707, %swap3A_708], %scan3A_678#4 {strides = array<i32>} : memref<2x16x112xf32, #tpu.memory_space<vmem>>, vector<16xf32>,
        %swap3A_710 = arith.constant 0 : i32
        %swap3A_711 = arith.constant 5 : i32
        %swap3A_712 = arith.index_cast %swap3A_710 : i32 to index
        %swap3A_713 = arith.index_cast %swap3A_711 : i32 to index
        %swap3A_714 = arith.constant 64 : index
        %swap3A_715 = tpu.vector_load %arg7[%swap3A_712, %swap3A_713, %swap3A_714] {strides = array<i32>} : memref<2x16x112xf32, #tpu.memory_space<vmem>>, vector<16xf32>,
        tpu.vector_store %arg7[%swap3A_712, %swap3A_713, %swap3A_714], %scan3A_678#5 {strides = array<i32>} : memref<2x16x112xf32, #tpu.memory_space<vmem>>, vector<16xf32>,
        %swap3A_716 = arith.constant 0 : i32
        %swap3A_717 = arith.constant 6 : i32
        %swap3A_718 = arith.index_cast %swap3A_716 : i32 to index
        %swap3A_719 = arith.index_cast %swap3A_717 : i32 to index
        %swap3A_720 = arith.constant 64 : index
        %swap3A_721 = tpu.vector_load %arg7[%swap3A_718, %swap3A_719, %swap3A_720] {strides = array<i32>} : memref<2x16x112xf32, #tpu.memory_space<vmem>>, vector<16xf32>,
        tpu.vector_store %arg7[%swap3A_718, %swap3A_719, %swap3A_720], %scan3A_678#6 {strides = array<i32>} : memref<2x16x112xf32, #tpu.memory_space<vmem>>, vector<16xf32>,
        %swap3A_722 = arith.constant 0 : i32
        %swap3A_723 = arith.constant 7 : i32
        %swap3A_724 = arith.index_cast %swap3A_722 : i32 to index
        %swap3A_725 = arith.index_cast %swap3A_723 : i32 to index
        %swap3A_726 = arith.constant 64 : index
        %swap3A_727 = tpu.vector_load %arg7[%swap3A_724, %swap3A_725, %swap3A_726] {strides = array<i32>} : memref<2x16x112xf32, #tpu.memory_space<vmem>>, vector<16xf32>,
        tpu.vector_store %arg7[%swap3A_724, %swap3A_725, %swap3A_726], %scan3A_678#7 {strides = array<i32>} : memref<2x16x112xf32, #tpu.memory_space<vmem>>, vector<16xf32>,
        %swap3A_728 = arith.constant 0 : i32
        %swap3A_729 = arith.constant 8 : i32
        %swap3A_730 = arith.index_cast %swap3A_728 : i32 to index
        %swap3A_731 = arith.index_cast %swap3A_729 : i32 to index
        %swap3A_732 = arith.constant 64 : index
        %swap3A_733 = tpu.vector_load %arg7[%swap3A_730, %swap3A_731, %swap3A_732] {strides = array<i32>} : memref<2x16x112xf32, #tpu.memory_space<vmem>>, vector<16xf32>,
        tpu.vector_store %arg7[%swap3A_730, %swap3A_731, %swap3A_732], %scan3A_678#8 {strides = array<i32>} : memref<2x16x112xf32, #tpu.memory_space<vmem>>, vector<16xf32>,
        %swap3A_734 = arith.constant 0 : i32
        %swap3A_735 = arith.constant 9 : i32
        %swap3A_736 = arith.index_cast %swap3A_734 : i32 to index
        %swap3A_737 = arith.index_cast %swap3A_735 : i32 to index
        %swap3A_738 = arith.constant 64 : index
        %swap3A_739 = tpu.vector_load %arg7[%swap3A_736, %swap3A_737, %swap3A_738] {strides = array<i32>} : memref<2x16x112xf32, #tpu.memory_space<vmem>>, vector<16xf32>,
        tpu.vector_store %arg7[%swap3A_736, %swap3A_737, %swap3A_738], %scan3A_678#9 {strides = array<i32>} : memref<2x16x112xf32, #tpu.memory_space<vmem>>, vector<16xf32>,
        %swap3A_740 = arith.constant 0 : i32
        %swap3A_741 = arith.constant 10 : i32
        %swap3A_742 = arith.index_cast %swap3A_740 : i32 to index
        %swap3A_743 = arith.index_cast %swap3A_741 : i32 to index
        %swap3A_744 = arith.constant 64 : index
        %swap3A_745 = tpu.vector_load %arg7[%swap3A_742, %swap3A_743, %swap3A_744] {strides = array<i32>} : memref<2x16x112xf32, #tpu.memory_space<vmem>>, vector<16xf32>,
        tpu.vector_store %arg7[%swap3A_742, %swap3A_743, %swap3A_744], %scan3A_678#10 {strides = array<i32>} : memref<2x16x112xf32, #tpu.memory_space<vmem>>, vector<16xf32>,
        %swap3A_746 = arith.constant 0 : i32
        %swap3A_747 = arith.constant 11 : i32
        %swap3A_748 = arith.index_cast %swap3A_746 : i32 to index
        %swap3A_749 = arith.index_cast %swap3A_747 : i32 to index
        %swap3A_750 = arith.constant 64 : index
        %swap3A_751 = tpu.vector_load %arg7[%swap3A_748, %swap3A_749, %swap3A_750] {strides = array<i32>} : memref<2x16x112xf32, #tpu.memory_space<vmem>>, vector<16xf32>,
        tpu.vector_store %arg7[%swap3A_748, %swap3A_749, %swap3A_750], %scan3A_678#11 {strides = array<i32>} : memref<2x16x112xf32, #tpu.memory_space<vmem>>, vector<16xf32>,
        %swap3A_752 = arith.constant 0 : i32
        %swap3A_753 = arith.constant 12 : i32
        %swap3A_754 = arith.index_cast %swap3A_752 : i32 to index
        %swap3A_755 = arith.index_cast %swap3A_753 : i32 to index
        %swap3A_756 = arith.constant 64 : index
        %swap3A_757 = tpu.vector_load %arg7[%swap3A_754, %swap3A_755, %swap3A_756] {strides = array<i32>} : memref<2x16x112xf32, #tpu.memory_space<vmem>>, vector<16xf32>,
        tpu.vector_store %arg7[%swap3A_754, %swap3A_755, %swap3A_756], %scan3A_678#12 {strides = array<i32>} : memref<2x16x112xf32, #tpu.memory_space<vmem>>, vector<16xf32>,
        %swap3A_758 = arith.constant 0 : i32
        %swap3A_759 = arith.constant 13 : i32
        %swap3A_760 = arith.index_cast %swap3A_758 : i32 to index
        %swap3A_761 = arith.index_cast %swap3A_759 : i32 to index
        %swap3A_762 = arith.constant 64 : index
        %swap3A_763 = tpu.vector_load %arg7[%swap3A_760, %swap3A_761, %swap3A_762] {strides = array<i32>} : memref<2x16x112xf32, #tpu.memory_space<vmem>>, vector<16xf32>,
        tpu.vector_store %arg7[%swap3A_760, %swap3A_761, %swap3A_762], %scan3A_678#13 {strides = array<i32>} : memref<2x16x112xf32, #tpu.memory_space<vmem>>, vector<16xf32>,
        %swap3A_764 = arith.constant 0 : i32
        %swap3A_765 = arith.constant 14 : i32
        %swap3A_766 = arith.index_cast %swap3A_764 : i32 to index
        %swap3A_767 = arith.index_cast %swap3A_765 : i32 to index
        %swap3A_768 = arith.constant 64 : index
        %swap3A_769 = tpu.vector_load %arg7[%swap3A_766, %swap3A_767, %swap3A_768] {strides = array<i32>} : memref<2x16x112xf32, #tpu.memory_space<vmem>>, vector<16xf32>,
        tpu.vector_store %arg7[%swap3A_766, %swap3A_767, %swap3A_768], %scan3A_678#14 {strides = array<i32>} : memref<2x16x112xf32, #tpu.memory_space<vmem>>, vector<16xf32>,
        %swap3A_770 = arith.constant 0 : i32
        %swap3A_771 = arith.constant 15 : i32
        %swap3A_772 = arith.index_cast %swap3A_770 : i32 to index
        %swap3A_773 = arith.index_cast %swap3A_771 : i32 to index
        %swap3A_774 = arith.constant 64 : index
        %swap3A_775 = tpu.vector_load %arg7[%swap3A_772, %swap3A_773, %swap3A_774] {strides = array<i32>} : memref<2x16x112xf32, #tpu.memory_space<vmem>>, vector<16xf32>,
        tpu.vector_store %arg7[%swap3A_772, %swap3A_773, %swap3A_774], %scan3A_678#15 {strides = array<i32>} : memref<2x16x112xf32, #tpu.memory_space<vmem>>, vector<16xf32>,
        %broadcast_in_dim3A_776 = arith.constant 0.000000e+00 : f32
        %broadcast_in_dim3A_777 = vector.broadcast %broadcast_in_dim3A_776 : f32 to vector<16xf32>
        %broadcast_in_dim3A_778 = arith.constant 0.000000e+00 : f32
        %broadcast_in_dim3A_779 = vector.broadcast %broadcast_in_dim3A_778 : f32 to vector<16xf32>
        %broadcast_in_dim3A_780 = arith.constant 0.000000e+00 : f32
        %broadcast_in_dim3A_781 = vector.broadcast %broadcast_in_dim3A_780 : f32 to vector<16xf32>
        %broadcast_in_dim3A_782 = arith.constant 0.000000e+00 : f32
        %broadcast_in_dim3A_783 = vector.broadcast %broadcast_in_dim3A_782 : f32 to vector<16xf32>
        %broadcast_in_dim3A_784 = arith.constant 0.000000e+00 : f32
        %broadcast_in_dim3A_785 = vector.broadcast %broadcast_in_dim3A_784 : f32 to vector<16xf32>
        %broadcast_in_dim3A_786 = arith.constant 0.000000e+00 : f32
        %broadcast_in_dim3A_787 = vector.broadcast %broadcast_in_dim3A_786 : f32 to vector<16xf32>
        %broadcast_in_dim3A_788 = arith.constant 0.000000e+00 : f32
        %broadcast_in_dim3A_789 = vector.broadcast %broadcast_in_dim3A_788 : f32 to vector<16xf32>
        %broadcast_in_dim3A_790 = arith.constant 0.000000e+00 : f32
        %broadcast_in_dim3A_791 = vector.broadcast %broadcast_in_dim3A_790 : f32 to vector<16xf32>
        %broadcast_in_dim3A_792 = arith.constant 0.000000e+00 : f32
        %broadcast_in_dim3A_793 = vector.broadcast %broadcast_in_dim3A_792 : f32 to vector<16xf32>
        %broadcast_in_dim3A_794 = arith.constant 0.000000e+00 : f32
        %broadcast_in_dim3A_795 = vector.broadcast %broadcast_in_dim3A_794 : f32 to vector<16xf32>
        %broadcast_in_dim3A_796 = arith.constant 0.000000e+00 : f32
        %broadcast_in_dim3A_797 = vector.broadcast %broadcast_in_dim3A_796 : f32 to vector<16xf32>
        %broadcast_in_dim3A_798 = arith.constant 0.000000e+00 : f32
        %broadcast_in_dim3A_799 = vector.broadcast %broadcast_in_dim3A_798 : f32 to vector<16xf32>
        %broadcast_in_dim3A_800 = arith.constant 0.000000e+00 : f32
        %broadcast_in_dim3A_801 = vector.broadcast %broadcast_in_dim3A_800 : f32 to vector<16xf32>
        %broadcast_in_dim3A_802 = arith.constant 0.000000e+00 : f32
        %broadcast_in_dim3A_803 = vector.broadcast %broadcast_in_dim3A_802 : f32 to vector<16xf32>
        %broadcast_in_dim3A_804 = arith.constant 0.000000e+00 : f32
        %broadcast_in_dim3A_805 = vector.broadcast %broadcast_in_dim3A_804 : f32 to vector<16xf32>
        %broadcast_in_dim3A_806 = arith.constant 0.000000e+00 : f32
        %broadcast_in_dim3A_807 = vector.broadcast %broadcast_in_dim3A_806 : f32 to vector<16xf32>
        %scan3A_808 = arith.constant 0 : i32
        %scan3A_809 = arith.constant 100 : i32
        %scan3A_810 = arith.addi %scan3A_808, %scan3A_809 : i32
        %scan3A_811 = arith.constant 1 : i32
        %scan3A_812:16 = scf.for %scan3A_2061 = %scan3A_808 to %scan3A_810 step %scan3A_811 iter_args(%scan3A_2062 = %broadcast_in_dim3A_777, %scan3A_2063 = %broadcast_in_dim3A_779, %scan3A_2064 = %broadcast_in_dim3A_781, %scan3A_2065 = %broadcast_in_dim3A_783, %scan3A_2066 = %broadcast_in_dim3A_785, %scan3A_2067 = %broadcast_in_dim3A_787, %scan3A_2068 = %broadcast_in_dim3A_789, %scan3A_2069 = %broadcast_in_dim3A_791, %scan3A_2070 = %broadcast_in_dim3A_793, %scan3A_2071 = %broadcast_in_dim3A_795, %scan3A_2072 = %broadcast_in_dim3A_797, %scan3A_2073 = %broadcast_in_dim3A_799, %scan3A_2074 = %broadcast_in_dim3A_801, %scan3A_2075 = %broadcast_in_dim3A_803, %scan3A_2076 = %broadcast_in_dim3A_805, %scan3A_2077 = %broadcast_in_dim3A_807) -> (vector<16xf32>, vector<16xf32>, vector<16xf32>, vector<16xf32>, vector<16xf32>, vector<16xf32>, vector<16xf32>, vector<16xf32>, vector<16xf32>, vector<16xf32>, vector<16xf32>, vector<16xf32>, vector<16xf32>, vector<16xf32>, vector<16xf32>, vector<16xf32>)  : i32 {
          %mul3A_2078 = arith.constant 1 : i32
          %mul3A_2079 = arith.muli %scan3A_2061, %mul3A_2078 : i32
          %add3A_2080 = arith.constant 0 : i32
          %add3A_2081 = arith.addi %add3A_2080, %mul3A_2079 : i32
          %get3A = arith.constant 0 : i32
          %get3A_2082 = arith.constant 5 : i32
          %get3A_2083 = arith.index_cast %get3A : i32 to index
          %get3A_2084 = arith.index_cast %get3A_2082 : i32 to index
          %get3A_2085 = arith.index_cast %add3A_2081 : i32 to index
          %get3A_2086 = arith.constant 0 : index
          %get3A_2087 = tpu.vector_load %arg6[%get3A_2083, %get3A_2084, %get3A_2085, %get3A_2086] {strides = array<i32>} : memref<2x7x100x16xi32, #tpu.memory_space<vmem>>, vector<16xi32>,
          %mul3A_2088 = arith.constant 100 : i32
          %mul3A_2089 = arith.muli %add3A_2081, %mul3A_2088 : i32
          %add3A_2090 = vector.broadcast %mul3A_2089 : i32 to vector<16xi32>
          %add3A_2091 = arith.addi %get3A_2087, %add3A_2090 : vector<16xi32>
          %broadcast_in_dim3A_2092 = arith.constant 0 : i32
          %broadcast_in_dim3A_2093 = vector.broadcast %broadcast_in_dim3A_2092 : i32 to vector<16xi32>
          %gather3A = tpu.vector_load_idx %arg5[%broadcast_in_dim3A_2093, %add3A_2091] : memref<8x10000xi32, #tpu.memory_space<vmem>>[vector<16xi32>, vector<16xi32>], vector<16xi32>,
          %shift_left3A = arith.constant 16 : i32
          %shift_left3A_2094 = vector.broadcast %shift_left3A : i32 to vector<16xi32>
          %shift_left3A_2095 = arith.shli %gather3A, %shift_left3A_2094 : vector<16xi32>
          %bitcast3A = vector.bitcast %shift_left3A_2095 : vector<16xi32> to vector<16xf32>
          %bitcast3A_2096 = vector.bitcast %gather3A : vector<16xi32> to vector<16xf32>
          %add3A_2097 = arith.addf %scan3A_2062, %bitcast3A : vector<16xf32>
          %add3A_2098 = arith.addf %scan3A_2063, %bitcast3A_2096 : vector<16xf32>
          %broadcast_in_dim3A_2099 = arith.constant 1 : i32
          %broadcast_in_dim3A_2100 = vector.broadcast %broadcast_in_dim3A_2099 : i32 to vector<16xi32>
          %gather3A_2101 = tpu.vector_load_idx %arg5[%broadcast_in_dim3A_2100, %add3A_2091] : memref<8x10000xi32, #tpu.memory_space<vmem>>[vector<16xi32>, vector<16xi32>], vector<16xi32>,
          %shift_left3A_2102 = arith.constant 16 : i32
          %shift_left3A_2103 = vector.broadcast %shift_left3A_2102 : i32 to vector<16xi32>
          %shift_left3A_2104 = arith.shli %gather3A_2101, %shift_left3A_2103 : vector<16xi32>
          %bitcast3A_2105 = vector.bitcast %shift_left3A_2104 : vector<16xi32> to vector<16xf32>
          %bitcast3A_2106 = vector.bitcast %gather3A_2101 : vector<16xi32> to vector<16xf32>
          %add3A_2107 = arith.addf %scan3A_2064, %bitcast3A_2105 : vector<16xf32>
          %add3A_2108 = arith.addf %scan3A_2065, %bitcast3A_2106 : vector<16xf32>
          %broadcast_in_dim3A_2109 = arith.constant 2 : i32
          %broadcast_in_dim3A_2110 = vector.broadcast %broadcast_in_dim3A_2109 : i32 to vector<16xi32>
          %gather3A_2111 = tpu.vector_load_idx %arg5[%broadcast_in_dim3A_2110, %add3A_2091] : memref<8x10000xi32, #tpu.memory_space<vmem>>[vector<16xi32>, vector<16xi32>], vector<16xi32>,
          %shift_left3A_2112 = arith.constant 16 : i32
          %shift_left3A_2113 = vector.broadcast %shift_left3A_2112 : i32 to vector<16xi32>
          %shift_left3A_2114 = arith.shli %gather3A_2111, %shift_left3A_2113 : vector<16xi32>
          %bitcast3A_2115 = vector.bitcast %shift_left3A_2114 : vector<16xi32> to vector<16xf32>
          %bitcast3A_2116 = vector.bitcast %gather3A_2111 : vector<16xi32> to vector<16xf32>
          %add3A_2117 = arith.addf %scan3A_2066, %bitcast3A_2115 : vector<16xf32>
          %add3A_2118 = arith.addf %scan3A_2067, %bitcast3A_2116 : vector<16xf32>
          %broadcast_in_dim3A_2119 = arith.constant 3 : i32
          %broadcast_in_dim3A_2120 = vector.broadcast %broadcast_in_dim3A_2119 : i32 to vector<16xi32>
          %gather3A_2121 = tpu.vector_load_idx %arg5[%broadcast_in_dim3A_2120, %add3A_2091] : memref<8x10000xi32, #tpu.memory_space<vmem>>[vector<16xi32>, vector<16xi32>], vector<16xi32>,
          %shift_left3A_2122 = arith.constant 16 : i32
          %shift_left3A_2123 = vector.broadcast %shift_left3A_2122 : i32 to vector<16xi32>
          %shift_left3A_2124 = arith.shli %gather3A_2121, %shift_left3A_2123 : vector<16xi32>
          %bitcast3A_2125 = vector.bitcast %shift_left3A_2124 : vector<16xi32> to vector<16xf32>
          %bitcast3A_2126 = vector.bitcast %gather3A_2121 : vector<16xi32> to vector<16xf32>
          %add3A_2127 = arith.addf %scan3A_2068, %bitcast3A_2125 : vector<16xf32>
          %add3A_2128 = arith.addf %scan3A_2069, %bitcast3A_2126 : vector<16xf32>
          %broadcast_in_dim3A_2129 = arith.constant 4 : i32
          %broadcast_in_dim3A_2130 = vector.broadcast %broadcast_in_dim3A_2129 : i32 to vector<16xi32>
          %gather3A_2131 = tpu.vector_load_idx %arg5[%broadcast_in_dim3A_2130, %add3A_2091] : memref<8x10000xi32, #tpu.memory_space<vmem>>[vector<16xi32>, vector<16xi32>], vector<16xi32>,
          %shift_left3A_2132 = arith.constant 16 : i32
          %shift_left3A_2133 = vector.broadcast %shift_left3A_2132 : i32 to vector<16xi32>
          %shift_left3A_2134 = arith.shli %gather3A_2131, %shift_left3A_2133 : vector<16xi32>
          %bitcast3A_2135 = vector.bitcast %shift_left3A_2134 : vector<16xi32> to vector<16xf32>
          %bitcast3A_2136 = vector.bitcast %gather3A_2131 : vector<16xi32> to vector<16xf32>
          %add3A_2137 = arith.addf %scan3A_2070, %bitcast3A_2135 : vector<16xf32>
          %add3A_2138 = arith.addf %scan3A_2071, %bitcast3A_2136 : vector<16xf32>
          %broadcast_in_dim3A_2139 = arith.constant 5 : i32
          %broadcast_in_dim3A_2140 = vector.broadcast %broadcast_in_dim3A_2139 : i32 to vector<16xi32>
          %gather3A_2141 = tpu.vector_load_idx %arg5[%broadcast_in_dim3A_2140, %add3A_2091] : memref<8x10000xi32, #tpu.memory_space<vmem>>[vector<16xi32>, vector<16xi32>], vector<16xi32>,
          %shift_left3A_2142 = arith.constant 16 : i32
          %shift_left3A_2143 = vector.broadcast %shift_left3A_2142 : i32 to vector<16xi32>
          %shift_left3A_2144 = arith.shli %gather3A_2141, %shift_left3A_2143 : vector<16xi32>
          %bitcast3A_2145 = vector.bitcast %shift_left3A_2144 : vector<16xi32> to vector<16xf32>
          %bitcast3A_2146 = vector.bitcast %gather3A_2141 : vector<16xi32> to vector<16xf32>
          %add3A_2147 = arith.addf %scan3A_2072, %bitcast3A_2145 : vector<16xf32>
          %add3A_2148 = arith.addf %scan3A_2073, %bitcast3A_2146 : vector<16xf32>
          %broadcast_in_dim3A_2149 = arith.constant 6 : i32
          %broadcast_in_dim3A_2150 = vector.broadcast %broadcast_in_dim3A_2149 : i32 to vector<16xi32>
          %gather3A_2151 = tpu.vector_load_idx %arg5[%broadcast_in_dim3A_2150, %add3A_2091] : memref<8x10000xi32, #tpu.memory_space<vmem>>[vector<16xi32>, vector<16xi32>], vector<16xi32>,
          %shift_left3A_2152 = arith.constant 16 : i32
          %shift_left3A_2153 = vector.broadcast %shift_left3A_2152 : i32 to vector<16xi32>
          %shift_left3A_2154 = arith.shli %gather3A_2151, %shift_left3A_2153 : vector<16xi32>
          %bitcast3A_2155 = vector.bitcast %shift_left3A_2154 : vector<16xi32> to vector<16xf32>
          %bitcast3A_2156 = vector.bitcast %gather3A_2151 : vector<16xi32> to vector<16xf32>
          %add3A_2157 = arith.addf %scan3A_2074, %bitcast3A_2155 : vector<16xf32>
          %add3A_2158 = arith.addf %scan3A_2075, %bitcast3A_2156 : vector<16xf32>
          %broadcast_in_dim3A_2159 = arith.constant 7 : i32
          %broadcast_in_dim3A_2160 = vector.broadcast %broadcast_in_dim3A_2159 : i32 to vector<16xi32>
          %gather3A_2161 = tpu.vector_load_idx %arg5[%broadcast_in_dim3A_2160, %add3A_2091] : memref<8x10000xi32, #tpu.memory_space<vmem>>[vector<16xi32>, vector<16xi32>], vector<16xi32>,
          %shift_left3A_2162 = arith.constant 16 : i32
          %shift_left3A_2163 = vector.broadcast %shift_left3A_2162 : i32 to vector<16xi32>
          %shift_left3A_2164 = arith.shli %gather3A_2161, %shift_left3A_2163 : vector<16xi32>
          %bitcast3A_2165 = vector.bitcast %shift_left3A_2164 : vector<16xi32> to vector<16xf32>
          %bitcast3A_2166 = vector.bitcast %gather3A_2161 : vector<16xi32> to vector<16xf32>
          %add3A_2167 = arith.addf %scan3A_2076, %bitcast3A_2165 : vector<16xf32>
          %add3A_2168 = arith.addf %scan3A_2077, %bitcast3A_2166 : vector<16xf32>
          scf.yield %add3A_2097, %add3A_2098, %add3A_2107, %add3A_2108, %add3A_2117, %add3A_2118, %add3A_2127, %add3A_2128, %add3A_2137, %add3A_2138, %add3A_2147, %add3A_2148, %add3A_2157, %add3A_2158, %add3A_2167, %add3A_2168 : vector<16xf32>, vector<16xf32>, vector<16xf32>, vector<16xf32>, vector<16xf32>, vector<16xf32>, vector<16xf32>, vector<16xf32>, vector<16xf32>, vector<16xf32>, vector<16xf32>, vector<16xf32>, vector<16xf32>, vector<16xf32>, vector<16xf32>, vector<16xf32>
        }
        %scan3A_813 = arith.constant 100 : i32
        %swap3A_814 = arith.constant 0 : i32
        %swap3A_815 = arith.constant 0 : i32
        %swap3A_816 = arith.index_cast %swap3A_814 : i32 to index
        %swap3A_817 = arith.index_cast %swap3A_815 : i32 to index
        %swap3A_818 = arith.constant 80 : index
        %swap3A_819 = tpu.vector_load %arg7[%swap3A_816, %swap3A_817, %swap3A_818] {strides = array<i32>} : memref<2x16x112xf32, #tpu.memory_space<vmem>>, vector<16xf32>,
        tpu.vector_store %arg7[%swap3A_816, %swap3A_817, %swap3A_818], %scan3A_812#0 {strides = array<i32>} : memref<2x16x112xf32, #tpu.memory_space<vmem>>, vector<16xf32>,
        %swap3A_820 = arith.constant 0 : i32
        %swap3A_821 = arith.constant 1 : i32
        %swap3A_822 = arith.index_cast %swap3A_820 : i32 to index
        %swap3A_823 = arith.index_cast %swap3A_821 : i32 to index
        %swap3A_824 = arith.constant 80 : index
        %swap3A_825 = tpu.vector_load %arg7[%swap3A_822, %swap3A_823, %swap3A_824] {strides = array<i32>} : memref<2x16x112xf32, #tpu.memory_space<vmem>>, vector<16xf32>,
        tpu.vector_store %arg7[%swap3A_822, %swap3A_823, %swap3A_824], %scan3A_812#1 {strides = array<i32>} : memref<2x16x112xf32, #tpu.memory_space<vmem>>, vector<16xf32>,
        %swap3A_826 = arith.constant 0 : i32
        %swap3A_827 = arith.constant 2 : i32
        %swap3A_828 = arith.index_cast %swap3A_826 : i32 to index
        %swap3A_829 = arith.index_cast %swap3A_827 : i32 to index
        %swap3A_830 = arith.constant 80 : index
        %swap3A_831 = tpu.vector_load %arg7[%swap3A_828, %swap3A_829, %swap3A_830] {strides = array<i32>} : memref<2x16x112xf32, #tpu.memory_space<vmem>>, vector<16xf32>,
        tpu.vector_store %arg7[%swap3A_828, %swap3A_829, %swap3A_830], %scan3A_812#2 {strides = array<i32>} : memref<2x16x112xf32, #tpu.memory_space<vmem>>, vector<16xf32>,
        %swap3A_832 = arith.constant 0 : i32
        %swap3A_833 = arith.constant 3 : i32
        %swap3A_834 = arith.index_cast %swap3A_832 : i32 to index
        %swap3A_835 = arith.index_cast %swap3A_833 : i32 to index
        %swap3A_836 = arith.constant 80 : index
        %swap3A_837 = tpu.vector_load %arg7[%swap3A_834, %swap3A_835, %swap3A_836] {strides = array<i32>} : memref<2x16x112xf32, #tpu.memory_space<vmem>>, vector<16xf32>,
        tpu.vector_store %arg7[%swap3A_834, %swap3A_835, %swap3A_836], %scan3A_812#3 {strides = array<i32>} : memref<2x16x112xf32, #tpu.memory_space<vmem>>, vector<16xf32>,
        %swap3A_838 = arith.constant 0 : i32
        %swap3A_839 = arith.constant 4 : i32
        %swap3A_840 = arith.index_cast %swap3A_838 : i32 to index
        %swap3A_841 = arith.index_cast %swap3A_839 : i32 to index
        %swap3A_842 = arith.constant 80 : index
        %swap3A_843 = tpu.vector_load %arg7[%swap3A_840, %swap3A_841, %swap3A_842] {strides = array<i32>} : memref<2x16x112xf32, #tpu.memory_space<vmem>>, vector<16xf32>,
        tpu.vector_store %arg7[%swap3A_840, %swap3A_841, %swap3A_842], %scan3A_812#4 {strides = array<i32>} : memref<2x16x112xf32, #tpu.memory_space<vmem>>, vector<16xf32>,
        %swap3A_844 = arith.constant 0 : i32
        %swap3A_845 = arith.constant 5 : i32
        %swap3A_846 = arith.index_cast %swap3A_844 : i32 to index
        %swap3A_847 = arith.index_cast %swap3A_845 : i32 to index
        %swap3A_848 = arith.constant 80 : index
        %swap3A_849 = tpu.vector_load %arg7[%swap3A_846, %swap3A_847, %swap3A_848] {strides = array<i32>} : memref<2x16x112xf32, #tpu.memory_space<vmem>>, vector<16xf32>,
        tpu.vector_store %arg7[%swap3A_846, %swap3A_847, %swap3A_848], %scan3A_812#5 {strides = array<i32>} : memref<2x16x112xf32, #tpu.memory_space<vmem>>, vector<16xf32>,
        %swap3A_850 = arith.constant 0 : i32
        %swap3A_851 = arith.constant 6 : i32
        %swap3A_852 = arith.index_cast %swap3A_850 : i32 to index
        %swap3A_853 = arith.index_cast %swap3A_851 : i32 to index
        %swap3A_854 = arith.constant 80 : index
        %swap3A_855 = tpu.vector_load %arg7[%swap3A_852, %swap3A_853, %swap3A_854] {strides = array<i32>} : memref<2x16x112xf32, #tpu.memory_space<vmem>>, vector<16xf32>,
        tpu.vector_store %arg7[%swap3A_852, %swap3A_853, %swap3A_854], %scan3A_812#6 {strides = array<i32>} : memref<2x16x112xf32, #tpu.memory_space<vmem>>, vector<16xf32>,
        %swap3A_856 = arith.constant 0 : i32
        %swap3A_857 = arith.constant 7 : i32
        %swap3A_858 = arith.index_cast %swap3A_856 : i32 to index
        %swap3A_859 = arith.index_cast %swap3A_857 : i32 to index
        %swap3A_860 = arith.constant 80 : index
        %swap3A_861 = tpu.vector_load %arg7[%swap3A_858, %swap3A_859, %swap3A_860] {strides = array<i32>} : memref<2x16x112xf32, #tpu.memory_space<vmem>>, vector<16xf32>,
        tpu.vector_store %arg7[%swap3A_858, %swap3A_859, %swap3A_860], %scan3A_812#7 {strides = array<i32>} : memref<2x16x112xf32, #tpu.memory_space<vmem>>, vector<16xf32>,
        %swap3A_862 = arith.constant 0 : i32
        %swap3A_863 = arith.constant 8 : i32
        %swap3A_864 = arith.index_cast %swap3A_862 : i32 to index
        %swap3A_865 = arith.index_cast %swap3A_863 : i32 to index
        %swap3A_866 = arith.constant 80 : index
        %swap3A_867 = tpu.vector_load %arg7[%swap3A_864, %swap3A_865, %swap3A_866] {strides = array<i32>} : memref<2x16x112xf32, #tpu.memory_space<vmem>>, vector<16xf32>,
        tpu.vector_store %arg7[%swap3A_864, %swap3A_865, %swap3A_866], %scan3A_812#8 {strides = array<i32>} : memref<2x16x112xf32, #tpu.memory_space<vmem>>, vector<16xf32>,
        %swap3A_868 = arith.constant 0 : i32
        %swap3A_869 = arith.constant 9 : i32
        %swap3A_870 = arith.index_cast %swap3A_868 : i32 to index
        %swap3A_871 = arith.index_cast %swap3A_869 : i32 to index
        %swap3A_872 = arith.constant 80 : index
        %swap3A_873 = tpu.vector_load %arg7[%swap3A_870, %swap3A_871, %swap3A_872] {strides = array<i32>} : memref<2x16x112xf32, #tpu.memory_space<vmem>>, vector<16xf32>,
        tpu.vector_store %arg7[%swap3A_870, %swap3A_871, %swap3A_872], %scan3A_812#9 {strides = array<i32>} : memref<2x16x112xf32, #tpu.memory_space<vmem>>, vector<16xf32>,
        %swap3A_874 = arith.constant 0 : i32
        %swap3A_875 = arith.constant 10 : i32
        %swap3A_876 = arith.index_cast %swap3A_874 : i32 to index
        %swap3A_877 = arith.index_cast %swap3A_875 : i32 to index
        %swap3A_878 = arith.constant 80 : index
        %swap3A_879 = tpu.vector_load %arg7[%swap3A_876, %swap3A_877, %swap3A_878] {strides = array<i32>} : memref<2x16x112xf32, #tpu.memory_space<vmem>>, vector<16xf32>,
        tpu.vector_store %arg7[%swap3A_876, %swap3A_877, %swap3A_878], %scan3A_812#10 {strides = array<i32>} : memref<2x16x112xf32, #tpu.memory_space<vmem>>, vector<16xf32>,
        %swap3A_880 = arith.constant 0 : i32
        %swap3A_881 = arith.constant 11 : i32
        %swap3A_882 = arith.index_cast %swap3A_880 : i32 to index
        %swap3A_883 = arith.index_cast %swap3A_881 : i32 to index
        %swap3A_884 = arith.constant 80 : index
        %swap3A_885 = tpu.vector_load %arg7[%swap3A_882, %swap3A_883, %swap3A_884] {strides = array<i32>} : memref<2x16x112xf32, #tpu.memory_space<vmem>>, vector<16xf32>,
        tpu.vector_store %arg7[%swap3A_882, %swap3A_883, %swap3A_884], %scan3A_812#11 {strides = array<i32>} : memref<2x16x112xf32, #tpu.memory_space<vmem>>, vector<16xf32>,
        %swap3A_886 = arith.constant 0 : i32
        %swap3A_887 = arith.constant 12 : i32
        %swap3A_888 = arith.index_cast %swap3A_886 : i32 to index
        %swap3A_889 = arith.index_cast %swap3A_887 : i32 to index
        %swap3A_890 = arith.constant 80 : index
        %swap3A_891 = tpu.vector_load %arg7[%swap3A_888, %swap3A_889, %swap3A_890] {strides = array<i32>} : memref<2x16x112xf32, #tpu.memory_space<vmem>>, vector<16xf32>,
        tpu.vector_store %arg7[%swap3A_888, %swap3A_889, %swap3A_890], %scan3A_812#12 {strides = array<i32>} : memref<2x16x112xf32, #tpu.memory_space<vmem>>, vector<16xf32>,
        %swap3A_892 = arith.constant 0 : i32
        %swap3A_893 = arith.constant 13 : i32
        %swap3A_894 = arith.index_cast %swap3A_892 : i32 to index
        %swap3A_895 = arith.index_cast %swap3A_893 : i32 to index
        %swap3A_896 = arith.constant 80 : index
        %swap3A_897 = tpu.vector_load %arg7[%swap3A_894, %swap3A_895, %swap3A_896] {strides = array<i32>} : memref<2x16x112xf32, #tpu.memory_space<vmem>>, vector<16xf32>,
        tpu.vector_store %arg7[%swap3A_894, %swap3A_895, %swap3A_896], %scan3A_812#13 {strides = array<i32>} : memref<2x16x112xf32, #tpu.memory_space<vmem>>, vector<16xf32>,
        %swap3A_898 = arith.constant 0 : i32
        %swap3A_899 = arith.constant 14 : i32
        %swap3A_900 = arith.index_cast %swap3A_898 : i32 to index
        %swap3A_901 = arith.index_cast %swap3A_899 : i32 to index
        %swap3A_902 = arith.constant 80 : index
        %swap3A_903 = tpu.vector_load %arg7[%swap3A_900, %swap3A_901, %swap3A_902] {strides = array<i32>} : memref<2x16x112xf32, #tpu.memory_space<vmem>>, vector<16xf32>,
        tpu.vector_store %arg7[%swap3A_900, %swap3A_901, %swap3A_902], %scan3A_812#14 {strides = array<i32>} : memref<2x16x112xf32, #tpu.memory_space<vmem>>, vector<16xf32>,
        %swap3A_904 = arith.constant 0 : i32
        %swap3A_905 = arith.constant 15 : i32
        %swap3A_906 = arith.index_cast %swap3A_904 : i32 to index
        %swap3A_907 = arith.index_cast %swap3A_905 : i32 to index
        %swap3A_908 = arith.constant 80 : index
        %swap3A_909 = tpu.vector_load %arg7[%swap3A_906, %swap3A_907, %swap3A_908] {strides = array<i32>} : memref<2x16x112xf32, #tpu.memory_space<vmem>>, vector<16xf32>,
        tpu.vector_store %arg7[%swap3A_906, %swap3A_907, %swap3A_908], %scan3A_812#15 {strides = array<i32>} : memref<2x16x112xf32, #tpu.memory_space<vmem>>, vector<16xf32>,
        %broadcast_in_dim3A_910 = arith.constant 0.000000e+00 : f32
        %broadcast_in_dim3A_911 = vector.broadcast %broadcast_in_dim3A_910 : f32 to vector<16xf32>
        %broadcast_in_dim3A_912 = arith.constant 0.000000e+00 : f32
        %broadcast_in_dim3A_913 = vector.broadcast %broadcast_in_dim3A_912 : f32 to vector<16xf32>
        %broadcast_in_dim3A_914 = arith.constant 0.000000e+00 : f32
        %broadcast_in_dim3A_915 = vector.broadcast %broadcast_in_dim3A_914 : f32 to vector<16xf32>
        %broadcast_in_dim3A_916 = arith.constant 0.000000e+00 : f32
        %broadcast_in_dim3A_917 = vector.broadcast %broadcast_in_dim3A_916 : f32 to vector<16xf32>
        %broadcast_in_dim3A_918 = arith.constant 0.000000e+00 : f32
        %broadcast_in_dim3A_919 = vector.broadcast %broadcast_in_dim3A_918 : f32 to vector<16xf32>
        %broadcast_in_dim3A_920 = arith.constant 0.000000e+00 : f32
        %broadcast_in_dim3A_921 = vector.broadcast %broadcast_in_dim3A_920 : f32 to vector<16xf32>
        %broadcast_in_dim3A_922 = arith.constant 0.000000e+00 : f32
        %broadcast_in_dim3A_923 = vector.broadcast %broadcast_in_dim3A_922 : f32 to vector<16xf32>
        %broadcast_in_dim3A_924 = arith.constant 0.000000e+00 : f32
        %broadcast_in_dim3A_925 = vector.broadcast %broadcast_in_dim3A_924 : f32 to vector<16xf32>
        %broadcast_in_dim3A_926 = arith.constant 0.000000e+00 : f32
        %broadcast_in_dim3A_927 = vector.broadcast %broadcast_in_dim3A_926 : f32 to vector<16xf32>
        %broadcast_in_dim3A_928 = arith.constant 0.000000e+00 : f32
        %broadcast_in_dim3A_929 = vector.broadcast %broadcast_in_dim3A_928 : f32 to vector<16xf32>
        %broadcast_in_dim3A_930 = arith.constant 0.000000e+00 : f32
        %broadcast_in_dim3A_931 = vector.broadcast %broadcast_in_dim3A_930 : f32 to vector<16xf32>
        %broadcast_in_dim3A_932 = arith.constant 0.000000e+00 : f32
        %broadcast_in_dim3A_933 = vector.broadcast %broadcast_in_dim3A_932 : f32 to vector<16xf32>
        %broadcast_in_dim3A_934 = arith.constant 0.000000e+00 : f32
        %broadcast_in_dim3A_935 = vector.broadcast %broadcast_in_dim3A_934 : f32 to vector<16xf32>
        %broadcast_in_dim3A_936 = arith.constant 0.000000e+00 : f32
        %broadcast_in_dim3A_937 = vector.broadcast %broadcast_in_dim3A_936 : f32 to vector<16xf32>
        %broadcast_in_dim3A_938 = arith.constant 0.000000e+00 : f32
        %broadcast_in_dim3A_939 = vector.broadcast %broadcast_in_dim3A_938 : f32 to vector<16xf32>
        %broadcast_in_dim3A_940 = arith.constant 0.000000e+00 : f32
        %broadcast_in_dim3A_941 = vector.broadcast %broadcast_in_dim3A_940 : f32 to vector<16xf32>
        %scan3A_942 = arith.constant 0 : i32
        %scan3A_943 = arith.constant 100 : i32
        %scan3A_944 = arith.addi %scan3A_942, %scan3A_943 : i32
        %scan3A_945 = arith.constant 1 : i32
        %scan3A_946:16 = scf.for %scan3A_2061 = %scan3A_942 to %scan3A_944 step %scan3A_945 iter_args(%scan3A_2062 = %broadcast_in_dim3A_911, %scan3A_2063 = %broadcast_in_dim3A_913, %scan3A_2064 = %broadcast_in_dim3A_915, %scan3A_2065 = %broadcast_in_dim3A_917, %scan3A_2066 = %broadcast_in_dim3A_919, %scan3A_2067 = %broadcast_in_dim3A_921, %scan3A_2068 = %broadcast_in_dim3A_923, %scan3A_2069 = %broadcast_in_dim3A_925, %scan3A_2070 = %broadcast_in_dim3A_927, %scan3A_2071 = %broadcast_in_dim3A_929, %scan3A_2072 = %broadcast_in_dim3A_931, %scan3A_2073 = %broadcast_in_dim3A_933, %scan3A_2074 = %broadcast_in_dim3A_935, %scan3A_2075 = %broadcast_in_dim3A_937, %scan3A_2076 = %broadcast_in_dim3A_939, %scan3A_2077 = %broadcast_in_dim3A_941) -> (vector<16xf32>, vector<16xf32>, vector<16xf32>, vector<16xf32>, vector<16xf32>, vector<16xf32>, vector<16xf32>, vector<16xf32>, vector<16xf32>, vector<16xf32>, vector<16xf32>, vector<16xf32>, vector<16xf32>, vector<16xf32>, vector<16xf32>, vector<16xf32>)  : i32 {
          %mul3A_2078 = arith.constant 1 : i32
          %mul3A_2079 = arith.muli %scan3A_2061, %mul3A_2078 : i32
          %add3A_2080 = arith.constant 0 : i32
          %add3A_2081 = arith.addi %add3A_2080, %mul3A_2079 : i32
          %get3A = arith.constant 0 : i32
          %get3A_2082 = arith.constant 6 : i32
          %get3A_2083 = arith.index_cast %get3A : i32 to index
          %get3A_2084 = arith.index_cast %get3A_2082 : i32 to index
          %get3A_2085 = arith.index_cast %add3A_2081 : i32 to index
          %get3A_2086 = arith.constant 0 : index
          %get3A_2087 = tpu.vector_load %arg6[%get3A_2083, %get3A_2084, %get3A_2085, %get3A_2086] {strides = array<i32>} : memref<2x7x100x16xi32, #tpu.memory_space<vmem>>, vector<16xi32>,
          %mul3A_2088 = arith.constant 100 : i32
          %mul3A_2089 = arith.muli %add3A_2081, %mul3A_2088 : i32
          %add3A_2090 = vector.broadcast %mul3A_2089 : i32 to vector<16xi32>
          %add3A_2091 = arith.addi %get3A_2087, %add3A_2090 : vector<16xi32>
          %broadcast_in_dim3A_2092 = arith.constant 0 : i32
          %broadcast_in_dim3A_2093 = vector.broadcast %broadcast_in_dim3A_2092 : i32 to vector<16xi32>
          %gather3A = tpu.vector_load_idx %arg5[%broadcast_in_dim3A_2093, %add3A_2091] : memref<8x10000xi32, #tpu.memory_space<vmem>>[vector<16xi32>, vector<16xi32>], vector<16xi32>,
          %shift_left3A = arith.constant 16 : i32
          %shift_left3A_2094 = vector.broadcast %shift_left3A : i32 to vector<16xi32>
          %shift_left3A_2095 = arith.shli %gather3A, %shift_left3A_2094 : vector<16xi32>
          %bitcast3A = vector.bitcast %shift_left3A_2095 : vector<16xi32> to vector<16xf32>
          %bitcast3A_2096 = vector.bitcast %gather3A : vector<16xi32> to vector<16xf32>
          %add3A_2097 = arith.addf %scan3A_2062, %bitcast3A : vector<16xf32>
          %add3A_2098 = arith.addf %scan3A_2063, %bitcast3A_2096 : vector<16xf32>
          %broadcast_in_dim3A_2099 = arith.constant 1 : i32
          %broadcast_in_dim3A_2100 = vector.broadcast %broadcast_in_dim3A_2099 : i32 to vector<16xi32>
          %gather3A_2101 = tpu.vector_load_idx %arg5[%broadcast_in_dim3A_2100, %add3A_2091] : memref<8x10000xi32, #tpu.memory_space<vmem>>[vector<16xi32>, vector<16xi32>], vector<16xi32>,
          %shift_left3A_2102 = arith.constant 16 : i32
          %shift_left3A_2103 = vector.broadcast %shift_left3A_2102 : i32 to vector<16xi32>
          %shift_left3A_2104 = arith.shli %gather3A_2101, %shift_left3A_2103 : vector<16xi32>
          %bitcast3A_2105 = vector.bitcast %shift_left3A_2104 : vector<16xi32> to vector<16xf32>
          %bitcast3A_2106 = vector.bitcast %gather3A_2101 : vector<16xi32> to vector<16xf32>
          %add3A_2107 = arith.addf %scan3A_2064, %bitcast3A_2105 : vector<16xf32>
          %add3A_2108 = arith.addf %scan3A_2065, %bitcast3A_2106 : vector<16xf32>
          %broadcast_in_dim3A_2109 = arith.constant 2 : i32
          %broadcast_in_dim3A_2110 = vector.broadcast %broadcast_in_dim3A_2109 : i32 to vector<16xi32>
          %gather3A_2111 = tpu.vector_load_idx %arg5[%broadcast_in_dim3A_2110, %add3A_2091] : memref<8x10000xi32, #tpu.memory_space<vmem>>[vector<16xi32>, vector<16xi32>], vector<16xi32>,
          %shift_left3A_2112 = arith.constant 16 : i32
          %shift_left3A_2113 = vector.broadcast %shift_left3A_2112 : i32 to vector<16xi32>
          %shift_left3A_2114 = arith.shli %gather3A_2111, %shift_left3A_2113 : vector<16xi32>
          %bitcast3A_2115 = vector.bitcast %shift_left3A_2114 : vector<16xi32> to vector<16xf32>
          %bitcast3A_2116 = vector.bitcast %gather3A_2111 : vector<16xi32> to vector<16xf32>
          %add3A_2117 = arith.addf %scan3A_2066, %bitcast3A_2115 : vector<16xf32>
          %add3A_2118 = arith.addf %scan3A_2067, %bitcast3A_2116 : vector<16xf32>
          %broadcast_in_dim3A_2119 = arith.constant 3 : i32
          %broadcast_in_dim3A_2120 = vector.broadcast %broadcast_in_dim3A_2119 : i32 to vector<16xi32>
          %gather3A_2121 = tpu.vector_load_idx %arg5[%broadcast_in_dim3A_2120, %add3A_2091] : memref<8x10000xi32, #tpu.memory_space<vmem>>[vector<16xi32>, vector<16xi32>], vector<16xi32>,
          %shift_left3A_2122 = arith.constant 16 : i32
          %shift_left3A_2123 = vector.broadcast %shift_left3A_2122 : i32 to vector<16xi32>
          %shift_left3A_2124 = arith.shli %gather3A_2121, %shift_left3A_2123 : vector<16xi32>
          %bitcast3A_2125 = vector.bitcast %shift_left3A_2124 : vector<16xi32> to vector<16xf32>
          %bitcast3A_2126 = vector.bitcast %gather3A_2121 : vector<16xi32> to vector<16xf32>
          %add3A_2127 = arith.addf %scan3A_2068, %bitcast3A_2125 : vector<16xf32>
          %add3A_2128 = arith.addf %scan3A_2069, %bitcast3A_2126 : vector<16xf32>
          %broadcast_in_dim3A_2129 = arith.constant 4 : i32
          %broadcast_in_dim3A_2130 = vector.broadcast %broadcast_in_dim3A_2129 : i32 to vector<16xi32>
          %gather3A_2131 = tpu.vector_load_idx %arg5[%broadcast_in_dim3A_2130, %add3A_2091] : memref<8x10000xi32, #tpu.memory_space<vmem>>[vector<16xi32>, vector<16xi32>], vector<16xi32>,
          %shift_left3A_2132 = arith.constant 16 : i32
          %shift_left3A_2133 = vector.broadcast %shift_left3A_2132 : i32 to vector<16xi32>
          %shift_left3A_2134 = arith.shli %gather3A_2131, %shift_left3A_2133 : vector<16xi32>
          %bitcast3A_2135 = vector.bitcast %shift_left3A_2134 : vector<16xi32> to vector<16xf32>
          %bitcast3A_2136 = vector.bitcast %gather3A_2131 : vector<16xi32> to vector<16xf32>
          %add3A_2137 = arith.addf %scan3A_2070, %bitcast3A_2135 : vector<16xf32>
          %add3A_2138 = arith.addf %scan3A_2071, %bitcast3A_2136 : vector<16xf32>
          %broadcast_in_dim3A_2139 = arith.constant 5 : i32
          %broadcast_in_dim3A_2140 = vector.broadcast %broadcast_in_dim3A_2139 : i32 to vector<16xi32>
          %gather3A_2141 = tpu.vector_load_idx %arg5[%broadcast_in_dim3A_2140, %add3A_2091] : memref<8x10000xi32, #tpu.memory_space<vmem>>[vector<16xi32>, vector<16xi32>], vector<16xi32>,
          %shift_left3A_2142 = arith.constant 16 : i32
          %shift_left3A_2143 = vector.broadcast %shift_left3A_2142 : i32 to vector<16xi32>
          %shift_left3A_2144 = arith.shli %gather3A_2141, %shift_left3A_2143 : vector<16xi32>
          %bitcast3A_2145 = vector.bitcast %shift_left3A_2144 : vector<16xi32> to vector<16xf32>
          %bitcast3A_2146 = vector.bitcast %gather3A_2141 : vector<16xi32> to vector<16xf32>
          %add3A_2147 = arith.addf %scan3A_2072, %bitcast3A_2145 : vector<16xf32>
          %add3A_2148 = arith.addf %scan3A_2073, %bitcast3A_2146 : vector<16xf32>
          %broadcast_in_dim3A_2149 = arith.constant 6 : i32
          %broadcast_in_dim3A_2150 = vector.broadcast %broadcast_in_dim3A_2149 : i32 to vector<16xi32>
          %gather3A_2151 = tpu.vector_load_idx %arg5[%broadcast_in_dim3A_2150, %add3A_2091] : memref<8x10000xi32, #tpu.memory_space<vmem>>[vector<16xi32>, vector<16xi32>], vector<16xi32>,
          %shift_left3A_2152 = arith.constant 16 : i32
          %shift_left3A_2153 = vector.broadcast %shift_left3A_2152 : i32 to vector<16xi32>
          %shift_left3A_2154 = arith.shli %gather3A_2151, %shift_left3A_2153 : vector<16xi32>
          %bitcast3A_2155 = vector.bitcast %shift_left3A_2154 : vector<16xi32> to vector<16xf32>
          %bitcast3A_2156 = vector.bitcast %gather3A_2151 : vector<16xi32> to vector<16xf32>
          %add3A_2157 = arith.addf %scan3A_2074, %bitcast3A_2155 : vector<16xf32>
          %add3A_2158 = arith.addf %scan3A_2075, %bitcast3A_2156 : vector<16xf32>
          %broadcast_in_dim3A_2159 = arith.constant 7 : i32
          %broadcast_in_dim3A_2160 = vector.broadcast %broadcast_in_dim3A_2159 : i32 to vector<16xi32>
          %gather3A_2161 = tpu.vector_load_idx %arg5[%broadcast_in_dim3A_2160, %add3A_2091] : memref<8x10000xi32, #tpu.memory_space<vmem>>[vector<16xi32>, vector<16xi32>], vector<16xi32>,
          %shift_left3A_2162 = arith.constant 16 : i32
          %shift_left3A_2163 = vector.broadcast %shift_left3A_2162 : i32 to vector<16xi32>
          %shift_left3A_2164 = arith.shli %gather3A_2161, %shift_left3A_2163 : vector<16xi32>
          %bitcast3A_2165 = vector.bitcast %shift_left3A_2164 : vector<16xi32> to vector<16xf32>
          %bitcast3A_2166 = vector.bitcast %gather3A_2161 : vector<16xi32> to vector<16xf32>
          %add3A_2167 = arith.addf %scan3A_2076, %bitcast3A_2165 : vector<16xf32>
          %add3A_2168 = arith.addf %scan3A_2077, %bitcast3A_2166 : vector<16xf32>
          scf.yield %add3A_2097, %add3A_2098, %add3A_2107, %add3A_2108, %add3A_2117, %add3A_2118, %add3A_2127, %add3A_2128, %add3A_2137, %add3A_2138, %add3A_2147, %add3A_2148, %add3A_2157, %add3A_2158, %add3A_2167, %add3A_2168 : vector<16xf32>, vector<16xf32>, vector<16xf32>, vector<16xf32>, vector<16xf32>, vector<16xf32>, vector<16xf32>, vector<16xf32>, vector<16xf32>, vector<16xf32>, vector<16xf32>, vector<16xf32>, vector<16xf32>, vector<16xf32>, vector<16xf32>, vector<16xf32>
        }
        %scan3A_947 = arith.constant 100 : i32
        %swap3A_948 = arith.constant 0 : i32
        %swap3A_949 = arith.constant 0 : i32
        %swap3A_950 = arith.index_cast %swap3A_948 : i32 to index
        %swap3A_951 = arith.index_cast %swap3A_949 : i32 to index
        %swap3A_952 = arith.constant 96 : index
        %swap3A_953 = tpu.vector_load %arg7[%swap3A_950, %swap3A_951, %swap3A_952] {strides = array<i32>} : memref<2x16x112xf32, #tpu.memory_space<vmem>>, vector<16xf32>,
        tpu.vector_store %arg7[%swap3A_950, %swap3A_951, %swap3A_952], %scan3A_946#0 {strides = array<i32>} : memref<2x16x112xf32, #tpu.memory_space<vmem>>, vector<16xf32>,
        %swap3A_954 = arith.constant 0 : i32
        %swap3A_955 = arith.constant 1 : i32
        %swap3A_956 = arith.index_cast %swap3A_954 : i32 to index
        %swap3A_957 = arith.index_cast %swap3A_955 : i32 to index
        %swap3A_958 = arith.constant 96 : index
        %swap3A_959 = tpu.vector_load %arg7[%swap3A_956, %swap3A_957, %swap3A_958] {strides = array<i32>} : memref<2x16x112xf32, #tpu.memory_space<vmem>>, vector<16xf32>,
        tpu.vector_store %arg7[%swap3A_956, %swap3A_957, %swap3A_958], %scan3A_946#1 {strides = array<i32>} : memref<2x16x112xf32, #tpu.memory_space<vmem>>, vector<16xf32>,
        %swap3A_960 = arith.constant 0 : i32
        %swap3A_961 = arith.constant 2 : i32
        %swap3A_962 = arith.index_cast %swap3A_960 : i32 to index
        %swap3A_963 = arith.index_cast %swap3A_961 : i32 to index
        %swap3A_964 = arith.constant 96 : index
        %swap3A_965 = tpu.vector_load %arg7[%swap3A_962, %swap3A_963, %swap3A_964] {strides = array<i32>} : memref<2x16x112xf32, #tpu.memory_space<vmem>>, vector<16xf32>,
        tpu.vector_store %arg7[%swap3A_962, %swap3A_963, %swap3A_964], %scan3A_946#2 {strides = array<i32>} : memref<2x16x112xf32, #tpu.memory_space<vmem>>, vector<16xf32>,
        %swap3A_966 = arith.constant 0 : i32
        %swap3A_967 = arith.constant 3 : i32
        %swap3A_968 = arith.index_cast %swap3A_966 : i32 to index
        %swap3A_969 = arith.index_cast %swap3A_967 : i32 to index
        %swap3A_970 = arith.constant 96 : index
        %swap3A_971 = tpu.vector_load %arg7[%swap3A_968, %swap3A_969, %swap3A_970] {strides = array<i32>} : memref<2x16x112xf32, #tpu.memory_space<vmem>>, vector<16xf32>,
        tpu.vector_store %arg7[%swap3A_968, %swap3A_969, %swap3A_970], %scan3A_946#3 {strides = array<i32>} : memref<2x16x112xf32, #tpu.memory_space<vmem>>, vector<16xf32>,
        %swap3A_972 = arith.constant 0 : i32
        %swap3A_973 = arith.constant 4 : i32
        %swap3A_974 = arith.index_cast %swap3A_972 : i32 to index
        %swap3A_975 = arith.index_cast %swap3A_973 : i32 to index
        %swap3A_976 = arith.constant 96 : index
        %swap3A_977 = tpu.vector_load %arg7[%swap3A_974, %swap3A_975, %swap3A_976] {strides = array<i32>} : memref<2x16x112xf32, #tpu.memory_space<vmem>>, vector<16xf32>,
        tpu.vector_store %arg7[%swap3A_974, %swap3A_975, %swap3A_976], %scan3A_946#4 {strides = array<i32>} : memref<2x16x112xf32, #tpu.memory_space<vmem>>, vector<16xf32>,
        %swap3A_978 = arith.constant 0 : i32
        %swap3A_979 = arith.constant 5 : i32
        %swap3A_980 = arith.index_cast %swap3A_978 : i32 to index
        %swap3A_981 = arith.index_cast %swap3A_979 : i32 to index
        %swap3A_982 = arith.constant 96 : index
        %swap3A_983 = tpu.vector_load %arg7[%swap3A_980, %swap3A_981, %swap3A_982] {strides = array<i32>} : memref<2x16x112xf32, #tpu.memory_space<vmem>>, vector<16xf32>,
        tpu.vector_store %arg7[%swap3A_980, %swap3A_981, %swap3A_982], %scan3A_946#5 {strides = array<i32>} : memref<2x16x112xf32, #tpu.memory_space<vmem>>, vector<16xf32>,
        %swap3A_984 = arith.constant 0 : i32
        %swap3A_985 = arith.constant 6 : i32
        %swap3A_986 = arith.index_cast %swap3A_984 : i32 to index
        %swap3A_987 = arith.index_cast %swap3A_985 : i32 to index
        %swap3A_988 = arith.constant 96 : index
        %swap3A_989 = tpu.vector_load %arg7[%swap3A_986, %swap3A_987, %swap3A_988] {strides = array<i32>} : memref<2x16x112xf32, #tpu.memory_space<vmem>>, vector<16xf32>,
        tpu.vector_store %arg7[%swap3A_986, %swap3A_987, %swap3A_988], %scan3A_946#6 {strides = array<i32>} : memref<2x16x112xf32, #tpu.memory_space<vmem>>, vector<16xf32>,
        %swap3A_990 = arith.constant 0 : i32
        %swap3A_991 = arith.constant 7 : i32
        %swap3A_992 = arith.index_cast %swap3A_990 : i32 to index
        %swap3A_993 = arith.index_cast %swap3A_991 : i32 to index
        %swap3A_994 = arith.constant 96 : index
        %swap3A_995 = tpu.vector_load %arg7[%swap3A_992, %swap3A_993, %swap3A_994] {strides = array<i32>} : memref<2x16x112xf32, #tpu.memory_space<vmem>>, vector<16xf32>,
        tpu.vector_store %arg7[%swap3A_992, %swap3A_993, %swap3A_994], %scan3A_946#7 {strides = array<i32>} : memref<2x16x112xf32, #tpu.memory_space<vmem>>, vector<16xf32>,
        %swap3A_996 = arith.constant 0 : i32
        %swap3A_997 = arith.constant 8 : i32
        %swap3A_998 = arith.index_cast %swap3A_996 : i32 to index
        %swap3A_999 = arith.index_cast %swap3A_997 : i32 to index
        %swap3A_1000 = arith.constant 96 : index
        %swap3A_1001 = tpu.vector_load %arg7[%swap3A_998, %swap3A_999, %swap3A_1000] {strides = array<i32>} : memref<2x16x112xf32, #tpu.memory_space<vmem>>, vector<16xf32>,
        tpu.vector_store %arg7[%swap3A_998, %swap3A_999, %swap3A_1000], %scan3A_946#8 {strides = array<i32>} : memref<2x16x112xf32, #tpu.memory_space<vmem>>, vector<16xf32>,
        %swap3A_1002 = arith.constant 0 : i32
        %swap3A_1003 = arith.constant 9 : i32
        %swap3A_1004 = arith.index_cast %swap3A_1002 : i32 to index
        %swap3A_1005 = arith.index_cast %swap3A_1003 : i32 to index
        %swap3A_1006 = arith.constant 96 : index
        %swap3A_1007 = tpu.vector_load %arg7[%swap3A_1004, %swap3A_1005, %swap3A_1006] {strides = array<i32>} : memref<2x16x112xf32, #tpu.memory_space<vmem>>, vector<16xf32>,
        tpu.vector_store %arg7[%swap3A_1004, %swap3A_1005, %swap3A_1006], %scan3A_946#9 {strides = array<i32>} : memref<2x16x112xf32, #tpu.memory_space<vmem>>, vector<16xf32>,
        %swap3A_1008 = arith.constant 0 : i32
        %swap3A_1009 = arith.constant 10 : i32
        %swap3A_1010 = arith.index_cast %swap3A_1008 : i32 to index
        %swap3A_1011 = arith.index_cast %swap3A_1009 : i32 to index
        %swap3A_1012 = arith.constant 96 : index
        %swap3A_1013 = tpu.vector_load %arg7[%swap3A_1010, %swap3A_1011, %swap3A_1012] {strides = array<i32>} : memref<2x16x112xf32, #tpu.memory_space<vmem>>, vector<16xf32>,
        tpu.vector_store %arg7[%swap3A_1010, %swap3A_1011, %swap3A_1012], %scan3A_946#10 {strides = array<i32>} : memref<2x16x112xf32, #tpu.memory_space<vmem>>, vector<16xf32>,
        %swap3A_1014 = arith.constant 0 : i32
        %swap3A_1015 = arith.constant 11 : i32
        %swap3A_1016 = arith.index_cast %swap3A_1014 : i32 to index
        %swap3A_1017 = arith.index_cast %swap3A_1015 : i32 to index
        %swap3A_1018 = arith.constant 96 : index
        %swap3A_1019 = tpu.vector_load %arg7[%swap3A_1016, %swap3A_1017, %swap3A_1018] {strides = array<i32>} : memref<2x16x112xf32, #tpu.memory_space<vmem>>, vector<16xf32>,
        tpu.vector_store %arg7[%swap3A_1016, %swap3A_1017, %swap3A_1018], %scan3A_946#11 {strides = array<i32>} : memref<2x16x112xf32, #tpu.memory_space<vmem>>, vector<16xf32>,
        %swap3A_1020 = arith.constant 0 : i32
        %swap3A_1021 = arith.constant 12 : i32
        %swap3A_1022 = arith.index_cast %swap3A_1020 : i32 to index
        %swap3A_1023 = arith.index_cast %swap3A_1021 : i32 to index
        %swap3A_1024 = arith.constant 96 : index
        %swap3A_1025 = tpu.vector_load %arg7[%swap3A_1022, %swap3A_1023, %swap3A_1024] {strides = array<i32>} : memref<2x16x112xf32, #tpu.memory_space<vmem>>, vector<16xf32>,
        tpu.vector_store %arg7[%swap3A_1022, %swap3A_1023, %swap3A_1024], %scan3A_946#12 {strides = array<i32>} : memref<2x16x112xf32, #tpu.memory_space<vmem>>, vector<16xf32>,
        %swap3A_1026 = arith.constant 0 : i32
        %swap3A_1027 = arith.constant 13 : i32
        %swap3A_1028 = arith.index_cast %swap3A_1026 : i32 to index
        %swap3A_1029 = arith.index_cast %swap3A_1027 : i32 to index
        %swap3A_1030 = arith.constant 96 : index
        %swap3A_1031 = tpu.vector_load %arg7[%swap3A_1028, %swap3A_1029, %swap3A_1030] {strides = array<i32>} : memref<2x16x112xf32, #tpu.memory_space<vmem>>, vector<16xf32>,
        tpu.vector_store %arg7[%swap3A_1028, %swap3A_1029, %swap3A_1030], %scan3A_946#13 {strides = array<i32>} : memref<2x16x112xf32, #tpu.memory_space<vmem>>, vector<16xf32>,
        %swap3A_1032 = arith.constant 0 : i32
        %swap3A_1033 = arith.constant 14 : i32
        %swap3A_1034 = arith.index_cast %swap3A_1032 : i32 to index
        %swap3A_1035 = arith.index_cast %swap3A_1033 : i32 to index
        %swap3A_1036 = arith.constant 96 : index
        %swap3A_1037 = tpu.vector_load %arg7[%swap3A_1034, %swap3A_1035, %swap3A_1036] {strides = array<i32>} : memref<2x16x112xf32, #tpu.memory_space<vmem>>, vector<16xf32>,
        tpu.vector_store %arg7[%swap3A_1034, %swap3A_1035, %swap3A_1036], %scan3A_946#14 {strides = array<i32>} : memref<2x16x112xf32, #tpu.memory_space<vmem>>, vector<16xf32>,
        %swap3A_1038 = arith.constant 0 : i32
        %swap3A_1039 = arith.constant 15 : i32
        %swap3A_1040 = arith.index_cast %swap3A_1038 : i32 to index
        %swap3A_1041 = arith.index_cast %swap3A_1039 : i32 to index
        %swap3A_1042 = arith.constant 96 : index
        %swap3A_1043 = tpu.vector_load %arg7[%swap3A_1040, %swap3A_1041, %swap3A_1042] {strides = array<i32>} : memref<2x16x112xf32, #tpu.memory_space<vmem>>, vector<16xf32>,
        tpu.vector_store %arg7[%swap3A_1040, %swap3A_1041, %swap3A_1042], %scan3A_946#15 {strides = array<i32>} : memref<2x16x112xf32, #tpu.memory_space<vmem>>, vector<16xf32>,
        %mul3A_1044 = arith.constant 2 : i32
        %mul3A_1045 = arith.muli %add3A_42, %mul3A_1044 : i32
        %mul3A_1046 = arith.constant 8 : i32
        %mul3A_1047 = arith.muli %mul3A_1045, %mul3A_1046 : i32
        %mul3A_1048 = arith.constant 7 : i32
        %mul3A_1049 = arith.muli %add3A_76, %mul3A_1048 : i32
        %mul3A_1050 = arith.constant 16 : i32
        %mul3A_1051 = arith.muli %mul3A_1049, %mul3A_1050 : i32
        %add3A_1052 = arith.addi %mul3A_4, %mul3A_1051 : i32
        %dma_start3A_1053 = arith.constant 0 : i32
        %dma_start3A_1054 = arith.constant 0 : i32
        %dma_start3A_1055 = arith.constant 0 : i32
        %dma_start3A_1056 = tpu.memref_slice %arg7[%dma_start3A_1053, %dma_start3A_1054, %dma_start3A_1055] : memref<2x16x112xf32, #tpu.memory_space<vmem>> -> memref<1x16x112xf32, #tpu.memory_space<vmem>>
        %dma_start3A_1057 = tpu.memref_squeeze %dma_start3A_1056 : memref<1x16x112xf32, #tpu.memory_space<vmem>> -> memref<16x112xf32, #tpu.memory_space<vmem>>
        %dma_start3A_1058 = tpu.memref_slice %arg4[%mul3A_1047, %add3A_1052] : memref<96x50176xf32, #tpu.memory_space<hbm>> -> memref<16x112xf32, #tpu.memory_space<hbm>>
        %dma_start3A_1059 = tpu.memref_slice %arg4[%mul3A_1047, %add3A_1052] : memref<96x50176xf32, #tpu.memory_space<hbm>> -> memref<16x112xf32, #tpu.memory_space<hbm>>
        %dma_start3A_1060 = arith.constant 0 : i32
        %dma_start3A_1061 = arith.constant 0 : i32
        %dma_start3A_1062 = tpu.memref_slice %arg7[%dma_start3A_1053, %dma_start3A_1060, %dma_start3A_1061] : memref<2x16x112xf32, #tpu.memory_space<vmem>> -> memref<1x16x112xf32, #tpu.memory_space<vmem>>
        %dma_start3A_1063 = tpu.memref_squeeze %dma_start3A_1062 : memref<1x16x112xf32, #tpu.memory_space<vmem>> -> memref<16x112xf32, #tpu.memory_space<vmem>>
        tpu.enqueue_dma source(%dma_start3A_1063 : memref<16x112xf32, #tpu.memory_space<vmem>>) target(%dma_start3A_1059 : memref<16x112xf32, #tpu.memory_space<hbm>>) target_semaphore(%arg10 : memref<!tpu.dma_semaphore, #tpu.memory_space<semaphore_mem>>)
        %mul3A_1064 = arith.constant 2 : i32
        %mul3A_1065 = arith.muli %add3A_72, %mul3A_1064 : i32
        %add3A_1066 = arith.constant 1 : i32
        %add3A_1067 = arith.addi %mul3A_1065, %add3A_1066 : i32
        %mul3A_1068 = arith.constant 7 : i32
        %mul3A_1069 = arith.muli %add3A_1067, %mul3A_1068 : i32
        %add3A_1070 = arith.addi %mul3A_2, %mul3A_1069 : i32
        %dma_wait3A_1071 = arith.constant 1 : i32
        %dma_wait3A_1072 = arith.constant 0 : i32
        %dma_wait3A_1073 = arith.constant 0 : i32
        %dma_wait3A_1074 = arith.constant 0 : i32
        %dma_wait3A_1075 = tpu.memref_slice %arg6[%dma_wait3A_1071, %dma_wait3A_1072, %dma_wait3A_1073, %dma_wait3A_1074] : memref<2x7x100x16xi32, #tpu.memory_space<vmem>> -> memref<1x7x100x16xi32, #tpu.memory_space<vmem>>
        %dma_wait3A_1076 = tpu.memref_squeeze %dma_wait3A_1075 : memref<1x7x100x16xi32, #tpu.memory_space<vmem>> -> memref<7x100x16xi32, #tpu.memory_space<vmem>>
        %dma_wait3A_1077 = arith.constant 0 : i32
        %dma_wait3A_1078 = arith.constant 0 : i32
        %dma_wait3A_1079 = tpu.memref_slice %arg3[%add3A_1070, %dma_wait3A_1077, %dma_wait3A_1078] : memref<3136x100x16xi32, #tpu.memory_space<hbm>> -> memref<7x100x16xi32, #tpu.memory_space<hbm>>
        %dma_wait3A_1080 = arith.constant 0 : i32
        %dma_wait3A_1081 = arith.constant 0 : i32
        %dma_wait3A_1082 = arith.constant 0 : i32
        %dma_wait3A_1083 = tpu.memref_slice %arg6[%dma_wait3A_1071, %dma_wait3A_1080, %dma_wait3A_1081, %dma_wait3A_1082] : memref<2x7x100x16xi32, #tpu.memory_space<vmem>> -> memref<1x7x100x16xi32, #tpu.memory_space<vmem>>
        %dma_wait3A_1084 = tpu.memref_squeeze %dma_wait3A_1083 : memref<1x7x100x16xi32, #tpu.memory_space<vmem>> -> memref<7x100x16xi32, #tpu.memory_space<vmem>>
        %dma_wait3A_1085 = arith.constant 0 : i32
        %dma_wait3A_1086 = arith.constant 0 : i32
        %dma_wait3A_1087 = tpu.memref_slice %arg3[%add3A_1070, %dma_wait3A_1085, %dma_wait3A_1086] : memref<3136x100x16xi32, #tpu.memory_space<hbm>> -> memref<7x100x16xi32, #tpu.memory_space<hbm>>
        tpu.wait_dma2 semaphore(%arg9 : memref<!tpu.dma_semaphore, #tpu.memory_space<semaphore_mem>>) src(%dma_wait3A_1087 : memref<7x100x16xi32, #tpu.memory_space<hbm>>) dst(%dma_wait3A_1084 : memref<7x100x16xi32, #tpu.memory_space<vmem>>)
        %add3A_1088 = arith.constant 1 : i32
        %add3A_1089 = arith.addi %add3A_1067, %add3A_1088 : i32
        %lt3A_1090 = arith.constant 14 : i32
        %lt3A_1091 = arith.cmpi slt, %add3A_1089, %lt3A_1090 : i32
        %convert_element_type3A_1092 = arith.extui %lt3A_1091 : i1 to i32
        %cond3A_1093 = arith.constant 0 : i32
        %cond3A_1094 = arith.cmpi ne, %convert_element_type3A_1092, %cond3A_1093 : i32
        scf.if %cond3A_1094 {
          %mul3A_2061 = arith.constant 7 : i32
          %mul3A_2062 = arith.muli %add3A_1089, %mul3A_2061 : i32
          %add3A_2063 = arith.addi %mul3A_2, %mul3A_2062 : i32
          %dma_start3A_2064 = arith.constant 0 : i32
          %dma_start3A_2065 = arith.constant 0 : i32
          %dma_start3A_2066 = arith.constant 0 : i32
          %dma_start3A_2067 = arith.constant 0 : i32
          %dma_start3A_2068 = tpu.memref_slice %arg6[%dma_start3A_2064, %dma_start3A_2065, %dma_start3A_2066, %dma_start3A_2067] : memref<2x7x100x16xi32, #tpu.memory_space<vmem>> -> memref<1x7x100x16xi32, #tpu.memory_space<vmem>>
          %dma_start3A_2069 = tpu.memref_squeeze %dma_start3A_2068 : memref<1x7x100x16xi32, #tpu.memory_space<vmem>> -> memref<7x100x16xi32, #tpu.memory_space<vmem>>
          %dma_start3A_2070 = arith.constant 0 : i32
          %dma_start3A_2071 = arith.constant 0 : i32
          %dma_start3A_2072 = tpu.memref_slice %arg3[%add3A_2063, %dma_start3A_2070, %dma_start3A_2071] : memref<3136x100x16xi32, #tpu.memory_space<hbm>> -> memref<7x100x16xi32, #tpu.memory_space<hbm>>
          %dma_start3A_2073 = arith.constant 0 : i32
          %dma_start3A_2074 = arith.constant 0 : i32
          %dma_start3A_2075 = arith.constant 0 : i32
          %dma_start3A_2076 = tpu.memref_slice %arg6[%dma_start3A_2064, %dma_start3A_2073, %dma_start3A_2074, %dma_start3A_2075] : memref<2x7x100x16xi32, #tpu.memory_space<vmem>> -> memref<1x7x100x16xi32, #tpu.memory_space<vmem>>
          %dma_start3A_2077 = tpu.memref_squeeze %dma_start3A_2076 : memref<1x7x100x16xi32, #tpu.memory_space<vmem>> -> memref<7x100x16xi32, #tpu.memory_space<vmem>>
          %dma_start3A_2078 = arith.constant 0 : i32
          %dma_start3A_2079 = arith.constant 0 : i32
          %dma_start3A_2080 = tpu.memref_slice %arg3[%add3A_2063, %dma_start3A_2078, %dma_start3A_2079] : memref<3136x100x16xi32, #tpu.memory_space<hbm>> -> memref<7x100x16xi32, #tpu.memory_space<hbm>>
          tpu.enqueue_dma source(%dma_start3A_2080 : memref<7x100x16xi32, #tpu.memory_space<hbm>>) target(%dma_start3A_2077 : memref<7x100x16xi32, #tpu.memory_space<vmem>>) target_semaphore(%arg8 : memref<!tpu.dma_semaphore, #tpu.memory_space<semaphore_mem>>)
        } else {
        }
        %mul3A_1095 = arith.constant 14 : i32
        %mul3A_1096 = arith.muli %add3A_42, %mul3A_1095 : i32
        %add3A_1097 = arith.addi %mul3A_1096, %add3A_1067 : i32
        %ge3A_1098 = arith.constant 2 : i32
        %ge3A_1099 = arith.cmpi sge, %add3A_1097, %ge3A_1098 : i32
        %convert_element_type3A_1100 = arith.extui %ge3A_1099 : i1 to i32
        %cond3A_1101 = arith.constant 0 : i32
        %cond3A_1102 = arith.cmpi ne, %convert_element_type3A_1100, %cond3A_1101 : i32
        scf.if %cond3A_1102 {
          %mul3A_2061 = arith.constant 2 : i32
          %mul3A_2062 = arith.muli %add3A_42, %mul3A_2061 : i32
          %mul3A_2063 = arith.constant 8 : i32
          %mul3A_2064 = arith.muli %mul3A_2062, %mul3A_2063 : i32
          %mul3A_2065 = arith.constant 7 : i32
          %mul3A_2066 = arith.muli %add3A_1067, %mul3A_2065 : i32
          %mul3A_2067 = arith.constant 16 : i32
          %mul3A_2068 = arith.muli %mul3A_2066, %mul3A_2067 : i32
          %add3A_2069 = arith.addi %mul3A_4, %mul3A_2068 : i32
          %dma_wait3A_2070 = arith.constant 1 : i32
          %dma_wait3A_2071 = arith.constant 0 : i32
          %dma_wait3A_2072 = arith.constant 0 : i32
          %dma_wait3A_2073 = tpu.memref_slice %arg7[%dma_wait3A_2070, %dma_wait3A_2071, %dma_wait3A_2072] : memref<2x16x112xf32, #tpu.memory_space<vmem>> -> memref<1x16x112xf32, #tpu.memory_space<vmem>>
          %dma_wait3A_2074 = tpu.memref_squeeze %dma_wait3A_2073 : memref<1x16x112xf32, #tpu.memory_space<vmem>> -> memref<16x112xf32, #tpu.memory_space<vmem>>
          %dma_wait3A_2075 = tpu.memref_slice %arg4[%mul3A_2064, %add3A_2069] : memref<96x50176xf32, #tpu.memory_space<hbm>> -> memref<16x112xf32, #tpu.memory_space<hbm>>
          %dma_wait3A_2076 = tpu.memref_slice %arg4[%mul3A_2064, %add3A_2069] : memref<96x50176xf32, #tpu.memory_space<hbm>> -> memref<16x112xf32, #tpu.memory_space<hbm>>
          %dma_wait3A_2077 = arith.constant 0 : i32
          %dma_wait3A_2078 = arith.constant 0 : i32
          %dma_wait3A_2079 = tpu.memref_slice %arg7[%dma_wait3A_2070, %dma_wait3A_2077, %dma_wait3A_2078] : memref<2x16x112xf32, #tpu.memory_space<vmem>> -> memref<1x16x112xf32, #tpu.memory_space<vmem>>
          %dma_wait3A_2080 = tpu.memref_squeeze %dma_wait3A_2079 : memref<1x16x112xf32, #tpu.memory_space<vmem>> -> memref<16x112xf32, #tpu.memory_space<vmem>>
          tpu.wait_dma2 semaphore(%arg11 : memref<!tpu.dma_semaphore, #tpu.memory_space<semaphore_mem>>) src(%dma_wait3A_2080 : memref<16x112xf32, #tpu.memory_space<vmem>>) dst(%dma_wait3A_2076 : memref<16x112xf32, #tpu.memory_space<hbm>>)
        } else {
        }
        %broadcast_in_dim3A_1103 = arith.constant 0.000000e+00 : f32
        %broadcast_in_dim3A_1104 = vector.broadcast %broadcast_in_dim3A_1103 : f32 to vector<16xf32>
        %broadcast_in_dim3A_1105 = arith.constant 0.000000e+00 : f32
        %broadcast_in_dim3A_1106 = vector.broadcast %broadcast_in_dim3A_1105 : f32 to vector<16xf32>
        %broadcast_in_dim3A_1107 = arith.constant 0.000000e+00 : f32
        %broadcast_in_dim3A_1108 = vector.broadcast %broadcast_in_dim3A_1107 : f32 to vector<16xf32>
        %broadcast_in_dim3A_1109 = arith.constant 0.000000e+00 : f32
        %broadcast_in_dim3A_1110 = vector.broadcast %broadcast_in_dim3A_1109 : f32 to vector<16xf32>
        %broadcast_in_dim3A_1111 = arith.constant 0.000000e+00 : f32
        %broadcast_in_dim3A_1112 = vector.broadcast %broadcast_in_dim3A_1111 : f32 to vector<16xf32>
        %broadcast_in_dim3A_1113 = arith.constant 0.000000e+00 : f32
        %broadcast_in_dim3A_1114 = vector.broadcast %broadcast_in_dim3A_1113 : f32 to vector<16xf32>
        %broadcast_in_dim3A_1115 = arith.constant 0.000000e+00 : f32
        %broadcast_in_dim3A_1116 = vector.broadcast %broadcast_in_dim3A_1115 : f32 to vector<16xf32>
        %broadcast_in_dim3A_1117 = arith.constant 0.000000e+00 : f32
        %broadcast_in_dim3A_1118 = vector.broadcast %broadcast_in_dim3A_1117 : f32 to vector<16xf32>
        %broadcast_in_dim3A_1119 = arith.constant 0.000000e+00 : f32
        %broadcast_in_dim3A_1120 = vector.broadcast %broadcast_in_dim3A_1119 : f32 to vector<16xf32>
        %broadcast_in_dim3A_1121 = arith.constant 0.000000e+00 : f32
        %broadcast_in_dim3A_1122 = vector.broadcast %broadcast_in_dim3A_1121 : f32 to vector<16xf32>
        %broadcast_in_dim3A_1123 = arith.constant 0.000000e+00 : f32
        %broadcast_in_dim3A_1124 = vector.broadcast %broadcast_in_dim3A_1123 : f32 to vector<16xf32>
        %broadcast_in_dim3A_1125 = arith.constant 0.000000e+00 : f32
        %broadcast_in_dim3A_1126 = vector.broadcast %broadcast_in_dim3A_1125 : f32 to vector<16xf32>
        %broadcast_in_dim3A_1127 = arith.constant 0.000000e+00 : f32
        %broadcast_in_dim3A_1128 = vector.broadcast %broadcast_in_dim3A_1127 : f32 to vector<16xf32>
        %broadcast_in_dim3A_1129 = arith.constant 0.000000e+00 : f32
        %broadcast_in_dim3A_1130 = vector.broadcast %broadcast_in_dim3A_1129 : f32 to vector<16xf32>
        %broadcast_in_dim3A_1131 = arith.constant 0.000000e+00 : f32
        %broadcast_in_dim3A_1132 = vector.broadcast %broadcast_in_dim3A_1131 : f32 to vector<16xf32>
        %broadcast_in_dim3A_1133 = arith.constant 0.000000e+00 : f32
        %broadcast_in_dim3A_1134 = vector.broadcast %broadcast_in_dim3A_1133 : f32 to vector<16xf32>
        %scan3A_1135 = arith.constant 0 : i32
        %scan3A_1136 = arith.constant 100 : i32
        %scan3A_1137 = arith.addi %scan3A_1135, %scan3A_1136 : i32
        %scan3A_1138 = arith.constant 1 : i32
        %scan3A_1139:16 = scf.for %scan3A_2061 = %scan3A_1135 to %scan3A_1137 step %scan3A_1138 iter_args(%scan3A_2062 = %broadcast_in_dim3A_1104, %scan3A_2063 = %broadcast_in_dim3A_1106, %scan3A_2064 = %broadcast_in_dim3A_1108, %scan3A_2065 = %broadcast_in_dim3A_1110, %scan3A_2066 = %broadcast_in_dim3A_1112, %scan3A_2067 = %broadcast_in_dim3A_1114, %scan3A_2068 = %broadcast_in_dim3A_1116, %scan3A_2069 = %broadcast_in_dim3A_1118, %scan3A_2070 = %broadcast_in_dim3A_1120, %scan3A_2071 = %broadcast_in_dim3A_1122, %scan3A_2072 = %broadcast_in_dim3A_1124, %scan3A_2073 = %broadcast_in_dim3A_1126, %scan3A_2074 = %broadcast_in_dim3A_1128, %scan3A_2075 = %broadcast_in_dim3A_1130, %scan3A_2076 = %broadcast_in_dim3A_1132, %scan3A_2077 = %broadcast_in_dim3A_1134) -> (vector<16xf32>, vector<16xf32>, vector<16xf32>, vector<16xf32>, vector<16xf32>, vector<16xf32>, vector<16xf32>, vector<16xf32>, vector<16xf32>, vector<16xf32>, vector<16xf32>, vector<16xf32>, vector<16xf32>, vector<16xf32>, vector<16xf32>, vector<16xf32>)  : i32 {
          %mul3A_2078 = arith.constant 1 : i32
          %mul3A_2079 = arith.muli %scan3A_2061, %mul3A_2078 : i32
          %add3A_2080 = arith.constant 0 : i32
          %add3A_2081 = arith.addi %add3A_2080, %mul3A_2079 : i32
          %get3A = arith.constant 1 : i32
          %get3A_2082 = arith.constant 0 : i32
          %get3A_2083 = arith.index_cast %get3A : i32 to index
          %get3A_2084 = arith.index_cast %get3A_2082 : i32 to index
          %get3A_2085 = arith.index_cast %add3A_2081 : i32 to index
          %get3A_2086 = arith.constant 0 : index
          %get3A_2087 = tpu.vector_load %arg6[%get3A_2083, %get3A_2084, %get3A_2085, %get3A_2086] {strides = array<i32>} : memref<2x7x100x16xi32, #tpu.memory_space<vmem>>, vector<16xi32>,
          %mul3A_2088 = arith.constant 100 : i32
          %mul3A_2089 = arith.muli %add3A_2081, %mul3A_2088 : i32
          %add3A_2090 = vector.broadcast %mul3A_2089 : i32 to vector<16xi32>
          %add3A_2091 = arith.addi %get3A_2087, %add3A_2090 : vector<16xi32>
          %broadcast_in_dim3A_2092 = arith.constant 0 : i32
          %broadcast_in_dim3A_2093 = vector.broadcast %broadcast_in_dim3A_2092 : i32 to vector<16xi32>
          %gather3A = tpu.vector_load_idx %arg5[%broadcast_in_dim3A_2093, %add3A_2091] : memref<8x10000xi32, #tpu.memory_space<vmem>>[vector<16xi32>, vector<16xi32>], vector<16xi32>,
          %shift_left3A = arith.constant 16 : i32
          %shift_left3A_2094 = vector.broadcast %shift_left3A : i32 to vector<16xi32>
          %shift_left3A_2095 = arith.shli %gather3A, %shift_left3A_2094 : vector<16xi32>
          %bitcast3A = vector.bitcast %shift_left3A_2095 : vector<16xi32> to vector<16xf32>
          %bitcast3A_2096 = vector.bitcast %gather3A : vector<16xi32> to vector<16xf32>
          %add3A_2097 = arith.addf %scan3A_2062, %bitcast3A : vector<16xf32>
          %add3A_2098 = arith.addf %scan3A_2063, %bitcast3A_2096 : vector<16xf32>
          %broadcast_in_dim3A_2099 = arith.constant 1 : i32
          %broadcast_in_dim3A_2100 = vector.broadcast %broadcast_in_dim3A_2099 : i32 to vector<16xi32>
          %gather3A_2101 = tpu.vector_load_idx %arg5[%broadcast_in_dim3A_2100, %add3A_2091] : memref<8x10000xi32, #tpu.memory_space<vmem>>[vector<16xi32>, vector<16xi32>], vector<16xi32>,
          %shift_left3A_2102 = arith.constant 16 : i32
          %shift_left3A_2103 = vector.broadcast %shift_left3A_2102 : i32 to vector<16xi32>
          %shift_left3A_2104 = arith.shli %gather3A_2101, %shift_left3A_2103 : vector<16xi32>
          %bitcast3A_2105 = vector.bitcast %shift_left3A_2104 : vector<16xi32> to vector<16xf32>
          %bitcast3A_2106 = vector.bitcast %gather3A_2101 : vector<16xi32> to vector<16xf32>
          %add3A_2107 = arith.addf %scan3A_2064, %bitcast3A_2105 : vector<16xf32>
          %add3A_2108 = arith.addf %scan3A_2065, %bitcast3A_2106 : vector<16xf32>
          %broadcast_in_dim3A_2109 = arith.constant 2 : i32
          %broadcast_in_dim3A_2110 = vector.broadcast %broadcast_in_dim3A_2109 : i32 to vector<16xi32>
          %gather3A_2111 = tpu.vector_load_idx %arg5[%broadcast_in_dim3A_2110, %add3A_2091] : memref<8x10000xi32, #tpu.memory_space<vmem>>[vector<16xi32>, vector<16xi32>], vector<16xi32>,
          %shift_left3A_2112 = arith.constant 16 : i32
          %shift_left3A_2113 = vector.broadcast %shift_left3A_2112 : i32 to vector<16xi32>
          %shift_left3A_2114 = arith.shli %gather3A_2111, %shift_left3A_2113 : vector<16xi32>
          %bitcast3A_2115 = vector.bitcast %shift_left3A_2114 : vector<16xi32> to vector<16xf32>
          %bitcast3A_2116 = vector.bitcast %gather3A_2111 : vector<16xi32> to vector<16xf32>
          %add3A_2117 = arith.addf %scan3A_2066, %bitcast3A_2115 : vector<16xf32>
          %add3A_2118 = arith.addf %scan3A_2067, %bitcast3A_2116 : vector<16xf32>
          %broadcast_in_dim3A_2119 = arith.constant 3 : i32
          %broadcast_in_dim3A_2120 = vector.broadcast %broadcast_in_dim3A_2119 : i32 to vector<16xi32>
          %gather3A_2121 = tpu.vector_load_idx %arg5[%broadcast_in_dim3A_2120, %add3A_2091] : memref<8x10000xi32, #tpu.memory_space<vmem>>[vector<16xi32>, vector<16xi32>], vector<16xi32>,
          %shift_left3A_2122 = arith.constant 16 : i32
          %shift_left3A_2123 = vector.broadcast %shift_left3A_2122 : i32 to vector<16xi32>
          %shift_left3A_2124 = arith.shli %gather3A_2121, %shift_left3A_2123 : vector<16xi32>
          %bitcast3A_2125 = vector.bitcast %shift_left3A_2124 : vector<16xi32> to vector<16xf32>
          %bitcast3A_2126 = vector.bitcast %gather3A_2121 : vector<16xi32> to vector<16xf32>
          %add3A_2127 = arith.addf %scan3A_2068, %bitcast3A_2125 : vector<16xf32>
          %add3A_2128 = arith.addf %scan3A_2069, %bitcast3A_2126 : vector<16xf32>
          %broadcast_in_dim3A_2129 = arith.constant 4 : i32
          %broadcast_in_dim3A_2130 = vector.broadcast %broadcast_in_dim3A_2129 : i32 to vector<16xi32>
          %gather3A_2131 = tpu.vector_load_idx %arg5[%broadcast_in_dim3A_2130, %add3A_2091] : memref<8x10000xi32, #tpu.memory_space<vmem>>[vector<16xi32>, vector<16xi32>], vector<16xi32>,
          %shift_left3A_2132 = arith.constant 16 : i32
          %shift_left3A_2133 = vector.broadcast %shift_left3A_2132 : i32 to vector<16xi32>
          %shift_left3A_2134 = arith.shli %gather3A_2131, %shift_left3A_2133 : vector<16xi32>
          %bitcast3A_2135 = vector.bitcast %shift_left3A_2134 : vector<16xi32> to vector<16xf32>
          %bitcast3A_2136 = vector.bitcast %gather3A_2131 : vector<16xi32> to vector<16xf32>
          %add3A_2137 = arith.addf %scan3A_2070, %bitcast3A_2135 : vector<16xf32>
          %add3A_2138 = arith.addf %scan3A_2071, %bitcast3A_2136 : vector<16xf32>
          %broadcast_in_dim3A_2139 = arith.constant 5 : i32
          %broadcast_in_dim3A_2140 = vector.broadcast %broadcast_in_dim3A_2139 : i32 to vector<16xi32>
          %gather3A_2141 = tpu.vector_load_idx %arg5[%broadcast_in_dim3A_2140, %add3A_2091] : memref<8x10000xi32, #tpu.memory_space<vmem>>[vector<16xi32>, vector<16xi32>], vector<16xi32>,
          %shift_left3A_2142 = arith.constant 16 : i32
          %shift_left3A_2143 = vector.broadcast %shift_left3A_2142 : i32 to vector<16xi32>
          %shift_left3A_2144 = arith.shli %gather3A_2141, %shift_left3A_2143 : vector<16xi32>
          %bitcast3A_2145 = vector.bitcast %shift_left3A_2144 : vector<16xi32> to vector<16xf32>
          %bitcast3A_2146 = vector.bitcast %gather3A_2141 : vector<16xi32> to vector<16xf32>
          %add3A_2147 = arith.addf %scan3A_2072, %bitcast3A_2145 : vector<16xf32>
          %add3A_2148 = arith.addf %scan3A_2073, %bitcast3A_2146 : vector<16xf32>
          %broadcast_in_dim3A_2149 = arith.constant 6 : i32
          %broadcast_in_dim3A_2150 = vector.broadcast %broadcast_in_dim3A_2149 : i32 to vector<16xi32>
          %gather3A_2151 = tpu.vector_load_idx %arg5[%broadcast_in_dim3A_2150, %add3A_2091] : memref<8x10000xi32, #tpu.memory_space<vmem>>[vector<16xi32>, vector<16xi32>], vector<16xi32>,
          %shift_left3A_2152 = arith.constant 16 : i32
          %shift_left3A_2153 = vector.broadcast %shift_left3A_2152 : i32 to vector<16xi32>
          %shift_left3A_2154 = arith.shli %gather3A_2151, %shift_left3A_2153 : vector<16xi32>
          %bitcast3A_2155 = vector.bitcast %shift_left3A_2154 : vector<16xi32> to vector<16xf32>
          %bitcast3A_2156 = vector.bitcast %gather3A_2151 : vector<16xi32> to vector<16xf32>
          %add3A_2157 = arith.addf %scan3A_2074, %bitcast3A_2155 : vector<16xf32>
          %add3A_2158 = arith.addf %scan3A_2075, %bitcast3A_2156 : vector<16xf32>
          %broadcast_in_dim3A_2159 = arith.constant 7 : i32
          %broadcast_in_dim3A_2160 = vector.broadcast %broadcast_in_dim3A_2159 : i32 to vector<16xi32>
          %gather3A_2161 = tpu.vector_load_idx %arg5[%broadcast_in_dim3A_2160, %add3A_2091] : memref<8x10000xi32, #tpu.memory_space<vmem>>[vector<16xi32>, vector<16xi32>], vector<16xi32>,
          %shift_left3A_2162 = arith.constant 16 : i32
          %shift_left3A_2163 = vector.broadcast %shift_left3A_2162 : i32 to vector<16xi32>
          %shift_left3A_2164 = arith.shli %gather3A_2161, %shift_left3A_2163 : vector<16xi32>
          %bitcast3A_2165 = vector.bitcast %shift_left3A_2164 : vector<16xi32> to vector<16xf32>
          %bitcast3A_2166 = vector.bitcast %gather3A_2161 : vector<16xi32> to vector<16xf32>
          %add3A_2167 = arith.addf %scan3A_2076, %bitcast3A_2165 : vector<16xf32>
          %add3A_2168 = arith.addf %scan3A_2077, %bitcast3A_2166 : vector<16xf32>
          scf.yield %add3A_2097, %add3A_2098, %add3A_2107, %add3A_2108, %add3A_2117, %add3A_2118, %add3A_2127, %add3A_2128, %add3A_2137, %add3A_2138, %add3A_2147, %add3A_2148, %add3A_2157, %add3A_2158, %add3A_2167, %add3A_2168 : vector<16xf32>, vector<16xf32>, vector<16xf32>, vector<16xf32>, vector<16xf32>, vector<16xf32>, vector<16xf32>, vector<16xf32>, vector<16xf32>, vector<16xf32>, vector<16xf32>, vector<16xf32>, vector<16xf32>, vector<16xf32>, vector<16xf32>, vector<16xf32>
        }
        %scan3A_1140 = arith.constant 100 : i32
        %swap3A_1141 = arith.constant 1 : i32
        %swap3A_1142 = arith.constant 0 : i32
        %swap3A_1143 = arith.index_cast %swap3A_1141 : i32 to index
        %swap3A_1144 = arith.index_cast %swap3A_1142 : i32 to index
        %swap3A_1145 = arith.constant 0 : index
        %swap3A_1146 = tpu.vector_load %arg7[%swap3A_1143, %swap3A_1144, %swap3A_1145] {strides = array<i32>} : memref<2x16x112xf32, #tpu.memory_space<vmem>>, vector<16xf32>,
        tpu.vector_store %arg7[%swap3A_1143, %swap3A_1144, %swap3A_1145], %scan3A_1139#0 {strides = array<i32>} : memref<2x16x112xf32, #tpu.memory_space<vmem>>, vector<16xf32>,
        %swap3A_1147 = arith.constant 1 : i32
        %swap3A_1148 = arith.constant 1 : i32
        %swap3A_1149 = arith.index_cast %swap3A_1147 : i32 to index
        %swap3A_1150 = arith.index_cast %swap3A_1148 : i32 to index
        %swap3A_1151 = arith.constant 0 : index
        %swap3A_1152 = tpu.vector_load %arg7[%swap3A_1149, %swap3A_1150, %swap3A_1151] {strides = array<i32>} : memref<2x16x112xf32, #tpu.memory_space<vmem>>, vector<16xf32>,
        tpu.vector_store %arg7[%swap3A_1149, %swap3A_1150, %swap3A_1151], %scan3A_1139#1 {strides = array<i32>} : memref<2x16x112xf32, #tpu.memory_space<vmem>>, vector<16xf32>,
        %swap3A_1153 = arith.constant 1 : i32
        %swap3A_1154 = arith.constant 2 : i32
        %swap3A_1155 = arith.index_cast %swap3A_1153 : i32 to index
        %swap3A_1156 = arith.index_cast %swap3A_1154 : i32 to index
        %swap3A_1157 = arith.constant 0 : index
        %swap3A_1158 = tpu.vector_load %arg7[%swap3A_1155, %swap3A_1156, %swap3A_1157] {strides = array<i32>} : memref<2x16x112xf32, #tpu.memory_space<vmem>>, vector<16xf32>,
        tpu.vector_store %arg7[%swap3A_1155, %swap3A_1156, %swap3A_1157], %scan3A_1139#2 {strides = array<i32>} : memref<2x16x112xf32, #tpu.memory_space<vmem>>, vector<16xf32>,
        %swap3A_1159 = arith.constant 1 : i32
        %swap3A_1160 = arith.constant 3 : i32
        %swap3A_1161 = arith.index_cast %swap3A_1159 : i32 to index
        %swap3A_1162 = arith.index_cast %swap3A_1160 : i32 to index
        %swap3A_1163 = arith.constant 0 : index
        %swap3A_1164 = tpu.vector_load %arg7[%swap3A_1161, %swap3A_1162, %swap3A_1163] {strides = array<i32>} : memref<2x16x112xf32, #tpu.memory_space<vmem>>, vector<16xf32>,
        tpu.vector_store %arg7[%swap3A_1161, %swap3A_1162, %swap3A_1163], %scan3A_1139#3 {strides = array<i32>} : memref<2x16x112xf32, #tpu.memory_space<vmem>>, vector<16xf32>,
        %swap3A_1165 = arith.constant 1 : i32
        %swap3A_1166 = arith.constant 4 : i32
        %swap3A_1167 = arith.index_cast %swap3A_1165 : i32 to index
        %swap3A_1168 = arith.index_cast %swap3A_1166 : i32 to index
        %swap3A_1169 = arith.constant 0 : index
        %swap3A_1170 = tpu.vector_load %arg7[%swap3A_1167, %swap3A_1168, %swap3A_1169] {strides = array<i32>} : memref<2x16x112xf32, #tpu.memory_space<vmem>>, vector<16xf32>,
        tpu.vector_store %arg7[%swap3A_1167, %swap3A_1168, %swap3A_1169], %scan3A_1139#4 {strides = array<i32>} : memref<2x16x112xf32, #tpu.memory_space<vmem>>, vector<16xf32>,
        %swap3A_1171 = arith.constant 1 : i32
        %swap3A_1172 = arith.constant 5 : i32
        %swap3A_1173 = arith.index_cast %swap3A_1171 : i32 to index
        %swap3A_1174 = arith.index_cast %swap3A_1172 : i32 to index
        %swap3A_1175 = arith.constant 0 : index
        %swap3A_1176 = tpu.vector_load %arg7[%swap3A_1173, %swap3A_1174, %swap3A_1175] {strides = array<i32>} : memref<2x16x112xf32, #tpu.memory_space<vmem>>, vector<16xf32>,
        tpu.vector_store %arg7[%swap3A_1173, %swap3A_1174, %swap3A_1175], %scan3A_1139#5 {strides = array<i32>} : memref<2x16x112xf32, #tpu.memory_space<vmem>>, vector<16xf32>,
        %swap3A_1177 = arith.constant 1 : i32
        %swap3A_1178 = arith.constant 6 : i32
        %swap3A_1179 = arith.index_cast %swap3A_1177 : i32 to index
        %swap3A_1180 = arith.index_cast %swap3A_1178 : i32 to index
        %swap3A_1181 = arith.constant 0 : index
        %swap3A_1182 = tpu.vector_load %arg7[%swap3A_1179, %swap3A_1180, %swap3A_1181] {strides = array<i32>} : memref<2x16x112xf32, #tpu.memory_space<vmem>>, vector<16xf32>,
        tpu.vector_store %arg7[%swap3A_1179, %swap3A_1180, %swap3A_1181], %scan3A_1139#6 {strides = array<i32>} : memref<2x16x112xf32, #tpu.memory_space<vmem>>, vector<16xf32>,
        %swap3A_1183 = arith.constant 1 : i32
        %swap3A_1184 = arith.constant 7 : i32
        %swap3A_1185 = arith.index_cast %swap3A_1183 : i32 to index
        %swap3A_1186 = arith.index_cast %swap3A_1184 : i32 to index
        %swap3A_1187 = arith.constant 0 : index
        %swap3A_1188 = tpu.vector_load %arg7[%swap3A_1185, %swap3A_1186, %swap3A_1187] {strides = array<i32>} : memref<2x16x112xf32, #tpu.memory_space<vmem>>, vector<16xf32>,
        tpu.vector_store %arg7[%swap3A_1185, %swap3A_1186, %swap3A_1187], %scan3A_1139#7 {strides = array<i32>} : memref<2x16x112xf32, #tpu.memory_space<vmem>>, vector<16xf32>,
        %swap3A_1189 = arith.constant 1 : i32
        %swap3A_1190 = arith.constant 8 : i32
        %swap3A_1191 = arith.index_cast %swap3A_1189 : i32 to index
        %swap3A_1192 = arith.index_cast %swap3A_1190 : i32 to index
        %swap3A_1193 = arith.constant 0 : index
        %swap3A_1194 = tpu.vector_load %arg7[%swap3A_1191, %swap3A_1192, %swap3A_1193] {strides = array<i32>} : memref<2x16x112xf32, #tpu.memory_space<vmem>>, vector<16xf32>,
        tpu.vector_store %arg7[%swap3A_1191, %swap3A_1192, %swap3A_1193], %scan3A_1139#8 {strides = array<i32>} : memref<2x16x112xf32, #tpu.memory_space<vmem>>, vector<16xf32>,
        %swap3A_1195 = arith.constant 1 : i32
        %swap3A_1196 = arith.constant 9 : i32
        %swap3A_1197 = arith.index_cast %swap3A_1195 : i32 to index
        %swap3A_1198 = arith.index_cast %swap3A_1196 : i32 to index
        %swap3A_1199 = arith.constant 0 : index
        %swap3A_1200 = tpu.vector_load %arg7[%swap3A_1197, %swap3A_1198, %swap3A_1199] {strides = array<i32>} : memref<2x16x112xf32, #tpu.memory_space<vmem>>, vector<16xf32>,
        tpu.vector_store %arg7[%swap3A_1197, %swap3A_1198, %swap3A_1199], %scan3A_1139#9 {strides = array<i32>} : memref<2x16x112xf32, #tpu.memory_space<vmem>>, vector<16xf32>,
        %swap3A_1201 = arith.constant 1 : i32
        %swap3A_1202 = arith.constant 10 : i32
        %swap3A_1203 = arith.index_cast %swap3A_1201 : i32 to index
        %swap3A_1204 = arith.index_cast %swap3A_1202 : i32 to index
        %swap3A_1205 = arith.constant 0 : index
        %swap3A_1206 = tpu.vector_load %arg7[%swap3A_1203, %swap3A_1204, %swap3A_1205] {strides = array<i32>} : memref<2x16x112xf32, #tpu.memory_space<vmem>>, vector<16xf32>,
        tpu.vector_store %arg7[%swap3A_1203, %swap3A_1204, %swap3A_1205], %scan3A_1139#10 {strides = array<i32>} : memref<2x16x112xf32, #tpu.memory_space<vmem>>, vector<16xf32>,
        %swap3A_1207 = arith.constant 1 : i32
        %swap3A_1208 = arith.constant 11 : i32
        %swap3A_1209 = arith.index_cast %swap3A_1207 : i32 to index
        %swap3A_1210 = arith.index_cast %swap3A_1208 : i32 to index
        %swap3A_1211 = arith.constant 0 : index
        %swap3A_1212 = tpu.vector_load %arg7[%swap3A_1209, %swap3A_1210, %swap3A_1211] {strides = array<i32>} : memref<2x16x112xf32, #tpu.memory_space<vmem>>, vector<16xf32>,
        tpu.vector_store %arg7[%swap3A_1209, %swap3A_1210, %swap3A_1211], %scan3A_1139#11 {strides = array<i32>} : memref<2x16x112xf32, #tpu.memory_space<vmem>>, vector<16xf32>,
        %swap3A_1213 = arith.constant 1 : i32
        %swap3A_1214 = arith.constant 12 : i32
        %swap3A_1215 = arith.index_cast %swap3A_1213 : i32 to index
        %swap3A_1216 = arith.index_cast %swap3A_1214 : i32 to index
        %swap3A_1217 = arith.constant 0 : index
        %swap3A_1218 = tpu.vector_load %arg7[%swap3A_1215, %swap3A_1216, %swap3A_1217] {strides = array<i32>} : memref<2x16x112xf32, #tpu.memory_space<vmem>>, vector<16xf32>,
        tpu.vector_store %arg7[%swap3A_1215, %swap3A_1216, %swap3A_1217], %scan3A_1139#12 {strides = array<i32>} : memref<2x16x112xf32, #tpu.memory_space<vmem>>, vector<16xf32>,
        %swap3A_1219 = arith.constant 1 : i32
        %swap3A_1220 = arith.constant 13 : i32
        %swap3A_1221 = arith.index_cast %swap3A_1219 : i32 to index
        %swap3A_1222 = arith.index_cast %swap3A_1220 : i32 to index
        %swap3A_1223 = arith.constant 0 : index
        %swap3A_1224 = tpu.vector_load %arg7[%swap3A_1221, %swap3A_1222, %swap3A_1223] {strides = array<i32>} : memref<2x16x112xf32, #tpu.memory_space<vmem>>, vector<16xf32>,
        tpu.vector_store %arg7[%swap3A_1221, %swap3A_1222, %swap3A_1223], %scan3A_1139#13 {strides = array<i32>} : memref<2x16x112xf32, #tpu.memory_space<vmem>>, vector<16xf32>,
        %swap3A_1225 = arith.constant 1 : i32
        %swap3A_1226 = arith.constant 14 : i32
        %swap3A_1227 = arith.index_cast %swap3A_1225 : i32 to index
        %swap3A_1228 = arith.index_cast %swap3A_1226 : i32 to index
        %swap3A_1229 = arith.constant 0 : index
        %swap3A_1230 = tpu.vector_load %arg7[%swap3A_1227, %swap3A_1228, %swap3A_1229] {strides = array<i32>} : memref<2x16x112xf32, #tpu.memory_space<vmem>>, vector<16xf32>,
        tpu.vector_store %arg7[%swap3A_1227, %swap3A_1228, %swap3A_1229], %scan3A_1139#14 {strides = array<i32>} : memref<2x16x112xf32, #tpu.memory_space<vmem>>, vector<16xf32>,
        %swap3A_1231 = arith.constant 1 : i32
        %swap3A_1232 = arith.constant 15 : i32
        %swap3A_1233 = arith.index_cast %swap3A_1231 : i32 to index
        %swap3A_1234 = arith.index_cast %swap3A_1232 : i32 to index
        %swap3A_1235 = arith.constant 0 : index
        %swap3A_1236 = tpu.vector_load %arg7[%swap3A_1233, %swap3A_1234, %swap3A_1235] {strides = array<i32>} : memref<2x16x112xf32, #tpu.memory_space<vmem>>, vector<16xf32>,
        tpu.vector_store %arg7[%swap3A_1233, %swap3A_1234, %swap3A_1235], %scan3A_1139#15 {strides = array<i32>} : memref<2x16x112xf32, #tpu.memory_space<vmem>>, vector<16xf32>,
        %broadcast_in_dim3A_1237 = arith.constant 0.000000e+00 : f32
        %broadcast_in_dim3A_1238 = vector.broadcast %broadcast_in_dim3A_1237 : f32 to vector<16xf32>
        %broadcast_in_dim3A_1239 = arith.constant 0.000000e+00 : f32
        %broadcast_in_dim3A_1240 = vector.broadcast %broadcast_in_dim3A_1239 : f32 to vector<16xf32>
        %broadcast_in_dim3A_1241 = arith.constant 0.000000e+00 : f32
        %broadcast_in_dim3A_1242 = vector.broadcast %broadcast_in_dim3A_1241 : f32 to vector<16xf32>
        %broadcast_in_dim3A_1243 = arith.constant 0.000000e+00 : f32
        %broadcast_in_dim3A_1244 = vector.broadcast %broadcast_in_dim3A_1243 : f32 to vector<16xf32>
        %broadcast_in_dim3A_1245 = arith.constant 0.000000e+00 : f32
        %broadcast_in_dim3A_1246 = vector.broadcast %broadcast_in_dim3A_1245 : f32 to vector<16xf32>
        %broadcast_in_dim3A_1247 = arith.constant 0.000000e+00 : f32
        %broadcast_in_dim3A_1248 = vector.broadcast %broadcast_in_dim3A_1247 : f32 to vector<16xf32>
        %broadcast_in_dim3A_1249 = arith.constant 0.000000e+00 : f32
        %broadcast_in_dim3A_1250 = vector.broadcast %broadcast_in_dim3A_1249 : f32 to vector<16xf32>
        %broadcast_in_dim3A_1251 = arith.constant 0.000000e+00 : f32
        %broadcast_in_dim3A_1252 = vector.broadcast %broadcast_in_dim3A_1251 : f32 to vector<16xf32>
        %broadcast_in_dim3A_1253 = arith.constant 0.000000e+00 : f32
        %broadcast_in_dim3A_1254 = vector.broadcast %broadcast_in_dim3A_1253 : f32 to vector<16xf32>
        %broadcast_in_dim3A_1255 = arith.constant 0.000000e+00 : f32
        %broadcast_in_dim3A_1256 = vector.broadcast %broadcast_in_dim3A_1255 : f32 to vector<16xf32>
        %broadcast_in_dim3A_1257 = arith.constant 0.000000e+00 : f32
        %broadcast_in_dim3A_1258 = vector.broadcast %broadcast_in_dim3A_1257 : f32 to vector<16xf32>
        %broadcast_in_dim3A_1259 = arith.constant 0.000000e+00 : f32
        %broadcast_in_dim3A_1260 = vector.broadcast %broadcast_in_dim3A_1259 : f32 to vector<16xf32>
        %broadcast_in_dim3A_1261 = arith.constant 0.000000e+00 : f32
        %broadcast_in_dim3A_1262 = vector.broadcast %broadcast_in_dim3A_1261 : f32 to vector<16xf32>
        %broadcast_in_dim3A_1263 = arith.constant 0.000000e+00 : f32
        %broadcast_in_dim3A_1264 = vector.broadcast %broadcast_in_dim3A_1263 : f32 to vector<16xf32>
        %broadcast_in_dim3A_1265 = arith.constant 0.000000e+00 : f32
        %broadcast_in_dim3A_1266 = vector.broadcast %broadcast_in_dim3A_1265 : f32 to vector<16xf32>
        %broadcast_in_dim3A_1267 = arith.constant 0.000000e+00 : f32
        %broadcast_in_dim3A_1268 = vector.broadcast %broadcast_in_dim3A_1267 : f32 to vector<16xf32>
        %scan3A_1269 = arith.constant 0 : i32
        %scan3A_1270 = arith.constant 100 : i32
        %scan3A_1271 = arith.addi %scan3A_1269, %scan3A_1270 : i32
        %scan3A_1272 = arith.constant 1 : i32
        %scan3A_1273:16 = scf.for %scan3A_2061 = %scan3A_1269 to %scan3A_1271 step %scan3A_1272 iter_args(%scan3A_2062 = %broadcast_in_dim3A_1238, %scan3A_2063 = %broadcast_in_dim3A_1240, %scan3A_2064 = %broadcast_in_dim3A_1242, %scan3A_2065 = %broadcast_in_dim3A_1244, %scan3A_2066 = %broadcast_in_dim3A_1246, %scan3A_2067 = %broadcast_in_dim3A_1248, %scan3A_2068 = %broadcast_in_dim3A_1250, %scan3A_2069 = %broadcast_in_dim3A_1252, %scan3A_2070 = %broadcast_in_dim3A_1254, %scan3A_2071 = %broadcast_in_dim3A_1256, %scan3A_2072 = %broadcast_in_dim3A_1258, %scan3A_2073 = %broadcast_in_dim3A_1260, %scan3A_2074 = %broadcast_in_dim3A_1262, %scan3A_2075 = %broadcast_in_dim3A_1264, %scan3A_2076 = %broadcast_in_dim3A_1266, %scan3A_2077 = %broadcast_in_dim3A_1268) -> (vector<16xf32>, vector<16xf32>, vector<16xf32>, vector<16xf32>, vector<16xf32>, vector<16xf32>, vector<16xf32>, vector<16xf32>, vector<16xf32>, vector<16xf32>, vector<16xf32>, vector<16xf32>, vector<16xf32>, vector<16xf32>, vector<16xf32>, vector<16xf32>)  : i32 {
          %mul3A_2078 = arith.constant 1 : i32
          %mul3A_2079 = arith.muli %scan3A_2061, %mul3A_2078 : i32
          %add3A_2080 = arith.constant 0 : i32
          %add3A_2081 = arith.addi %add3A_2080, %mul3A_2079 : i32
          %get3A = arith.constant 1 : i32
          %get3A_2082 = arith.constant 1 : i32
          %get3A_2083 = arith.index_cast %get3A : i32 to index
          %get3A_2084 = arith.index_cast %get3A_2082 : i32 to index
          %get3A_2085 = arith.index_cast %add3A_2081 : i32 to index
          %get3A_2086 = arith.constant 0 : index
          %get3A_2087 = tpu.vector_load %arg6[%get3A_2083, %get3A_2084, %get3A_2085, %get3A_2086] {strides = array<i32>} : memref<2x7x100x16xi32, #tpu.memory_space<vmem>>, vector<16xi32>,
          %mul3A_2088 = arith.constant 100 : i32
          %mul3A_2089 = arith.muli %add3A_2081, %mul3A_2088 : i32
          %add3A_2090 = vector.broadcast %mul3A_2089 : i32 to vector<16xi32>
          %add3A_2091 = arith.addi %get3A_2087, %add3A_2090 : vector<16xi32>
          %broadcast_in_dim3A_2092 = arith.constant 0 : i32
          %broadcast_in_dim3A_2093 = vector.broadcast %broadcast_in_dim3A_2092 : i32 to vector<16xi32>
          %gather3A = tpu.vector_load_idx %arg5[%broadcast_in_dim3A_2093, %add3A_2091] : memref<8x10000xi32, #tpu.memory_space<vmem>>[vector<16xi32>, vector<16xi32>], vector<16xi32>,
          %shift_left3A = arith.constant 16 : i32
          %shift_left3A_2094 = vector.broadcast %shift_left3A : i32 to vector<16xi32>
          %shift_left3A_2095 = arith.shli %gather3A, %shift_left3A_2094 : vector<16xi32>
          %bitcast3A = vector.bitcast %shift_left3A_2095 : vector<16xi32> to vector<16xf32>
          %bitcast3A_2096 = vector.bitcast %gather3A : vector<16xi32> to vector<16xf32>
          %add3A_2097 = arith.addf %scan3A_2062, %bitcast3A : vector<16xf32>
          %add3A_2098 = arith.addf %scan3A_2063, %bitcast3A_2096 : vector<16xf32>
          %broadcast_in_dim3A_2099 = arith.constant 1 : i32
          %broadcast_in_dim3A_2100 = vector.broadcast %broadcast_in_dim3A_2099 : i32 to vector<16xi32>
          %gather3A_2101 = tpu.vector_load_idx %arg5[%broadcast_in_dim3A_2100, %add3A_2091] : memref<8x10000xi32, #tpu.memory_space<vmem>>[vector<16xi32>, vector<16xi32>], vector<16xi32>,
          %shift_left3A_2102 = arith.constant 16 : i32
          %shift_left3A_2103 = vector.broadcast %shift_left3A_2102 : i32 to vector<16xi32>
          %shift_left3A_2104 = arith.shli %gather3A_2101, %shift_left3A_2103 : vector<16xi32>
          %bitcast3A_2105 = vector.bitcast %shift_left3A_2104 : vector<16xi32> to vector<16xf32>
          %bitcast3A_2106 = vector.bitcast %gather3A_2101 : vector<16xi32> to vector<16xf32>
          %add3A_2107 = arith.addf %scan3A_2064, %bitcast3A_2105 : vector<16xf32>
          %add3A_2108 = arith.addf %scan3A_2065, %bitcast3A_2106 : vector<16xf32>
          %broadcast_in_dim3A_2109 = arith.constant 2 : i32
          %broadcast_in_dim3A_2110 = vector.broadcast %broadcast_in_dim3A_2109 : i32 to vector<16xi32>
          %gather3A_2111 = tpu.vector_load_idx %arg5[%broadcast_in_dim3A_2110, %add3A_2091] : memref<8x10000xi32, #tpu.memory_space<vmem>>[vector<16xi32>, vector<16xi32>], vector<16xi32>,
          %shift_left3A_2112 = arith.constant 16 : i32
          %shift_left3A_2113 = vector.broadcast %shift_left3A_2112 : i32 to vector<16xi32>
          %shift_left3A_2114 = arith.shli %gather3A_2111, %shift_left3A_2113 : vector<16xi32>
          %bitcast3A_2115 = vector.bitcast %shift_left3A_2114 : vector<16xi32> to vector<16xf32>
          %bitcast3A_2116 = vector.bitcast %gather3A_2111 : vector<16xi32> to vector<16xf32>
          %add3A_2117 = arith.addf %scan3A_2066, %bitcast3A_2115 : vector<16xf32>
          %add3A_2118 = arith.addf %scan3A_2067, %bitcast3A_2116 : vector<16xf32>
          %broadcast_in_dim3A_2119 = arith.constant 3 : i32
          %broadcast_in_dim3A_2120 = vector.broadcast %broadcast_in_dim3A_2119 : i32 to vector<16xi32>
          %gather3A_2121 = tpu.vector_load_idx %arg5[%broadcast_in_dim3A_2120, %add3A_2091] : memref<8x10000xi32, #tpu.memory_space<vmem>>[vector<16xi32>, vector<16xi32>], vector<16xi32>,
          %shift_left3A_2122 = arith.constant 16 : i32
          %shift_left3A_2123 = vector.broadcast %shift_left3A_2122 : i32 to vector<16xi32>
          %shift_left3A_2124 = arith.shli %gather3A_2121, %shift_left3A_2123 : vector<16xi32>
          %bitcast3A_2125 = vector.bitcast %shift_left3A_2124 : vector<16xi32> to vector<16xf32>
          %bitcast3A_2126 = vector.bitcast %gather3A_2121 : vector<16xi32> to vector<16xf32>
          %add3A_2127 = arith.addf %scan3A_2068, %bitcast3A_2125 : vector<16xf32>
          %add3A_2128 = arith.addf %scan3A_2069, %bitcast3A_2126 : vector<16xf32>
          %broadcast_in_dim3A_2129 = arith.constant 4 : i32
          %broadcast_in_dim3A_2130 = vector.broadcast %broadcast_in_dim3A_2129 : i32 to vector<16xi32>
          %gather3A_2131 = tpu.vector_load_idx %arg5[%broadcast_in_dim3A_2130, %add3A_2091] : memref<8x10000xi32, #tpu.memory_space<vmem>>[vector<16xi32>, vector<16xi32>], vector<16xi32>,
          %shift_left3A_2132 = arith.constant 16 : i32
          %shift_left3A_2133 = vector.broadcast %shift_left3A_2132 : i32 to vector<16xi32>
          %shift_left3A_2134 = arith.shli %gather3A_2131, %shift_left3A_2133 : vector<16xi32>
          %bitcast3A_2135 = vector.bitcast %shift_left3A_2134 : vector<16xi32> to vector<16xf32>
          %bitcast3A_2136 = vector.bitcast %gather3A_2131 : vector<16xi32> to vector<16xf32>
          %add3A_2137 = arith.addf %scan3A_2070, %bitcast3A_2135 : vector<16xf32>
          %add3A_2138 = arith.addf %scan3A_2071, %bitcast3A_2136 : vector<16xf32>
          %broadcast_in_dim3A_2139 = arith.constant 5 : i32
          %broadcast_in_dim3A_2140 = vector.broadcast %broadcast_in_dim3A_2139 : i32 to vector<16xi32>
          %gather3A_2141 = tpu.vector_load_idx %arg5[%broadcast_in_dim3A_2140, %add3A_2091] : memref<8x10000xi32, #tpu.memory_space<vmem>>[vector<16xi32>, vector<16xi32>], vector<16xi32>,
          %shift_left3A_2142 = arith.constant 16 : i32
          %shift_left3A_2143 = vector.broadcast %shift_left3A_2142 : i32 to vector<16xi32>
          %shift_left3A_2144 = arith.shli %gather3A_2141, %shift_left3A_2143 : vector<16xi32>
          %bitcast3A_2145 = vector.bitcast %shift_left3A_2144 : vector<16xi32> to vector<16xf32>
          %bitcast3A_2146 = vector.bitcast %gather3A_2141 : vector<16xi32> to vector<16xf32>
          %add3A_2147 = arith.addf %scan3A_2072, %bitcast3A_2145 : vector<16xf32>
          %add3A_2148 = arith.addf %scan3A_2073, %bitcast3A_2146 : vector<16xf32>
          %broadcast_in_dim3A_2149 = arith.constant 6 : i32
          %broadcast_in_dim3A_2150 = vector.broadcast %broadcast_in_dim3A_2149 : i32 to vector<16xi32>
          %gather3A_2151 = tpu.vector_load_idx %arg5[%broadcast_in_dim3A_2150, %add3A_2091] : memref<8x10000xi32, #tpu.memory_space<vmem>>[vector<16xi32>, vector<16xi32>], vector<16xi32>,
          %shift_left3A_2152 = arith.constant 16 : i32
          %shift_left3A_2153 = vector.broadcast %shift_left3A_2152 : i32 to vector<16xi32>
          %shift_left3A_2154 = arith.shli %gather3A_2151, %shift_left3A_2153 : vector<16xi32>
          %bitcast3A_2155 = vector.bitcast %shift_left3A_2154 : vector<16xi32> to vector<16xf32>
          %bitcast3A_2156 = vector.bitcast %gather3A_2151 : vector<16xi32> to vector<16xf32>
          %add3A_2157 = arith.addf %scan3A_2074, %bitcast3A_2155 : vector<16xf32>
          %add3A_2158 = arith.addf %scan3A_2075, %bitcast3A_2156 : vector<16xf32>
          %broadcast_in_dim3A_2159 = arith.constant 7 : i32
          %broadcast_in_dim3A_2160 = vector.broadcast %broadcast_in_dim3A_2159 : i32 to vector<16xi32>
          %gather3A_2161 = tpu.vector_load_idx %arg5[%broadcast_in_dim3A_2160, %add3A_2091] : memref<8x10000xi32, #tpu.memory_space<vmem>>[vector<16xi32>, vector<16xi32>], vector<16xi32>,
          %shift_left3A_2162 = arith.constant 16 : i32
          %shift_left3A_2163 = vector.broadcast %shift_left3A_2162 : i32 to vector<16xi32>
          %shift_left3A_2164 = arith.shli %gather3A_2161, %shift_left3A_2163 : vector<16xi32>
          %bitcast3A_2165 = vector.bitcast %shift_left3A_2164 : vector<16xi32> to vector<16xf32>
          %bitcast3A_2166 = vector.bitcast %gather3A_2161 : vector<16xi32> to vector<16xf32>
          %add3A_2167 = arith.addf %scan3A_2076, %bitcast3A_2165 : vector<16xf32>
          %add3A_2168 = arith.addf %scan3A_2077, %bitcast3A_2166 : vector<16xf32>
          scf.yield %add3A_2097, %add3A_2098, %add3A_2107, %add3A_2108, %add3A_2117, %add3A_2118, %add3A_2127, %add3A_2128, %add3A_2137, %add3A_2138, %add3A_2147, %add3A_2148, %add3A_2157, %add3A_2158, %add3A_2167, %add3A_2168 : vector<16xf32>, vector<16xf32>, vector<16xf32>, vector<16xf32>, vector<16xf32>, vector<16xf32>, vector<16xf32>, vector<16xf32>, vector<16xf32>, vector<16xf32>, vector<16xf32>, vector<16xf32>, vector<16xf32>, vector<16xf32>, vector<16xf32>, vector<16xf32>
        }
        %scan3A_1274 = arith.constant 100 : i32
        %swap3A_1275 = arith.constant 1 : i32
        %swap3A_1276 = arith.constant 0 : i32
        %swap3A_1277 = arith.index_cast %swap3A_1275 : i32 to index
        %swap3A_1278 = arith.index_cast %swap3A_1276 : i32 to index
        %swap3A_1279 = arith.constant 16 : index
        %swap3A_1280 = tpu.vector_load %arg7[%swap3A_1277, %swap3A_1278, %swap3A_1279] {strides = array<i32>} : memref<2x16x112xf32, #tpu.memory_space<vmem>>, vector<16xf32>,
        tpu.vector_store %arg7[%swap3A_1277, %swap3A_1278, %swap3A_1279], %scan3A_1273#0 {strides = array<i32>} : memref<2x16x112xf32, #tpu.memory_space<vmem>>, vector<16xf32>,
        %swap3A_1281 = arith.constant 1 : i32
        %swap3A_1282 = arith.constant 1 : i32
        %swap3A_1283 = arith.index_cast %swap3A_1281 : i32 to index
        %swap3A_1284 = arith.index_cast %swap3A_1282 : i32 to index
        %swap3A_1285 = arith.constant 16 : index
        %swap3A_1286 = tpu.vector_load %arg7[%swap3A_1283, %swap3A_1284, %swap3A_1285] {strides = array<i32>} : memref<2x16x112xf32, #tpu.memory_space<vmem>>, vector<16xf32>,
        tpu.vector_store %arg7[%swap3A_1283, %swap3A_1284, %swap3A_1285], %scan3A_1273#1 {strides = array<i32>} : memref<2x16x112xf32, #tpu.memory_space<vmem>>, vector<16xf32>,
        %swap3A_1287 = arith.constant 1 : i32
        %swap3A_1288 = arith.constant 2 : i32
        %swap3A_1289 = arith.index_cast %swap3A_1287 : i32 to index
        %swap3A_1290 = arith.index_cast %swap3A_1288 : i32 to index
        %swap3A_1291 = arith.constant 16 : index
        %swap3A_1292 = tpu.vector_load %arg7[%swap3A_1289, %swap3A_1290, %swap3A_1291] {strides = array<i32>} : memref<2x16x112xf32, #tpu.memory_space<vmem>>, vector<16xf32>,
        tpu.vector_store %arg7[%swap3A_1289, %swap3A_1290, %swap3A_1291], %scan3A_1273#2 {strides = array<i32>} : memref<2x16x112xf32, #tpu.memory_space<vmem>>, vector<16xf32>,
        %swap3A_1293 = arith.constant 1 : i32
        %swap3A_1294 = arith.constant 3 : i32
        %swap3A_1295 = arith.index_cast %swap3A_1293 : i32 to index
        %swap3A_1296 = arith.index_cast %swap3A_1294 : i32 to index
        %swap3A_1297 = arith.constant 16 : index
        %swap3A_1298 = tpu.vector_load %arg7[%swap3A_1295, %swap3A_1296, %swap3A_1297] {strides = array<i32>} : memref<2x16x112xf32, #tpu.memory_space<vmem>>, vector<16xf32>,
        tpu.vector_store %arg7[%swap3A_1295, %swap3A_1296, %swap3A_1297], %scan3A_1273#3 {strides = array<i32>} : memref<2x16x112xf32, #tpu.memory_space<vmem>>, vector<16xf32>,
        %swap3A_1299 = arith.constant 1 : i32
        %swap3A_1300 = arith.constant 4 : i32
        %swap3A_1301 = arith.index_cast %swap3A_1299 : i32 to index
        %swap3A_1302 = arith.index_cast %swap3A_1300 : i32 to index
        %swap3A_1303 = arith.constant 16 : index
        %swap3A_1304 = tpu.vector_load %arg7[%swap3A_1301, %swap3A_1302, %swap3A_1303] {strides = array<i32>} : memref<2x16x112xf32, #tpu.memory_space<vmem>>, vector<16xf32>,
        tpu.vector_store %arg7[%swap3A_1301, %swap3A_1302, %swap3A_1303], %scan3A_1273#4 {strides = array<i32>} : memref<2x16x112xf32, #tpu.memory_space<vmem>>, vector<16xf32>,
        %swap3A_1305 = arith.constant 1 : i32
        %swap3A_1306 = arith.constant 5 : i32
        %swap3A_1307 = arith.index_cast %swap3A_1305 : i32 to index
        %swap3A_1308 = arith.index_cast %swap3A_1306 : i32 to index
        %swap3A_1309 = arith.constant 16 : index
        %swap3A_1310 = tpu.vector_load %arg7[%swap3A_1307, %swap3A_1308, %swap3A_1309] {strides = array<i32>} : memref<2x16x112xf32, #tpu.memory_space<vmem>>, vector<16xf32>,
        tpu.vector_store %arg7[%swap3A_1307, %swap3A_1308, %swap3A_1309], %scan3A_1273#5 {strides = array<i32>} : memref<2x16x112xf32, #tpu.memory_space<vmem>>, vector<16xf32>,
        %swap3A_1311 = arith.constant 1 : i32
        %swap3A_1312 = arith.constant 6 : i32
        %swap3A_1313 = arith.index_cast %swap3A_1311 : i32 to index
        %swap3A_1314 = arith.index_cast %swap3A_1312 : i32 to index
        %swap3A_1315 = arith.constant 16 : index
        %swap3A_1316 = tpu.vector_load %arg7[%swap3A_1313, %swap3A_1314, %swap3A_1315] {strides = array<i32>} : memref<2x16x112xf32, #tpu.memory_space<vmem>>, vector<16xf32>,
        tpu.vector_store %arg7[%swap3A_1313, %swap3A_1314, %swap3A_1315], %scan3A_1273#6 {strides = array<i32>} : memref<2x16x112xf32, #tpu.memory_space<vmem>>, vector<16xf32>,
        %swap3A_1317 = arith.constant 1 : i32
        %swap3A_1318 = arith.constant 7 : i32
        %swap3A_1319 = arith.index_cast %swap3A_1317 : i32 to index
        %swap3A_1320 = arith.index_cast %swap3A_1318 : i32 to index
        %swap3A_1321 = arith.constant 16 : index
        %swap3A_1322 = tpu.vector_load %arg7[%swap3A_1319, %swap3A_1320, %swap3A_1321] {strides = array<i32>} : memref<2x16x112xf32, #tpu.memory_space<vmem>>, vector<16xf32>,
        tpu.vector_store %arg7[%swap3A_1319, %swap3A_1320, %swap3A_1321], %scan3A_1273#7 {strides = array<i32>} : memref<2x16x112xf32, #tpu.memory_space<vmem>>, vector<16xf32>,
        %swap3A_1323 = arith.constant 1 : i32
        %swap3A_1324 = arith.constant 8 : i32
        %swap3A_1325 = arith.index_cast %swap3A_1323 : i32 to index
        %swap3A_1326 = arith.index_cast %swap3A_1324 : i32 to index
        %swap3A_1327 = arith.constant 16 : index
        %swap3A_1328 = tpu.vector_load %arg7[%swap3A_1325, %swap3A_1326, %swap3A_1327] {strides = array<i32>} : memref<2x16x112xf32, #tpu.memory_space<vmem>>, vector<16xf32>,
        tpu.vector_store %arg7[%swap3A_1325, %swap3A_1326, %swap3A_1327], %scan3A_1273#8 {strides = array<i32>} : memref<2x16x112xf32, #tpu.memory_space<vmem>>, vector<16xf32>,
        %swap3A_1329 = arith.constant 1 : i32
        %swap3A_1330 = arith.constant 9 : i32
        %swap3A_1331 = arith.index_cast %swap3A_1329 : i32 to index
        %swap3A_1332 = arith.index_cast %swap3A_1330 : i32 to index
        %swap3A_1333 = arith.constant 16 : index
        %swap3A_1334 = tpu.vector_load %arg7[%swap3A_1331, %swap3A_1332, %swap3A_1333] {strides = array<i32>} : memref<2x16x112xf32, #tpu.memory_space<vmem>>, vector<16xf32>,
        tpu.vector_store %arg7[%swap3A_1331, %swap3A_1332, %swap3A_1333], %scan3A_1273#9 {strides = array<i32>} : memref<2x16x112xf32, #tpu.memory_space<vmem>>, vector<16xf32>,
        %swap3A_1335 = arith.constant 1 : i32
        %swap3A_1336 = arith.constant 10 : i32
        %swap3A_1337 = arith.index_cast %swap3A_1335 : i32 to index
        %swap3A_1338 = arith.index_cast %swap3A_1336 : i32 to index
        %swap3A_1339 = arith.constant 16 : index
        %swap3A_1340 = tpu.vector_load %arg7[%swap3A_1337, %swap3A_1338, %swap3A_1339] {strides = array<i32>} : memref<2x16x112xf32, #tpu.memory_space<vmem>>, vector<16xf32>,
        tpu.vector_store %arg7[%swap3A_1337, %swap3A_1338, %swap3A_1339], %scan3A_1273#10 {strides = array<i32>} : memref<2x16x112xf32, #tpu.memory_space<vmem>>, vector<16xf32>,
        %swap3A_1341 = arith.constant 1 : i32
        %swap3A_1342 = arith.constant 11 : i32
        %swap3A_1343 = arith.index_cast %swap3A_1341 : i32 to index
        %swap3A_1344 = arith.index_cast %swap3A_1342 : i32 to index
        %swap3A_1345 = arith.constant 16 : index
        %swap3A_1346 = tpu.vector_load %arg7[%swap3A_1343, %swap3A_1344, %swap3A_1345] {strides = array<i32>} : memref<2x16x112xf32, #tpu.memory_space<vmem>>, vector<16xf32>,
        tpu.vector_store %arg7[%swap3A_1343, %swap3A_1344, %swap3A_1345], %scan3A_1273#11 {strides = array<i32>} : memref<2x16x112xf32, #tpu.memory_space<vmem>>, vector<16xf32>,
        %swap3A_1347 = arith.constant 1 : i32
        %swap3A_1348 = arith.constant 12 : i32
        %swap3A_1349 = arith.index_cast %swap3A_1347 : i32 to index
        %swap3A_1350 = arith.index_cast %swap3A_1348 : i32 to index
        %swap3A_1351 = arith.constant 16 : index
        %swap3A_1352 = tpu.vector_load %arg7[%swap3A_1349, %swap3A_1350, %swap3A_1351] {strides = array<i32>} : memref<2x16x112xf32, #tpu.memory_space<vmem>>, vector<16xf32>,
        tpu.vector_store %arg7[%swap3A_1349, %swap3A_1350, %swap3A_1351], %scan3A_1273#12 {strides = array<i32>} : memref<2x16x112xf32, #tpu.memory_space<vmem>>, vector<16xf32>,
        %swap3A_1353 = arith.constant 1 : i32
        %swap3A_1354 = arith.constant 13 : i32
        %swap3A_1355 = arith.index_cast %swap3A_1353 : i32 to index
        %swap3A_1356 = arith.index_cast %swap3A_1354 : i32 to index
        %swap3A_1357 = arith.constant 16 : index
        %swap3A_1358 = tpu.vector_load %arg7[%swap3A_1355, %swap3A_1356, %swap3A_1357] {strides = array<i32>} : memref<2x16x112xf32, #tpu.memory_space<vmem>>, vector<16xf32>,
        tpu.vector_store %arg7[%swap3A_1355, %swap3A_1356, %swap3A_1357], %scan3A_1273#13 {strides = array<i32>} : memref<2x16x112xf32, #tpu.memory_space<vmem>>, vector<16xf32>,
        %swap3A_1359 = arith.constant 1 : i32
        %swap3A_1360 = arith.constant 14 : i32
        %swap3A_1361 = arith.index_cast %swap3A_1359 : i32 to index
        %swap3A_1362 = arith.index_cast %swap3A_1360 : i32 to index
        %swap3A_1363 = arith.constant 16 : index
        %swap3A_1364 = tpu.vector_load %arg7[%swap3A_1361, %swap3A_1362, %swap3A_1363] {strides = array<i32>} : memref<2x16x112xf32, #tpu.memory_space<vmem>>, vector<16xf32>,
        tpu.vector_store %arg7[%swap3A_1361, %swap3A_1362, %swap3A_1363], %scan3A_1273#14 {strides = array<i32>} : memref<2x16x112xf32, #tpu.memory_space<vmem>>, vector<16xf32>,
        %swap3A_1365 = arith.constant 1 : i32
        %swap3A_1366 = arith.constant 15 : i32
        %swap3A_1367 = arith.index_cast %swap3A_1365 : i32 to index
        %swap3A_1368 = arith.index_cast %swap3A_1366 : i32 to index
        %swap3A_1369 = arith.constant 16 : index
        %swap3A_1370 = tpu.vector_load %arg7[%swap3A_1367, %swap3A_1368, %swap3A_1369] {strides = array<i32>} : memref<2x16x112xf32, #tpu.memory_space<vmem>>, vector<16xf32>,
        tpu.vector_store %arg7[%swap3A_1367, %swap3A_1368, %swap3A_1369], %scan3A_1273#15 {strides = array<i32>} : memref<2x16x112xf32, #tpu.memory_space<vmem>>, vector<16xf32>,
        %broadcast_in_dim3A_1371 = arith.constant 0.000000e+00 : f32
        %broadcast_in_dim3A_1372 = vector.broadcast %broadcast_in_dim3A_1371 : f32 to vector<16xf32>
        %broadcast_in_dim3A_1373 = arith.constant 0.000000e+00 : f32
        %broadcast_in_dim3A_1374 = vector.broadcast %broadcast_in_dim3A_1373 : f32 to vector<16xf32>
        %broadcast_in_dim3A_1375 = arith.constant 0.000000e+00 : f32
        %broadcast_in_dim3A_1376 = vector.broadcast %broadcast_in_dim3A_1375 : f32 to vector<16xf32>
        %broadcast_in_dim3A_1377 = arith.constant 0.000000e+00 : f32
        %broadcast_in_dim3A_1378 = vector.broadcast %broadcast_in_dim3A_1377 : f32 to vector<16xf32>
        %broadcast_in_dim3A_1379 = arith.constant 0.000000e+00 : f32
        %broadcast_in_dim3A_1380 = vector.broadcast %broadcast_in_dim3A_1379 : f32 to vector<16xf32>
        %broadcast_in_dim3A_1381 = arith.constant 0.000000e+00 : f32
        %broadcast_in_dim3A_1382 = vector.broadcast %broadcast_in_dim3A_1381 : f32 to vector<16xf32>
        %broadcast_in_dim3A_1383 = arith.constant 0.000000e+00 : f32
        %broadcast_in_dim3A_1384 = vector.broadcast %broadcast_in_dim3A_1383 : f32 to vector<16xf32>
        %broadcast_in_dim3A_1385 = arith.constant 0.000000e+00 : f32
        %broadcast_in_dim3A_1386 = vector.broadcast %broadcast_in_dim3A_1385 : f32 to vector<16xf32>
        %broadcast_in_dim3A_1387 = arith.constant 0.000000e+00 : f32
        %broadcast_in_dim3A_1388 = vector.broadcast %broadcast_in_dim3A_1387 : f32 to vector<16xf32>
        %broadcast_in_dim3A_1389 = arith.constant 0.000000e+00 : f32
        %broadcast_in_dim3A_1390 = vector.broadcast %broadcast_in_dim3A_1389 : f32 to vector<16xf32>
        %broadcast_in_dim3A_1391 = arith.constant 0.000000e+00 : f32
        %broadcast_in_dim3A_1392 = vector.broadcast %broadcast_in_dim3A_1391 : f32 to vector<16xf32>
        %broadcast_in_dim3A_1393 = arith.constant 0.000000e+00 : f32
        %broadcast_in_dim3A_1394 = vector.broadcast %broadcast_in_dim3A_1393 : f32 to vector<16xf32>
        %broadcast_in_dim3A_1395 = arith.constant 0.000000e+00 : f32
        %broadcast_in_dim3A_1396 = vector.broadcast %broadcast_in_dim3A_1395 : f32 to vector<16xf32>
        %broadcast_in_dim3A_1397 = arith.constant 0.000000e+00 : f32
        %broadcast_in_dim3A_1398 = vector.broadcast %broadcast_in_dim3A_1397 : f32 to vector<16xf32>
        %broadcast_in_dim3A_1399 = arith.constant 0.000000e+00 : f32
        %broadcast_in_dim3A_1400 = vector.broadcast %broadcast_in_dim3A_1399 : f32 to vector<16xf32>
        %broadcast_in_dim3A_1401 = arith.constant 0.000000e+00 : f32
        %broadcast_in_dim3A_1402 = vector.broadcast %broadcast_in_dim3A_1401 : f32 to vector<16xf32>
        %scan3A_1403 = arith.constant 0 : i32
        %scan3A_1404 = arith.constant 100 : i32
        %scan3A_1405 = arith.addi %scan3A_1403, %scan3A_1404 : i32
        %scan3A_1406 = arith.constant 1 : i32
        %scan3A_1407:16 = scf.for %scan3A_2061 = %scan3A_1403 to %scan3A_1405 step %scan3A_1406 iter_args(%scan3A_2062 = %broadcast_in_dim3A_1372, %scan3A_2063 = %broadcast_in_dim3A_1374, %scan3A_2064 = %broadcast_in_dim3A_1376, %scan3A_2065 = %broadcast_in_dim3A_1378, %scan3A_2066 = %broadcast_in_dim3A_1380, %scan3A_2067 = %broadcast_in_dim3A_1382, %scan3A_2068 = %broadcast_in_dim3A_1384, %scan3A_2069 = %broadcast_in_dim3A_1386, %scan3A_2070 = %broadcast_in_dim3A_1388, %scan3A_2071 = %broadcast_in_dim3A_1390, %scan3A_2072 = %broadcast_in_dim3A_1392, %scan3A_2073 = %broadcast_in_dim3A_1394, %scan3A_2074 = %broadcast_in_dim3A_1396, %scan3A_2075 = %broadcast_in_dim3A_1398, %scan3A_2076 = %broadcast_in_dim3A_1400, %scan3A_2077 = %broadcast_in_dim3A_1402) -> (vector<16xf32>, vector<16xf32>, vector<16xf32>, vector<16xf32>, vector<16xf32>, vector<16xf32>, vector<16xf32>, vector<16xf32>, vector<16xf32>, vector<16xf32>, vector<16xf32>, vector<16xf32>, vector<16xf32>, vector<16xf32>, vector<16xf32>, vector<16xf32>)  : i32 {
          %mul3A_2078 = arith.constant 1 : i32
          %mul3A_2079 = arith.muli %scan3A_2061, %mul3A_2078 : i32
          %add3A_2080 = arith.constant 0 : i32
          %add3A_2081 = arith.addi %add3A_2080, %mul3A_2079 : i32
          %get3A = arith.constant 1 : i32
          %get3A_2082 = arith.constant 2 : i32
          %get3A_2083 = arith.index_cast %get3A : i32 to index
          %get3A_2084 = arith.index_cast %get3A_2082 : i32 to index
          %get3A_2085 = arith.index_cast %add3A_2081 : i32 to index
          %get3A_2086 = arith.constant 0 : index
          %get3A_2087 = tpu.vector_load %arg6[%get3A_2083, %get3A_2084, %get3A_2085, %get3A_2086] {strides = array<i32>} : memref<2x7x100x16xi32, #tpu.memory_space<vmem>>, vector<16xi32>,
          %mul3A_2088 = arith.constant 100 : i32
          %mul3A_2089 = arith.muli %add3A_2081, %mul3A_2088 : i32
          %add3A_2090 = vector.broadcast %mul3A_2089 : i32 to vector<16xi32>
          %add3A_2091 = arith.addi %get3A_2087, %add3A_2090 : vector<16xi32>
          %broadcast_in_dim3A_2092 = arith.constant 0 : i32
          %broadcast_in_dim3A_2093 = vector.broadcast %broadcast_in_dim3A_2092 : i32 to vector<16xi32>
          %gather3A = tpu.vector_load_idx %arg5[%broadcast_in_dim3A_2093, %add3A_2091] : memref<8x10000xi32, #tpu.memory_space<vmem>>[vector<16xi32>, vector<16xi32>], vector<16xi32>,
          %shift_left3A = arith.constant 16 : i32
          %shift_left3A_2094 = vector.broadcast %shift_left3A : i32 to vector<16xi32>
          %shift_left3A_2095 = arith.shli %gather3A, %shift_left3A_2094 : vector<16xi32>
          %bitcast3A = vector.bitcast %shift_left3A_2095 : vector<16xi32> to vector<16xf32>
          %bitcast3A_2096 = vector.bitcast %gather3A : vector<16xi32> to vector<16xf32>
          %add3A_2097 = arith.addf %scan3A_2062, %bitcast3A : vector<16xf32>
          %add3A_2098 = arith.addf %scan3A_2063, %bitcast3A_2096 : vector<16xf32>
          %broadcast_in_dim3A_2099 = arith.constant 1 : i32
          %broadcast_in_dim3A_2100 = vector.broadcast %broadcast_in_dim3A_2099 : i32 to vector<16xi32>
          %gather3A_2101 = tpu.vector_load_idx %arg5[%broadcast_in_dim3A_2100, %add3A_2091] : memref<8x10000xi32, #tpu.memory_space<vmem>>[vector<16xi32>, vector<16xi32>], vector<16xi32>,
          %shift_left3A_2102 = arith.constant 16 : i32
          %shift_left3A_2103 = vector.broadcast %shift_left3A_2102 : i32 to vector<16xi32>
          %shift_left3A_2104 = arith.shli %gather3A_2101, %shift_left3A_2103 : vector<16xi32>
          %bitcast3A_2105 = vector.bitcast %shift_left3A_2104 : vector<16xi32> to vector<16xf32>
          %bitcast3A_2106 = vector.bitcast %gather3A_2101 : vector<16xi32> to vector<16xf32>
          %add3A_2107 = arith.addf %scan3A_2064, %bitcast3A_2105 : vector<16xf32>
          %add3A_2108 = arith.addf %scan3A_2065, %bitcast3A_2106 : vector<16xf32>
          %broadcast_in_dim3A_2109 = arith.constant 2 : i32
          %broadcast_in_dim3A_2110 = vector.broadcast %broadcast_in_dim3A_2109 : i32 to vector<16xi32>
          %gather3A_2111 = tpu.vector_load_idx %arg5[%broadcast_in_dim3A_2110, %add3A_2091] : memref<8x10000xi32, #tpu.memory_space<vmem>>[vector<16xi32>, vector<16xi32>], vector<16xi32>,
          %shift_left3A_2112 = arith.constant 16 : i32
          %shift_left3A_2113 = vector.broadcast %shift_left3A_2112 : i32 to vector<16xi32>
          %shift_left3A_2114 = arith.shli %gather3A_2111, %shift_left3A_2113 : vector<16xi32>
          %bitcast3A_2115 = vector.bitcast %shift_left3A_2114 : vector<16xi32> to vector<16xf32>
          %bitcast3A_2116 = vector.bitcast %gather3A_2111 : vector<16xi32> to vector<16xf32>
          %add3A_2117 = arith.addf %scan3A_2066, %bitcast3A_2115 : vector<16xf32>
          %add3A_2118 = arith.addf %scan3A_2067, %bitcast3A_2116 : vector<16xf32>
          %broadcast_in_dim3A_2119 = arith.constant 3 : i32
          %broadcast_in_dim3A_2120 = vector.broadcast %broadcast_in_dim3A_2119 : i32 to vector<16xi32>
          %gather3A_2121 = tpu.vector_load_idx %arg5[%broadcast_in_dim3A_2120, %add3A_2091] : memref<8x10000xi32, #tpu.memory_space<vmem>>[vector<16xi32>, vector<16xi32>], vector<16xi32>,
          %shift_left3A_2122 = arith.constant 16 : i32
          %shift_left3A_2123 = vector.broadcast %shift_left3A_2122 : i32 to vector<16xi32>
          %shift_left3A_2124 = arith.shli %gather3A_2121, %shift_left3A_2123 : vector<16xi32>
          %bitcast3A_2125 = vector.bitcast %shift_left3A_2124 : vector<16xi32> to vector<16xf32>
          %bitcast3A_2126 = vector.bitcast %gather3A_2121 : vector<16xi32> to vector<16xf32>
          %add3A_2127 = arith.addf %scan3A_2068, %bitcast3A_2125 : vector<16xf32>
          %add3A_2128 = arith.addf %scan3A_2069, %bitcast3A_2126 : vector<16xf32>
          %broadcast_in_dim3A_2129 = arith.constant 4 : i32
          %broadcast_in_dim3A_2130 = vector.broadcast %broadcast_in_dim3A_2129 : i32 to vector<16xi32>
          %gather3A_2131 = tpu.vector_load_idx %arg5[%broadcast_in_dim3A_2130, %add3A_2091] : memref<8x10000xi32, #tpu.memory_space<vmem>>[vector<16xi32>, vector<16xi32>], vector<16xi32>,
          %shift_left3A_2132 = arith.constant 16 : i32
          %shift_left3A_2133 = vector.broadcast %shift_left3A_2132 : i32 to vector<16xi32>
          %shift_left3A_2134 = arith.shli %gather3A_2131, %shift_left3A_2133 : vector<16xi32>
          %bitcast3A_2135 = vector.bitcast %shift_left3A_2134 : vector<16xi32> to vector<16xf32>
          %bitcast3A_2136 = vector.bitcast %gather3A_2131 : vector<16xi32> to vector<16xf32>
          %add3A_2137 = arith.addf %scan3A_2070, %bitcast3A_2135 : vector<16xf32>
          %add3A_2138 = arith.addf %scan3A_2071, %bitcast3A_2136 : vector<16xf32>
          %broadcast_in_dim3A_2139 = arith.constant 5 : i32
          %broadcast_in_dim3A_2140 = vector.broadcast %broadcast_in_dim3A_2139 : i32 to vector<16xi32>
          %gather3A_2141 = tpu.vector_load_idx %arg5[%broadcast_in_dim3A_2140, %add3A_2091] : memref<8x10000xi32, #tpu.memory_space<vmem>>[vector<16xi32>, vector<16xi32>], vector<16xi32>,
          %shift_left3A_2142 = arith.constant 16 : i32
          %shift_left3A_2143 = vector.broadcast %shift_left3A_2142 : i32 to vector<16xi32>
          %shift_left3A_2144 = arith.shli %gather3A_2141, %shift_left3A_2143 : vector<16xi32>
          %bitcast3A_2145 = vector.bitcast %shift_left3A_2144 : vector<16xi32> to vector<16xf32>
          %bitcast3A_2146 = vector.bitcast %gather3A_2141 : vector<16xi32> to vector<16xf32>
          %add3A_2147 = arith.addf %scan3A_2072, %bitcast3A_2145 : vector<16xf32>
          %add3A_2148 = arith.addf %scan3A_2073, %bitcast3A_2146 : vector<16xf32>
          %broadcast_in_dim3A_2149 = arith.constant 6 : i32
          %broadcast_in_dim3A_2150 = vector.broadcast %broadcast_in_dim3A_2149 : i32 to vector<16xi32>
          %gather3A_2151 = tpu.vector_load_idx %arg5[%broadcast_in_dim3A_2150, %add3A_2091] : memref<8x10000xi32, #tpu.memory_space<vmem>>[vector<16xi32>, vector<16xi32>], vector<16xi32>,
          %shift_left3A_2152 = arith.constant 16 : i32
          %shift_left3A_2153 = vector.broadcast %shift_left3A_2152 : i32 to vector<16xi32>
          %shift_left3A_2154 = arith.shli %gather3A_2151, %shift_left3A_2153 : vector<16xi32>
          %bitcast3A_2155 = vector.bitcast %shift_left3A_2154 : vector<16xi32> to vector<16xf32>
          %bitcast3A_2156 = vector.bitcast %gather3A_2151 : vector<16xi32> to vector<16xf32>
          %add3A_2157 = arith.addf %scan3A_2074, %bitcast3A_2155 : vector<16xf32>
          %add3A_2158 = arith.addf %scan3A_2075, %bitcast3A_2156 : vector<16xf32>
          %broadcast_in_dim3A_2159 = arith.constant 7 : i32
          %broadcast_in_dim3A_2160 = vector.broadcast %broadcast_in_dim3A_2159 : i32 to vector<16xi32>
          %gather3A_2161 = tpu.vector_load_idx %arg5[%broadcast_in_dim3A_2160, %add3A_2091] : memref<8x10000xi32, #tpu.memory_space<vmem>>[vector<16xi32>, vector<16xi32>], vector<16xi32>,
          %shift_left3A_2162 = arith.constant 16 : i32
          %shift_left3A_2163 = vector.broadcast %shift_left3A_2162 : i32 to vector<16xi32>
          %shift_left3A_2164 = arith.shli %gather3A_2161, %shift_left3A_2163 : vector<16xi32>
          %bitcast3A_2165 = vector.bitcast %shift_left3A_2164 : vector<16xi32> to vector<16xf32>
          %bitcast3A_2166 = vector.bitcast %gather3A_2161 : vector<16xi32> to vector<16xf32>
          %add3A_2167 = arith.addf %scan3A_2076, %bitcast3A_2165 : vector<16xf32>
          %add3A_2168 = arith.addf %scan3A_2077, %bitcast3A_2166 : vector<16xf32>
          scf.yield %add3A_2097, %add3A_2098, %add3A_2107, %add3A_2108, %add3A_2117, %add3A_2118, %add3A_2127, %add3A_2128, %add3A_2137, %add3A_2138, %add3A_2147, %add3A_2148, %add3A_2157, %add3A_2158, %add3A_2167, %add3A_2168 : vector<16xf32>, vector<16xf32>, vector<16xf32>, vector<16xf32>, vector<16xf32>, vector<16xf32>, vector<16xf32>, vector<16xf32>, vector<16xf32>, vector<16xf32>, vector<16xf32>, vector<16xf32>, vector<16xf32>, vector<16xf32>, vector<16xf32>, vector<16xf32>
        }
        %scan3A_1408 = arith.constant 100 : i32
        %swap3A_1409 = arith.constant 1 : i32
        %swap3A_1410 = arith.constant 0 : i32
        %swap3A_1411 = arith.index_cast %swap3A_1409 : i32 to index
        %swap3A_1412 = arith.index_cast %swap3A_1410 : i32 to index
        %swap3A_1413 = arith.constant 32 : index
        %swap3A_1414 = tpu.vector_load %arg7[%swap3A_1411, %swap3A_1412, %swap3A_1413] {strides = array<i32>} : memref<2x16x112xf32, #tpu.memory_space<vmem>>, vector<16xf32>,
        tpu.vector_store %arg7[%swap3A_1411, %swap3A_1412, %swap3A_1413], %scan3A_1407#0 {strides = array<i32>} : memref<2x16x112xf32, #tpu.memory_space<vmem>>, vector<16xf32>,
        %swap3A_1415 = arith.constant 1 : i32
        %swap3A_1416 = arith.constant 1 : i32
        %swap3A_1417 = arith.index_cast %swap3A_1415 : i32 to index
        %swap3A_1418 = arith.index_cast %swap3A_1416 : i32 to index
        %swap3A_1419 = arith.constant 32 : index
        %swap3A_1420 = tpu.vector_load %arg7[%swap3A_1417, %swap3A_1418, %swap3A_1419] {strides = array<i32>} : memref<2x16x112xf32, #tpu.memory_space<vmem>>, vector<16xf32>,
        tpu.vector_store %arg7[%swap3A_1417, %swap3A_1418, %swap3A_1419], %scan3A_1407#1 {strides = array<i32>} : memref<2x16x112xf32, #tpu.memory_space<vmem>>, vector<16xf32>,
        %swap3A_1421 = arith.constant 1 : i32
        %swap3A_1422 = arith.constant 2 : i32
        %swap3A_1423 = arith.index_cast %swap3A_1421 : i32 to index
        %swap3A_1424 = arith.index_cast %swap3A_1422 : i32 to index
        %swap3A_1425 = arith.constant 32 : index
        %swap3A_1426 = tpu.vector_load %arg7[%swap3A_1423, %swap3A_1424, %swap3A_1425] {strides = array<i32>} : memref<2x16x112xf32, #tpu.memory_space<vmem>>, vector<16xf32>,
        tpu.vector_store %arg7[%swap3A_1423, %swap3A_1424, %swap3A_1425], %scan3A_1407#2 {strides = array<i32>} : memref<2x16x112xf32, #tpu.memory_space<vmem>>, vector<16xf32>,
        %swap3A_1427 = arith.constant 1 : i32
        %swap3A_1428 = arith.constant 3 : i32
        %swap3A_1429 = arith.index_cast %swap3A_1427 : i32 to index
        %swap3A_1430 = arith.index_cast %swap3A_1428 : i32 to index
        %swap3A_1431 = arith.constant 32 : index
        %swap3A_1432 = tpu.vector_load %arg7[%swap3A_1429, %swap3A_1430, %swap3A_1431] {strides = array<i32>} : memref<2x16x112xf32, #tpu.memory_space<vmem>>, vector<16xf32>,
        tpu.vector_store %arg7[%swap3A_1429, %swap3A_1430, %swap3A_1431], %scan3A_1407#3 {strides = array<i32>} : memref<2x16x112xf32, #tpu.memory_space<vmem>>, vector<16xf32>,
        %swap3A_1433 = arith.constant 1 : i32
        %swap3A_1434 = arith.constant 4 : i32
        %swap3A_1435 = arith.index_cast %swap3A_1433 : i32 to index
        %swap3A_1436 = arith.index_cast %swap3A_1434 : i32 to index
        %swap3A_1437 = arith.constant 32 : index
        %swap3A_1438 = tpu.vector_load %arg7[%swap3A_1435, %swap3A_1436, %swap3A_1437] {strides = array<i32>} : memref<2x16x112xf32, #tpu.memory_space<vmem>>, vector<16xf32>,
        tpu.vector_store %arg7[%swap3A_1435, %swap3A_1436, %swap3A_1437], %scan3A_1407#4 {strides = array<i32>} : memref<2x16x112xf32, #tpu.memory_space<vmem>>, vector<16xf32>,
        %swap3A_1439 = arith.constant 1 : i32
        %swap3A_1440 = arith.constant 5 : i32
        %swap3A_1441 = arith.index_cast %swap3A_1439 : i32 to index
        %swap3A_1442 = arith.index_cast %swap3A_1440 : i32 to index
        %swap3A_1443 = arith.constant 32 : index
        %swap3A_1444 = tpu.vector_load %arg7[%swap3A_1441, %swap3A_1442, %swap3A_1443] {strides = array<i32>} : memref<2x16x112xf32, #tpu.memory_space<vmem>>, vector<16xf32>,
        tpu.vector_store %arg7[%swap3A_1441, %swap3A_1442, %swap3A_1443], %scan3A_1407#5 {strides = array<i32>} : memref<2x16x112xf32, #tpu.memory_space<vmem>>, vector<16xf32>,
        %swap3A_1445 = arith.constant 1 : i32
        %swap3A_1446 = arith.constant 6 : i32
        %swap3A_1447 = arith.index_cast %swap3A_1445 : i32 to index
        %swap3A_1448 = arith.index_cast %swap3A_1446 : i32 to index
        %swap3A_1449 = arith.constant 32 : index
        %swap3A_1450 = tpu.vector_load %arg7[%swap3A_1447, %swap3A_1448, %swap3A_1449] {strides = array<i32>} : memref<2x16x112xf32, #tpu.memory_space<vmem>>, vector<16xf32>,
        tpu.vector_store %arg7[%swap3A_1447, %swap3A_1448, %swap3A_1449], %scan3A_1407#6 {strides = array<i32>} : memref<2x16x112xf32, #tpu.memory_space<vmem>>, vector<16xf32>,
        %swap3A_1451 = arith.constant 1 : i32
        %swap3A_1452 = arith.constant 7 : i32
        %swap3A_1453 = arith.index_cast %swap3A_1451 : i32 to index
        %swap3A_1454 = arith.index_cast %swap3A_1452 : i32 to index
        %swap3A_1455 = arith.constant 32 : index
        %swap3A_1456 = tpu.vector_load %arg7[%swap3A_1453, %swap3A_1454, %swap3A_1455] {strides = array<i32>} : memref<2x16x112xf32, #tpu.memory_space<vmem>>, vector<16xf32>,
        tpu.vector_store %arg7[%swap3A_1453, %swap3A_1454, %swap3A_1455], %scan3A_1407#7 {strides = array<i32>} : memref<2x16x112xf32, #tpu.memory_space<vmem>>, vector<16xf32>,
        %swap3A_1457 = arith.constant 1 : i32
        %swap3A_1458 = arith.constant 8 : i32
        %swap3A_1459 = arith.index_cast %swap3A_1457 : i32 to index
        %swap3A_1460 = arith.index_cast %swap3A_1458 : i32 to index
        %swap3A_1461 = arith.constant 32 : index
        %swap3A_1462 = tpu.vector_load %arg7[%swap3A_1459, %swap3A_1460, %swap3A_1461] {strides = array<i32>} : memref<2x16x112xf32, #tpu.memory_space<vmem>>, vector<16xf32>,
        tpu.vector_store %arg7[%swap3A_1459, %swap3A_1460, %swap3A_1461], %scan3A_1407#8 {strides = array<i32>} : memref<2x16x112xf32, #tpu.memory_space<vmem>>, vector<16xf32>,
        %swap3A_1463 = arith.constant 1 : i32
        %swap3A_1464 = arith.constant 9 : i32
        %swap3A_1465 = arith.index_cast %swap3A_1463 : i32 to index
        %swap3A_1466 = arith.index_cast %swap3A_1464 : i32 to index
        %swap3A_1467 = arith.constant 32 : index
        %swap3A_1468 = tpu.vector_load %arg7[%swap3A_1465, %swap3A_1466, %swap3A_1467] {strides = array<i32>} : memref<2x16x112xf32, #tpu.memory_space<vmem>>, vector<16xf32>,
        tpu.vector_store %arg7[%swap3A_1465, %swap3A_1466, %swap3A_1467], %scan3A_1407#9 {strides = array<i32>} : memref<2x16x112xf32, #tpu.memory_space<vmem>>, vector<16xf32>,
        %swap3A_1469 = arith.constant 1 : i32
        %swap3A_1470 = arith.constant 10 : i32
        %swap3A_1471 = arith.index_cast %swap3A_1469 : i32 to index
        %swap3A_1472 = arith.index_cast %swap3A_1470 : i32 to index
        %swap3A_1473 = arith.constant 32 : index
        %swap3A_1474 = tpu.vector_load %arg7[%swap3A_1471, %swap3A_1472, %swap3A_1473] {strides = array<i32>} : memref<2x16x112xf32, #tpu.memory_space<vmem>>, vector<16xf32>,
        tpu.vector_store %arg7[%swap3A_1471, %swap3A_1472, %swap3A_1473], %scan3A_1407#10 {strides = array<i32>} : memref<2x16x112xf32, #tpu.memory_space<vmem>>, vector<16xf32>,
        %swap3A_1475 = arith.constant 1 : i32
        %swap3A_1476 = arith.constant 11 : i32
        %swap3A_1477 = arith.index_cast %swap3A_1475 : i32 to index
        %swap3A_1478 = arith.index_cast %swap3A_1476 : i32 to index
        %swap3A_1479 = arith.constant 32 : index
        %swap3A_1480 = tpu.vector_load %arg7[%swap3A_1477, %swap3A_1478, %swap3A_1479] {strides = array<i32>} : memref<2x16x112xf32, #tpu.memory_space<vmem>>, vector<16xf32>,
        tpu.vector_store %arg7[%swap3A_1477, %swap3A_1478, %swap3A_1479], %scan3A_1407#11 {strides = array<i32>} : memref<2x16x112xf32, #tpu.memory_space<vmem>>, vector<16xf32>,
        %swap3A_1481 = arith.constant 1 : i32
        %swap3A_1482 = arith.constant 12 : i32
        %swap3A_1483 = arith.index_cast %swap3A_1481 : i32 to index
        %swap3A_1484 = arith.index_cast %swap3A_1482 : i32 to index
        %swap3A_1485 = arith.constant 32 : index
        %swap3A_1486 = tpu.vector_load %arg7[%swap3A_1483, %swap3A_1484, %swap3A_1485] {strides = array<i32>} : memref<2x16x112xf32, #tpu.memory_space<vmem>>, vector<16xf32>,
        tpu.vector_store %arg7[%swap3A_1483, %swap3A_1484, %swap3A_1485], %scan3A_1407#12 {strides = array<i32>} : memref<2x16x112xf32, #tpu.memory_space<vmem>>, vector<16xf32>,
        %swap3A_1487 = arith.constant 1 : i32
        %swap3A_1488 = arith.constant 13 : i32
        %swap3A_1489 = arith.index_cast %swap3A_1487 : i32 to index
        %swap3A_1490 = arith.index_cast %swap3A_1488 : i32 to index
        %swap3A_1491 = arith.constant 32 : index
        %swap3A_1492 = tpu.vector_load %arg7[%swap3A_1489, %swap3A_1490, %swap3A_1491] {strides = array<i32>} : memref<2x16x112xf32, #tpu.memory_space<vmem>>, vector<16xf32>,
        tpu.vector_store %arg7[%swap3A_1489, %swap3A_1490, %swap3A_1491], %scan3A_1407#13 {strides = array<i32>} : memref<2x16x112xf32, #tpu.memory_space<vmem>>, vector<16xf32>,
        %swap3A_1493 = arith.constant 1 : i32
        %swap3A_1494 = arith.constant 14 : i32
        %swap3A_1495 = arith.index_cast %swap3A_1493 : i32 to index
        %swap3A_1496 = arith.index_cast %swap3A_1494 : i32 to index
        %swap3A_1497 = arith.constant 32 : index
        %swap3A_1498 = tpu.vector_load %arg7[%swap3A_1495, %swap3A_1496, %swap3A_1497] {strides = array<i32>} : memref<2x16x112xf32, #tpu.memory_space<vmem>>, vector<16xf32>,
        tpu.vector_store %arg7[%swap3A_1495, %swap3A_1496, %swap3A_1497], %scan3A_1407#14 {strides = array<i32>} : memref<2x16x112xf32, #tpu.memory_space<vmem>>, vector<16xf32>,
        %swap3A_1499 = arith.constant 1 : i32
        %swap3A_1500 = arith.constant 15 : i32
        %swap3A_1501 = arith.index_cast %swap3A_1499 : i32 to index
        %swap3A_1502 = arith.index_cast %swap3A_1500 : i32 to index
        %swap3A_1503 = arith.constant 32 : index
        %swap3A_1504 = tpu.vector_load %arg7[%swap3A_1501, %swap3A_1502, %swap3A_1503] {strides = array<i32>} : memref<2x16x112xf32, #tpu.memory_space<vmem>>, vector<16xf32>,
        tpu.vector_store %arg7[%swap3A_1501, %swap3A_1502, %swap3A_1503], %scan3A_1407#15 {strides = array<i32>} : memref<2x16x112xf32, #tpu.memory_space<vmem>>, vector<16xf32>,
        %broadcast_in_dim3A_1505 = arith.constant 0.000000e+00 : f32
        %broadcast_in_dim3A_1506 = vector.broadcast %broadcast_in_dim3A_1505 : f32 to vector<16xf32>
        %broadcast_in_dim3A_1507 = arith.constant 0.000000e+00 : f32
        %broadcast_in_dim3A_1508 = vector.broadcast %broadcast_in_dim3A_1507 : f32 to vector<16xf32>
        %broadcast_in_dim3A_1509 = arith.constant 0.000000e+00 : f32
        %broadcast_in_dim3A_1510 = vector.broadcast %broadcast_in_dim3A_1509 : f32 to vector<16xf32>
        %broadcast_in_dim3A_1511 = arith.constant 0.000000e+00 : f32
        %broadcast_in_dim3A_1512 = vector.broadcast %broadcast_in_dim3A_1511 : f32 to vector<16xf32>
        %broadcast_in_dim3A_1513 = arith.constant 0.000000e+00 : f32
        %broadcast_in_dim3A_1514 = vector.broadcast %broadcast_in_dim3A_1513 : f32 to vector<16xf32>
        %broadcast_in_dim3A_1515 = arith.constant 0.000000e+00 : f32
        %broadcast_in_dim3A_1516 = vector.broadcast %broadcast_in_dim3A_1515 : f32 to vector<16xf32>
        %broadcast_in_dim3A_1517 = arith.constant 0.000000e+00 : f32
        %broadcast_in_dim3A_1518 = vector.broadcast %broadcast_in_dim3A_1517 : f32 to vector<16xf32>
        %broadcast_in_dim3A_1519 = arith.constant 0.000000e+00 : f32
        %broadcast_in_dim3A_1520 = vector.broadcast %broadcast_in_dim3A_1519 : f32 to vector<16xf32>
        %broadcast_in_dim3A_1521 = arith.constant 0.000000e+00 : f32
        %broadcast_in_dim3A_1522 = vector.broadcast %broadcast_in_dim3A_1521 : f32 to vector<16xf32>
        %broadcast_in_dim3A_1523 = arith.constant 0.000000e+00 : f32
        %broadcast_in_dim3A_1524 = vector.broadcast %broadcast_in_dim3A_1523 : f32 to vector<16xf32>
        %broadcast_in_dim3A_1525 = arith.constant 0.000000e+00 : f32
        %broadcast_in_dim3A_1526 = vector.broadcast %broadcast_in_dim3A_1525 : f32 to vector<16xf32>
        %broadcast_in_dim3A_1527 = arith.constant 0.000000e+00 : f32
        %broadcast_in_dim3A_1528 = vector.broadcast %broadcast_in_dim3A_1527 : f32 to vector<16xf32>
        %broadcast_in_dim3A_1529 = arith.constant 0.000000e+00 : f32
        %broadcast_in_dim3A_1530 = vector.broadcast %broadcast_in_dim3A_1529 : f32 to vector<16xf32>
        %broadcast_in_dim3A_1531 = arith.constant 0.000000e+00 : f32
        %broadcast_in_dim3A_1532 = vector.broadcast %broadcast_in_dim3A_1531 : f32 to vector<16xf32>
        %broadcast_in_dim3A_1533 = arith.constant 0.000000e+00 : f32
        %broadcast_in_dim3A_1534 = vector.broadcast %broadcast_in_dim3A_1533 : f32 to vector<16xf32>
        %broadcast_in_dim3A_1535 = arith.constant 0.000000e+00 : f32
        %broadcast_in_dim3A_1536 = vector.broadcast %broadcast_in_dim3A_1535 : f32 to vector<16xf32>
        %scan3A_1537 = arith.constant 0 : i32
        %scan3A_1538 = arith.constant 100 : i32
        %scan3A_1539 = arith.addi %scan3A_1537, %scan3A_1538 : i32
        %scan3A_1540 = arith.constant 1 : i32
        %scan3A_1541:16 = scf.for %scan3A_2061 = %scan3A_1537 to %scan3A_1539 step %scan3A_1540 iter_args(%scan3A_2062 = %broadcast_in_dim3A_1506, %scan3A_2063 = %broadcast_in_dim3A_1508, %scan3A_2064 = %broadcast_in_dim3A_1510, %scan3A_2065 = %broadcast_in_dim3A_1512, %scan3A_2066 = %broadcast_in_dim3A_1514, %scan3A_2067 = %broadcast_in_dim3A_1516, %scan3A_2068 = %broadcast_in_dim3A_1518, %scan3A_2069 = %broadcast_in_dim3A_1520, %scan3A_2070 = %broadcast_in_dim3A_1522, %scan3A_2071 = %broadcast_in_dim3A_1524, %scan3A_2072 = %broadcast_in_dim3A_1526, %scan3A_2073 = %broadcast_in_dim3A_1528, %scan3A_2074 = %broadcast_in_dim3A_1530, %scan3A_2075 = %broadcast_in_dim3A_1532, %scan3A_2076 = %broadcast_in_dim3A_1534, %scan3A_2077 = %broadcast_in_dim3A_1536) -> (vector<16xf32>, vector<16xf32>, vector<16xf32>, vector<16xf32>, vector<16xf32>, vector<16xf32>, vector<16xf32>, vector<16xf32>, vector<16xf32>, vector<16xf32>, vector<16xf32>, vector<16xf32>, vector<16xf32>, vector<16xf32>, vector<16xf32>, vector<16xf32>)  : i32 {
          %mul3A_2078 = arith.constant 1 : i32
          %mul3A_2079 = arith.muli %scan3A_2061, %mul3A_2078 : i32
          %add3A_2080 = arith.constant 0 : i32
          %add3A_2081 = arith.addi %add3A_2080, %mul3A_2079 : i32
          %get3A = arith.constant 1 : i32
          %get3A_2082 = arith.constant 3 : i32
          %get3A_2083 = arith.index_cast %get3A : i32 to index
          %get3A_2084 = arith.index_cast %get3A_2082 : i32 to index
          %get3A_2085 = arith.index_cast %add3A_2081 : i32 to index
          %get3A_2086 = arith.constant 0 : index
          %get3A_2087 = tpu.vector_load %arg6[%get3A_2083, %get3A_2084, %get3A_2085, %get3A_2086] {strides = array<i32>} : memref<2x7x100x16xi32, #tpu.memory_space<vmem>>, vector<16xi32>,
          %mul3A_2088 = arith.constant 100 : i32
          %mul3A_2089 = arith.muli %add3A_2081, %mul3A_2088 : i32
          %add3A_2090 = vector.broadcast %mul3A_2089 : i32 to vector<16xi32>
          %add3A_2091 = arith.addi %get3A_2087, %add3A_2090 : vector<16xi32>
          %broadcast_in_dim3A_2092 = arith.constant 0 : i32
          %broadcast_in_dim3A_2093 = vector.broadcast %broadcast_in_dim3A_2092 : i32 to vector<16xi32>
          %gather3A = tpu.vector_load_idx %arg5[%broadcast_in_dim3A_2093, %add3A_2091] : memref<8x10000xi32, #tpu.memory_space<vmem>>[vector<16xi32>, vector<16xi32>], vector<16xi32>,
          %shift_left3A = arith.constant 16 : i32
          %shift_left3A_2094 = vector.broadcast %shift_left3A : i32 to vector<16xi32>
          %shift_left3A_2095 = arith.shli %gather3A, %shift_left3A_2094 : vector<16xi32>
          %bitcast3A = vector.bitcast %shift_left3A_2095 : vector<16xi32> to vector<16xf32>
          %bitcast3A_2096 = vector.bitcast %gather3A : vector<16xi32> to vector<16xf32>
          %add3A_2097 = arith.addf %scan3A_2062, %bitcast3A : vector<16xf32>
          %add3A_2098 = arith.addf %scan3A_2063, %bitcast3A_2096 : vector<16xf32>
          %broadcast_in_dim3A_2099 = arith.constant 1 : i32
          %broadcast_in_dim3A_2100 = vector.broadcast %broadcast_in_dim3A_2099 : i32 to vector<16xi32>
          %gather3A_2101 = tpu.vector_load_idx %arg5[%broadcast_in_dim3A_2100, %add3A_2091] : memref<8x10000xi32, #tpu.memory_space<vmem>>[vector<16xi32>, vector<16xi32>], vector<16xi32>,
          %shift_left3A_2102 = arith.constant 16 : i32
          %shift_left3A_2103 = vector.broadcast %shift_left3A_2102 : i32 to vector<16xi32>
          %shift_left3A_2104 = arith.shli %gather3A_2101, %shift_left3A_2103 : vector<16xi32>
          %bitcast3A_2105 = vector.bitcast %shift_left3A_2104 : vector<16xi32> to vector<16xf32>
          %bitcast3A_2106 = vector.bitcast %gather3A_2101 : vector<16xi32> to vector<16xf32>
          %add3A_2107 = arith.addf %scan3A_2064, %bitcast3A_2105 : vector<16xf32>
          %add3A_2108 = arith.addf %scan3A_2065, %bitcast3A_2106 : vector<16xf32>
          %broadcast_in_dim3A_2109 = arith.constant 2 : i32
          %broadcast_in_dim3A_2110 = vector.broadcast %broadcast_in_dim3A_2109 : i32 to vector<16xi32>
          %gather3A_2111 = tpu.vector_load_idx %arg5[%broadcast_in_dim3A_2110, %add3A_2091] : memref<8x10000xi32, #tpu.memory_space<vmem>>[vector<16xi32>, vector<16xi32>], vector<16xi32>,
          %shift_left3A_2112 = arith.constant 16 : i32
          %shift_left3A_2113 = vector.broadcast %shift_left3A_2112 : i32 to vector<16xi32>
          %shift_left3A_2114 = arith.shli %gather3A_2111, %shift_left3A_2113 : vector<16xi32>
          %bitcast3A_2115 = vector.bitcast %shift_left3A_2114 : vector<16xi32> to vector<16xf32>
          %bitcast3A_2116 = vector.bitcast %gather3A_2111 : vector<16xi32> to vector<16xf32>
          %add3A_2117 = arith.addf %scan3A_2066, %bitcast3A_2115 : vector<16xf32>
          %add3A_2118 = arith.addf %scan3A_2067, %bitcast3A_2116 : vector<16xf32>
          %broadcast_in_dim3A_2119 = arith.constant 3 : i32
          %broadcast_in_dim3A_2120 = vector.broadcast %broadcast_in_dim3A_2119 : i32 to vector<16xi32>
          %gather3A_2121 = tpu.vector_load_idx %arg5[%broadcast_in_dim3A_2120, %add3A_2091] : memref<8x10000xi32, #tpu.memory_space<vmem>>[vector<16xi32>, vector<16xi32>], vector<16xi32>,
          %shift_left3A_2122 = arith.constant 16 : i32
          %shift_left3A_2123 = vector.broadcast %shift_left3A_2122 : i32 to vector<16xi32>
          %shift_left3A_2124 = arith.shli %gather3A_2121, %shift_left3A_2123 : vector<16xi32>
          %bitcast3A_2125 = vector.bitcast %shift_left3A_2124 : vector<16xi32> to vector<16xf32>
          %bitcast3A_2126 = vector.bitcast %gather3A_2121 : vector<16xi32> to vector<16xf32>
          %add3A_2127 = arith.addf %scan3A_2068, %bitcast3A_2125 : vector<16xf32>
          %add3A_2128 = arith.addf %scan3A_2069, %bitcast3A_2126 : vector<16xf32>
          %broadcast_in_dim3A_2129 = arith.constant 4 : i32
          %broadcast_in_dim3A_2130 = vector.broadcast %broadcast_in_dim3A_2129 : i32 to vector<16xi32>
          %gather3A_2131 = tpu.vector_load_idx %arg5[%broadcast_in_dim3A_2130, %add3A_2091] : memref<8x10000xi32, #tpu.memory_space<vmem>>[vector<16xi32>, vector<16xi32>], vector<16xi32>,
          %shift_left3A_2132 = arith.constant 16 : i32
          %shift_left3A_2133 = vector.broadcast %shift_left3A_2132 : i32 to vector<16xi32>
          %shift_left3A_2134 = arith.shli %gather3A_2131, %shift_left3A_2133 : vector<16xi32>
          %bitcast3A_2135 = vector.bitcast %shift_left3A_2134 : vector<16xi32> to vector<16xf32>
          %bitcast3A_2136 = vector.bitcast %gather3A_2131 : vector<16xi32> to vector<16xf32>
          %add3A_2137 = arith.addf %scan3A_2070, %bitcast3A_2135 : vector<16xf32>
          %add3A_2138 = arith.addf %scan3A_2071, %bitcast3A_2136 : vector<16xf32>
          %broadcast_in_dim3A_2139 = arith.constant 5 : i32
          %broadcast_in_dim3A_2140 = vector.broadcast %broadcast_in_dim3A_2139 : i32 to vector<16xi32>
          %gather3A_2141 = tpu.vector_load_idx %arg5[%broadcast_in_dim3A_2140, %add3A_2091] : memref<8x10000xi32, #tpu.memory_space<vmem>>[vector<16xi32>, vector<16xi32>], vector<16xi32>,
          %shift_left3A_2142 = arith.constant 16 : i32
          %shift_left3A_2143 = vector.broadcast %shift_left3A_2142 : i32 to vector<16xi32>
          %shift_left3A_2144 = arith.shli %gather3A_2141, %shift_left3A_2143 : vector<16xi32>
          %bitcast3A_2145 = vector.bitcast %shift_left3A_2144 : vector<16xi32> to vector<16xf32>
          %bitcast3A_2146 = vector.bitcast %gather3A_2141 : vector<16xi32> to vector<16xf32>
          %add3A_2147 = arith.addf %scan3A_2072, %bitcast3A_2145 : vector<16xf32>
          %add3A_2148 = arith.addf %scan3A_2073, %bitcast3A_2146 : vector<16xf32>
          %broadcast_in_dim3A_2149 = arith.constant 6 : i32
          %broadcast_in_dim3A_2150 = vector.broadcast %broadcast_in_dim3A_2149 : i32 to vector<16xi32>
          %gather3A_2151 = tpu.vector_load_idx %arg5[%broadcast_in_dim3A_2150, %add3A_2091] : memref<8x10000xi32, #tpu.memory_space<vmem>>[vector<16xi32>, vector<16xi32>], vector<16xi32>,
          %shift_left3A_2152 = arith.constant 16 : i32
          %shift_left3A_2153 = vector.broadcast %shift_left3A_2152 : i32 to vector<16xi32>
          %shift_left3A_2154 = arith.shli %gather3A_2151, %shift_left3A_2153 : vector<16xi32>
          %bitcast3A_2155 = vector.bitcast %shift_left3A_2154 : vector<16xi32> to vector<16xf32>
          %bitcast3A_2156 = vector.bitcast %gather3A_2151 : vector<16xi32> to vector<16xf32>
          %add3A_2157 = arith.addf %scan3A_2074, %bitcast3A_2155 : vector<16xf32>
          %add3A_2158 = arith.addf %scan3A_2075, %bitcast3A_2156 : vector<16xf32>
          %broadcast_in_dim3A_2159 = arith.constant 7 : i32
          %broadcast_in_dim3A_2160 = vector.broadcast %broadcast_in_dim3A_2159 : i32 to vector<16xi32>
          %gather3A_2161 = tpu.vector_load_idx %arg5[%broadcast_in_dim3A_2160, %add3A_2091] : memref<8x10000xi32, #tpu.memory_space<vmem>>[vector<16xi32>, vector<16xi32>], vector<16xi32>,
          %shift_left3A_2162 = arith.constant 16 : i32
          %shift_left3A_2163 = vector.broadcast %shift_left3A_2162 : i32 to vector<16xi32>
          %shift_left3A_2164 = arith.shli %gather3A_2161, %shift_left3A_2163 : vector<16xi32>
          %bitcast3A_2165 = vector.bitcast %shift_left3A_2164 : vector<16xi32> to vector<16xf32>
          %bitcast3A_2166 = vector.bitcast %gather3A_2161 : vector<16xi32> to vector<16xf32>
          %add3A_2167 = arith.addf %scan3A_2076, %bitcast3A_2165 : vector<16xf32>
          %add3A_2168 = arith.addf %scan3A_2077, %bitcast3A_2166 : vector<16xf32>
          scf.yield %add3A_2097, %add3A_2098, %add3A_2107, %add3A_2108, %add3A_2117, %add3A_2118, %add3A_2127, %add3A_2128, %add3A_2137, %add3A_2138, %add3A_2147, %add3A_2148, %add3A_2157, %add3A_2158, %add3A_2167, %add3A_2168 : vector<16xf32>, vector<16xf32>, vector<16xf32>, vector<16xf32>, vector<16xf32>, vector<16xf32>, vector<16xf32>, vector<16xf32>, vector<16xf32>, vector<16xf32>, vector<16xf32>, vector<16xf32>, vector<16xf32>, vector<16xf32>, vector<16xf32>, vector<16xf32>
        }
        %scan3A_1542 = arith.constant 100 : i32
        %swap3A_1543 = arith.constant 1 : i32
        %swap3A_1544 = arith.constant 0 : i32
        %swap3A_1545 = arith.index_cast %swap3A_1543 : i32 to index
        %swap3A_1546 = arith.index_cast %swap3A_1544 : i32 to index
        %swap3A_1547 = arith.constant 48 : index
        %swap3A_1548 = tpu.vector_load %arg7[%swap3A_1545, %swap3A_1546, %swap3A_1547] {strides = array<i32>} : memref<2x16x112xf32, #tpu.memory_space<vmem>>, vector<16xf32>,
        tpu.vector_store %arg7[%swap3A_1545, %swap3A_1546, %swap3A_1547], %scan3A_1541#0 {strides = array<i32>} : memref<2x16x112xf32, #tpu.memory_space<vmem>>, vector<16xf32>,
        %swap3A_1549 = arith.constant 1 : i32
        %swap3A_1550 = arith.constant 1 : i32
        %swap3A_1551 = arith.index_cast %swap3A_1549 : i32 to index
        %swap3A_1552 = arith.index_cast %swap3A_1550 : i32 to index
        %swap3A_1553 = arith.constant 48 : index
        %swap3A_1554 = tpu.vector_load %arg7[%swap3A_1551, %swap3A_1552, %swap3A_1553] {strides = array<i32>} : memref<2x16x112xf32, #tpu.memory_space<vmem>>, vector<16xf32>,
        tpu.vector_store %arg7[%swap3A_1551, %swap3A_1552, %swap3A_1553], %scan3A_1541#1 {strides = array<i32>} : memref<2x16x112xf32, #tpu.memory_space<vmem>>, vector<16xf32>,
        %swap3A_1555 = arith.constant 1 : i32
        %swap3A_1556 = arith.constant 2 : i32
        %swap3A_1557 = arith.index_cast %swap3A_1555 : i32 to index
        %swap3A_1558 = arith.index_cast %swap3A_1556 : i32 to index
        %swap3A_1559 = arith.constant 48 : index
        %swap3A_1560 = tpu.vector_load %arg7[%swap3A_1557, %swap3A_1558, %swap3A_1559] {strides = array<i32>} : memref<2x16x112xf32, #tpu.memory_space<vmem>>, vector<16xf32>,
        tpu.vector_store %arg7[%swap3A_1557, %swap3A_1558, %swap3A_1559], %scan3A_1541#2 {strides = array<i32>} : memref<2x16x112xf32, #tpu.memory_space<vmem>>, vector<16xf32>,
        %swap3A_1561 = arith.constant 1 : i32
        %swap3A_1562 = arith.constant 3 : i32
        %swap3A_1563 = arith.index_cast %swap3A_1561 : i32 to index
        %swap3A_1564 = arith.index_cast %swap3A_1562 : i32 to index
        %swap3A_1565 = arith.constant 48 : index
        %swap3A_1566 = tpu.vector_load %arg7[%swap3A_1563, %swap3A_1564, %swap3A_1565] {strides = array<i32>} : memref<2x16x112xf32, #tpu.memory_space<vmem>>, vector<16xf32>,
        tpu.vector_store %arg7[%swap3A_1563, %swap3A_1564, %swap3A_1565], %scan3A_1541#3 {strides = array<i32>} : memref<2x16x112xf32, #tpu.memory_space<vmem>>, vector<16xf32>,
        %swap3A_1567 = arith.constant 1 : i32
        %swap3A_1568 = arith.constant 4 : i32
        %swap3A_1569 = arith.index_cast %swap3A_1567 : i32 to index
        %swap3A_1570 = arith.index_cast %swap3A_1568 : i32 to index
        %swap3A_1571 = arith.constant 48 : index
        %swap3A_1572 = tpu.vector_load %arg7[%swap3A_1569, %swap3A_1570, %swap3A_1571] {strides = array<i32>} : memref<2x16x112xf32, #tpu.memory_space<vmem>>, vector<16xf32>,
        tpu.vector_store %arg7[%swap3A_1569, %swap3A_1570, %swap3A_1571], %scan3A_1541#4 {strides = array<i32>} : memref<2x16x112xf32, #tpu.memory_space<vmem>>, vector<16xf32>,
        %swap3A_1573 = arith.constant 1 : i32
        %swap3A_1574 = arith.constant 5 : i32
        %swap3A_1575 = arith.index_cast %swap3A_1573 : i32 to index
        %swap3A_1576 = arith.index_cast %swap3A_1574 : i32 to index
        %swap3A_1577 = arith.constant 48 : index
        %swap3A_1578 = tpu.vector_load %arg7[%swap3A_1575, %swap3A_1576, %swap3A_1577] {strides = array<i32>} : memref<2x16x112xf32, #tpu.memory_space<vmem>>, vector<16xf32>,
        tpu.vector_store %arg7[%swap3A_1575, %swap3A_1576, %swap3A_1577], %scan3A_1541#5 {strides = array<i32>} : memref<2x16x112xf32, #tpu.memory_space<vmem>>, vector<16xf32>,
        %swap3A_1579 = arith.constant 1 : i32
        %swap3A_1580 = arith.constant 6 : i32
        %swap3A_1581 = arith.index_cast %swap3A_1579 : i32 to index
        %swap3A_1582 = arith.index_cast %swap3A_1580 : i32 to index
        %swap3A_1583 = arith.constant 48 : index
        %swap3A_1584 = tpu.vector_load %arg7[%swap3A_1581, %swap3A_1582, %swap3A_1583] {strides = array<i32>} : memref<2x16x112xf32, #tpu.memory_space<vmem>>, vector<16xf32>,
        tpu.vector_store %arg7[%swap3A_1581, %swap3A_1582, %swap3A_1583], %scan3A_1541#6 {strides = array<i32>} : memref<2x16x112xf32, #tpu.memory_space<vmem>>, vector<16xf32>,
        %swap3A_1585 = arith.constant 1 : i32
        %swap3A_1586 = arith.constant 7 : i32
        %swap3A_1587 = arith.index_cast %swap3A_1585 : i32 to index
        %swap3A_1588 = arith.index_cast %swap3A_1586 : i32 to index
        %swap3A_1589 = arith.constant 48 : index
        %swap3A_1590 = tpu.vector_load %arg7[%swap3A_1587, %swap3A_1588, %swap3A_1589] {strides = array<i32>} : memref<2x16x112xf32, #tpu.memory_space<vmem>>, vector<16xf32>,
        tpu.vector_store %arg7[%swap3A_1587, %swap3A_1588, %swap3A_1589], %scan3A_1541#7 {strides = array<i32>} : memref<2x16x112xf32, #tpu.memory_space<vmem>>, vector<16xf32>,
        %swap3A_1591 = arith.constant 1 : i32
        %swap3A_1592 = arith.constant 8 : i32
        %swap3A_1593 = arith.index_cast %swap3A_1591 : i32 to index
        %swap3A_1594 = arith.index_cast %swap3A_1592 : i32 to index
        %swap3A_1595 = arith.constant 48 : index
        %swap3A_1596 = tpu.vector_load %arg7[%swap3A_1593, %swap3A_1594, %swap3A_1595] {strides = array<i32>} : memref<2x16x112xf32, #tpu.memory_space<vmem>>, vector<16xf32>,
        tpu.vector_store %arg7[%swap3A_1593, %swap3A_1594, %swap3A_1595], %scan3A_1541#8 {strides = array<i32>} : memref<2x16x112xf32, #tpu.memory_space<vmem>>, vector<16xf32>,
        %swap3A_1597 = arith.constant 1 : i32
        %swap3A_1598 = arith.constant 9 : i32
        %swap3A_1599 = arith.index_cast %swap3A_1597 : i32 to index
        %swap3A_1600 = arith.index_cast %swap3A_1598 : i32 to index
        %swap3A_1601 = arith.constant 48 : index
        %swap3A_1602 = tpu.vector_load %arg7[%swap3A_1599, %swap3A_1600, %swap3A_1601] {strides = array<i32>} : memref<2x16x112xf32, #tpu.memory_space<vmem>>, vector<16xf32>,
        tpu.vector_store %arg7[%swap3A_1599, %swap3A_1600, %swap3A_1601], %scan3A_1541#9 {strides = array<i32>} : memref<2x16x112xf32, #tpu.memory_space<vmem>>, vector<16xf32>,
        %swap3A_1603 = arith.constant 1 : i32
        %swap3A_1604 = arith.constant 10 : i32
        %swap3A_1605 = arith.index_cast %swap3A_1603 : i32 to index
        %swap3A_1606 = arith.index_cast %swap3A_1604 : i32 to index
        %swap3A_1607 = arith.constant 48 : index
        %swap3A_1608 = tpu.vector_load %arg7[%swap3A_1605, %swap3A_1606, %swap3A_1607] {strides = array<i32>} : memref<2x16x112xf32, #tpu.memory_space<vmem>>, vector<16xf32>,
        tpu.vector_store %arg7[%swap3A_1605, %swap3A_1606, %swap3A_1607], %scan3A_1541#10 {strides = array<i32>} : memref<2x16x112xf32, #tpu.memory_space<vmem>>, vector<16xf32>,
        %swap3A_1609 = arith.constant 1 : i32
        %swap3A_1610 = arith.constant 11 : i32
        %swap3A_1611 = arith.index_cast %swap3A_1609 : i32 to index
        %swap3A_1612 = arith.index_cast %swap3A_1610 : i32 to index
        %swap3A_1613 = arith.constant 48 : index
        %swap3A_1614 = tpu.vector_load %arg7[%swap3A_1611, %swap3A_1612, %swap3A_1613] {strides = array<i32>} : memref<2x16x112xf32, #tpu.memory_space<vmem>>, vector<16xf32>,
        tpu.vector_store %arg7[%swap3A_1611, %swap3A_1612, %swap3A_1613], %scan3A_1541#11 {strides = array<i32>} : memref<2x16x112xf32, #tpu.memory_space<vmem>>, vector<16xf32>,
        %swap3A_1615 = arith.constant 1 : i32
        %swap3A_1616 = arith.constant 12 : i32
        %swap3A_1617 = arith.index_cast %swap3A_1615 : i32 to index
        %swap3A_1618 = arith.index_cast %swap3A_1616 : i32 to index
        %swap3A_1619 = arith.constant 48 : index
        %swap3A_1620 = tpu.vector_load %arg7[%swap3A_1617, %swap3A_1618, %swap3A_1619] {strides = array<i32>} : memref<2x16x112xf32, #tpu.memory_space<vmem>>, vector<16xf32>,
        tpu.vector_store %arg7[%swap3A_1617, %swap3A_1618, %swap3A_1619], %scan3A_1541#12 {strides = array<i32>} : memref<2x16x112xf32, #tpu.memory_space<vmem>>, vector<16xf32>,
        %swap3A_1621 = arith.constant 1 : i32
        %swap3A_1622 = arith.constant 13 : i32
        %swap3A_1623 = arith.index_cast %swap3A_1621 : i32 to index
        %swap3A_1624 = arith.index_cast %swap3A_1622 : i32 to index
        %swap3A_1625 = arith.constant 48 : index
        %swap3A_1626 = tpu.vector_load %arg7[%swap3A_1623, %swap3A_1624, %swap3A_1625] {strides = array<i32>} : memref<2x16x112xf32, #tpu.memory_space<vmem>>, vector<16xf32>,
        tpu.vector_store %arg7[%swap3A_1623, %swap3A_1624, %swap3A_1625], %scan3A_1541#13 {strides = array<i32>} : memref<2x16x112xf32, #tpu.memory_space<vmem>>, vector<16xf32>,
        %swap3A_1627 = arith.constant 1 : i32
        %swap3A_1628 = arith.constant 14 : i32
        %swap3A_1629 = arith.index_cast %swap3A_1627 : i32 to index
        %swap3A_1630 = arith.index_cast %swap3A_1628 : i32 to index
        %swap3A_1631 = arith.constant 48 : index
        %swap3A_1632 = tpu.vector_load %arg7[%swap3A_1629, %swap3A_1630, %swap3A_1631] {strides = array<i32>} : memref<2x16x112xf32, #tpu.memory_space<vmem>>, vector<16xf32>,
        tpu.vector_store %arg7[%swap3A_1629, %swap3A_1630, %swap3A_1631], %scan3A_1541#14 {strides = array<i32>} : memref<2x16x112xf32, #tpu.memory_space<vmem>>, vector<16xf32>,
        %swap3A_1633 = arith.constant 1 : i32
        %swap3A_1634 = arith.constant 15 : i32
        %swap3A_1635 = arith.index_cast %swap3A_1633 : i32 to index
        %swap3A_1636 = arith.index_cast %swap3A_1634 : i32 to index
        %swap3A_1637 = arith.constant 48 : index
        %swap3A_1638 = tpu.vector_load %arg7[%swap3A_1635, %swap3A_1636, %swap3A_1637] {strides = array<i32>} : memref<2x16x112xf32, #tpu.memory_space<vmem>>, vector<16xf32>,
        tpu.vector_store %arg7[%swap3A_1635, %swap3A_1636, %swap3A_1637], %scan3A_1541#15 {strides = array<i32>} : memref<2x16x112xf32, #tpu.memory_space<vmem>>, vector<16xf32>,
        %broadcast_in_dim3A_1639 = arith.constant 0.000000e+00 : f32
        %broadcast_in_dim3A_1640 = vector.broadcast %broadcast_in_dim3A_1639 : f32 to vector<16xf32>
        %broadcast_in_dim3A_1641 = arith.constant 0.000000e+00 : f32
        %broadcast_in_dim3A_1642 = vector.broadcast %broadcast_in_dim3A_1641 : f32 to vector<16xf32>
        %broadcast_in_dim3A_1643 = arith.constant 0.000000e+00 : f32
        %broadcast_in_dim3A_1644 = vector.broadcast %broadcast_in_dim3A_1643 : f32 to vector<16xf32>
        %broadcast_in_dim3A_1645 = arith.constant 0.000000e+00 : f32
        %broadcast_in_dim3A_1646 = vector.broadcast %broadcast_in_dim3A_1645 : f32 to vector<16xf32>
        %broadcast_in_dim3A_1647 = arith.constant 0.000000e+00 : f32
        %broadcast_in_dim3A_1648 = vector.broadcast %broadcast_in_dim3A_1647 : f32 to vector<16xf32>
        %broadcast_in_dim3A_1649 = arith.constant 0.000000e+00 : f32
        %broadcast_in_dim3A_1650 = vector.broadcast %broadcast_in_dim3A_1649 : f32 to vector<16xf32>
        %broadcast_in_dim3A_1651 = arith.constant 0.000000e+00 : f32
        %broadcast_in_dim3A_1652 = vector.broadcast %broadcast_in_dim3A_1651 : f32 to vector<16xf32>
        %broadcast_in_dim3A_1653 = arith.constant 0.000000e+00 : f32
        %broadcast_in_dim3A_1654 = vector.broadcast %broadcast_in_dim3A_1653 : f32 to vector<16xf32>
        %broadcast_in_dim3A_1655 = arith.constant 0.000000e+00 : f32
        %broadcast_in_dim3A_1656 = vector.broadcast %broadcast_in_dim3A_1655 : f32 to vector<16xf32>
        %broadcast_in_dim3A_1657 = arith.constant 0.000000e+00 : f32
        %broadcast_in_dim3A_1658 = vector.broadcast %broadcast_in_dim3A_1657 : f32 to vector<16xf32>
        %broadcast_in_dim3A_1659 = arith.constant 0.000000e+00 : f32
        %broadcast_in_dim3A_1660 = vector.broadcast %broadcast_in_dim3A_1659 : f32 to vector<16xf32>
        %broadcast_in_dim3A_1661 = arith.constant 0.000000e+00 : f32
        %broadcast_in_dim3A_1662 = vector.broadcast %broadcast_in_dim3A_1661 : f32 to vector<16xf32>
        %broadcast_in_dim3A_1663 = arith.constant 0.000000e+00 : f32
        %broadcast_in_dim3A_1664 = vector.broadcast %broadcast_in_dim3A_1663 : f32 to vector<16xf32>
        %broadcast_in_dim3A_1665 = arith.constant 0.000000e+00 : f32
        %broadcast_in_dim3A_1666 = vector.broadcast %broadcast_in_dim3A_1665 : f32 to vector<16xf32>
        %broadcast_in_dim3A_1667 = arith.constant 0.000000e+00 : f32
        %broadcast_in_dim3A_1668 = vector.broadcast %broadcast_in_dim3A_1667 : f32 to vector<16xf32>
        %broadcast_in_dim3A_1669 = arith.constant 0.000000e+00 : f32
        %broadcast_in_dim3A_1670 = vector.broadcast %broadcast_in_dim3A_1669 : f32 to vector<16xf32>
        %scan3A_1671 = arith.constant 0 : i32
        %scan3A_1672 = arith.constant 100 : i32
        %scan3A_1673 = arith.addi %scan3A_1671, %scan3A_1672 : i32
        %scan3A_1674 = arith.constant 1 : i32
        %scan3A_1675:16 = scf.for %scan3A_2061 = %scan3A_1671 to %scan3A_1673 step %scan3A_1674 iter_args(%scan3A_2062 = %broadcast_in_dim3A_1640, %scan3A_2063 = %broadcast_in_dim3A_1642, %scan3A_2064 = %broadcast_in_dim3A_1644, %scan3A_2065 = %broadcast_in_dim3A_1646, %scan3A_2066 = %broadcast_in_dim3A_1648, %scan3A_2067 = %broadcast_in_dim3A_1650, %scan3A_2068 = %broadcast_in_dim3A_1652, %scan3A_2069 = %broadcast_in_dim3A_1654, %scan3A_2070 = %broadcast_in_dim3A_1656, %scan3A_2071 = %broadcast_in_dim3A_1658, %scan3A_2072 = %broadcast_in_dim3A_1660, %scan3A_2073 = %broadcast_in_dim3A_1662, %scan3A_2074 = %broadcast_in_dim3A_1664, %scan3A_2075 = %broadcast_in_dim3A_1666, %scan3A_2076 = %broadcast_in_dim3A_1668, %scan3A_2077 = %broadcast_in_dim3A_1670) -> (vector<16xf32>, vector<16xf32>, vector<16xf32>, vector<16xf32>, vector<16xf32>, vector<16xf32>, vector<16xf32>, vector<16xf32>, vector<16xf32>, vector<16xf32>, vector<16xf32>, vector<16xf32>, vector<16xf32>, vector<16xf32>, vector<16xf32>, vector<16xf32>)  : i32 {
          %mul3A_2078 = arith.constant 1 : i32
          %mul3A_2079 = arith.muli %scan3A_2061, %mul3A_2078 : i32
          %add3A_2080 = arith.constant 0 : i32
          %add3A_2081 = arith.addi %add3A_2080, %mul3A_2079 : i32
          %get3A = arith.constant 1 : i32
          %get3A_2082 = arith.constant 4 : i32
          %get3A_2083 = arith.index_cast %get3A : i32 to index
          %get3A_2084 = arith.index_cast %get3A_2082 : i32 to index
          %get3A_2085 = arith.index_cast %add3A_2081 : i32 to index
          %get3A_2086 = arith.constant 0 : index
          %get3A_2087 = tpu.vector_load %arg6[%get3A_2083, %get3A_2084, %get3A_2085, %get3A_2086] {strides = array<i32>} : memref<2x7x100x16xi32, #tpu.memory_space<vmem>>, vector<16xi32>,
          %mul3A_2088 = arith.constant 100 : i32
          %mul3A_2089 = arith.muli %add3A_2081, %mul3A_2088 : i32
          %add3A_2090 = vector.broadcast %mul3A_2089 : i32 to vector<16xi32>
          %add3A_2091 = arith.addi %get3A_2087, %add3A_2090 : vector<16xi32>
          %broadcast_in_dim3A_2092 = arith.constant 0 : i32
          %broadcast_in_dim3A_2093 = vector.broadcast %broadcast_in_dim3A_2092 : i32 to vector<16xi32>
          %gather3A = tpu.vector_load_idx %arg5[%broadcast_in_dim3A_2093, %add3A_2091] : memref<8x10000xi32, #tpu.memory_space<vmem>>[vector<16xi32>, vector<16xi32>], vector<16xi32>,
          %shift_left3A = arith.constant 16 : i32
          %shift_left3A_2094 = vector.broadcast %shift_left3A : i32 to vector<16xi32>
          %shift_left3A_2095 = arith.shli %gather3A, %shift_left3A_2094 : vector<16xi32>
          %bitcast3A = vector.bitcast %shift_left3A_2095 : vector<16xi32> to vector<16xf32>
          %bitcast3A_2096 = vector.bitcast %gather3A : vector<16xi32> to vector<16xf32>
          %add3A_2097 = arith.addf %scan3A_2062, %bitcast3A : vector<16xf32>
          %add3A_2098 = arith.addf %scan3A_2063, %bitcast3A_2096 : vector<16xf32>
          %broadcast_in_dim3A_2099 = arith.constant 1 : i32
          %broadcast_in_dim3A_2100 = vector.broadcast %broadcast_in_dim3A_2099 : i32 to vector<16xi32>
          %gather3A_2101 = tpu.vector_load_idx %arg5[%broadcast_in_dim3A_2100, %add3A_2091] : memref<8x10000xi32, #tpu.memory_space<vmem>>[vector<16xi32>, vector<16xi32>], vector<16xi32>,
          %shift_left3A_2102 = arith.constant 16 : i32
          %shift_left3A_2103 = vector.broadcast %shift_left3A_2102 : i32 to vector<16xi32>
          %shift_left3A_2104 = arith.shli %gather3A_2101, %shift_left3A_2103 : vector<16xi32>
          %bitcast3A_2105 = vector.bitcast %shift_left3A_2104 : vector<16xi32> to vector<16xf32>
          %bitcast3A_2106 = vector.bitcast %gather3A_2101 : vector<16xi32> to vector<16xf32>
          %add3A_2107 = arith.addf %scan3A_2064, %bitcast3A_2105 : vector<16xf32>
          %add3A_2108 = arith.addf %scan3A_2065, %bitcast3A_2106 : vector<16xf32>
          %broadcast_in_dim3A_2109 = arith.constant 2 : i32
          %broadcast_in_dim3A_2110 = vector.broadcast %broadcast_in_dim3A_2109 : i32 to vector<16xi32>
          %gather3A_2111 = tpu.vector_load_idx %arg5[%broadcast_in_dim3A_2110, %add3A_2091] : memref<8x10000xi32, #tpu.memory_space<vmem>>[vector<16xi32>, vector<16xi32>], vector<16xi32>,
          %shift_left3A_2112 = arith.constant 16 : i32
          %shift_left3A_2113 = vector.broadcast %shift_left3A_2112 : i32 to vector<16xi32>
          %shift_left3A_2114 = arith.shli %gather3A_2111, %shift_left3A_2113 : vector<16xi32>
          %bitcast3A_2115 = vector.bitcast %shift_left3A_2114 : vector<16xi32> to vector<16xf32>
          %bitcast3A_2116 = vector.bitcast %gather3A_2111 : vector<16xi32> to vector<16xf32>
          %add3A_2117 = arith.addf %scan3A_2066, %bitcast3A_2115 : vector<16xf32>
          %add3A_2118 = arith.addf %scan3A_2067, %bitcast3A_2116 : vector<16xf32>
          %broadcast_in_dim3A_2119 = arith.constant 3 : i32
          %broadcast_in_dim3A_2120 = vector.broadcast %broadcast_in_dim3A_2119 : i32 to vector<16xi32>
          %gather3A_2121 = tpu.vector_load_idx %arg5[%broadcast_in_dim3A_2120, %add3A_2091] : memref<8x10000xi32, #tpu.memory_space<vmem>>[vector<16xi32>, vector<16xi32>], vector<16xi32>,
          %shift_left3A_2122 = arith.constant 16 : i32
          %shift_left3A_2123 = vector.broadcast %shift_left3A_2122 : i32 to vector<16xi32>
          %shift_left3A_2124 = arith.shli %gather3A_2121, %shift_left3A_2123 : vector<16xi32>
          %bitcast3A_2125 = vector.bitcast %shift_left3A_2124 : vector<16xi32> to vector<16xf32>
          %bitcast3A_2126 = vector.bitcast %gather3A_2121 : vector<16xi32> to vector<16xf32>
          %add3A_2127 = arith.addf %scan3A_2068, %bitcast3A_2125 : vector<16xf32>
          %add3A_2128 = arith.addf %scan3A_2069, %bitcast3A_2126 : vector<16xf32>
          %broadcast_in_dim3A_2129 = arith.constant 4 : i32
          %broadcast_in_dim3A_2130 = vector.broadcast %broadcast_in_dim3A_2129 : i32 to vector<16xi32>
          %gather3A_2131 = tpu.vector_load_idx %arg5[%broadcast_in_dim3A_2130, %add3A_2091] : memref<8x10000xi32, #tpu.memory_space<vmem>>[vector<16xi32>, vector<16xi32>], vector<16xi32>,
          %shift_left3A_2132 = arith.constant 16 : i32
          %shift_left3A_2133 = vector.broadcast %shift_left3A_2132 : i32 to vector<16xi32>
          %shift_left3A_2134 = arith.shli %gather3A_2131, %shift_left3A_2133 : vector<16xi32>
          %bitcast3A_2135 = vector.bitcast %shift_left3A_2134 : vector<16xi32> to vector<16xf32>
          %bitcast3A_2136 = vector.bitcast %gather3A_2131 : vector<16xi32> to vector<16xf32>
          %add3A_2137 = arith.addf %scan3A_2070, %bitcast3A_2135 : vector<16xf32>
          %add3A_2138 = arith.addf %scan3A_2071, %bitcast3A_2136 : vector<16xf32>
          %broadcast_in_dim3A_2139 = arith.constant 5 : i32
          %broadcast_in_dim3A_2140 = vector.broadcast %broadcast_in_dim3A_2139 : i32 to vector<16xi32>
          %gather3A_2141 = tpu.vector_load_idx %arg5[%broadcast_in_dim3A_2140, %add3A_2091] : memref<8x10000xi32, #tpu.memory_space<vmem>>[vector<16xi32>, vector<16xi32>], vector<16xi32>,
          %shift_left3A_2142 = arith.constant 16 : i32
          %shift_left3A_2143 = vector.broadcast %shift_left3A_2142 : i32 to vector<16xi32>
          %shift_left3A_2144 = arith.shli %gather3A_2141, %shift_left3A_2143 : vector<16xi32>
          %bitcast3A_2145 = vector.bitcast %shift_left3A_2144 : vector<16xi32> to vector<16xf32>
          %bitcast3A_2146 = vector.bitcast %gather3A_2141 : vector<16xi32> to vector<16xf32>
          %add3A_2147 = arith.addf %scan3A_2072, %bitcast3A_2145 : vector<16xf32>
          %add3A_2148 = arith.addf %scan3A_2073, %bitcast3A_2146 : vector<16xf32>
          %broadcast_in_dim3A_2149 = arith.constant 6 : i32
          %broadcast_in_dim3A_2150 = vector.broadcast %broadcast_in_dim3A_2149 : i32 to vector<16xi32>
          %gather3A_2151 = tpu.vector_load_idx %arg5[%broadcast_in_dim3A_2150, %add3A_2091] : memref<8x10000xi32, #tpu.memory_space<vmem>>[vector<16xi32>, vector<16xi32>], vector<16xi32>,
          %shift_left3A_2152 = arith.constant 16 : i32
          %shift_left3A_2153 = vector.broadcast %shift_left3A_2152 : i32 to vector<16xi32>
          %shift_left3A_2154 = arith.shli %gather3A_2151, %shift_left3A_2153 : vector<16xi32>
          %bitcast3A_2155 = vector.bitcast %shift_left3A_2154 : vector<16xi32> to vector<16xf32>
          %bitcast3A_2156 = vector.bitcast %gather3A_2151 : vector<16xi32> to vector<16xf32>
          %add3A_2157 = arith.addf %scan3A_2074, %bitcast3A_2155 : vector<16xf32>
          %add3A_2158 = arith.addf %scan3A_2075, %bitcast3A_2156 : vector<16xf32>
          %broadcast_in_dim3A_2159 = arith.constant 7 : i32
          %broadcast_in_dim3A_2160 = vector.broadcast %broadcast_in_dim3A_2159 : i32 to vector<16xi32>
          %gather3A_2161 = tpu.vector_load_idx %arg5[%broadcast_in_dim3A_2160, %add3A_2091] : memref<8x10000xi32, #tpu.memory_space<vmem>>[vector<16xi32>, vector<16xi32>], vector<16xi32>,
          %shift_left3A_2162 = arith.constant 16 : i32
          %shift_left3A_2163 = vector.broadcast %shift_left3A_2162 : i32 to vector<16xi32>
          %shift_left3A_2164 = arith.shli %gather3A_2161, %shift_left3A_2163 : vector<16xi32>
          %bitcast3A_2165 = vector.bitcast %shift_left3A_2164 : vector<16xi32> to vector<16xf32>
          %bitcast3A_2166 = vector.bitcast %gather3A_2161 : vector<16xi32> to vector<16xf32>
          %add3A_2167 = arith.addf %scan3A_2076, %bitcast3A_2165 : vector<16xf32>
          %add3A_2168 = arith.addf %scan3A_2077, %bitcast3A_2166 : vector<16xf32>
          scf.yield %add3A_2097, %add3A_2098, %add3A_2107, %add3A_2108, %add3A_2117, %add3A_2118, %add3A_2127, %add3A_2128, %add3A_2137, %add3A_2138, %add3A_2147, %add3A_2148, %add3A_2157, %add3A_2158, %add3A_2167, %add3A_2168 : vector<16xf32>, vector<16xf32>, vector<16xf32>, vector<16xf32>, vector<16xf32>, vector<16xf32>, vector<16xf32>, vector<16xf32>, vector<16xf32>, vector<16xf32>, vector<16xf32>, vector<16xf32>, vector<16xf32>, vector<16xf32>, vector<16xf32>, vector<16xf32>
        }
        %scan3A_1676 = arith.constant 100 : i32
        %swap3A_1677 = arith.constant 1 : i32
        %swap3A_1678 = arith.constant 0 : i32
        %swap3A_1679 = arith.index_cast %swap3A_1677 : i32 to index
        %swap3A_1680 = arith.index_cast %swap3A_1678 : i32 to index
        %swap3A_1681 = arith.constant 64 : index
        %swap3A_1682 = tpu.vector_load %arg7[%swap3A_1679, %swap3A_1680, %swap3A_1681] {strides = array<i32>} : memref<2x16x112xf32, #tpu.memory_space<vmem>>, vector<16xf32>,
        tpu.vector_store %arg7[%swap3A_1679, %swap3A_1680, %swap3A_1681], %scan3A_1675#0 {strides = array<i32>} : memref<2x16x112xf32, #tpu.memory_space<vmem>>, vector<16xf32>,
        %swap3A_1683 = arith.constant 1 : i32
        %swap3A_1684 = arith.constant 1 : i32
        %swap3A_1685 = arith.index_cast %swap3A_1683 : i32 to index
        %swap3A_1686 = arith.index_cast %swap3A_1684 : i32 to index
        %swap3A_1687 = arith.constant 64 : index
        %swap3A_1688 = tpu.vector_load %arg7[%swap3A_1685, %swap3A_1686, %swap3A_1687] {strides = array<i32>} : memref<2x16x112xf32, #tpu.memory_space<vmem>>, vector<16xf32>,
        tpu.vector_store %arg7[%swap3A_1685, %swap3A_1686, %swap3A_1687], %scan3A_1675#1 {strides = array<i32>} : memref<2x16x112xf32, #tpu.memory_space<vmem>>, vector<16xf32>,
        %swap3A_1689 = arith.constant 1 : i32
        %swap3A_1690 = arith.constant 2 : i32
        %swap3A_1691 = arith.index_cast %swap3A_1689 : i32 to index
        %swap3A_1692 = arith.index_cast %swap3A_1690 : i32 to index
        %swap3A_1693 = arith.constant 64 : index
        %swap3A_1694 = tpu.vector_load %arg7[%swap3A_1691, %swap3A_1692, %swap3A_1693] {strides = array<i32>} : memref<2x16x112xf32, #tpu.memory_space<vmem>>, vector<16xf32>,
        tpu.vector_store %arg7[%swap3A_1691, %swap3A_1692, %swap3A_1693], %scan3A_1675#2 {strides = array<i32>} : memref<2x16x112xf32, #tpu.memory_space<vmem>>, vector<16xf32>,
        %swap3A_1695 = arith.constant 1 : i32
        %swap3A_1696 = arith.constant 3 : i32
        %swap3A_1697 = arith.index_cast %swap3A_1695 : i32 to index
        %swap3A_1698 = arith.index_cast %swap3A_1696 : i32 to index
        %swap3A_1699 = arith.constant 64 : index
        %swap3A_1700 = tpu.vector_load %arg7[%swap3A_1697, %swap3A_1698, %swap3A_1699] {strides = array<i32>} : memref<2x16x112xf32, #tpu.memory_space<vmem>>, vector<16xf32>,
        tpu.vector_store %arg7[%swap3A_1697, %swap3A_1698, %swap3A_1699], %scan3A_1675#3 {strides = array<i32>} : memref<2x16x112xf32, #tpu.memory_space<vmem>>, vector<16xf32>,
        %swap3A_1701 = arith.constant 1 : i32
        %swap3A_1702 = arith.constant 4 : i32
        %swap3A_1703 = arith.index_cast %swap3A_1701 : i32 to index
        %swap3A_1704 = arith.index_cast %swap3A_1702 : i32 to index
        %swap3A_1705 = arith.constant 64 : index
        %swap3A_1706 = tpu.vector_load %arg7[%swap3A_1703, %swap3A_1704, %swap3A_1705] {strides = array<i32>} : memref<2x16x112xf32, #tpu.memory_space<vmem>>, vector<16xf32>,
        tpu.vector_store %arg7[%swap3A_1703, %swap3A_1704, %swap3A_1705], %scan3A_1675#4 {strides = array<i32>} : memref<2x16x112xf32, #tpu.memory_space<vmem>>, vector<16xf32>,
        %swap3A_1707 = arith.constant 1 : i32
        %swap3A_1708 = arith.constant 5 : i32
        %swap3A_1709 = arith.index_cast %swap3A_1707 : i32 to index
        %swap3A_1710 = arith.index_cast %swap3A_1708 : i32 to index
        %swap3A_1711 = arith.constant 64 : index
        %swap3A_1712 = tpu.vector_load %arg7[%swap3A_1709, %swap3A_1710, %swap3A_1711] {strides = array<i32>} : memref<2x16x112xf32, #tpu.memory_space<vmem>>, vector<16xf32>,
        tpu.vector_store %arg7[%swap3A_1709, %swap3A_1710, %swap3A_1711], %scan3A_1675#5 {strides = array<i32>} : memref<2x16x112xf32, #tpu.memory_space<vmem>>, vector<16xf32>,
        %swap3A_1713 = arith.constant 1 : i32
        %swap3A_1714 = arith.constant 6 : i32
        %swap3A_1715 = arith.index_cast %swap3A_1713 : i32 to index
        %swap3A_1716 = arith.index_cast %swap3A_1714 : i32 to index
        %swap3A_1717 = arith.constant 64 : index
        %swap3A_1718 = tpu.vector_load %arg7[%swap3A_1715, %swap3A_1716, %swap3A_1717] {strides = array<i32>} : memref<2x16x112xf32, #tpu.memory_space<vmem>>, vector<16xf32>,
        tpu.vector_store %arg7[%swap3A_1715, %swap3A_1716, %swap3A_1717], %scan3A_1675#6 {strides = array<i32>} : memref<2x16x112xf32, #tpu.memory_space<vmem>>, vector<16xf32>,
        %swap3A_1719 = arith.constant 1 : i32
        %swap3A_1720 = arith.constant 7 : i32
        %swap3A_1721 = arith.index_cast %swap3A_1719 : i32 to index
        %swap3A_1722 = arith.index_cast %swap3A_1720 : i32 to index
        %swap3A_1723 = arith.constant 64 : index
        %swap3A_1724 = tpu.vector_load %arg7[%swap3A_1721, %swap3A_1722, %swap3A_1723] {strides = array<i32>} : memref<2x16x112xf32, #tpu.memory_space<vmem>>, vector<16xf32>,
        tpu.vector_store %arg7[%swap3A_1721, %swap3A_1722, %swap3A_1723], %scan3A_1675#7 {strides = array<i32>} : memref<2x16x112xf32, #tpu.memory_space<vmem>>, vector<16xf32>,
        %swap3A_1725 = arith.constant 1 : i32
        %swap3A_1726 = arith.constant 8 : i32
        %swap3A_1727 = arith.index_cast %swap3A_1725 : i32 to index
        %swap3A_1728 = arith.index_cast %swap3A_1726 : i32 to index
        %swap3A_1729 = arith.constant 64 : index
        %swap3A_1730 = tpu.vector_load %arg7[%swap3A_1727, %swap3A_1728, %swap3A_1729] {strides = array<i32>} : memref<2x16x112xf32, #tpu.memory_space<vmem>>, vector<16xf32>,
        tpu.vector_store %arg7[%swap3A_1727, %swap3A_1728, %swap3A_1729], %scan3A_1675#8 {strides = array<i32>} : memref<2x16x112xf32, #tpu.memory_space<vmem>>, vector<16xf32>,
        %swap3A_1731 = arith.constant 1 : i32
        %swap3A_1732 = arith.constant 9 : i32
        %swap3A_1733 = arith.index_cast %swap3A_1731 : i32 to index
        %swap3A_1734 = arith.index_cast %swap3A_1732 : i32 to index
        %swap3A_1735 = arith.constant 64 : index
        %swap3A_1736 = tpu.vector_load %arg7[%swap3A_1733, %swap3A_1734, %swap3A_1735] {strides = array<i32>} : memref<2x16x112xf32, #tpu.memory_space<vmem>>, vector<16xf32>,
        tpu.vector_store %arg7[%swap3A_1733, %swap3A_1734, %swap3A_1735], %scan3A_1675#9 {strides = array<i32>} : memref<2x16x112xf32, #tpu.memory_space<vmem>>, vector<16xf32>,
        %swap3A_1737 = arith.constant 1 : i32
        %swap3A_1738 = arith.constant 10 : i32
        %swap3A_1739 = arith.index_cast %swap3A_1737 : i32 to index
        %swap3A_1740 = arith.index_cast %swap3A_1738 : i32 to index
        %swap3A_1741 = arith.constant 64 : index
        %swap3A_1742 = tpu.vector_load %arg7[%swap3A_1739, %swap3A_1740, %swap3A_1741] {strides = array<i32>} : memref<2x16x112xf32, #tpu.memory_space<vmem>>, vector<16xf32>,
        tpu.vector_store %arg7[%swap3A_1739, %swap3A_1740, %swap3A_1741], %scan3A_1675#10 {strides = array<i32>} : memref<2x16x112xf32, #tpu.memory_space<vmem>>, vector<16xf32>,
        %swap3A_1743 = arith.constant 1 : i32
        %swap3A_1744 = arith.constant 11 : i32
        %swap3A_1745 = arith.index_cast %swap3A_1743 : i32 to index
        %swap3A_1746 = arith.index_cast %swap3A_1744 : i32 to index
        %swap3A_1747 = arith.constant 64 : index
        %swap3A_1748 = tpu.vector_load %arg7[%swap3A_1745, %swap3A_1746, %swap3A_1747] {strides = array<i32>} : memref<2x16x112xf32, #tpu.memory_space<vmem>>, vector<16xf32>,
        tpu.vector_store %arg7[%swap3A_1745, %swap3A_1746, %swap3A_1747], %scan3A_1675#11 {strides = array<i32>} : memref<2x16x112xf32, #tpu.memory_space<vmem>>, vector<16xf32>,
        %swap3A_1749 = arith.constant 1 : i32
        %swap3A_1750 = arith.constant 12 : i32
        %swap3A_1751 = arith.index_cast %swap3A_1749 : i32 to index
        %swap3A_1752 = arith.index_cast %swap3A_1750 : i32 to index
        %swap3A_1753 = arith.constant 64 : index
        %swap3A_1754 = tpu.vector_load %arg7[%swap3A_1751, %swap3A_1752, %swap3A_1753] {strides = array<i32>} : memref<2x16x112xf32, #tpu.memory_space<vmem>>, vector<16xf32>,
        tpu.vector_store %arg7[%swap3A_1751, %swap3A_1752, %swap3A_1753], %scan3A_1675#12 {strides = array<i32>} : memref<2x16x112xf32, #tpu.memory_space<vmem>>, vector<16xf32>,
        %swap3A_1755 = arith.constant 1 : i32
        %swap3A_1756 = arith.constant 13 : i32
        %swap3A_1757 = arith.index_cast %swap3A_1755 : i32 to index
        %swap3A_1758 = arith.index_cast %swap3A_1756 : i32 to index
        %swap3A_1759 = arith.constant 64 : index
        %swap3A_1760 = tpu.vector_load %arg7[%swap3A_1757, %swap3A_1758, %swap3A_1759] {strides = array<i32>} : memref<2x16x112xf32, #tpu.memory_space<vmem>>, vector<16xf32>,
        tpu.vector_store %arg7[%swap3A_1757, %swap3A_1758, %swap3A_1759], %scan3A_1675#13 {strides = array<i32>} : memref<2x16x112xf32, #tpu.memory_space<vmem>>, vector<16xf32>,
        %swap3A_1761 = arith.constant 1 : i32
        %swap3A_1762 = arith.constant 14 : i32
        %swap3A_1763 = arith.index_cast %swap3A_1761 : i32 to index
        %swap3A_1764 = arith.index_cast %swap3A_1762 : i32 to index
        %swap3A_1765 = arith.constant 64 : index
        %swap3A_1766 = tpu.vector_load %arg7[%swap3A_1763, %swap3A_1764, %swap3A_1765] {strides = array<i32>} : memref<2x16x112xf32, #tpu.memory_space<vmem>>, vector<16xf32>,
        tpu.vector_store %arg7[%swap3A_1763, %swap3A_1764, %swap3A_1765], %scan3A_1675#14 {strides = array<i32>} : memref<2x16x112xf32, #tpu.memory_space<vmem>>, vector<16xf32>,
        %swap3A_1767 = arith.constant 1 : i32
        %swap3A_1768 = arith.constant 15 : i32
        %swap3A_1769 = arith.index_cast %swap3A_1767 : i32 to index
        %swap3A_1770 = arith.index_cast %swap3A_1768 : i32 to index
        %swap3A_1771 = arith.constant 64 : index
        %swap3A_1772 = tpu.vector_load %arg7[%swap3A_1769, %swap3A_1770, %swap3A_1771] {strides = array<i32>} : memref<2x16x112xf32, #tpu.memory_space<vmem>>, vector<16xf32>,
        tpu.vector_store %arg7[%swap3A_1769, %swap3A_1770, %swap3A_1771], %scan3A_1675#15 {strides = array<i32>} : memref<2x16x112xf32, #tpu.memory_space<vmem>>, vector<16xf32>,
        %broadcast_in_dim3A_1773 = arith.constant 0.000000e+00 : f32
        %broadcast_in_dim3A_1774 = vector.broadcast %broadcast_in_dim3A_1773 : f32 to vector<16xf32>
        %broadcast_in_dim3A_1775 = arith.constant 0.000000e+00 : f32
        %broadcast_in_dim3A_1776 = vector.broadcast %broadcast_in_dim3A_1775 : f32 to vector<16xf32>
        %broadcast_in_dim3A_1777 = arith.constant 0.000000e+00 : f32
        %broadcast_in_dim3A_1778 = vector.broadcast %broadcast_in_dim3A_1777 : f32 to vector<16xf32>
        %broadcast_in_dim3A_1779 = arith.constant 0.000000e+00 : f32
        %broadcast_in_dim3A_1780 = vector.broadcast %broadcast_in_dim3A_1779 : f32 to vector<16xf32>
        %broadcast_in_dim3A_1781 = arith.constant 0.000000e+00 : f32
        %broadcast_in_dim3A_1782 = vector.broadcast %broadcast_in_dim3A_1781 : f32 to vector<16xf32>
        %broadcast_in_dim3A_1783 = arith.constant 0.000000e+00 : f32
        %broadcast_in_dim3A_1784 = vector.broadcast %broadcast_in_dim3A_1783 : f32 to vector<16xf32>
        %broadcast_in_dim3A_1785 = arith.constant 0.000000e+00 : f32
        %broadcast_in_dim3A_1786 = vector.broadcast %broadcast_in_dim3A_1785 : f32 to vector<16xf32>
        %broadcast_in_dim3A_1787 = arith.constant 0.000000e+00 : f32
        %broadcast_in_dim3A_1788 = vector.broadcast %broadcast_in_dim3A_1787 : f32 to vector<16xf32>
        %broadcast_in_dim3A_1789 = arith.constant 0.000000e+00 : f32
        %broadcast_in_dim3A_1790 = vector.broadcast %broadcast_in_dim3A_1789 : f32 to vector<16xf32>
        %broadcast_in_dim3A_1791 = arith.constant 0.000000e+00 : f32
        %broadcast_in_dim3A_1792 = vector.broadcast %broadcast_in_dim3A_1791 : f32 to vector<16xf32>
        %broadcast_in_dim3A_1793 = arith.constant 0.000000e+00 : f32
        %broadcast_in_dim3A_1794 = vector.broadcast %broadcast_in_dim3A_1793 : f32 to vector<16xf32>
        %broadcast_in_dim3A_1795 = arith.constant 0.000000e+00 : f32
        %broadcast_in_dim3A_1796 = vector.broadcast %broadcast_in_dim3A_1795 : f32 to vector<16xf32>
        %broadcast_in_dim3A_1797 = arith.constant 0.000000e+00 : f32
        %broadcast_in_dim3A_1798 = vector.broadcast %broadcast_in_dim3A_1797 : f32 to vector<16xf32>
        %broadcast_in_dim3A_1799 = arith.constant 0.000000e+00 : f32
        %broadcast_in_dim3A_1800 = vector.broadcast %broadcast_in_dim3A_1799 : f32 to vector<16xf32>
        %broadcast_in_dim3A_1801 = arith.constant 0.000000e+00 : f32
        %broadcast_in_dim3A_1802 = vector.broadcast %broadcast_in_dim3A_1801 : f32 to vector<16xf32>
        %broadcast_in_dim3A_1803 = arith.constant 0.000000e+00 : f32
        %broadcast_in_dim3A_1804 = vector.broadcast %broadcast_in_dim3A_1803 : f32 to vector<16xf32>
        %scan3A_1805 = arith.constant 0 : i32
        %scan3A_1806 = arith.constant 100 : i32
        %scan3A_1807 = arith.addi %scan3A_1805, %scan3A_1806 : i32
        %scan3A_1808 = arith.constant 1 : i32
        %scan3A_1809:16 = scf.for %scan3A_2061 = %scan3A_1805 to %scan3A_1807 step %scan3A_1808 iter_args(%scan3A_2062 = %broadcast_in_dim3A_1774, %scan3A_2063 = %broadcast_in_dim3A_1776, %scan3A_2064 = %broadcast_in_dim3A_1778, %scan3A_2065 = %broadcast_in_dim3A_1780, %scan3A_2066 = %broadcast_in_dim3A_1782, %scan3A_2067 = %broadcast_in_dim3A_1784, %scan3A_2068 = %broadcast_in_dim3A_1786, %scan3A_2069 = %broadcast_in_dim3A_1788, %scan3A_2070 = %broadcast_in_dim3A_1790, %scan3A_2071 = %broadcast_in_dim3A_1792, %scan3A_2072 = %broadcast_in_dim3A_1794, %scan3A_2073 = %broadcast_in_dim3A_1796, %scan3A_2074 = %broadcast_in_dim3A_1798, %scan3A_2075 = %broadcast_in_dim3A_1800, %scan3A_2076 = %broadcast_in_dim3A_1802, %scan3A_2077 = %broadcast_in_dim3A_1804) -> (vector<16xf32>, vector<16xf32>, vector<16xf32>, vector<16xf32>, vector<16xf32>, vector<16xf32>, vector<16xf32>, vector<16xf32>, vector<16xf32>, vector<16xf32>, vector<16xf32>, vector<16xf32>, vector<16xf32>, vector<16xf32>, vector<16xf32>, vector<16xf32>)  : i32 {
          %mul3A_2078 = arith.constant 1 : i32
          %mul3A_2079 = arith.muli %scan3A_2061, %mul3A_2078 : i32
          %add3A_2080 = arith.constant 0 : i32
          %add3A_2081 = arith.addi %add3A_2080, %mul3A_2079 : i32
          %get3A = arith.constant 1 : i32
          %get3A_2082 = arith.constant 5 : i32
          %get3A_2083 = arith.index_cast %get3A : i32 to index
          %get3A_2084 = arith.index_cast %get3A_2082 : i32 to index
          %get3A_2085 = arith.index_cast %add3A_2081 : i32 to index
          %get3A_2086 = arith.constant 0 : index
          %get3A_2087 = tpu.vector_load %arg6[%get3A_2083, %get3A_2084, %get3A_2085, %get3A_2086] {strides = array<i32>} : memref<2x7x100x16xi32, #tpu.memory_space<vmem>>, vector<16xi32>,
          %mul3A_2088 = arith.constant 100 : i32
          %mul3A_2089 = arith.muli %add3A_2081, %mul3A_2088 : i32
          %add3A_2090 = vector.broadcast %mul3A_2089 : i32 to vector<16xi32>
          %add3A_2091 = arith.addi %get3A_2087, %add3A_2090 : vector<16xi32>
          %broadcast_in_dim3A_2092 = arith.constant 0 : i32
          %broadcast_in_dim3A_2093 = vector.broadcast %broadcast_in_dim3A_2092 : i32 to vector<16xi32>
          %gather3A = tpu.vector_load_idx %arg5[%broadcast_in_dim3A_2093, %add3A_2091] : memref<8x10000xi32, #tpu.memory_space<vmem>>[vector<16xi32>, vector<16xi32>], vector<16xi32>,
          %shift_left3A = arith.constant 16 : i32
          %shift_left3A_2094 = vector.broadcast %shift_left3A : i32 to vector<16xi32>
          %shift_left3A_2095 = arith.shli %gather3A, %shift_left3A_2094 : vector<16xi32>
          %bitcast3A = vector.bitcast %shift_left3A_2095 : vector<16xi32> to vector<16xf32>
          %bitcast3A_2096 = vector.bitcast %gather3A : vector<16xi32> to vector<16xf32>
          %add3A_2097 = arith.addf %scan3A_2062, %bitcast3A : vector<16xf32>
          %add3A_2098 = arith.addf %scan3A_2063, %bitcast3A_2096 : vector<16xf32>
          %broadcast_in_dim3A_2099 = arith.constant 1 : i32
          %broadcast_in_dim3A_2100 = vector.broadcast %broadcast_in_dim3A_2099 : i32 to vector<16xi32>
          %gather3A_2101 = tpu.vector_load_idx %arg5[%broadcast_in_dim3A_2100, %add3A_2091] : memref<8x10000xi32, #tpu.memory_space<vmem>>[vector<16xi32>, vector<16xi32>], vector<16xi32>,
          %shift_left3A_2102 = arith.constant 16 : i32
          %shift_left3A_2103 = vector.broadcast %shift_left3A_2102 : i32 to vector<16xi32>
          %shift_left3A_2104 = arith.shli %gather3A_2101, %shift_left3A_2103 : vector<16xi32>
          %bitcast3A_2105 = vector.bitcast %shift_left3A_2104 : vector<16xi32> to vector<16xf32>
          %bitcast3A_2106 = vector.bitcast %gather3A_2101 : vector<16xi32> to vector<16xf32>
          %add3A_2107 = arith.addf %scan3A_2064, %bitcast3A_2105 : vector<16xf32>
          %add3A_2108 = arith.addf %scan3A_2065, %bitcast3A_2106 : vector<16xf32>
          %broadcast_in_dim3A_2109 = arith.constant 2 : i32
          %broadcast_in_dim3A_2110 = vector.broadcast %broadcast_in_dim3A_2109 : i32 to vector<16xi32>
          %gather3A_2111 = tpu.vector_load_idx %arg5[%broadcast_in_dim3A_2110, %add3A_2091] : memref<8x10000xi32, #tpu.memory_space<vmem>>[vector<16xi32>, vector<16xi32>], vector<16xi32>,
          %shift_left3A_2112 = arith.constant 16 : i32
          %shift_left3A_2113 = vector.broadcast %shift_left3A_2112 : i32 to vector<16xi32>
          %shift_left3A_2114 = arith.shli %gather3A_2111, %shift_left3A_2113 : vector<16xi32>
          %bitcast3A_2115 = vector.bitcast %shift_left3A_2114 : vector<16xi32> to vector<16xf32>
          %bitcast3A_2116 = vector.bitcast %gather3A_2111 : vector<16xi32> to vector<16xf32>
          %add3A_2117 = arith.addf %scan3A_2066, %bitcast3A_2115 : vector<16xf32>
          %add3A_2118 = arith.addf %scan3A_2067, %bitcast3A_2116 : vector<16xf32>
          %broadcast_in_dim3A_2119 = arith.constant 3 : i32
          %broadcast_in_dim3A_2120 = vector.broadcast %broadcast_in_dim3A_2119 : i32 to vector<16xi32>
          %gather3A_2121 = tpu.vector_load_idx %arg5[%broadcast_in_dim3A_2120, %add3A_2091] : memref<8x10000xi32, #tpu.memory_space<vmem>>[vector<16xi32>, vector<16xi32>], vector<16xi32>,
          %shift_left3A_2122 = arith.constant 16 : i32
          %shift_left3A_2123 = vector.broadcast %shift_left3A_2122 : i32 to vector<16xi32>
          %shift_left3A_2124 = arith.shli %gather3A_2121, %shift_left3A_2123 : vector<16xi32>
          %bitcast3A_2125 = vector.bitcast %shift_left3A_2124 : vector<16xi32> to vector<16xf32>
          %bitcast3A_2126 = vector.bitcast %gather3A_2121 : vector<16xi32> to vector<16xf32>
          %add3A_2127 = arith.addf %scan3A_2068, %bitcast3A_2125 : vector<16xf32>
          %add3A_2128 = arith.addf %scan3A_2069, %bitcast3A_2126 : vector<16xf32>
          %broadcast_in_dim3A_2129 = arith.constant 4 : i32
          %broadcast_in_dim3A_2130 = vector.broadcast %broadcast_in_dim3A_2129 : i32 to vector<16xi32>
          %gather3A_2131 = tpu.vector_load_idx %arg5[%broadcast_in_dim3A_2130, %add3A_2091] : memref<8x10000xi32, #tpu.memory_space<vmem>>[vector<16xi32>, vector<16xi32>], vector<16xi32>,
          %shift_left3A_2132 = arith.constant 16 : i32
          %shift_left3A_2133 = vector.broadcast %shift_left3A_2132 : i32 to vector<16xi32>
          %shift_left3A_2134 = arith.shli %gather3A_2131, %shift_left3A_2133 : vector<16xi32>
          %bitcast3A_2135 = vector.bitcast %shift_left3A_2134 : vector<16xi32> to vector<16xf32>
          %bitcast3A_2136 = vector.bitcast %gather3A_2131 : vector<16xi32> to vector<16xf32>
          %add3A_2137 = arith.addf %scan3A_2070, %bitcast3A_2135 : vector<16xf32>
          %add3A_2138 = arith.addf %scan3A_2071, %bitcast3A_2136 : vector<16xf32>
          %broadcast_in_dim3A_2139 = arith.constant 5 : i32
          %broadcast_in_dim3A_2140 = vector.broadcast %broadcast_in_dim3A_2139 : i32 to vector<16xi32>
          %gather3A_2141 = tpu.vector_load_idx %arg5[%broadcast_in_dim3A_2140, %add3A_2091] : memref<8x10000xi32, #tpu.memory_space<vmem>>[vector<16xi32>, vector<16xi32>], vector<16xi32>,
          %shift_left3A_2142 = arith.constant 16 : i32
          %shift_left3A_2143 = vector.broadcast %shift_left3A_2142 : i32 to vector<16xi32>
          %shift_left3A_2144 = arith.shli %gather3A_2141, %shift_left3A_2143 : vector<16xi32>
          %bitcast3A_2145 = vector.bitcast %shift_left3A_2144 : vector<16xi32> to vector<16xf32>
          %bitcast3A_2146 = vector.bitcast %gather3A_2141 : vector<16xi32> to vector<16xf32>
          %add3A_2147 = arith.addf %scan3A_2072, %bitcast3A_2145 : vector<16xf32>
          %add3A_2148 = arith.addf %scan3A_2073, %bitcast3A_2146 : vector<16xf32>
          %broadcast_in_dim3A_2149 = arith.constant 6 : i32
          %broadcast_in_dim3A_2150 = vector.broadcast %broadcast_in_dim3A_2149 : i32 to vector<16xi32>
          %gather3A_2151 = tpu.vector_load_idx %arg5[%broadcast_in_dim3A_2150, %add3A_2091] : memref<8x10000xi32, #tpu.memory_space<vmem>>[vector<16xi32>, vector<16xi32>], vector<16xi32>,
          %shift_left3A_2152 = arith.constant 16 : i32
          %shift_left3A_2153 = vector.broadcast %shift_left3A_2152 : i32 to vector<16xi32>
          %shift_left3A_2154 = arith.shli %gather3A_2151, %shift_left3A_2153 : vector<16xi32>
          %bitcast3A_2155 = vector.bitcast %shift_left3A_2154 : vector<16xi32> to vector<16xf32>
          %bitcast3A_2156 = vector.bitcast %gather3A_2151 : vector<16xi32> to vector<16xf32>
          %add3A_2157 = arith.addf %scan3A_2074, %bitcast3A_2155 : vector<16xf32>
          %add3A_2158 = arith.addf %scan3A_2075, %bitcast3A_2156 : vector<16xf32>
          %broadcast_in_dim3A_2159 = arith.constant 7 : i32
          %broadcast_in_dim3A_2160 = vector.broadcast %broadcast_in_dim3A_2159 : i32 to vector<16xi32>
          %gather3A_2161 = tpu.vector_load_idx %arg5[%broadcast_in_dim3A_2160, %add3A_2091] : memref<8x10000xi32, #tpu.memory_space<vmem>>[vector<16xi32>, vector<16xi32>], vector<16xi32>,
          %shift_left3A_2162 = arith.constant 16 : i32
          %shift_left3A_2163 = vector.broadcast %shift_left3A_2162 : i32 to vector<16xi32>
          %shift_left3A_2164 = arith.shli %gather3A_2161, %shift_left3A_2163 : vector<16xi32>
          %bitcast3A_2165 = vector.bitcast %shift_left3A_2164 : vector<16xi32> to vector<16xf32>
          %bitcast3A_2166 = vector.bitcast %gather3A_2161 : vector<16xi32> to vector<16xf32>
          %add3A_2167 = arith.addf %scan3A_2076, %bitcast3A_2165 : vector<16xf32>
          %add3A_2168 = arith.addf %scan3A_2077, %bitcast3A_2166 : vector<16xf32>
          scf.yield %add3A_2097, %add3A_2098, %add3A_2107, %add3A_2108, %add3A_2117, %add3A_2118, %add3A_2127, %add3A_2128, %add3A_2137, %add3A_2138, %add3A_2147, %add3A_2148, %add3A_2157, %add3A_2158, %add3A_2167, %add3A_2168 : vector<16xf32>, vector<16xf32>, vector<16xf32>, vector<16xf32>, vector<16xf32>, vector<16xf32>, vector<16xf32>, vector<16xf32>, vector<16xf32>, vector<16xf32>, vector<16xf32>, vector<16xf32>, vector<16xf32>, vector<16xf32>, vector<16xf32>, vector<16xf32>
        }
        %scan3A_1810 = arith.constant 100 : i32
        %swap3A_1811 = arith.constant 1 : i32
        %swap3A_1812 = arith.constant 0 : i32
        %swap3A_1813 = arith.index_cast %swap3A_1811 : i32 to index
        %swap3A_1814 = arith.index_cast %swap3A_1812 : i32 to index
        %swap3A_1815 = arith.constant 80 : index
        %swap3A_1816 = tpu.vector_load %arg7[%swap3A_1813, %swap3A_1814, %swap3A_1815] {strides = array<i32>} : memref<2x16x112xf32, #tpu.memory_space<vmem>>, vector<16xf32>,
        tpu.vector_store %arg7[%swap3A_1813, %swap3A_1814, %swap3A_1815], %scan3A_1809#0 {strides = array<i32>} : memref<2x16x112xf32, #tpu.memory_space<vmem>>, vector<16xf32>,
        %swap3A_1817 = arith.constant 1 : i32
        %swap3A_1818 = arith.constant 1 : i32
        %swap3A_1819 = arith.index_cast %swap3A_1817 : i32 to index
        %swap3A_1820 = arith.index_cast %swap3A_1818 : i32 to index
        %swap3A_1821 = arith.constant 80 : index
        %swap3A_1822 = tpu.vector_load %arg7[%swap3A_1819, %swap3A_1820, %swap3A_1821] {strides = array<i32>} : memref<2x16x112xf32, #tpu.memory_space<vmem>>, vector<16xf32>,
        tpu.vector_store %arg7[%swap3A_1819, %swap3A_1820, %swap3A_1821], %scan3A_1809#1 {strides = array<i32>} : memref<2x16x112xf32, #tpu.memory_space<vmem>>, vector<16xf32>,
        %swap3A_1823 = arith.constant 1 : i32
        %swap3A_1824 = arith.constant 2 : i32
        %swap3A_1825 = arith.index_cast %swap3A_1823 : i32 to index
        %swap3A_1826 = arith.index_cast %swap3A_1824 : i32 to index
        %swap3A_1827 = arith.constant 80 : index
        %swap3A_1828 = tpu.vector_load %arg7[%swap3A_1825, %swap3A_1826, %swap3A_1827] {strides = array<i32>} : memref<2x16x112xf32, #tpu.memory_space<vmem>>, vector<16xf32>,
        tpu.vector_store %arg7[%swap3A_1825, %swap3A_1826, %swap3A_1827], %scan3A_1809#2 {strides = array<i32>} : memref<2x16x112xf32, #tpu.memory_space<vmem>>, vector<16xf32>,
        %swap3A_1829 = arith.constant 1 : i32
        %swap3A_1830 = arith.constant 3 : i32
        %swap3A_1831 = arith.index_cast %swap3A_1829 : i32 to index
        %swap3A_1832 = arith.index_cast %swap3A_1830 : i32 to index
        %swap3A_1833 = arith.constant 80 : index
        %swap3A_1834 = tpu.vector_load %arg7[%swap3A_1831, %swap3A_1832, %swap3A_1833] {strides = array<i32>} : memref<2x16x112xf32, #tpu.memory_space<vmem>>, vector<16xf32>,
        tpu.vector_store %arg7[%swap3A_1831, %swap3A_1832, %swap3A_1833], %scan3A_1809#3 {strides = array<i32>} : memref<2x16x112xf32, #tpu.memory_space<vmem>>, vector<16xf32>,
        %swap3A_1835 = arith.constant 1 : i32
        %swap3A_1836 = arith.constant 4 : i32
        %swap3A_1837 = arith.index_cast %swap3A_1835 : i32 to index
        %swap3A_1838 = arith.index_cast %swap3A_1836 : i32 to index
        %swap3A_1839 = arith.constant 80 : index
        %swap3A_1840 = tpu.vector_load %arg7[%swap3A_1837, %swap3A_1838, %swap3A_1839] {strides = array<i32>} : memref<2x16x112xf32, #tpu.memory_space<vmem>>, vector<16xf32>,
        tpu.vector_store %arg7[%swap3A_1837, %swap3A_1838, %swap3A_1839], %scan3A_1809#4 {strides = array<i32>} : memref<2x16x112xf32, #tpu.memory_space<vmem>>, vector<16xf32>,
        %swap3A_1841 = arith.constant 1 : i32
        %swap3A_1842 = arith.constant 5 : i32
        %swap3A_1843 = arith.index_cast %swap3A_1841 : i32 to index
        %swap3A_1844 = arith.index_cast %swap3A_1842 : i32 to index
        %swap3A_1845 = arith.constant 80 : index
        %swap3A_1846 = tpu.vector_load %arg7[%swap3A_1843, %swap3A_1844, %swap3A_1845] {strides = array<i32>} : memref<2x16x112xf32, #tpu.memory_space<vmem>>, vector<16xf32>,
        tpu.vector_store %arg7[%swap3A_1843, %swap3A_1844, %swap3A_1845], %scan3A_1809#5 {strides = array<i32>} : memref<2x16x112xf32, #tpu.memory_space<vmem>>, vector<16xf32>,
        %swap3A_1847 = arith.constant 1 : i32
        %swap3A_1848 = arith.constant 6 : i32
        %swap3A_1849 = arith.index_cast %swap3A_1847 : i32 to index
        %swap3A_1850 = arith.index_cast %swap3A_1848 : i32 to index
        %swap3A_1851 = arith.constant 80 : index
        %swap3A_1852 = tpu.vector_load %arg7[%swap3A_1849, %swap3A_1850, %swap3A_1851] {strides = array<i32>} : memref<2x16x112xf32, #tpu.memory_space<vmem>>, vector<16xf32>,
        tpu.vector_store %arg7[%swap3A_1849, %swap3A_1850, %swap3A_1851], %scan3A_1809#6 {strides = array<i32>} : memref<2x16x112xf32, #tpu.memory_space<vmem>>, vector<16xf32>,
        %swap3A_1853 = arith.constant 1 : i32
        %swap3A_1854 = arith.constant 7 : i32
        %swap3A_1855 = arith.index_cast %swap3A_1853 : i32 to index
        %swap3A_1856 = arith.index_cast %swap3A_1854 : i32 to index
        %swap3A_1857 = arith.constant 80 : index
        %swap3A_1858 = tpu.vector_load %arg7[%swap3A_1855, %swap3A_1856, %swap3A_1857] {strides = array<i32>} : memref<2x16x112xf32, #tpu.memory_space<vmem>>, vector<16xf32>,
        tpu.vector_store %arg7[%swap3A_1855, %swap3A_1856, %swap3A_1857], %scan3A_1809#7 {strides = array<i32>} : memref<2x16x112xf32, #tpu.memory_space<vmem>>, vector<16xf32>,
        %swap3A_1859 = arith.constant 1 : i32
        %swap3A_1860 = arith.constant 8 : i32
        %swap3A_1861 = arith.index_cast %swap3A_1859 : i32 to index
        %swap3A_1862 = arith.index_cast %swap3A_1860 : i32 to index
        %swap3A_1863 = arith.constant 80 : index
        %swap3A_1864 = tpu.vector_load %arg7[%swap3A_1861, %swap3A_1862, %swap3A_1863] {strides = array<i32>} : memref<2x16x112xf32, #tpu.memory_space<vmem>>, vector<16xf32>,
        tpu.vector_store %arg7[%swap3A_1861, %swap3A_1862, %swap3A_1863], %scan3A_1809#8 {strides = array<i32>} : memref<2x16x112xf32, #tpu.memory_space<vmem>>, vector<16xf32>,
        %swap3A_1865 = arith.constant 1 : i32
        %swap3A_1866 = arith.constant 9 : i32
        %swap3A_1867 = arith.index_cast %swap3A_1865 : i32 to index
        %swap3A_1868 = arith.index_cast %swap3A_1866 : i32 to index
        %swap3A_1869 = arith.constant 80 : index
        %swap3A_1870 = tpu.vector_load %arg7[%swap3A_1867, %swap3A_1868, %swap3A_1869] {strides = array<i32>} : memref<2x16x112xf32, #tpu.memory_space<vmem>>, vector<16xf32>,
        tpu.vector_store %arg7[%swap3A_1867, %swap3A_1868, %swap3A_1869], %scan3A_1809#9 {strides = array<i32>} : memref<2x16x112xf32, #tpu.memory_space<vmem>>, vector<16xf32>,
        %swap3A_1871 = arith.constant 1 : i32
        %swap3A_1872 = arith.constant 10 : i32
        %swap3A_1873 = arith.index_cast %swap3A_1871 : i32 to index
        %swap3A_1874 = arith.index_cast %swap3A_1872 : i32 to index
        %swap3A_1875 = arith.constant 80 : index
        %swap3A_1876 = tpu.vector_load %arg7[%swap3A_1873, %swap3A_1874, %swap3A_1875] {strides = array<i32>} : memref<2x16x112xf32, #tpu.memory_space<vmem>>, vector<16xf32>,
        tpu.vector_store %arg7[%swap3A_1873, %swap3A_1874, %swap3A_1875], %scan3A_1809#10 {strides = array<i32>} : memref<2x16x112xf32, #tpu.memory_space<vmem>>, vector<16xf32>,
        %swap3A_1877 = arith.constant 1 : i32
        %swap3A_1878 = arith.constant 11 : i32
        %swap3A_1879 = arith.index_cast %swap3A_1877 : i32 to index
        %swap3A_1880 = arith.index_cast %swap3A_1878 : i32 to index
        %swap3A_1881 = arith.constant 80 : index
        %swap3A_1882 = tpu.vector_load %arg7[%swap3A_1879, %swap3A_1880, %swap3A_1881] {strides = array<i32>} : memref<2x16x112xf32, #tpu.memory_space<vmem>>, vector<16xf32>,
        tpu.vector_store %arg7[%swap3A_1879, %swap3A_1880, %swap3A_1881], %scan3A_1809#11 {strides = array<i32>} : memref<2x16x112xf32, #tpu.memory_space<vmem>>, vector<16xf32>,
        %swap3A_1883 = arith.constant 1 : i32
        %swap3A_1884 = arith.constant 12 : i32
        %swap3A_1885 = arith.index_cast %swap3A_1883 : i32 to index
        %swap3A_1886 = arith.index_cast %swap3A_1884 : i32 to index
        %swap3A_1887 = arith.constant 80 : index
        %swap3A_1888 = tpu.vector_load %arg7[%swap3A_1885, %swap3A_1886, %swap3A_1887] {strides = array<i32>} : memref<2x16x112xf32, #tpu.memory_space<vmem>>, vector<16xf32>,
        tpu.vector_store %arg7[%swap3A_1885, %swap3A_1886, %swap3A_1887], %scan3A_1809#12 {strides = array<i32>} : memref<2x16x112xf32, #tpu.memory_space<vmem>>, vector<16xf32>,
        %swap3A_1889 = arith.constant 1 : i32
        %swap3A_1890 = arith.constant 13 : i32
        %swap3A_1891 = arith.index_cast %swap3A_1889 : i32 to index
        %swap3A_1892 = arith.index_cast %swap3A_1890 : i32 to index
        %swap3A_1893 = arith.constant 80 : index
        %swap3A_1894 = tpu.vector_load %arg7[%swap3A_1891, %swap3A_1892, %swap3A_1893] {strides = array<i32>} : memref<2x16x112xf32, #tpu.memory_space<vmem>>, vector<16xf32>,
        tpu.vector_store %arg7[%swap3A_1891, %swap3A_1892, %swap3A_1893], %scan3A_1809#13 {strides = array<i32>} : memref<2x16x112xf32, #tpu.memory_space<vmem>>, vector<16xf32>,
        %swap3A_1895 = arith.constant 1 : i32
        %swap3A_1896 = arith.constant 14 : i32
        %swap3A_1897 = arith.index_cast %swap3A_1895 : i32 to index
        %swap3A_1898 = arith.index_cast %swap3A_1896 : i32 to index
        %swap3A_1899 = arith.constant 80 : index
        %swap3A_1900 = tpu.vector_load %arg7[%swap3A_1897, %swap3A_1898, %swap3A_1899] {strides = array<i32>} : memref<2x16x112xf32, #tpu.memory_space<vmem>>, vector<16xf32>,
        tpu.vector_store %arg7[%swap3A_1897, %swap3A_1898, %swap3A_1899], %scan3A_1809#14 {strides = array<i32>} : memref<2x16x112xf32, #tpu.memory_space<vmem>>, vector<16xf32>,
        %swap3A_1901 = arith.constant 1 : i32
        %swap3A_1902 = arith.constant 15 : i32
        %swap3A_1903 = arith.index_cast %swap3A_1901 : i32 to index
        %swap3A_1904 = arith.index_cast %swap3A_1902 : i32 to index
        %swap3A_1905 = arith.constant 80 : index
        %swap3A_1906 = tpu.vector_load %arg7[%swap3A_1903, %swap3A_1904, %swap3A_1905] {strides = array<i32>} : memref<2x16x112xf32, #tpu.memory_space<vmem>>, vector<16xf32>,
        tpu.vector_store %arg7[%swap3A_1903, %swap3A_1904, %swap3A_1905], %scan3A_1809#15 {strides = array<i32>} : memref<2x16x112xf32, #tpu.memory_space<vmem>>, vector<16xf32>,
        %broadcast_in_dim3A_1907 = arith.constant 0.000000e+00 : f32
        %broadcast_in_dim3A_1908 = vector.broadcast %broadcast_in_dim3A_1907 : f32 to vector<16xf32>
        %broadcast_in_dim3A_1909 = arith.constant 0.000000e+00 : f32
        %broadcast_in_dim3A_1910 = vector.broadcast %broadcast_in_dim3A_1909 : f32 to vector<16xf32>
        %broadcast_in_dim3A_1911 = arith.constant 0.000000e+00 : f32
        %broadcast_in_dim3A_1912 = vector.broadcast %broadcast_in_dim3A_1911 : f32 to vector<16xf32>
        %broadcast_in_dim3A_1913 = arith.constant 0.000000e+00 : f32
        %broadcast_in_dim3A_1914 = vector.broadcast %broadcast_in_dim3A_1913 : f32 to vector<16xf32>
        %broadcast_in_dim3A_1915 = arith.constant 0.000000e+00 : f32
        %broadcast_in_dim3A_1916 = vector.broadcast %broadcast_in_dim3A_1915 : f32 to vector<16xf32>
        %broadcast_in_dim3A_1917 = arith.constant 0.000000e+00 : f32
        %broadcast_in_dim3A_1918 = vector.broadcast %broadcast_in_dim3A_1917 : f32 to vector<16xf32>
        %broadcast_in_dim3A_1919 = arith.constant 0.000000e+00 : f32
        %broadcast_in_dim3A_1920 = vector.broadcast %broadcast_in_dim3A_1919 : f32 to vector<16xf32>
        %broadcast_in_dim3A_1921 = arith.constant 0.000000e+00 : f32
        %broadcast_in_dim3A_1922 = vector.broadcast %broadcast_in_dim3A_1921 : f32 to vector<16xf32>
        %broadcast_in_dim3A_1923 = arith.constant 0.000000e+00 : f32
        %broadcast_in_dim3A_1924 = vector.broadcast %broadcast_in_dim3A_1923 : f32 to vector<16xf32>
        %broadcast_in_dim3A_1925 = arith.constant 0.000000e+00 : f32
        %broadcast_in_dim3A_1926 = vector.broadcast %broadcast_in_dim3A_1925 : f32 to vector<16xf32>
        %broadcast_in_dim3A_1927 = arith.constant 0.000000e+00 : f32
        %broadcast_in_dim3A_1928 = vector.broadcast %broadcast_in_dim3A_1927 : f32 to vector<16xf32>
        %broadcast_in_dim3A_1929 = arith.constant 0.000000e+00 : f32
        %broadcast_in_dim3A_1930 = vector.broadcast %broadcast_in_dim3A_1929 : f32 to vector<16xf32>
        %broadcast_in_dim3A_1931 = arith.constant 0.000000e+00 : f32
        %broadcast_in_dim3A_1932 = vector.broadcast %broadcast_in_dim3A_1931 : f32 to vector<16xf32>
        %broadcast_in_dim3A_1933 = arith.constant 0.000000e+00 : f32
        %broadcast_in_dim3A_1934 = vector.broadcast %broadcast_in_dim3A_1933 : f32 to vector<16xf32>
        %broadcast_in_dim3A_1935 = arith.constant 0.000000e+00 : f32
        %broadcast_in_dim3A_1936 = vector.broadcast %broadcast_in_dim3A_1935 : f32 to vector<16xf32>
        %broadcast_in_dim3A_1937 = arith.constant 0.000000e+00 : f32
        %broadcast_in_dim3A_1938 = vector.broadcast %broadcast_in_dim3A_1937 : f32 to vector<16xf32>
        %scan3A_1939 = arith.constant 0 : i32
        %scan3A_1940 = arith.constant 100 : i32
        %scan3A_1941 = arith.addi %scan3A_1939, %scan3A_1940 : i32
        %scan3A_1942 = arith.constant 1 : i32
        %scan3A_1943:16 = scf.for %scan3A_2061 = %scan3A_1939 to %scan3A_1941 step %scan3A_1942 iter_args(%scan3A_2062 = %broadcast_in_dim3A_1908, %scan3A_2063 = %broadcast_in_dim3A_1910, %scan3A_2064 = %broadcast_in_dim3A_1912, %scan3A_2065 = %broadcast_in_dim3A_1914, %scan3A_2066 = %broadcast_in_dim3A_1916, %scan3A_2067 = %broadcast_in_dim3A_1918, %scan3A_2068 = %broadcast_in_dim3A_1920, %scan3A_2069 = %broadcast_in_dim3A_1922, %scan3A_2070 = %broadcast_in_dim3A_1924, %scan3A_2071 = %broadcast_in_dim3A_1926, %scan3A_2072 = %broadcast_in_dim3A_1928, %scan3A_2073 = %broadcast_in_dim3A_1930, %scan3A_2074 = %broadcast_in_dim3A_1932, %scan3A_2075 = %broadcast_in_dim3A_1934, %scan3A_2076 = %broadcast_in_dim3A_1936, %scan3A_2077 = %broadcast_in_dim3A_1938) -> (vector<16xf32>, vector<16xf32>, vector<16xf32>, vector<16xf32>, vector<16xf32>, vector<16xf32>, vector<16xf32>, vector<16xf32>, vector<16xf32>, vector<16xf32>, vector<16xf32>, vector<16xf32>, vector<16xf32>, vector<16xf32>, vector<16xf32>, vector<16xf32>)  : i32 {
          %mul3A_2078 = arith.constant 1 : i32
          %mul3A_2079 = arith.muli %scan3A_2061, %mul3A_2078 : i32
          %add3A_2080 = arith.constant 0 : i32
          %add3A_2081 = arith.addi %add3A_2080, %mul3A_2079 : i32
          %get3A = arith.constant 1 : i32
          %get3A_2082 = arith.constant 6 : i32
          %get3A_2083 = arith.index_cast %get3A : i32 to index
          %get3A_2084 = arith.index_cast %get3A_2082 : i32 to index
          %get3A_2085 = arith.index_cast %add3A_2081 : i32 to index
          %get3A_2086 = arith.constant 0 : index
          %get3A_2087 = tpu.vector_load %arg6[%get3A_2083, %get3A_2084, %get3A_2085, %get3A_2086] {strides = array<i32>} : memref<2x7x100x16xi32, #tpu.memory_space<vmem>>, vector<16xi32>,
          %mul3A_2088 = arith.constant 100 : i32
          %mul3A_2089 = arith.muli %add3A_2081, %mul3A_2088 : i32
          %add3A_2090 = vector.broadcast %mul3A_2089 : i32 to vector<16xi32>
          %add3A_2091 = arith.addi %get3A_2087, %add3A_2090 : vector<16xi32>
          %broadcast_in_dim3A_2092 = arith.constant 0 : i32
          %broadcast_in_dim3A_2093 = vector.broadcast %broadcast_in_dim3A_2092 : i32 to vector<16xi32>
          %gather3A = tpu.vector_load_idx %arg5[%broadcast_in_dim3A_2093, %add3A_2091] : memref<8x10000xi32, #tpu.memory_space<vmem>>[vector<16xi32>, vector<16xi32>], vector<16xi32>,
          %shift_left3A = arith.constant 16 : i32
          %shift_left3A_2094 = vector.broadcast %shift_left3A : i32 to vector<16xi32>
          %shift_left3A_2095 = arith.shli %gather3A, %shift_left3A_2094 : vector<16xi32>
          %bitcast3A = vector.bitcast %shift_left3A_2095 : vector<16xi32> to vector<16xf32>
          %bitcast3A_2096 = vector.bitcast %gather3A : vector<16xi32> to vector<16xf32>
          %add3A_2097 = arith.addf %scan3A_2062, %bitcast3A : vector<16xf32>
          %add3A_2098 = arith.addf %scan3A_2063, %bitcast3A_2096 : vector<16xf32>
          %broadcast_in_dim3A_2099 = arith.constant 1 : i32
          %broadcast_in_dim3A_2100 = vector.broadcast %broadcast_in_dim3A_2099 : i32 to vector<16xi32>
          %gather3A_2101 = tpu.vector_load_idx %arg5[%broadcast_in_dim3A_2100, %add3A_2091] : memref<8x10000xi32, #tpu.memory_space<vmem>>[vector<16xi32>, vector<16xi32>], vector<16xi32>,
          %shift_left3A_2102 = arith.constant 16 : i32
          %shift_left3A_2103 = vector.broadcast %shift_left3A_2102 : i32 to vector<16xi32>
          %shift_left3A_2104 = arith.shli %gather3A_2101, %shift_left3A_2103 : vector<16xi32>
          %bitcast3A_2105 = vector.bitcast %shift_left3A_2104 : vector<16xi32> to vector<16xf32>
          %bitcast3A_2106 = vector.bitcast %gather3A_2101 : vector<16xi32> to vector<16xf32>
          %add3A_2107 = arith.addf %scan3A_2064, %bitcast3A_2105 : vector<16xf32>
          %add3A_2108 = arith.addf %scan3A_2065, %bitcast3A_2106 : vector<16xf32>
          %broadcast_in_dim3A_2109 = arith.constant 2 : i32
          %broadcast_in_dim3A_2110 = vector.broadcast %broadcast_in_dim3A_2109 : i32 to vector<16xi32>
          %gather3A_2111 = tpu.vector_load_idx %arg5[%broadcast_in_dim3A_2110, %add3A_2091] : memref<8x10000xi32, #tpu.memory_space<vmem>>[vector<16xi32>, vector<16xi32>], vector<16xi32>,
          %shift_left3A_2112 = arith.constant 16 : i32
          %shift_left3A_2113 = vector.broadcast %shift_left3A_2112 : i32 to vector<16xi32>
          %shift_left3A_2114 = arith.shli %gather3A_2111, %shift_left3A_2113 : vector<16xi32>
          %bitcast3A_2115 = vector.bitcast %shift_left3A_2114 : vector<16xi32> to vector<16xf32>
          %bitcast3A_2116 = vector.bitcast %gather3A_2111 : vector<16xi32> to vector<16xf32>
          %add3A_2117 = arith.addf %scan3A_2066, %bitcast3A_2115 : vector<16xf32>
          %add3A_2118 = arith.addf %scan3A_2067, %bitcast3A_2116 : vector<16xf32>
          %broadcast_in_dim3A_2119 = arith.constant 3 : i32
          %broadcast_in_dim3A_2120 = vector.broadcast %broadcast_in_dim3A_2119 : i32 to vector<16xi32>
          %gather3A_2121 = tpu.vector_load_idx %arg5[%broadcast_in_dim3A_2120, %add3A_2091] : memref<8x10000xi32, #tpu.memory_space<vmem>>[vector<16xi32>, vector<16xi32>], vector<16xi32>,
          %shift_left3A_2122 = arith.constant 16 : i32
          %shift_left3A_2123 = vector.broadcast %shift_left3A_2122 : i32 to vector<16xi32>
          %shift_left3A_2124 = arith.shli %gather3A_2121, %shift_left3A_2123 : vector<16xi32>
          %bitcast3A_2125 = vector.bitcast %shift_left3A_2124 : vector<16xi32> to vector<16xf32>
          %bitcast3A_2126 = vector.bitcast %gather3A_2121 : vector<16xi32> to vector<16xf32>
          %add3A_2127 = arith.addf %scan3A_2068, %bitcast3A_2125 : vector<16xf32>
          %add3A_2128 = arith.addf %scan3A_2069, %bitcast3A_2126 : vector<16xf32>
          %broadcast_in_dim3A_2129 = arith.constant 4 : i32
          %broadcast_in_dim3A_2130 = vector.broadcast %broadcast_in_dim3A_2129 : i32 to vector<16xi32>
          %gather3A_2131 = tpu.vector_load_idx %arg5[%broadcast_in_dim3A_2130, %add3A_2091] : memref<8x10000xi32, #tpu.memory_space<vmem>>[vector<16xi32>, vector<16xi32>], vector<16xi32>,
          %shift_left3A_2132 = arith.constant 16 : i32
          %shift_left3A_2133 = vector.broadcast %shift_left3A_2132 : i32 to vector<16xi32>
          %shift_left3A_2134 = arith.shli %gather3A_2131, %shift_left3A_2133 : vector<16xi32>
          %bitcast3A_2135 = vector.bitcast %shift_left3A_2134 : vector<16xi32> to vector<16xf32>
          %bitcast3A_2136 = vector.bitcast %gather3A_2131 : vector<16xi32> to vector<16xf32>
          %add3A_2137 = arith.addf %scan3A_2070, %bitcast3A_2135 : vector<16xf32>
          %add3A_2138 = arith.addf %scan3A_2071, %bitcast3A_2136 : vector<16xf32>
          %broadcast_in_dim3A_2139 = arith.constant 5 : i32
          %broadcast_in_dim3A_2140 = vector.broadcast %broadcast_in_dim3A_2139 : i32 to vector<16xi32>
          %gather3A_2141 = tpu.vector_load_idx %arg5[%broadcast_in_dim3A_2140, %add3A_2091] : memref<8x10000xi32, #tpu.memory_space<vmem>>[vector<16xi32>, vector<16xi32>], vector<16xi32>,
          %shift_left3A_2142 = arith.constant 16 : i32
          %shift_left3A_2143 = vector.broadcast %shift_left3A_2142 : i32 to vector<16xi32>
          %shift_left3A_2144 = arith.shli %gather3A_2141, %shift_left3A_2143 : vector<16xi32>
          %bitcast3A_2145 = vector.bitcast %shift_left3A_2144 : vector<16xi32> to vector<16xf32>
          %bitcast3A_2146 = vector.bitcast %gather3A_2141 : vector<16xi32> to vector<16xf32>
          %add3A_2147 = arith.addf %scan3A_2072, %bitcast3A_2145 : vector<16xf32>
          %add3A_2148 = arith.addf %scan3A_2073, %bitcast3A_2146 : vector<16xf32>
          %broadcast_in_dim3A_2149 = arith.constant 6 : i32
          %broadcast_in_dim3A_2150 = vector.broadcast %broadcast_in_dim3A_2149 : i32 to vector<16xi32>
          %gather3A_2151 = tpu.vector_load_idx %arg5[%broadcast_in_dim3A_2150, %add3A_2091] : memref<8x10000xi32, #tpu.memory_space<vmem>>[vector<16xi32>, vector<16xi32>], vector<16xi32>,
          %shift_left3A_2152 = arith.constant 16 : i32
          %shift_left3A_2153 = vector.broadcast %shift_left3A_2152 : i32 to vector<16xi32>
          %shift_left3A_2154 = arith.shli %gather3A_2151, %shift_left3A_2153 : vector<16xi32>
          %bitcast3A_2155 = vector.bitcast %shift_left3A_2154 : vector<16xi32> to vector<16xf32>
          %bitcast3A_2156 = vector.bitcast %gather3A_2151 : vector<16xi32> to vector<16xf32>
          %add3A_2157 = arith.addf %scan3A_2074, %bitcast3A_2155 : vector<16xf32>
          %add3A_2158 = arith.addf %scan3A_2075, %bitcast3A_2156 : vector<16xf32>
          %broadcast_in_dim3A_2159 = arith.constant 7 : i32
          %broadcast_in_dim3A_2160 = vector.broadcast %broadcast_in_dim3A_2159 : i32 to vector<16xi32>
          %gather3A_2161 = tpu.vector_load_idx %arg5[%broadcast_in_dim3A_2160, %add3A_2091] : memref<8x10000xi32, #tpu.memory_space<vmem>>[vector<16xi32>, vector<16xi32>], vector<16xi32>,
          %shift_left3A_2162 = arith.constant 16 : i32
          %shift_left3A_2163 = vector.broadcast %shift_left3A_2162 : i32 to vector<16xi32>
          %shift_left3A_2164 = arith.shli %gather3A_2161, %shift_left3A_2163 : vector<16xi32>
          %bitcast3A_2165 = vector.bitcast %shift_left3A_2164 : vector<16xi32> to vector<16xf32>
          %bitcast3A_2166 = vector.bitcast %gather3A_2161 : vector<16xi32> to vector<16xf32>
          %add3A_2167 = arith.addf %scan3A_2076, %bitcast3A_2165 : vector<16xf32>
          %add3A_2168 = arith.addf %scan3A_2077, %bitcast3A_2166 : vector<16xf32>
          scf.yield %add3A_2097, %add3A_2098, %add3A_2107, %add3A_2108, %add3A_2117, %add3A_2118, %add3A_2127, %add3A_2128, %add3A_2137, %add3A_2138, %add3A_2147, %add3A_2148, %add3A_2157, %add3A_2158, %add3A_2167, %add3A_2168 : vector<16xf32>, vector<16xf32>, vector<16xf32>, vector<16xf32>, vector<16xf32>, vector<16xf32>, vector<16xf32>, vector<16xf32>, vector<16xf32>, vector<16xf32>, vector<16xf32>, vector<16xf32>, vector<16xf32>, vector<16xf32>, vector<16xf32>, vector<16xf32>
        }
        %scan3A_1944 = arith.constant 100 : i32
        %swap3A_1945 = arith.constant 1 : i32
        %swap3A_1946 = arith.constant 0 : i32
        %swap3A_1947 = arith.index_cast %swap3A_1945 : i32 to index
        %swap3A_1948 = arith.index_cast %swap3A_1946 : i32 to index
        %swap3A_1949 = arith.constant 96 : index
        %swap3A_1950 = tpu.vector_load %arg7[%swap3A_1947, %swap3A_1948, %swap3A_1949] {strides = array<i32>} : memref<2x16x112xf32, #tpu.memory_space<vmem>>, vector<16xf32>,
        tpu.vector_store %arg7[%swap3A_1947, %swap3A_1948, %swap3A_1949], %scan3A_1943#0 {strides = array<i32>} : memref<2x16x112xf32, #tpu.memory_space<vmem>>, vector<16xf32>,
        %swap3A_1951 = arith.constant 1 : i32
        %swap3A_1952 = arith.constant 1 : i32
        %swap3A_1953 = arith.index_cast %swap3A_1951 : i32 to index
        %swap3A_1954 = arith.index_cast %swap3A_1952 : i32 to index
        %swap3A_1955 = arith.constant 96 : index
        %swap3A_1956 = tpu.vector_load %arg7[%swap3A_1953, %swap3A_1954, %swap3A_1955] {strides = array<i32>} : memref<2x16x112xf32, #tpu.memory_space<vmem>>, vector<16xf32>,
        tpu.vector_store %arg7[%swap3A_1953, %swap3A_1954, %swap3A_1955], %scan3A_1943#1 {strides = array<i32>} : memref<2x16x112xf32, #tpu.memory_space<vmem>>, vector<16xf32>,
        %swap3A_1957 = arith.constant 1 : i32
        %swap3A_1958 = arith.constant 2 : i32
        %swap3A_1959 = arith.index_cast %swap3A_1957 : i32 to index
        %swap3A_1960 = arith.index_cast %swap3A_1958 : i32 to index
        %swap3A_1961 = arith.constant 96 : index
        %swap3A_1962 = tpu.vector_load %arg7[%swap3A_1959, %swap3A_1960, %swap3A_1961] {strides = array<i32>} : memref<2x16x112xf32, #tpu.memory_space<vmem>>, vector<16xf32>,
        tpu.vector_store %arg7[%swap3A_1959, %swap3A_1960, %swap3A_1961], %scan3A_1943#2 {strides = array<i32>} : memref<2x16x112xf32, #tpu.memory_space<vmem>>, vector<16xf32>,
        %swap3A_1963 = arith.constant 1 : i32
        %swap3A_1964 = arith.constant 3 : i32
        %swap3A_1965 = arith.index_cast %swap3A_1963 : i32 to index
        %swap3A_1966 = arith.index_cast %swap3A_1964 : i32 to index
        %swap3A_1967 = arith.constant 96 : index
        %swap3A_1968 = tpu.vector_load %arg7[%swap3A_1965, %swap3A_1966, %swap3A_1967] {strides = array<i32>} : memref<2x16x112xf32, #tpu.memory_space<vmem>>, vector<16xf32>,
        tpu.vector_store %arg7[%swap3A_1965, %swap3A_1966, %swap3A_1967], %scan3A_1943#3 {strides = array<i32>} : memref<2x16x112xf32, #tpu.memory_space<vmem>>, vector<16xf32>,
        %swap3A_1969 = arith.constant 1 : i32
        %swap3A_1970 = arith.constant 4 : i32
        %swap3A_1971 = arith.index_cast %swap3A_1969 : i32 to index
        %swap3A_1972 = arith.index_cast %swap3A_1970 : i32 to index
        %swap3A_1973 = arith.constant 96 : index
        %swap3A_1974 = tpu.vector_load %arg7[%swap3A_1971, %swap3A_1972, %swap3A_1973] {strides = array<i32>} : memref<2x16x112xf32, #tpu.memory_space<vmem>>, vector<16xf32>,
        tpu.vector_store %arg7[%swap3A_1971, %swap3A_1972, %swap3A_1973], %scan3A_1943#4 {strides = array<i32>} : memref<2x16x112xf32, #tpu.memory_space<vmem>>, vector<16xf32>,
        %swap3A_1975 = arith.constant 1 : i32
        %swap3A_1976 = arith.constant 5 : i32
        %swap3A_1977 = arith.index_cast %swap3A_1975 : i32 to index
        %swap3A_1978 = arith.index_cast %swap3A_1976 : i32 to index
        %swap3A_1979 = arith.constant 96 : index
        %swap3A_1980 = tpu.vector_load %arg7[%swap3A_1977, %swap3A_1978, %swap3A_1979] {strides = array<i32>} : memref<2x16x112xf32, #tpu.memory_space<vmem>>, vector<16xf32>,
        tpu.vector_store %arg7[%swap3A_1977, %swap3A_1978, %swap3A_1979], %scan3A_1943#5 {strides = array<i32>} : memref<2x16x112xf32, #tpu.memory_space<vmem>>, vector<16xf32>,
        %swap3A_1981 = arith.constant 1 : i32
        %swap3A_1982 = arith.constant 6 : i32
        %swap3A_1983 = arith.index_cast %swap3A_1981 : i32 to index
        %swap3A_1984 = arith.index_cast %swap3A_1982 : i32 to index
        %swap3A_1985 = arith.constant 96 : index
        %swap3A_1986 = tpu.vector_load %arg7[%swap3A_1983, %swap3A_1984, %swap3A_1985] {strides = array<i32>} : memref<2x16x112xf32, #tpu.memory_space<vmem>>, vector<16xf32>,
        tpu.vector_store %arg7[%swap3A_1983, %swap3A_1984, %swap3A_1985], %scan3A_1943#6 {strides = array<i32>} : memref<2x16x112xf32, #tpu.memory_space<vmem>>, vector<16xf32>,
        %swap3A_1987 = arith.constant 1 : i32
        %swap3A_1988 = arith.constant 7 : i32
        %swap3A_1989 = arith.index_cast %swap3A_1987 : i32 to index
        %swap3A_1990 = arith.index_cast %swap3A_1988 : i32 to index
        %swap3A_1991 = arith.constant 96 : index
        %swap3A_1992 = tpu.vector_load %arg7[%swap3A_1989, %swap3A_1990, %swap3A_1991] {strides = array<i32>} : memref<2x16x112xf32, #tpu.memory_space<vmem>>, vector<16xf32>,
        tpu.vector_store %arg7[%swap3A_1989, %swap3A_1990, %swap3A_1991], %scan3A_1943#7 {strides = array<i32>} : memref<2x16x112xf32, #tpu.memory_space<vmem>>, vector<16xf32>,
        %swap3A_1993 = arith.constant 1 : i32
        %swap3A_1994 = arith.constant 8 : i32
        %swap3A_1995 = arith.index_cast %swap3A_1993 : i32 to index
        %swap3A_1996 = arith.index_cast %swap3A_1994 : i32 to index
        %swap3A_1997 = arith.constant 96 : index
        %swap3A_1998 = tpu.vector_load %arg7[%swap3A_1995, %swap3A_1996, %swap3A_1997] {strides = array<i32>} : memref<2x16x112xf32, #tpu.memory_space<vmem>>, vector<16xf32>,
        tpu.vector_store %arg7[%swap3A_1995, %swap3A_1996, %swap3A_1997], %scan3A_1943#8 {strides = array<i32>} : memref<2x16x112xf32, #tpu.memory_space<vmem>>, vector<16xf32>,
        %swap3A_1999 = arith.constant 1 : i32
        %swap3A_2000 = arith.constant 9 : i32
        %swap3A_2001 = arith.index_cast %swap3A_1999 : i32 to index
        %swap3A_2002 = arith.index_cast %swap3A_2000 : i32 to index
        %swap3A_2003 = arith.constant 96 : index
        %swap3A_2004 = tpu.vector_load %arg7[%swap3A_2001, %swap3A_2002, %swap3A_2003] {strides = array<i32>} : memref<2x16x112xf32, #tpu.memory_space<vmem>>, vector<16xf32>,
        tpu.vector_store %arg7[%swap3A_2001, %swap3A_2002, %swap3A_2003], %scan3A_1943#9 {strides = array<i32>} : memref<2x16x112xf32, #tpu.memory_space<vmem>>, vector<16xf32>,
        %swap3A_2005 = arith.constant 1 : i32
        %swap3A_2006 = arith.constant 10 : i32
        %swap3A_2007 = arith.index_cast %swap3A_2005 : i32 to index
        %swap3A_2008 = arith.index_cast %swap3A_2006 : i32 to index
        %swap3A_2009 = arith.constant 96 : index
        %swap3A_2010 = tpu.vector_load %arg7[%swap3A_2007, %swap3A_2008, %swap3A_2009] {strides = array<i32>} : memref<2x16x112xf32, #tpu.memory_space<vmem>>, vector<16xf32>,
        tpu.vector_store %arg7[%swap3A_2007, %swap3A_2008, %swap3A_2009], %scan3A_1943#10 {strides = array<i32>} : memref<2x16x112xf32, #tpu.memory_space<vmem>>, vector<16xf32>,
        %swap3A_2011 = arith.constant 1 : i32
        %swap3A_2012 = arith.constant 11 : i32
        %swap3A_2013 = arith.index_cast %swap3A_2011 : i32 to index
        %swap3A_2014 = arith.index_cast %swap3A_2012 : i32 to index
        %swap3A_2015 = arith.constant 96 : index
        %swap3A_2016 = tpu.vector_load %arg7[%swap3A_2013, %swap3A_2014, %swap3A_2015] {strides = array<i32>} : memref<2x16x112xf32, #tpu.memory_space<vmem>>, vector<16xf32>,
        tpu.vector_store %arg7[%swap3A_2013, %swap3A_2014, %swap3A_2015], %scan3A_1943#11 {strides = array<i32>} : memref<2x16x112xf32, #tpu.memory_space<vmem>>, vector<16xf32>,
        %swap3A_2017 = arith.constant 1 : i32
        %swap3A_2018 = arith.constant 12 : i32
        %swap3A_2019 = arith.index_cast %swap3A_2017 : i32 to index
        %swap3A_2020 = arith.index_cast %swap3A_2018 : i32 to index
        %swap3A_2021 = arith.constant 96 : index
        %swap3A_2022 = tpu.vector_load %arg7[%swap3A_2019, %swap3A_2020, %swap3A_2021] {strides = array<i32>} : memref<2x16x112xf32, #tpu.memory_space<vmem>>, vector<16xf32>,
        tpu.vector_store %arg7[%swap3A_2019, %swap3A_2020, %swap3A_2021], %scan3A_1943#12 {strides = array<i32>} : memref<2x16x112xf32, #tpu.memory_space<vmem>>, vector<16xf32>,
        %swap3A_2023 = arith.constant 1 : i32
        %swap3A_2024 = arith.constant 13 : i32
        %swap3A_2025 = arith.index_cast %swap3A_2023 : i32 to index
        %swap3A_2026 = arith.index_cast %swap3A_2024 : i32 to index
        %swap3A_2027 = arith.constant 96 : index
        %swap3A_2028 = tpu.vector_load %arg7[%swap3A_2025, %swap3A_2026, %swap3A_2027] {strides = array<i32>} : memref<2x16x112xf32, #tpu.memory_space<vmem>>, vector<16xf32>,
        tpu.vector_store %arg7[%swap3A_2025, %swap3A_2026, %swap3A_2027], %scan3A_1943#13 {strides = array<i32>} : memref<2x16x112xf32, #tpu.memory_space<vmem>>, vector<16xf32>,
        %swap3A_2029 = arith.constant 1 : i32
        %swap3A_2030 = arith.constant 14 : i32
        %swap3A_2031 = arith.index_cast %swap3A_2029 : i32 to index
        %swap3A_2032 = arith.index_cast %swap3A_2030 : i32 to index
        %swap3A_2033 = arith.constant 96 : index
        %swap3A_2034 = tpu.vector_load %arg7[%swap3A_2031, %swap3A_2032, %swap3A_2033] {strides = array<i32>} : memref<2x16x112xf32, #tpu.memory_space<vmem>>, vector<16xf32>,
        tpu.vector_store %arg7[%swap3A_2031, %swap3A_2032, %swap3A_2033], %scan3A_1943#14 {strides = array<i32>} : memref<2x16x112xf32, #tpu.memory_space<vmem>>, vector<16xf32>,
        %swap3A_2035 = arith.constant 1 : i32
        %swap3A_2036 = arith.constant 15 : i32
        %swap3A_2037 = arith.index_cast %swap3A_2035 : i32 to index
        %swap3A_2038 = arith.index_cast %swap3A_2036 : i32 to index
        %swap3A_2039 = arith.constant 96 : index
        %swap3A_2040 = tpu.vector_load %arg7[%swap3A_2037, %swap3A_2038, %swap3A_2039] {strides = array<i32>} : memref<2x16x112xf32, #tpu.memory_space<vmem>>, vector<16xf32>,
        tpu.vector_store %arg7[%swap3A_2037, %swap3A_2038, %swap3A_2039], %scan3A_1943#15 {strides = array<i32>} : memref<2x16x112xf32, #tpu.memory_space<vmem>>, vector<16xf32>,
        %mul3A_2041 = arith.constant 2 : i32
        %mul3A_2042 = arith.muli %add3A_42, %mul3A_2041 : i32
        %mul3A_2043 = arith.constant 8 : i32
        %mul3A_2044 = arith.muli %mul3A_2042, %mul3A_2043 : i32
        %mul3A_2045 = arith.constant 7 : i32
        %mul3A_2046 = arith.muli %add3A_1067, %mul3A_2045 : i32
        %mul3A_2047 = arith.constant 16 : i32
        %mul3A_2048 = arith.muli %mul3A_2046, %mul3A_2047 : i32
        %add3A_2049 = arith.addi %mul3A_4, %mul3A_2048 : i32
        %dma_start3A_2050 = arith.constant 1 : i32
        %dma_start3A_2051 = arith.constant 0 : i32
        %dma_start3A_2052 = arith.constant 0 : i32
        %dma_start3A_2053 = tpu.memref_slice %arg7[%dma_start3A_2050, %dma_start3A_2051, %dma_start3A_2052] : memref<2x16x112xf32, #tpu.memory_space<vmem>> -> memref<1x16x112xf32, #tpu.memory_space<vmem>>
        %dma_start3A_2054 = tpu.memref_squeeze %dma_start3A_2053 : memref<1x16x112xf32, #tpu.memory_space<vmem>> -> memref<16x112xf32, #tpu.memory_space<vmem>>
        %dma_start3A_2055 = tpu.memref_slice %arg4[%mul3A_2044, %add3A_2049] : memref<96x50176xf32, #tpu.memory_space<hbm>> -> memref<16x112xf32, #tpu.memory_space<hbm>>
        %dma_start3A_2056 = tpu.memref_slice %arg4[%mul3A_2044, %add3A_2049] : memref<96x50176xf32, #tpu.memory_space<hbm>> -> memref<16x112xf32, #tpu.memory_space<hbm>>
        %dma_start3A_2057 = arith.constant 0 : i32
        %dma_start3A_2058 = arith.constant 0 : i32
        %dma_start3A_2059 = tpu.memref_slice %arg7[%dma_start3A_2050, %dma_start3A_2057, %dma_start3A_2058] : memref<2x16x112xf32, #tpu.memory_space<vmem>> -> memref<1x16x112xf32, #tpu.memory_space<vmem>>
        %dma_start3A_2060 = tpu.memref_squeeze %dma_start3A_2059 : memref<1x16x112xf32, #tpu.memory_space<vmem>> -> memref<16x112xf32, #tpu.memory_space<vmem>>
        tpu.enqueue_dma source(%dma_start3A_2060 : memref<16x112xf32, #tpu.memory_space<vmem>>) target(%dma_start3A_2056 : memref<16x112xf32, #tpu.memory_space<hbm>>) target_semaphore(%arg11 : memref<!tpu.dma_semaphore, #tpu.memory_space<semaphore_mem>>)
      }
      %scan3A_67 = arith.constant 7 : i32
    }
    %scan3A_8 = arith.constant 6 : i32
    %add3A_9 = arith.constant 1344 : i32
    %add3A_10 = arith.addi %mul3A_4, %add3A_9 : i32
    %dma_wait3A = arith.constant 0 : i32
    %dma_wait3A_11 = arith.constant 0 : i32
    %dma_wait3A_12 = arith.constant 0 : i32
    %dma_wait3A_13 = tpu.memref_slice %arg7[%dma_wait3A, %dma_wait3A_11, %dma_wait3A_12] : memref<2x16x112xf32, #tpu.memory_space<vmem>> -> memref<1x16x112xf32, #tpu.memory_space<vmem>>
    %dma_wait3A_14 = tpu.memref_squeeze %dma_wait3A_13 : memref<1x16x112xf32, #tpu.memory_space<vmem>> -> memref<16x112xf32, #tpu.memory_space<vmem>>
    %dma_wait3A_15 = arith.constant 80 : i32
    %dma_wait3A_16 = tpu.memref_slice %arg4[%dma_wait3A_15, %add3A_10] : memref<96x50176xf32, #tpu.memory_space<hbm>> -> memref<16x112xf32, #tpu.memory_space<hbm>>
    %dma_wait3A_17 = arith.constant 80 : i32
    %dma_wait3A_18 = tpu.memref_slice %arg4[%dma_wait3A_17, %add3A_10] : memref<96x50176xf32, #tpu.memory_space<hbm>> -> memref<16x112xf32, #tpu.memory_space<hbm>>
    %dma_wait3A_19 = arith.constant 0 : i32
    %dma_wait3A_20 = arith.constant 0 : i32
    %dma_wait3A_21 = tpu.memref_slice %arg7[%dma_wait3A, %dma_wait3A_19, %dma_wait3A_20] : memref<2x16x112xf32, #tpu.memory_space<vmem>> -> memref<1x16x112xf32, #tpu.memory_space<vmem>>
    %dma_wait3A_22 = tpu.memref_squeeze %dma_wait3A_21 : memref<1x16x112xf32, #tpu.memory_space<vmem>> -> memref<16x112xf32, #tpu.memory_space<vmem>>
    tpu.wait_dma2 semaphore(%arg10 : memref<!tpu.dma_semaphore, #tpu.memory_space<semaphore_mem>>) src(%dma_wait3A_22 : memref<16x112xf32, #tpu.memory_space<vmem>>) dst(%dma_wait3A_18 : memref<16x112xf32, #tpu.memory_space<hbm>>)
    %add3A_23 = arith.constant 1456 : i32
    %add3A_24 = arith.addi %mul3A_4, %add3A_23 : i32
    %dma_wait3A_25 = arith.constant 1 : i32
    %dma_wait3A_26 = arith.constant 0 : i32
    %dma_wait3A_27 = arith.constant 0 : i32
    %dma_wait3A_28 = tpu.memref_slice %arg7[%dma_wait3A_25, %dma_wait3A_26, %dma_wait3A_27] : memref<2x16x112xf32, #tpu.memory_space<vmem>> -> memref<1x16x112xf32, #tpu.memory_space<vmem>>
    %dma_wait3A_29 = tpu.memref_squeeze %dma_wait3A_28 : memref<1x16x112xf32, #tpu.memory_space<vmem>> -> memref<16x112xf32, #tpu.memory_space<vmem>>
    %dma_wait3A_30 = arith.constant 80 : i32
    %dma_wait3A_31 = tpu.memref_slice %arg4[%dma_wait3A_30, %add3A_24] : memref<96x50176xf32, #tpu.memory_space<hbm>> -> memref<16x112xf32, #tpu.memory_space<hbm>>
    %dma_wait3A_32 = arith.constant 80 : i32
    %dma_wait3A_33 = tpu.memref_slice %arg4[%dma_wait3A_32, %add3A_24] : memref<96x50176xf32, #tpu.memory_space<hbm>> -> memref<16x112xf32, #tpu.memory_space<hbm>>
    %dma_wait3A_34 = arith.constant 0 : i32
    %dma_wait3A_35 = arith.constant 0 : i32
    %dma_wait3A_36 = tpu.memref_slice %arg7[%dma_wait3A_25, %dma_wait3A_34, %dma_wait3A_35] : memref<2x16x112xf32, #tpu.memory_space<vmem>> -> memref<1x16x112xf32, #tpu.memory_space<vmem>>
    %dma_wait3A_37 = tpu.memref_squeeze %dma_wait3A_36 : memref<1x16x112xf32, #tpu.memory_space<vmem>> -> memref<16x112xf32, #tpu.memory_space<vmem>>
    tpu.wait_dma2 semaphore(%arg11 : memref<!tpu.dma_semaphore, #tpu.memory_space<semaphore_mem>>) src(%dma_wait3A_37 : memref<16x112xf32, #tpu.memory_space<vmem>>) dst(%dma_wait3A_33 : memref<16x112xf32, #tpu.memory_space<hbm>>)
    return
  }
}

</mosaic_0001>

<sc_bundles>
// kernel: _iht_sc.3.cloned.1.call-start
scs
__scs_entry_jumppad:
0x0: {  	(pc) =	sbr.rel $0x88, $3  }
0x1: {  	(tag) =	ssettag $0x0;
	lr =	simm.s32 $0x1  }
0x2: {  	[smem:$0x3F9F] =	sst lr;
	_ =	strace $0xD0000000  }
0x3: {  	_ = 	snop  }
0x4: {  	_ = 	snop  }
0x5: {  	_ = 	snop  }
0x6: {  	_ = 	snop  }
0x7: {  	_ = 	snop  }
__scs_overlays_trampoline_lowered:
0x8: {  	[smem:$0x3FAE] =	sst s0  }
0x9: {  	[smem:$0x3FAF] =	sst s1  }
0xa: {  	[smem:$0x3FB0] =	sst s2  }
0xb: {  	[smem:$0x3FB1] =	sst s3  }
0xc: {  	[smem:$0x3FB2] =	sst s4  }
0xd: {  	[smem:$0x3FB3] =	sst s5  }
0xe: {  	[smem:$0x3FB4] =	sst s6  }
0xf: {  	[smem:$0x3FB5] =	sst s7  }
0x10: {  	[smem:$0x3FB6] =	sst s8  }
0x11: {  	[smem:$0x3FB7] =	sst s9;
	s0 =	simm.s32 @!p0 $0x0  }
0x12: {  	s1 =	sld [smem:$0x3F9D];
	s0 =	simm.s32 @p0 $0x1  }
0x13: {  	[smem:$0x3FB8] =	sst s0;
	s0 =	simm.s32 @!p1 $0x0  }
0x14: {  	s2 =	sld [smem:$0x3F9C];
	s0 =	simm.s32 @p1 $0x1  }
0x15: {  	[smem:$0x3FB9] =	sst s0;
	s0 =	simm.s32 @!p2 $0x0  }
0x16: {  	s3 =	sld [smem:$0x3FDB];
	s0 =	simm.s32 @p2 $0x1  }
0x17: {  	s4 =	simm.s32 $0x1BF5;
	[smem:$0x3FBB] =	sst s0  }
0x18: {  	s0 =	sld [smem:$0x3F9E];
	_ =	swait.ge [sflag:s4], $0x0  }
0x19: {  	s7 =	sld [smem:$0x3F9F]  }
0x1a: {  	s8 =	sadd.s32 $0xFFFFE003, lr  }
0x1b: {  	s9 =	sadd.s32 $0xFFFFFEF7, lr;
	s5 =	simm.s32 $0xFFFFFFFF;
	p2 =	slt.u32 s8, $0xFFFFF086  }
0x1c: {  	p1 =	slt.u32 s9, $0xF7A;
	s5 =	simm.s32 @!p2 $0x0  }
0x1d: {  	s5 =	simm.s32 @p1 $0x1;
	p0 =	seq.s32 s7, s2  }
0x1e: {  	s7 =	smul.u32 @!p0 $0xF7A, s2;
	p2 =	seq.s32 @!p0 s5, $0x0  }
0x1f: {  	s9 =	smul.u32 $0xF7A, s1;
	s8 =	simm.s32 @!p0 $0x1BF5;
	p2 =	por !p2, p0  }
0x20: {  	[sflag:s8] =	ssyncset.s32 @!p0 $0xFFFFF086;
	s6 =	sadd.s32 @!p0 s3, s7;
	s7 =	simm.s32 @!p0 $0x108  }
0x21: {  	s3 =	sadd.s32 s3, s9;
	s6 =	sadd.s32 @!p0 $0x88, s6;
	s7 =	simm.s32 @p2 $0x1082  }
0x22: {  	[simem:s7], [sflag:s8] =	dma.local @!p0 [hbm:s6], $0xF7A  }
0x23: {  	s9 =	sor.u32 $0xD0000000, s2;
	s6 =	simm.s32 $0x108;
	_ =	swait.ge @!p0 [sflag:s8], $0x0  }
0x24: {  	s3 =	sadd.s32 $0x88, s3;
	s6 =	simm.s32 @!p1 $0x1082;
	[sflag:s4] =	ssyncset.s32 $0xFFFFF086  }
0x25: {  	[simem:s6], [sflag:s4] =	dma.local [hbm:s3], $0xF7A  }
0x26: {  	[smem:$0x3F9F] =	sst s1;
	(tag) =	ssettag s2;
	_ =	strace s9  }
0x27: {  	s1 =	sld [smem:$0x3FAF]  }
0x28: {  	s2 =	sld [smem:$0x3FB0]  }
0x29: {  	s4 =	sld [smem:$0x3FB2]  }
0x2a: {  	p0 =	seq.s32 s5, $0x0;
	s5 =	sld [smem:$0x3FB3]  }
0x2b: {  	s6 =	sld [smem:$0x3FB4]  }
0x2c: {  	s7 =	sld [smem:$0x3FB5]  }
0x2d: {  	s3 =	simm.s32 $0x108;
	s8 =	sld [smem:$0x3FB6]  }
0x2e: {  	s3 =	simm.s32 @!p0 $0x1082;
	s9 =	sld [smem:$0x3FB7]  }
0x2f: {  	lr =	sadd.s32 s0, s3;
	s0 =	sld [smem:$0x3FAE]  }
0x30: {  	s3 =	sld [smem:$0x3FB1]  }
0x31: {  	[smem:$0x3FBA] =	sst s10  }
0x32: {  	s10 =	sld [smem:$0x3FB8];
	_ =	sdelay $0x3  }
0x33: {  	p0 =	seq.s32 s10, $0x1;
	s10 =	sld [smem:$0x3FBA];
	_ =	sdelay $0x3  }
0x34: {  	[smem:$0x3FBA] =	sst s10  }
0x35: {  	s10 =	sld [smem:$0x3FB9];
	_ =	sdelay $0x3  }
0x36: {  	p1 =	seq.s32 s10, $0x1;
	s10 =	sld [smem:$0x3FBA];
	_ =	sdelay $0x3  }
0x37: {  	[smem:$0x3FBA] =	sst s10  }
0x38: {  	s10 =	sld [smem:$0x3FBB]  }
0x39: {  	_ = 	snop;
	(pc) =	sbr.ind lr, $3  }
0x3a: {  	_ = 	snop  }
0x3b: {  	_ = 	snop  }
0x3c: {  	p2 =	seq.s32 s10, $0x1;
	s10 =	sld [smem:$0x3FBA]  }
0x3d: {  	_ =	shalt  }
0x3e: {  	_ =	shalt  }
0x3f: {  	_ =	shalt  }
0x40: {  	_ =	shalt  }
0x41: {  	_ =	shalt  }
0x42: {  	_ =	shalt  }
0x43: {  	_ =	shalt  }
0x44: {  	_ =	shalt  }
0x45: {  	_ =	shalt  }
0x46: {  	_ =	shalt  }
0x47: {  	_ =	shalt  }
0x48: {  	_ =	shalt  }
0x49: {  	_ =	shalt  }
0x4a: {  	_ =	shalt  }
0x4b: {  	_ =	shalt  }
0x4c: {  	_ =	shalt  }
0x4d: {  	_ =	shalt  }
0x4e: {  	_ =	shalt  }
0x4f: {  	_ =	shalt  }
0x50: {  	_ =	shalt  }
0x51: {  	_ =	shalt  }
0x52: {  	_ =	shalt  }
0x53: {  	_ =	shalt  }
0x54: {  	_ =	shalt  }
0x55: {  	_ =	shalt  }
0x56: {  	_ =	shalt  }
0x57: {  	_ =	shalt  }
0x58: {  	_ =	shalt  }
0x59: {  	_ =	shalt  }
0x5a: {  	_ =	shalt  }
0x5b: {  	_ =	shalt  }
0x5c: {  	_ =	shalt  }
0x5d: {  	_ =	shalt  }
0x5e: {  	_ =	shalt  }
0x5f: {  	_ =	shalt  }
0x60: {  	_ =	shalt  }
0x61: {  	_ =	shalt  }
0x62: {  	_ =	shalt  }
0x63: {  	_ =	shalt  }
0x64: {  	_ =	shalt  }
0x65: {  	_ =	shalt  }
0x66: {  	_ =	shalt  }
0x67: {  	_ =	shalt  }
0x68: {  	_ =	shalt  }
0x69: {  	_ =	shalt  }
0x6a: {  	_ =	shalt  }
0x6b: {  	_ =	shalt  }
0x6c: {  	_ =	shalt  }
0x6d: {  	_ =	shalt  }
0x6e: {  	_ =	shalt  }
0x6f: {  	_ =	shalt  }
0x70: {  	_ =	shalt  }
0x71: {  	_ =	shalt  }
0x72: {  	_ =	shalt  }
0x73: {  	_ =	shalt  }
0x74: {  	_ =	shalt  }
0x75: {  	_ =	shalt  }
0x76: {  	_ =	shalt  }
0x77: {  	_ =	shalt  }
0x78: {  	_ =	shalt  }
0x79: {  	_ =	shalt  }
0x7a: {  	_ =	shalt  }
0x7b: {  	_ =	shalt  }
0x7c: {  	_ =	shalt  }
0x7d: {  	_ =	shalt  }
0x7e: {  	_ =	shalt  }
0x7f: {  	_ =	shalt  }
0x80: {  	_ =	shalt  }
0x81: {  	_ =	shalt  }
0x82: {  	_ =	shalt  }
0x83: {  	_ =	shalt  }
0x84: {  	_ =	shalt  }
0x85: {  	_ =	shalt  }
0x86: {  	_ =	shalt  }
0x87: {  	_ =	shalt  }
.Lfunc_end0:
.L_simem_size_0:
called_computation_lowered:
.L_overlay_start_0:
0x88: {  	s2 =	sld [smem:$0x3FD9]  }
0x89: {  	s3 =	sld [smem:$0x3FFE];
	_ =	sdelay $0x1  }
0x8a: {  	s1 =	srdreg.scid  }
0x8b: {  	s0 =	sand.u32 $0x1, s1  }
0x8c: {  	s17 =	sshll.u32 s0, $0xA;
	s2 =	sadd.s32 s3, s2  }
0x8d: {  	s2 =	sadd.s32 s2, s17  }
0x8e: {  	[smem:$0x3FC6] =	sst s2  }
0x8f: {  	_ = 	snop  }
0x90: {  	s2 =	sld [smem:$0x3FD0];
	(tm) =	ssettm $0x1  }
0x91: {  	s18 =	sld [smem:$0x3FFB];
	_ =	sdelay $0x3  }
0x92: {  	_ =	strace s18  }
0x93: {  	s3 =	sld [smem:$0x3FFC];
	_ =	sdelay $0x3  }
0x94: {  	_ =	strace s3  }
0x95: {  	s3 =	sld [smem:$0x3FFD];
	_ =	sdelay $0x3  }
0x96: {  	_ =	strace s3  }
0x97: {  	_ =	strace $0x8FFFFFFF  }
0x98: {  	s19 =	sld [smem:$0x3FDB];
	_ =	sdelay $0x1  }
0x99: {  	s4 =	simm.s32 $_scs_section_size  }
0x9a: {  	s5 =	simm.s32 $_size__tile_overlayer_lowered;
	s6 =	simm.s32 $_tile_overlayer_lowered  }
0x9b: {  	s22 =	simm.s32 $0x1BFF;
	s21 =	sshll.u32 s6, $0x1;
	s3 =	sadd.s32 s4, s19  }
0x9c: {  	s7 =	simm.s32 $0x0;
	s20 =	sshll.u32 s5, $0x1;
	s5 =	sadd.s32 s21, s3  }
0x9d: {  	[timem:s7], [sflag:s22] =	dma.local [hbm:s5], s20  }
0x9e: {  	_ =	swait.ge [sflag:s22], s20  }
0x9f: {  	s4 =	ssub.s32 $0x0, s20;
	[sflag:s22] =	ssyncset.done $0x0  }
0xa0: {  	[sflag:s22] =	ssyncadd.s32 s4;
	_ =	sdelay $0x1  }
0xa1: {  	s23 =	simm.s32 $0x1B8B  }
0xa2: {  	_ =	swait.ge [sflag:s23], $0x1  }
0xa3: {  	[sflag:s23] =	ssyncset.done $0x0  }
0xa4: {  	s25 =	simm.s32 $0x1B8E;
	s24 =	sld [smem:$0x3FFE];
	[sflag:s23] =	ssyncadd.s32 $0xFFFFFFFF  }
0xa5: {  	s26 =	simm.s32 $execute0_lowered;
	[smem:$0x3FD2] =	sst s25  }
0xa6: {  	s5 =	sshll.u32 s26, $0x1;
	_ =	strace $0x80000046;
	[dreg:$0x1] =	wrdreg $0xFFFFFFFF  }
0xa7: {  	s28 =	simm.s32 $_size_execute0_lowered;
	s3 =	sadd.s32 s3, s5;
	[dreg:$0x0] =	wrdreg $0x0  }
0xa8: {  	s5 =	sshll.u32 s28, $0x1;
	[dreg:$0x2] =	wrdreg s3  }
0xa9: {  	[dreg:$0x3] =	wrdreg s5  }
0xaa: {  	[dreg:$0x4] =	wrdreg $0xC0  }
0xab: {  	_ =	task [dreg:s7], $0x5FFFF  }
0xac: {  	[dreg:$0x1] =	wrdreg $0xFFFFFFFF  }
0xad: {  	[dreg:$0x0] =	wrdreg $0x60  }
0xae: {  	[dreg:$0x2] =	wrdreg s2  }
0xaf: {  	[dreg:$0x3] =	wrdreg s24  }
0xb0: {  	[dreg:$0x4] =	wrdreg $0x9  }
0xb1: {  	_ =	task.clear_ibuf [dreg:s7], $0x5FFFF;
	_ =	strace $0x90000046  }
0xb2: {  	s29 =	simm.s32 $0x9;
	_ =	strace $0x80000048  }
0xb3: {  	_ =	swait.ge [sflag:s29], $0x1  }
0xb4: {  	[sflag:s29] =	ssyncadd.s32 $0xFFFFFFFF  }
0xb5: {  	_ =	strace $0x90000048  }
0xb6: {  	_ =	sfence  }
0xb7: {  	s30 =	sld [smem:$0x0];
	_ =	sdelay $0x2  }
0xb8: {  	s31 =	sshll.u32 s1, $0xD;
	s1 =	sshrl.u32 s1, $0x2  }
0xb9: {  	s3 =	sand.u32 $0x4000, s31;
	s1 =	sadd.s32 s1, s30  }
0xba: {  	s0 =	sor.u32 s3, s0;
	s1 =	sshll.u32 s1, $0x11  }
0xbb: {  	s0 =	sor.u32 s1, s0  }
0xbc: {  	s0 =	sadd.s32 $0x8F2B, s0  }
0xbd: {  	[sflag:s0] =	ssyncadd.remote.s32 $0x1  }
0xbe: {  	_ =	sfence.sel $0xFFFF  }
0xbf: {  	[dreg:$0x0] =	wrdreg $0xFFFFFFFF;
	(pc) =	sbr.abs _section_cstart, $3  }
0xc0: {  	[dreg:$0x1] =	wrdreg $0xFFFFFFFF  }
0xc1: {  	_ =	task.clear_ibuf [dreg:s7], $0x2FFFF;
	_ =	strace $0x9FFFFFFF  }
0xc2: {  	(tm) =	ssettm $0x7FFFFFFF  }
0xc3: {  	_ =	shalt  }
tec
execute0_lowered:
.L_overlay_start_1:
0x0: {  	(tag) =	ssettag $0x1  }
0x1: {  	s2 =	rddreg [dreg:$0x0]  }
0x2: {  	s6 =	rddreg [dreg:$0x1];
	s4 =	srdreg.scid  }
0x3: {  	s1 =	stileid.u32;
	s3 =	simm.s32 $0x0;
	s12 =	simm.s32 $0x13880  }
0x4: {  	s13 =	simm.s32 $0x1;
	s14 =	simm.s32 $0x16440;
	s15 =	simm.s32 $0x70  }
0x5: {  	s16 =	simm.s32 $0xC400;
	s17 =	simm.s32 $0x19000;
	s18 =	simm.s32 $0x2  }
0x6: {  	s19 =	simm.s32 $0x19700;
	s20 =	simm.s32 $0x3;
	s21 =	simm.s32 $0x4  }
0x7: {  	s4 =	sand.u32 $0x1, s4;
	s5 =	sshll.u32 s1, $0x1;
	[smem:$0x7FF] =	sst s3  }
0x8: {  	s22 =	simm.s32 $0x0;
	s7 =	sor.u32 s4, s5;
	_ =	strace $0x80000047  }
0x9: {  	s8 =	ssub.s32 $0x2, s4;
	s5 =	sadd.s32 $0x4FA600, s6;
	s10 =	smul.u32 $0x4C90, s7  }
0xa: {  	s6 =	sadd.s32 $0x600, s6;
	s4 =	smul.u32 $0x62, s7;
	s9 =	sshrl.u32 s8, $0x1  }
0xb: {  	s7 =	smul.u32 $0x620, s7;
	s11 =	ssub.s32 s8, s9;
	s8 =	sadd.s32 s5, s10  }
0xc: {  	s9 =	sadd.s32 $0xE, s4;
	s10 =	smax.u32 s11, $0x1;
	s11 =	simm.s32 $0x5  }
.LBB2_1:
0xd: {  	s23 =	simm.s32 $0x0  }
.LBB2_2:
0xe: {  	s24 =	smul.u32 $0x2710, s23;
	_ =	sdelay $0x1  }
0xf: {  	s25 =	sadd.s32 s2, s24;
	s24 =	simm.s32 $0x0  }
0x10: {  	[tilespmem:s24], [sflag:$0x5] =	stream.linear.gather [hbm4b:s25+s24], $0x13880, $0x38;
	[tilespmem:$0x19E00] =	vst v63  }
0x11: {  	s26 =	smul.u32 $0xC4000, s23;
	_ =	swait.ge [sflag:s11], $0x13880  }
0x12: {  	s28 =	simm.s32 $0x0;
	[sflag:s11] =	ssyncset.done $0x0  }
0x13: {  	s26 =	sadd.s32 s7, s26;
	s25 =	smul.u32 $0xE, s23;
	[sflag:s11] =	ssyncadd.s32 $0xFFFEC780  }
0x14: {  	[tilespmem:s12], [sflag:$0x1] =	stream.linear.gather [hbm4b:s8+s24], $0x2BC0, $0x38;
	[tilespmem:$0x19E00] =	vst v63  }
.LBB2_3:
0x15: {  	s29 =	sshllo.u32 s28, $0x1  }
0x16: {  	s30 =	smul.u32 $0x7, s29;
	_ =	sdelay $0x1  }
0x17: {  	s30 =	sadd.s32 s4, s30  }
0x18: {  	_ =	swait.ge [sflag:s13], $0x2BC0;
	s30 =	smul.u32 $0xC8, s30  }
0x19: {  	[sflag:s13] =	ssyncset.done $0x0  }
0x1a: {  	[sflag:s13] =	ssyncadd.s32 $0xFFFFD440;
	s30 =	sadd.s32 s5, s30  }
0x1b: {  	[tilespmem:s14], [sflag:$0x2] =	stream.linear.gather [hbm4b:s30+s3], $0x2BC0, $0x38;
	[tilespmem:$0x19E00] =	vst v63  }
0x1c: {  	s30 =	sor.u32 s25, s28  }
0x1d: {  	p0 =	seq.s32 s30, $0x0  }
0x1e: {  	s30 =	simm.s32 @!p0 $0x3  }
0x1f: {  	_ =	swait.ge @!p0 [sflag:s30], $0x700  }
0x20: {  	[sflag:s30] =	ssyncset.done @!p0 $0x0  }
0x21: {  	[sflag:s30] =	ssyncadd.s32 @!p0 $0xFFFFF900;
	s30 =	simm.s32 $0x13880  }
0x22: {  	v0 =	vld [tilespmem:s30+$0x0];
	_ =	sdelay $0x4  }
0x23: {  	v0 =	vadd.s32 s24, v0  }
0x24: {  	v1 =	vadd.s32 $0x4E20, v0;
	_ =	sdelay $0x1  }
0x25: {  	s30 =	simm.s32 $0x13890  }
0x26: {  	v3 =	vld [tilespmem:s30+$0x0];
	v2 =	vadd.s32 $0x9C40, v0  }
0x27: {  	v9 =	vadd.s32 $0xC350, v0  }
0x28: {  	v8 =	vld.idx.msk [tilespmem:v1+s3+$0x0], $0xffff;
	v1 =	vadd.s32 $0x7530, v0  }
0x29: {  	v4 =	vimm.f32 $0.0e+00;
	v12 =	vimm.f32 $0.0e+00;
	v19 =	vadd.s32 $0x11170, v0;
	v5 =	vld.idx.msk [tilespmem:v0+s3+$0x0], $0xffff  }
0x2a: {  	v15 =	vimm.f32 $0.0e+00;
	v11 =	vimm.f32 $0.0e+00;
	s30 =	simm.s32 $0x64;
	v7 =	vadd.s32 $0x2710, v0  }
0x2b: {  	v21 =	vimm.f32 $0.0e+00;
	v10 =	vadd.s32 $0xEA60, v0;
	v22 =	vadd.s32 s30, v3;
	v2 =	vld.idx.msk [tilespmem:v2+s3+$0x0], $0xffff  }
0x2c: {  	v20 =	vimm.f32 $0.0e+00;
	v3 =	vimm.f32 $0.0e+00;
	v23 =	vadd.s32 $0x4E20, v22;
	v14 =	vld.idx.msk [tilespmem:v9+s3+$0x0], $0xffff  }
0x2d: {  	v27 =	vadd.s32 $0x9C40, v22;
	v17 =	vadd.s32 $0x2710, v22;
	v28 =	vadd.s32 $0x7530, v22;
	v18 =	vld.idx.msk [tilespmem:v1+s3+$0x0], $0xffff  }
0x2e: {  	v26 =	vadd.s32 $0xC350, v22;
	v9 =	vld.idx.msk [tilespmem:v19+s3+$0x0], $0xffff;
	v19 =	vimm.f32 $0.0e+00;
	v0 =	vshll.u32 v5, $0x10  }
0x2f: {  	v25 =	vld.idx.msk [tilespmem:v7+s3+$0x0], $0xffff;
	v7 =	vimm.f32 $0.0e+00;
	v13 =	vadd.f32 v5, v4;
	v16 =	vadd.f32 v0, v4  }
0x30: {  	v5 =	vld.idx.msk [tilespmem:v10+s3+$0x0], $0xffff;
	v10 =	vimm.f32 $0.0e+00;
	v6 =	vadd.f32 v8, v4;
	v1 =	vadd.f32 v2, v4  }
0x31: {  	s31 =	simm.s32 $0x138A0;
	s30 =	simm.s32 $0xC8;
	v24 =	vshll.u32 v2, $0x10;
	v2 =	vimm.f32 $0.0e+00;
	v0 =	vimm.f32 $0.0e+00  }
.LBB2_4:
0x32: {  	v29 =	vld [tilespmem:s31+$0x0];
	p0 =	sne.s32 s30, $0x26AC;
	v30 =	vshll.u32 v18, $0x10;
	v4 =	vadd.f32 v18, v4;
	v12 =	vadd.f32 v14, v12;
	s0 =	smov.u32 s30;
	s30 =	sadd.s32 $0x64, s30  }
0x33: {  	v32 =	vadd.s32 $0xEA60, v22;
	v11 =	vadd.f32 v24, v11;
	v31 =	vld.idx.msk [tilespmem:v22+s3+$0x0], $0xffff;
	v15 =	vadd.f32 v30, v15  }
0x34: {  	v24 =	vld.idx.msk [tilespmem:v27+s3+$0x0], $0xffff;
	v27 =	vadd.s32 $0x11170, v22;
	v22 =	vshll.u32 v14, $0x10;
	v14 =	vshll.u32 v9, $0x10  }
0x35: {  	v2 =	vadd.f32 v5, v2;
	v30 =	vshll.u32 v8, $0x10;
	v0 =	vadd.f32 v9, v0;
	v8 =	vld.idx.msk [tilespmem:v23+s3+$0x0], $0xffff  }
0x36: {  	v5 =	vshll.u32 v5, $0x10;
	v19 =	vadd.f32 v25, v19;
	v3 =	vadd.f32 v14, v3;
	v18 =	vld.idx.msk [tilespmem:v28+s3+$0x0], $0xffff  }
0x37: {  	v7 =	vadd.f32 v5, v7;
	v9 =	vshll.u32 v25, $0x10;
	v10 =	vadd.f32 v22, v10;
	v14 =	vld.idx.msk [tilespmem:v26+s3+$0x0], $0xffff  }
.Ltmp0:
0x38: {  	v20 =	vadd.f32 v30, v20;
	v21 =	vadd.f32 v9, v21;
	v5 =	vld.idx.msk [tilespmem:v32+s3+$0x0], $0xffff;
	(pc) =	sbr.rel @p0 .LBB2_4-.Ltmp0, $4  }
0x39: {  	v22 =	vadd.s32 s0, v29;
	v25 =	vshll.u32 v31, $0x10;
	v13 =	vadd.f32 v31, v13;
	v9 =	vld.idx.msk [tilespmem:v27+s3+$0x0], $0xffff  }
0x3a: {  	v23 =	vadd.s32 $0x4E20, v22;
	v27 =	vadd.s32 $0x9C40, v22;
	v16 =	vadd.f32 v25, v16;
	v25 =	vld.idx.msk [tilespmem:v17+s3+$0x0], $0xffff  }
0x3b: {  	v1 =	vadd.f32 v24, v1;
	v17 =	vadd.s32 $0x2710, v22;
	v6 =	vadd.f32 v8, v6  }
0x3c: {  	s31 =	sadd.s32 $0x10, s31;
	v28 =	vadd.s32 $0x7530, v22;
	v26 =	vadd.s32 $0xC350, v22;
	v24 =	vshll.u32 v24, $0x10  }
0x3d: {  	_ =	sdelay $0x3  }
0x3e: {  	v29 =	vld.idx.msk [tilespmem:v22+s3+$0x0], $0xffff  }
0x3f: {  	v30 =	vadd.s32 $0xEA60, v22;
	v17 =	vld.idx.msk [tilespmem:v17+s3+$0x0], $0xffff  }
0x40: {  	v22 =	vadd.s32 $0x11170, v22;
	v23 =	vld.idx.msk [tilespmem:v23+s3+$0x0], $0xffff  }
0x41: {  	v28 =	vld.idx.msk [tilespmem:v28+s3+$0x0], $0xffff  }
0x42: {  	v27 =	vld.idx.msk [tilespmem:v27+s3+$0x0], $0xffff;
	v19 =	vadd.f32 v25, v19  }
0x43: {  	v26 =	vld.idx.msk [tilespmem:v26+s3+$0x0], $0xffff;
	v4 =	vadd.f32 v18, v4;
	v13 =	vadd.f32 v29, v13  }
0x44: {  	v31 =	vshll.u32 v25, $0x10;
	v30 =	vld.idx.msk [tilespmem:v30+s3+$0x0], $0xffff;
	v25 =	vshll.u32 v17, $0x10;
	v17 =	vadd.f32 v17, v19  }
0x45: {  	v22 =	vld.idx.msk [tilespmem:v22+s3+$0x0], $0xffff;
	v6 =	vadd.f32 v23, v6;
	[tilespmem:$0x19070] =	vst v13  }
0x46: {  	v12 =	vadd.f32 v14, v12;
	v32 =	vshll.u32 v29, $0x10;
	v4 =	vadd.f32 v28, v4;
	[tilespmem:$0x19150] =	vst v17  }
0x47: {  	v8 =	vshll.u32 v8, $0x10;
	v21 =	vadd.f32 v31, v21;
	v16 =	vadd.f32 v32, v16;
	[tilespmem:$0x19230] =	vst v6  }
0x48: {  	v8 =	vadd.f32 v8, v20;
	v29 =	vshll.u32 v18, $0x10;
	v1 =	vadd.f32 v27, v1;
	[tilespmem:$0x19310] =	vst v4  }
0x49: {  	v20 =	vadd.f32 v25, v21;
	v13 =	vadd.f32 v29, v15;
	[tilespmem:$0x19000] =	vst v16;
	v16 =	vshll.u32 v23, $0x10  }
0x4a: {  	v2 =	vadd.f32 v5, v2;
	v15 =	vshll.u32 v28, $0x10;
	[tilespmem:$0x193F0] =	vst v1;
	v8 =	vadd.f32 v16, v8  }
0x4b: {  	v0 =	vadd.f32 v9, v0;
	v4 =	vshll.u32 v9, $0x10;
	[tilespmem:$0x190E0] =	vst v20;
	v13 =	vadd.f32 v15, v13  }
0x4c: {  	v1 =	vadd.f32 v4, v3;
	v2 =	vadd.f32 v30, v2;
	[tilespmem:$0x191C0] =	vst v8  }
0x4d: {  	v11 =	vadd.f32 v24, v11;
	v4 =	vshll.u32 v22, $0x10;
	v0 =	vadd.f32 v22, v0;
	[tilespmem:$0x192A0] =	vst v13  }
0x4e: {  	v8 =	vshll.u32 v14, $0x10;
	v14 =	vshll.u32 v27, $0x10;
	v1 =	vadd.f32 v4, v1;
	[tilespmem:$0x195B0] =	vst v2  }
0x4f: {  	v6 =	vadd.f32 v8, v10;
	v8 =	vadd.f32 v14, v11;
	v10 =	vshll.u32 v5, $0x10;
	[tilespmem:$0x19690] =	vst v0  }
0x50: {  	v11 =	vshll.u32 v26, $0x10;
	v5 =	vadd.f32 v26, v12;
	v7 =	vadd.f32 v10, v7;
	[tilespmem:$0x19620] =	vst v1  }
0x51: {  	v6 =	vadd.f32 v11, v6;
	[tilespmem:$0x19380] =	vst v8;
	v8 =	vshll.u32 v30, $0x10  }
0x52: {  	[tilespmem:$0x194D0] =	vst v5;
	v3 =	vadd.f32 v8, v7  }
0x53: {  	[tilespmem:$0x19460] =	vst v6  }
0x54: {  	s0 =	simm.s32 $0x13EC0;
	[tilespmem:$0x19540] =	vst v3  }
0x55: {  	v0 =	vld [tilespmem:s0+$0x0];
	_ =	sdelay $0x3  }
0x56: {  	s0 =	simm.s32 $0x0  }
0x57: {  	v0 =	vadd.s32 s0, v0  }
0x58: {  	v1 =	vadd.s32 $0x4E20, v0  }
0x59: {  	v2 =	vadd.s32 $0x9C40, v0  }
0x5a: {  	s0 =	simm.s32 $0x13ED0;
	v9 =	vadd.s32 $0xC350, v0  }
0x5b: {  	v3 =	vld [tilespmem:s0+$0x0];
	v19 =	vadd.s32 $0x11170, v0  }
0x5c: {  	v7 =	vadd.s32 $0x2710, v0;
	v5 =	vld.idx.msk [tilespmem:v0+s3+$0x0], $0xffff  }
0x5d: {  	v8 =	vld.idx.msk [tilespmem:v1+s3+$0x0], $0xffff;
	v1 =	vadd.s32 $0x7530, v0  }
0x5e: {  	v21 =	vimm.f32 $0.0e+00;
	v2 =	vld.idx.msk [tilespmem:v2+s3+$0x0], $0xffff  }
0x5f: {  	v20 =	vimm.f32 $0.0e+00;
	v15 =	vimm.f32 $0.0e+00;
	v4 =	vimm.f32 $0.0e+00;
	v14 =	vld.idx.msk [tilespmem:v9+s3+$0x0], $0xffff  }
0x60: {  	v12 =	vimm.f32 $0.0e+00;
	v11 =	vimm.f32 $0.0e+00;
	s0 =	simm.s32 $0x64;
	v10 =	vadd.s32 $0xEA60, v0;
	v9 =	vld.idx.msk [tilespmem:v19+s3+$0x0], $0xffff  }
0x61: {  	v22 =	vadd.s32 s0, v3;
	v19 =	vimm.f32 $0.0e+00;
	v3 =	vimm.f32 $0.0e+00;
	v25 =	vld.idx.msk [tilespmem:v7+s3+$0x0], $0xffff  }
0x62: {  	v7 =	vimm.f32 $0.0e+00;
	v23 =	vadd.s32 $0x4E20, v22;
	v27 =	vadd.s32 $0x9C40, v22;
	v18 =	vld.idx.msk [tilespmem:v1+s3+$0x0], $0xffff  }
0x63: {  	v17 =	vadd.s32 $0x2710, v22;
	v28 =	vadd.s32 $0x7530, v22;
	v0 =	vshll.u32 v5, $0x10  }
0x64: {  	v26 =	vadd.s32 $0xC350, v22;
	v13 =	vadd.f32 v5, v4;
	v16 =	vadd.f32 v0, v4  }
0x65: {  	v5 =	vld.idx.msk [tilespmem:v10+s3+$0x0], $0xffff;
	v10 =	vimm.f32 $0.0e+00;
	v6 =	vadd.f32 v8, v4;
	v1 =	vadd.f32 v2, v4  }
0x66: {  	s30 =	simm.s32 $0xC8;
	s31 =	simm.s32 $0x13EE0;
	v24 =	vshll.u32 v2, $0x10;
	v2 =	vimm.f32 $0.0e+00;
	v0 =	vimm.f32 $0.0e+00  }
.LBB2_6:
0x67: {  	v29 =	vld [tilespmem:s31+$0x0];
	p0 =	sne.s32 s30, $0x26AC;
	v30 =	vshll.u32 v18, $0x10;
	v4 =	vadd.f32 v18, v4;
	v12 =	vadd.f32 v14, v12;
	s0 =	smov.u32 s30;
	s30 =	sadd.s32 $0x64, s30  }
0x68: {  	v32 =	vadd.s32 $0xEA60, v22;
	v11 =	vadd.f32 v24, v11;
	v31 =	vld.idx.msk [tilespmem:v22+s3+$0x0], $0xffff;
	v15 =	vadd.f32 v30, v15  }
0x69: {  	v24 =	vld.idx.msk [tilespmem:v27+s3+$0x0], $0xffff;
	v27 =	vadd.s32 $0x11170, v22;
	v22 =	vshll.u32 v14, $0x10;
	v14 =	vshll.u32 v9, $0x10  }
0x6a: {  	v2 =	vadd.f32 v5, v2;
	v30 =	vshll.u32 v8, $0x10;
	v0 =	vadd.f32 v9, v0;
	v8 =	vld.idx.msk [tilespmem:v23+s3+$0x0], $0xffff  }
0x6b: {  	v5 =	vshll.u32 v5, $0x10;
	v19 =	vadd.f32 v25, v19;
	v3 =	vadd.f32 v14, v3;
	v18 =	vld.idx.msk [tilespmem:v28+s3+$0x0], $0xffff  }
0x6c: {  	v7 =	vadd.f32 v5, v7;
	v9 =	vshll.u32 v25, $0x10;
	v10 =	vadd.f32 v22, v10;
	v14 =	vld.idx.msk [tilespmem:v26+s3+$0x0], $0xffff  }
.Ltmp1:
0x6d: {  	v20 =	vadd.f32 v30, v20;
	v21 =	vadd.f32 v9, v21;
	v5 =	vld.idx.msk [tilespmem:v32+s3+$0x0], $0xffff;
	(pc) =	sbr.rel @p0 .LBB2_6-.Ltmp1, $4  }
0x6e: {  	v22 =	vadd.s32 s0, v29;
	v25 =	vshll.u32 v31, $0x10;
	v13 =	vadd.f32 v31, v13;
	v9 =	vld.idx.msk [tilespmem:v27+s3+$0x0], $0xffff  }
0x6f: {  	v23 =	vadd.s32 $0x4E20, v22;
	v27 =	vadd.s32 $0x9C40, v22;
	v16 =	vadd.f32 v25, v16;
	v25 =	vld.idx.msk [tilespmem:v17+s3+$0x0], $0xffff  }
0x70: {  	v1 =	vadd.f32 v24, v1;
	v17 =	vadd.s32 $0x2710, v22;
	v6 =	vadd.f32 v8, v6  }
0x71: {  	s31 =	sadd.s32 $0x10, s31;
	v28 =	vadd.s32 $0x7530, v22;
	v26 =	vadd.s32 $0xC350, v22;
	v24 =	vshll.u32 v24, $0x10  }
0x72: {  	_ =	sdelay $0x3  }
0x73: {  	v29 =	vld.idx.msk [tilespmem:v22+s3+$0x0], $0xffff  }
0x74: {  	v30 =	vadd.s32 $0xEA60, v22;
	v17 =	vld.idx.msk [tilespmem:v17+s3+$0x0], $0xffff  }
0x75: {  	v22 =	vadd.s32 $0x11170, v22;
	v23 =	vld.idx.msk [tilespmem:v23+s3+$0x0], $0xffff  }
0x76: {  	v28 =	vld.idx.msk [tilespmem:v28+s3+$0x0], $0xffff  }
0x77: {  	v27 =	vld.idx.msk [tilespmem:v27+s3+$0x0], $0xffff;
	v19 =	vadd.f32 v25, v19  }
0x78: {  	v26 =	vld.idx.msk [tilespmem:v26+s3+$0x0], $0xffff;
	v4 =	vadd.f32 v18, v4;
	v13 =	vadd.f32 v29, v13  }
0x79: {  	v31 =	vshll.u32 v25, $0x10;
	v30 =	vld.idx.msk [tilespmem:v30+s3+$0x0], $0xffff;
	v25 =	vshll.u32 v17, $0x10;
	v17 =	vadd.f32 v17, v19  }
0x7a: {  	v22 =	vld.idx.msk [tilespmem:v22+s3+$0x0], $0xffff;
	v6 =	vadd.f32 v23, v6;
	[tilespmem:$0x19080] =	vst v13  }
0x7b: {  	v12 =	vadd.f32 v14, v12;
	v32 =	vshll.u32 v29, $0x10;
	v4 =	vadd.f32 v28, v4;
	[tilespmem:$0x19160] =	vst v17  }
0x7c: {  	v8 =	vshll.u32 v8, $0x10;
	v21 =	vadd.f32 v31, v21;
	v16 =	vadd.f32 v32, v16;
	[tilespmem:$0x19240] =	vst v6  }
0x7d: {  	v8 =	vadd.f32 v8, v20;
	v29 =	vshll.u32 v18, $0x10;
	v1 =	vadd.f32 v27, v1;
	[tilespmem:$0x19320] =	vst v4  }
0x7e: {  	v20 =	vadd.f32 v25, v21;
	v13 =	vadd.f32 v29, v15;
	[tilespmem:$0x19010] =	vst v16;
	v16 =	vshll.u32 v23, $0x10  }
0x7f: {  	v2 =	vadd.f32 v5, v2;
	v15 =	vshll.u32 v28, $0x10;
	[tilespmem:$0x19400] =	vst v1;
	v8 =	vadd.f32 v16, v8  }
0x80: {  	v0 =	vadd.f32 v9, v0;
	v4 =	vshll.u32 v9, $0x10;
	[tilespmem:$0x190F0] =	vst v20;
	v13 =	vadd.f32 v15, v13  }
0x81: {  	v1 =	vadd.f32 v4, v3;
	v2 =	vadd.f32 v30, v2;
	[tilespmem:$0x191D0] =	vst v8  }
0x82: {  	v11 =	vadd.f32 v24, v11;
	v4 =	vshll.u32 v22, $0x10;
	v0 =	vadd.f32 v22, v0;
	[tilespmem:$0x192B0] =	vst v13  }
0x83: {  	v8 =	vshll.u32 v14, $0x10;
	v14 =	vshll.u32 v27, $0x10;
	v1 =	vadd.f32 v4, v1;
	[tilespmem:$0x195C0] =	vst v2  }
0x84: {  	v6 =	vadd.f32 v8, v10;
	v8 =	vadd.f32 v14, v11;
	v10 =	vshll.u32 v5, $0x10;
	[tilespmem:$0x196A0] =	vst v0  }
0x85: {  	v11 =	vshll.u32 v26, $0x10;
	v5 =	vadd.f32 v26, v12;
	v7 =	vadd.f32 v10, v7;
	[tilespmem:$0x19630] =	vst v1  }
0x86: {  	v6 =	vadd.f32 v11, v6;
	[tilespmem:$0x19390] =	vst v8;
	v8 =	vshll.u32 v30, $0x10  }
0x87: {  	[tilespmem:$0x194E0] =	vst v5;
	v3 =	vadd.f32 v8, v7  }
0x88: {  	[tilespmem:$0x19470] =	vst v6  }
0x89: {  	s0 =	simm.s32 $0x14500;
	[tilespmem:$0x19550] =	vst v3  }
0x8a: {  	v0 =	vld [tilespmem:s0+$0x0];
	_ =	sdelay $0x3  }
0x8b: {  	s0 =	simm.s32 $0x0  }
0x8c: {  	v0 =	vadd.s32 s0, v0  }
0x8d: {  	v1 =	vadd.s32 $0x4E20, v0  }
0x8e: {  	v2 =	vadd.s32 $0x9C40, v0  }
0x8f: {  	s0 =	simm.s32 $0x14510;
	v9 =	vadd.s32 $0xC350, v0  }
0x90: {  	v3 =	vld [tilespmem:s0+$0x0];
	v19 =	vadd.s32 $0x11170, v0  }
0x91: {  	v7 =	vadd.s32 $0x2710, v0;
	v5 =	vld.idx.msk [tilespmem:v0+s3+$0x0], $0xffff  }
0x92: {  	v8 =	vld.idx.msk [tilespmem:v1+s3+$0x0], $0xffff;
	v1 =	vadd.s32 $0x7530, v0  }
0x93: {  	v21 =	vimm.f32 $0.0e+00;
	v2 =	vld.idx.msk [tilespmem:v2+s3+$0x0], $0xffff  }
0x94: {  	v20 =	vimm.f32 $0.0e+00;
	v15 =	vimm.f32 $0.0e+00;
	v4 =	vimm.f32 $0.0e+00;
	v14 =	vld.idx.msk [tilespmem:v9+s3+$0x0], $0xffff  }
0x95: {  	v12 =	vimm.f32 $0.0e+00;
	v11 =	vimm.f32 $0.0e+00;
	s0 =	simm.s32 $0x64;
	v10 =	vadd.s32 $0xEA60, v0;
	v9 =	vld.idx.msk [tilespmem:v19+s3+$0x0], $0xffff  }
0x96: {  	v22 =	vadd.s32 s0, v3;
	v19 =	vimm.f32 $0.0e+00;
	v3 =	vimm.f32 $0.0e+00;
	v25 =	vld.idx.msk [tilespmem:v7+s3+$0x0], $0xffff  }
0x97: {  	v7 =	vimm.f32 $0.0e+00;
	v23 =	vadd.s32 $0x4E20, v22;
	v27 =	vadd.s32 $0x9C40, v22;
	v18 =	vld.idx.msk [tilespmem:v1+s3+$0x0], $0xffff  }
0x98: {  	v17 =	vadd.s32 $0x2710, v22;
	v28 =	vadd.s32 $0x7530, v22;
	v0 =	vshll.u32 v5, $0x10  }
0x99: {  	v26 =	vadd.s32 $0xC350, v22;
	v13 =	vadd.f32 v5, v4;
	v16 =	vadd.f32 v0, v4  }
0x9a: {  	v5 =	vld.idx.msk [tilespmem:v10+s3+$0x0], $0xffff;
	v10 =	vimm.f32 $0.0e+00;
	v6 =	vadd.f32 v8, v4;
	v1 =	vadd.f32 v2, v4  }
0x9b: {  	s30 =	simm.s32 $0xC8;
	s31 =	simm.s32 $0x14520;
	v24 =	vshll.u32 v2, $0x10;
	v2 =	vimm.f32 $0.0e+00;
	v0 =	vimm.f32 $0.0e+00  }
.LBB2_8:
0x9c: {  	v29 =	vld [tilespmem:s31+$0x0];
	p0 =	sne.s32 s30, $0x26AC;
	v30 =	vshll.u32 v18, $0x10;
	v4 =	vadd.f32 v18, v4;
	v12 =	vadd.f32 v14, v12;
	s0 =	smov.u32 s30;
	s30 =	sadd.s32 $0x64, s30  }
0x9d: {  	v32 =	vadd.s32 $0xEA60, v22;
	v11 =	vadd.f32 v24, v11;
	v31 =	vld.idx.msk [tilespmem:v22+s3+$0x0], $0xffff;
	v15 =	vadd.f32 v30, v15  }
0x9e: {  	v24 =	vld.idx.msk [tilespmem:v27+s3+$0x0], $0xffff;
	v27 =	vadd.s32 $0x11170, v22;
	v22 =	vshll.u32 v14, $0x10;
	v14 =	vshll.u32 v9, $0x10  }
0x9f: {  	v2 =	vadd.f32 v5, v2;
	v30 =	vshll.u32 v8, $0x10;
	v0 =	vadd.f32 v9, v0;
	v8 =	vld.idx.msk [tilespmem:v23+s3+$0x0], $0xffff  }
0xa0: {  	v5 =	vshll.u32 v5, $0x10;
	v19 =	vadd.f32 v25, v19;
	v3 =	vadd.f32 v14, v3;
	v18 =	vld.idx.msk [tilespmem:v28+s3+$0x0], $0xffff  }
0xa1: {  	v7 =	vadd.f32 v5, v7;
	v9 =	vshll.u32 v25, $0x10;
	v10 =	vadd.f32 v22, v10;
	v14 =	vld.idx.msk [tilespmem:v26+s3+$0x0], $0xffff  }
.Ltmp2:
0xa2: {  	v20 =	vadd.f32 v30, v20;
	v21 =	vadd.f32 v9, v21;
	v5 =	vld.idx.msk [tilespmem:v32+s3+$0x0], $0xffff;
	(pc) =	sbr.rel @p0 .LBB2_8-.Ltmp2, $4  }
0xa3: {  	v22 =	vadd.s32 s0, v29;
	v25 =	vshll.u32 v31, $0x10;
	v13 =	vadd.f32 v31, v13;
	v9 =	vld.idx.msk [tilespmem:v27+s3+$0x0], $0xffff  }
0xa4: {  	v23 =	vadd.s32 $0x4E20, v22;
	v27 =	vadd.s32 $0x9C40, v22;
	v16 =	vadd.f32 v25, v16;
	v25 =	vld.idx.msk [tilespmem:v17+s3+$0x0], $0xffff  }
0xa5: {  	v1 =	vadd.f32 v24, v1;
	v17 =	vadd.s32 $0x2710, v22;
	v6 =	vadd.f32 v8, v6  }
0xa6: {  	s31 =	sadd.s32 $0x10, s31;
	v28 =	vadd.s32 $0x7530, v22;
	v26 =	vadd.s32 $0xC350, v22;
	v24 =	vshll.u32 v24, $0x10  }
0xa7: {  	_ =	sdelay $0x3  }
0xa8: {  	v29 =	vld.idx.msk [tilespmem:v22+s3+$0x0], $0xffff  }
0xa9: {  	v30 =	vadd.s32 $0xEA60, v22;
	v17 =	vld.idx.msk [tilespmem:v17+s3+$0x0], $0xffff  }
0xaa: {  	v22 =	vadd.s32 $0x11170, v22;
	v23 =	vld.idx.msk [tilespmem:v23+s3+$0x0], $0xffff  }
0xab: {  	v28 =	vld.idx.msk [tilespmem:v28+s3+$0x0], $0xffff  }
0xac: {  	v27 =	vld.idx.msk [tilespmem:v27+s3+$0x0], $0xffff;
	v19 =	vadd.f32 v25, v19  }
0xad: {  	v26 =	vld.idx.msk [tilespmem:v26+s3+$0x0], $0xffff;
	v4 =	vadd.f32 v18, v4;
	v13 =	vadd.f32 v29, v13  }
0xae: {  	v31 =	vshll.u32 v25, $0x10;
	v30 =	vld.idx.msk [tilespmem:v30+s3+$0x0], $0xffff;
	v25 =	vshll.u32 v17, $0x10;
	v17 =	vadd.f32 v17, v19  }
0xaf: {  	v22 =	vld.idx.msk [tilespmem:v22+s3+$0x0], $0xffff;
	v6 =	vadd.f32 v23, v6;
	[tilespmem:$0x19090] =	vst v13  }
0xb0: {  	v12 =	vadd.f32 v14, v12;
	v32 =	vshll.u32 v29, $0x10;
	v4 =	vadd.f32 v28, v4;
	[tilespmem:$0x19170] =	vst v17  }
0xb1: {  	v8 =	vshll.u32 v8, $0x10;
	v21 =	vadd.f32 v31, v21;
	v16 =	vadd.f32 v32, v16;
	[tilespmem:$0x19250] =	vst v6  }
0xb2: {  	v8 =	vadd.f32 v8, v20;
	v29 =	vshll.u32 v18, $0x10;
	v1 =	vadd.f32 v27, v1;
	[tilespmem:$0x19330] =	vst v4  }
0xb3: {  	v20 =	vadd.f32 v25, v21;
	v13 =	vadd.f32 v29, v15;
	[tilespmem:$0x19020] =	vst v16;
	v16 =	vshll.u32 v23, $0x10  }
0xb4: {  	v2 =	vadd.f32 v5, v2;
	v15 =	vshll.u32 v28, $0x10;
	[tilespmem:$0x19410] =	vst v1;
	v8 =	vadd.f32 v16, v8  }
0xb5: {  	v0 =	vadd.f32 v9, v0;
	v4 =	vshll.u32 v9, $0x10;
	[tilespmem:$0x19100] =	vst v20;
	v13 =	vadd.f32 v15, v13  }
0xb6: {  	v1 =	vadd.f32 v4, v3;
	v2 =	vadd.f32 v30, v2;
	[tilespmem:$0x191E0] =	vst v8  }
0xb7: {  	v11 =	vadd.f32 v24, v11;
	v4 =	vshll.u32 v22, $0x10;
	v0 =	vadd.f32 v22, v0;
	[tilespmem:$0x192C0] =	vst v13  }
0xb8: {  	v8 =	vshll.u32 v14, $0x10;
	v14 =	vshll.u32 v27, $0x10;
	v1 =	vadd.f32 v4, v1;
	[tilespmem:$0x195D0] =	vst v2  }
0xb9: {  	v6 =	vadd.f32 v8, v10;
	v8 =	vadd.f32 v14, v11;
	v10 =	vshll.u32 v5, $0x10;
	[tilespmem:$0x196B0] =	vst v0  }
0xba: {  	v11 =	vshll.u32 v26, $0x10;
	v5 =	vadd.f32 v26, v12;
	v7 =	vadd.f32 v10, v7;
	[tilespmem:$0x19640] =	vst v1  }
0xbb: {  	v6 =	vadd.f32 v11, v6;
	[tilespmem:$0x193A0] =	vst v8;
	v8 =	vshll.u32 v30, $0x10  }
0xbc: {  	[tilespmem:$0x194F0] =	vst v5;
	v3 =	vadd.f32 v8, v7  }
0xbd: {  	[tilespmem:$0x19480] =	vst v6  }
0xbe: {  	s0 =	simm.s32 $0x14B40;
	[tilespmem:$0x19560] =	vst v3  }
0xbf: {  	v0 =	vld [tilespmem:s0+$0x0];
	_ =	sdelay $0x3  }
0xc0: {  	s0 =	simm.s32 $0x0  }
0xc1: {  	v0 =	vadd.s32 s0, v0  }
0xc2: {  	v1 =	vadd.s32 $0x4E20, v0  }
0xc3: {  	v2 =	vadd.s32 $0x9C40, v0  }
0xc4: {  	s0 =	simm.s32 $0x14B50;
	v9 =	vadd.s32 $0xC350, v0  }
0xc5: {  	v3 =	vld [tilespmem:s0+$0x0];
	v19 =	vadd.s32 $0x11170, v0  }
0xc6: {  	v7 =	vadd.s32 $0x2710, v0;
	v5 =	vld.idx.msk [tilespmem:v0+s3+$0x0], $0xffff  }
0xc7: {  	v8 =	vld.idx.msk [tilespmem:v1+s3+$0x0], $0xffff;
	v1 =	vadd.s32 $0x7530, v0  }
0xc8: {  	v21 =	vimm.f32 $0.0e+00;
	v2 =	vld.idx.msk [tilespmem:v2+s3+$0x0], $0xffff  }
0xc9: {  	v20 =	vimm.f32 $0.0e+00;
	v15 =	vimm.f32 $0.0e+00;
	v4 =	vimm.f32 $0.0e+00;
	v14 =	vld.idx.msk [tilespmem:v9+s3+$0x0], $0xffff  }
0xca: {  	v12 =	vimm.f32 $0.0e+00;
	v11 =	vimm.f32 $0.0e+00;
	s0 =	simm.s32 $0x64;
	v10 =	vadd.s32 $0xEA60, v0;
	v9 =	vld.idx.msk [tilespmem:v19+s3+$0x0], $0xffff  }
0xcb: {  	v22 =	vadd.s32 s0, v3;
	v19 =	vimm.f32 $0.0e+00;
	v3 =	vimm.f32 $0.0e+00;
	v25 =	vld.idx.msk [tilespmem:v7+s3+$0x0], $0xffff  }
0xcc: {  	v7 =	vimm.f32 $0.0e+00;
	v23 =	vadd.s32 $0x4E20, v22;
	v27 =	vadd.s32 $0x9C40, v22;
	v18 =	vld.idx.msk [tilespmem:v1+s3+$0x0], $0xffff  }
0xcd: {  	v17 =	vadd.s32 $0x2710, v22;
	v28 =	vadd.s32 $0x7530, v22;
	v0 =	vshll.u32 v5, $0x10  }
0xce: {  	v26 =	vadd.s32 $0xC350, v22;
	v13 =	vadd.f32 v5, v4;
	v16 =	vadd.f32 v0, v4  }
0xcf: {  	v5 =	vld.idx.msk [tilespmem:v10+s3+$0x0], $0xffff;
	v10 =	vimm.f32 $0.0e+00;
	v6 =	vadd.f32 v8, v4;
	v1 =	vadd.f32 v2, v4  }
0xd0: {  	s30 =	simm.s32 $0xC8;
	s31 =	simm.s32 $0x14B60;
	v24 =	vshll.u32 v2, $0x10;
	v2 =	vimm.f32 $0.0e+00;
	v0 =	vimm.f32 $0.0e+00  }
.LBB2_10:
0xd1: {  	v29 =	vld [tilespmem:s31+$0x0];
	p0 =	sne.s32 s30, $0x26AC;
	v30 =	vshll.u32 v18, $0x10;
	v4 =	vadd.f32 v18, v4;
	v12 =	vadd.f32 v14, v12;
	s0 =	smov.u32 s30;
	s30 =	sadd.s32 $0x64, s30  }
0xd2: {  	v32 =	vadd.s32 $0xEA60, v22;
	v11 =	vadd.f32 v24, v11;
	v31 =	vld.idx.msk [tilespmem:v22+s3+$0x0], $0xffff;
	v15 =	vadd.f32 v30, v15  }
0xd3: {  	v24 =	vld.idx.msk [tilespmem:v27+s3+$0x0], $0xffff;
	v27 =	vadd.s32 $0x11170, v22;
	v22 =	vshll.u32 v14, $0x10;
	v14 =	vshll.u32 v9, $0x10  }
0xd4: {  	v2 =	vadd.f32 v5, v2;
	v30 =	vshll.u32 v8, $0x10;
	v0 =	vadd.f32 v9, v0;
	v8 =	vld.idx.msk [tilespmem:v23+s3+$0x0], $0xffff  }
0xd5: {  	v5 =	vshll.u32 v5, $0x10;
	v19 =	vadd.f32 v25, v19;
	v3 =	vadd.f32 v14, v3;
	v18 =	vld.idx.msk [tilespmem:v28+s3+$0x0], $0xffff  }
0xd6: {  	v7 =	vadd.f32 v5, v7;
	v9 =	vshll.u32 v25, $0x10;
	v10 =	vadd.f32 v22, v10;
	v14 =	vld.idx.msk [tilespmem:v26+s3+$0x0], $0xffff  }
.Ltmp3:
0xd7: {  	v20 =	vadd.f32 v30, v20;
	v21 =	vadd.f32 v9, v21;
	v5 =	vld.idx.msk [tilespmem:v32+s3+$0x0], $0xffff;
	(pc) =	sbr.rel @p0 .LBB2_10-.Ltmp3, $4  }
0xd8: {  	v22 =	vadd.s32 s0, v29;
	v25 =	vshll.u32 v31, $0x10;
	v13 =	vadd.f32 v31, v13;
	v9 =	vld.idx.msk [tilespmem:v27+s3+$0x0], $0xffff  }
0xd9: {  	v23 =	vadd.s32 $0x4E20, v22;
	v27 =	vadd.s32 $0x9C40, v22;
	v16 =	vadd.f32 v25, v16;
	v25 =	vld.idx.msk [tilespmem:v17+s3+$0x0], $0xffff  }
0xda: {  	v1 =	vadd.f32 v24, v1;
	v17 =	vadd.s32 $0x2710, v22;
	v6 =	vadd.f32 v8, v6  }
0xdb: {  	s31 =	sadd.s32 $0x10, s31;
	v28 =	vadd.s32 $0x7530, v22;
	v26 =	vadd.s32 $0xC350, v22;
	v24 =	vshll.u32 v24, $0x10  }
0xdc: {  	_ =	sdelay $0x3  }
0xdd: {  	v29 =	vld.idx.msk [tilespmem:v22+s3+$0x0], $0xffff  }
0xde: {  	v30 =	vadd.s32 $0xEA60, v22;
	v17 =	vld.idx.msk [tilespmem:v17+s3+$0x0], $0xffff  }
0xdf: {  	v22 =	vadd.s32 $0x11170, v22;
	v23 =	vld.idx.msk [tilespmem:v23+s3+$0x0], $0xffff  }
0xe0: {  	v28 =	vld.idx.msk [tilespmem:v28+s3+$0x0], $0xffff  }
0xe1: {  	v27 =	vld.idx.msk [tilespmem:v27+s3+$0x0], $0xffff;
	v19 =	vadd.f32 v25, v19  }
0xe2: {  	v26 =	vld.idx.msk [tilespmem:v26+s3+$0x0], $0xffff;
	v4 =	vadd.f32 v18, v4;
	v13 =	vadd.f32 v29, v13  }
0xe3: {  	v31 =	vshll.u32 v25, $0x10;
	v30 =	vld.idx.msk [tilespmem:v30+s3+$0x0], $0xffff;
	v25 =	vshll.u32 v17, $0x10;
	v17 =	vadd.f32 v17, v19  }
0xe4: {  	v22 =	vld.idx.msk [tilespmem:v22+s3+$0x0], $0xffff;
	v6 =	vadd.f32 v23, v6;
	[tilespmem:$0x190A0] =	vst v13  }
0xe5: {  	v12 =	vadd.f32 v14, v12;
	v32 =	vshll.u32 v29, $0x10;
	v4 =	vadd.f32 v28, v4;
	[tilespmem:$0x19180] =	vst v17  }
0xe6: {  	v8 =	vshll.u32 v8, $0x10;
	v21 =	vadd.f32 v31, v21;
	v16 =	vadd.f32 v32, v16;
	[tilespmem:$0x19260] =	vst v6  }
0xe7: {  	v8 =	vadd.f32 v8, v20;
	v29 =	vshll.u32 v18, $0x10;
	v1 =	vadd.f32 v27, v1;
	[tilespmem:$0x19340] =	vst v4  }
0xe8: {  	v20 =	vadd.f32 v25, v21;
	v13 =	vadd.f32 v29, v15;
	[tilespmem:$0x19030] =	vst v16;
	v16 =	vshll.u32 v23, $0x10  }
0xe9: {  	v2 =	vadd.f32 v5, v2;
	v15 =	vshll.u32 v28, $0x10;
	[tilespmem:$0x19420] =	vst v1;
	v8 =	vadd.f32 v16, v8  }
0xea: {  	v0 =	vadd.f32 v9, v0;
	v4 =	vshll.u32 v9, $0x10;
	[tilespmem:$0x19110] =	vst v20;
	v13 =	vadd.f32 v15, v13  }
0xeb: {  	v1 =	vadd.f32 v4, v3;
	v2 =	vadd.f32 v30, v2;
	[tilespmem:$0x191F0] =	vst v8  }
0xec: {  	v11 =	vadd.f32 v24, v11;
	v4 =	vshll.u32 v22, $0x10;
	v0 =	vadd.f32 v22, v0;
	[tilespmem:$0x192D0] =	vst v13  }
0xed: {  	v8 =	vshll.u32 v14, $0x10;
	v14 =	vshll.u32 v27, $0x10;
	v1 =	vadd.f32 v4, v1;
	[tilespmem:$0x195E0] =	vst v2  }
0xee: {  	v6 =	vadd.f32 v8, v10;
	v8 =	vadd.f32 v14, v11;
	v10 =	vshll.u32 v5, $0x10;
	[tilespmem:$0x196C0] =	vst v0  }
0xef: {  	v11 =	vshll.u32 v26, $0x10;
	v5 =	vadd.f32 v26, v12;
	v7 =	vadd.f32 v10, v7;
	[tilespmem:$0x19650] =	vst v1  }
0xf0: {  	v6 =	vadd.f32 v11, v6;
	[tilespmem:$0x193B0] =	vst v8;
	v8 =	vshll.u32 v30, $0x10  }
0xf1: {  	[tilespmem:$0x19500] =	vst v5;
	v3 =	vadd.f32 v8, v7  }
0xf2: {  	[tilespmem:$0x19490] =	vst v6  }
0xf3: {  	s0 =	simm.s32 $0x15180;
	[tilespmem:$0x19570] =	vst v3  }
0xf4: {  	v0 =	vld [tilespmem:s0+$0x0];
	_ =	sdelay $0x3  }
0xf5: {  	s0 =	simm.s32 $0x0  }
0xf6: {  	v0 =	vadd.s32 s0, v0  }
0xf7: {  	v1 =	vadd.s32 $0x4E20, v0  }
0xf8: {  	v2 =	vadd.s32 $0x9C40, v0  }
0xf9: {  	s0 =	simm.s32 $0x15190;
	v9 =	vadd.s32 $0xC350, v0  }
0xfa: {  	v3 =	vld [tilespmem:s0+$0x0];
	v19 =	vadd.s32 $0x11170, v0  }
0xfb: {  	v7 =	vadd.s32 $0x2710, v0;
	v5 =	vld.idx.msk [tilespmem:v0+s3+$0x0], $0xffff  }
0xfc: {  	v8 =	vld.idx.msk [tilespmem:v1+s3+$0x0], $0xffff;
	v1 =	vadd.s32 $0x7530, v0  }
0xfd: {  	v21 =	vimm.f32 $0.0e+00;
	v2 =	vld.idx.msk [tilespmem:v2+s3+$0x0], $0xffff  }
0xfe: {  	v20 =	vimm.f32 $0.0e+00;
	v15 =	vimm.f32 $0.0e+00;
	v4 =	vimm.f32 $0.0e+00;
	v14 =	vld.idx.msk [tilespmem:v9+s3+$0x0], $0xffff  }
0xff: {  	v12 =	vimm.f32 $0.0e+00;
	v11 =	vimm.f32 $0.0e+00;
	s0 =	simm.s32 $0x64;
	v10 =	vadd.s32 $0xEA60, v0;
	v9 =	vld.idx.msk [tilespmem:v19+s3+$0x0], $0xffff  }
0x100: {  	v22 =	vadd.s32 s0, v3;
	v19 =	vimm.f32 $0.0e+00;
	v3 =	vimm.f32 $0.0e+00;
	v25 =	vld.idx.msk [tilespmem:v7+s3+$0x0], $0xffff  }
0x101: {  	v7 =	vimm.f32 $0.0e+00;
	v23 =	vadd.s32 $0x4E20, v22;
	v27 =	vadd.s32 $0x9C40, v22;
	v18 =	vld.idx.msk [tilespmem:v1+s3+$0x0], $0xffff  }
0x102: {  	v17 =	vadd.s32 $0x2710, v22;
	v28 =	vadd.s32 $0x7530, v22;
	v0 =	vshll.u32 v5, $0x10  }
0x103: {  	v26 =	vadd.s32 $0xC350, v22;
	v13 =	vadd.f32 v5, v4;
	v16 =	vadd.f32 v0, v4  }
0x104: {  	v5 =	vld.idx.msk [tilespmem:v10+s3+$0x0], $0xffff;
	v10 =	vimm.f32 $0.0e+00;
	v6 =	vadd.f32 v8, v4;
	v1 =	vadd.f32 v2, v4  }
0x105: {  	s30 =	simm.s32 $0xC8;
	s31 =	simm.s32 $0x151A0;
	v24 =	vshll.u32 v2, $0x10;
	v2 =	vimm.f32 $0.0e+00;
	v0 =	vimm.f32 $0.0e+00  }
.LBB2_12:
0x106: {  	v29 =	vld [tilespmem:s31+$0x0];
	p0 =	sne.s32 s30, $0x26AC;
	v30 =	vshll.u32 v18, $0x10;
	v4 =	vadd.f32 v18, v4;
	v12 =	vadd.f32 v14, v12;
	s0 =	smov.u32 s30;
	s30 =	sadd.s32 $0x64, s30  }
0x107: {  	v32 =	vadd.s32 $0xEA60, v22;
	v11 =	vadd.f32 v24, v11;
	v31 =	vld.idx.msk [tilespmem:v22+s3+$0x0], $0xffff;
	v15 =	vadd.f32 v30, v15  }
0x108: {  	v24 =	vld.idx.msk [tilespmem:v27+s3+$0x0], $0xffff;
	v27 =	vadd.s32 $0x11170, v22;
	v22 =	vshll.u32 v14, $0x10;
	v14 =	vshll.u32 v9, $0x10  }
0x109: {  	v2 =	vadd.f32 v5, v2;
	v30 =	vshll.u32 v8, $0x10;
	v0 =	vadd.f32 v9, v0;
	v8 =	vld.idx.msk [tilespmem:v23+s3+$0x0], $0xffff  }
0x10a: {  	v5 =	vshll.u32 v5, $0x10;
	v19 =	vadd.f32 v25, v19;
	v3 =	vadd.f32 v14, v3;
	v18 =	vld.idx.msk [tilespmem:v28+s3+$0x0], $0xffff  }
0x10b: {  	v7 =	vadd.f32 v5, v7;
	v9 =	vshll.u32 v25, $0x10;
	v10 =	vadd.f32 v22, v10;
	v14 =	vld.idx.msk [tilespmem:v26+s3+$0x0], $0xffff  }
.Ltmp4:
0x10c: {  	v20 =	vadd.f32 v30, v20;
	v21 =	vadd.f32 v9, v21;
	v5 =	vld.idx.msk [tilespmem:v32+s3+$0x0], $0xffff;
	(pc) =	sbr.rel @p0 .LBB2_12-.Ltmp4, $4  }
0x10d: {  	v22 =	vadd.s32 s0, v29;
	v25 =	vshll.u32 v31, $0x10;
	v13 =	vadd.f32 v31, v13;
	v9 =	vld.idx.msk [tilespmem:v27+s3+$0x0], $0xffff  }
0x10e: {  	v23 =	vadd.s32 $0x4E20, v22;
	v27 =	vadd.s32 $0x9C40, v22;
	v16 =	vadd.f32 v25, v16;
	v25 =	vld.idx.msk [tilespmem:v17+s3+$0x0], $0xffff  }
0x10f: {  	v1 =	vadd.f32 v24, v1;
	v17 =	vadd.s32 $0x2710, v22;
	v6 =	vadd.f32 v8, v6  }
0x110: {  	s31 =	sadd.s32 $0x10, s31;
	v28 =	vadd.s32 $0x7530, v22;
	v26 =	vadd.s32 $0xC350, v22;
	v24 =	vshll.u32 v24, $0x10  }
0x111: {  	_ =	sdelay $0x3  }
0x112: {  	v29 =	vld.idx.msk [tilespmem:v22+s3+$0x0], $0xffff  }
0x113: {  	v30 =	vadd.s32 $0xEA60, v22;
	v17 =	vld.idx.msk [tilespmem:v17+s3+$0x0], $0xffff  }
0x114: {  	v22 =	vadd.s32 $0x11170, v22;
	v23 =	vld.idx.msk [tilespmem:v23+s3+$0x0], $0xffff  }
0x115: {  	v28 =	vld.idx.msk [tilespmem:v28+s3+$0x0], $0xffff  }
0x116: {  	v27 =	vld.idx.msk [tilespmem:v27+s3+$0x0], $0xffff;
	v19 =	vadd.f32 v25, v19  }
0x117: {  	v26 =	vld.idx.msk [tilespmem:v26+s3+$0x0], $0xffff;
	v4 =	vadd.f32 v18, v4;
	v13 =	vadd.f32 v29, v13  }
0x118: {  	v31 =	vshll.u32 v25, $0x10;
	v30 =	vld.idx.msk [tilespmem:v30+s3+$0x0], $0xffff;
	v25 =	vshll.u32 v17, $0x10;
	v17 =	vadd.f32 v17, v19  }
0x119: {  	v22 =	vld.idx.msk [tilespmem:v22+s3+$0x0], $0xffff;
	v6 =	vadd.f32 v23, v6;
	[tilespmem:$0x190B0] =	vst v13  }
0x11a: {  	v12 =	vadd.f32 v14, v12;
	v32 =	vshll.u32 v29, $0x10;
	v4 =	vadd.f32 v28, v4;
	[tilespmem:$0x19190] =	vst v17  }
0x11b: {  	v8 =	vshll.u32 v8, $0x10;
	v21 =	vadd.f32 v31, v21;
	v16 =	vadd.f32 v32, v16;
	[tilespmem:$0x19270] =	vst v6  }
0x11c: {  	v8 =	vadd.f32 v8, v20;
	v29 =	vshll.u32 v18, $0x10;
	v1 =	vadd.f32 v27, v1;
	[tilespmem:$0x19350] =	vst v4  }
0x11d: {  	v20 =	vadd.f32 v25, v21;
	v13 =	vadd.f32 v29, v15;
	[tilespmem:$0x19040] =	vst v16;
	v16 =	vshll.u32 v23, $0x10  }
0x11e: {  	v2 =	vadd.f32 v5, v2;
	v15 =	vshll.u32 v28, $0x10;
	[tilespmem:$0x19430] =	vst v1;
	v8 =	vadd.f32 v16, v8  }
0x11f: {  	v0 =	vadd.f32 v9, v0;
	v4 =	vshll.u32 v9, $0x10;
	[tilespmem:$0x19120] =	vst v20;
	v13 =	vadd.f32 v15, v13  }
0x120: {  	v1 =	vadd.f32 v4, v3;
	v2 =	vadd.f32 v30, v2;
	[tilespmem:$0x19200] =	vst v8  }
0x121: {  	v11 =	vadd.f32 v24, v11;
	v4 =	vshll.u32 v22, $0x10;
	v0 =	vadd.f32 v22, v0;
	[tilespmem:$0x192E0] =	vst v13  }
0x122: {  	v8 =	vshll.u32 v14, $0x10;
	v14 =	vshll.u32 v27, $0x10;
	v1 =	vadd.f32 v4, v1;
	[tilespmem:$0x195F0] =	vst v2  }
0x123: {  	v6 =	vadd.f32 v8, v10;
	v8 =	vadd.f32 v14, v11;
	v10 =	vshll.u32 v5, $0x10;
	[tilespmem:$0x196D0] =	vst v0  }
0x124: {  	v11 =	vshll.u32 v26, $0x10;
	v5 =	vadd.f32 v26, v12;
	v7 =	vadd.f32 v10, v7;
	[tilespmem:$0x19660] =	vst v1  }
0x125: {  	v6 =	vadd.f32 v11, v6;
	[tilespmem:$0x193C0] =	vst v8;
	v8 =	vshll.u32 v30, $0x10  }
0x126: {  	[tilespmem:$0x19510] =	vst v5;
	v3 =	vadd.f32 v8, v7  }
0x127: {  	[tilespmem:$0x194A0] =	vst v6  }
0x128: {  	s0 =	simm.s32 $0x157C0;
	[tilespmem:$0x19580] =	vst v3  }
0x129: {  	v0 =	vld [tilespmem:s0+$0x0];
	_ =	sdelay $0x3  }
0x12a: {  	s0 =	simm.s32 $0x0  }
0x12b: {  	v0 =	vadd.s32 s0, v0  }
0x12c: {  	v1 =	vadd.s32 $0x4E20, v0  }
0x12d: {  	v2 =	vadd.s32 $0x9C40, v0  }
0x12e: {  	s0 =	simm.s32 $0x157D0;
	v9 =	vadd.s32 $0xC350, v0  }
0x12f: {  	v3 =	vld [tilespmem:s0+$0x0];
	v19 =	vadd.s32 $0x11170, v0  }
0x130: {  	v7 =	vadd.s32 $0x2710, v0;
	v5 =	vld.idx.msk [tilespmem:v0+s3+$0x0], $0xffff  }
0x131: {  	v8 =	vld.idx.msk [tilespmem:v1+s3+$0x0], $0xffff;
	v1 =	vadd.s32 $0x7530, v0  }
0x132: {  	v21 =	vimm.f32 $0.0e+00;
	v2 =	vld.idx.msk [tilespmem:v2+s3+$0x0], $0xffff  }
0x133: {  	v20 =	vimm.f32 $0.0e+00;
	v15 =	vimm.f32 $0.0e+00;
	v4 =	vimm.f32 $0.0e+00;
	v14 =	vld.idx.msk [tilespmem:v9+s3+$0x0], $0xffff  }
0x134: {  	v12 =	vimm.f32 $0.0e+00;
	v11 =	vimm.f32 $0.0e+00;
	s0 =	simm.s32 $0x64;
	v10 =	vadd.s32 $0xEA60, v0;
	v9 =	vld.idx.msk [tilespmem:v19+s3+$0x0], $0xffff  }
0x135: {  	v22 =	vadd.s32 s0, v3;
	v19 =	vimm.f32 $0.0e+00;
	v3 =	vimm.f32 $0.0e+00;
	v25 =	vld.idx.msk [tilespmem:v7+s3+$0x0], $0xffff  }
0x136: {  	v7 =	vimm.f32 $0.0e+00;
	v23 =	vadd.s32 $0x4E20, v22;
	v27 =	vadd.s32 $0x9C40, v22;
	v18 =	vld.idx.msk [tilespmem:v1+s3+$0x0], $0xffff  }
0x137: {  	v17 =	vadd.s32 $0x2710, v22;
	v28 =	vadd.s32 $0x7530, v22;
	v0 =	vshll.u32 v5, $0x10  }
0x138: {  	v26 =	vadd.s32 $0xC350, v22;
	v13 =	vadd.f32 v5, v4;
	v16 =	vadd.f32 v0, v4  }
0x139: {  	v5 =	vld.idx.msk [tilespmem:v10+s3+$0x0], $0xffff;
	v10 =	vimm.f32 $0.0e+00;
	v6 =	vadd.f32 v8, v4;
	v1 =	vadd.f32 v2, v4  }
0x13a: {  	s30 =	simm.s32 $0xC8;
	s31 =	simm.s32 $0x157E0;
	v24 =	vshll.u32 v2, $0x10;
	v2 =	vimm.f32 $0.0e+00;
	v0 =	vimm.f32 $0.0e+00  }
.LBB2_14:
0x13b: {  	v29 =	vld [tilespmem:s31+$0x0];
	p0 =	sne.s32 s30, $0x26AC;
	v30 =	vshll.u32 v18, $0x10;
	v4 =	vadd.f32 v18, v4;
	v12 =	vadd.f32 v14, v12;
	s0 =	smov.u32 s30;
	s30 =	sadd.s32 $0x64, s30  }
0x13c: {  	v32 =	vadd.s32 $0xEA60, v22;
	v11 =	vadd.f32 v24, v11;
	v31 =	vld.idx.msk [tilespmem:v22+s3+$0x0], $0xffff;
	v15 =	vadd.f32 v30, v15  }
0x13d: {  	v24 =	vld.idx.msk [tilespmem:v27+s3+$0x0], $0xffff;
	v27 =	vadd.s32 $0x11170, v22;
	v22 =	vshll.u32 v14, $0x10;
	v14 =	vshll.u32 v9, $0x10  }
0x13e: {  	v2 =	vadd.f32 v5, v2;
	v30 =	vshll.u32 v8, $0x10;
	v0 =	vadd.f32 v9, v0;
	v8 =	vld.idx.msk [tilespmem:v23+s3+$0x0], $0xffff  }
0x13f: {  	v5 =	vshll.u32 v5, $0x10;
	v19 =	vadd.f32 v25, v19;
	v3 =	vadd.f32 v14, v3;
	v18 =	vld.idx.msk [tilespmem:v28+s3+$0x0], $0xffff  }
0x140: {  	v7 =	vadd.f32 v5, v7;
	v9 =	vshll.u32 v25, $0x10;
	v10 =	vadd.f32 v22, v10;
	v14 =	vld.idx.msk [tilespmem:v26+s3+$0x0], $0xffff  }
.Ltmp5:
0x141: {  	v20 =	vadd.f32 v30, v20;
	v21 =	vadd.f32 v9, v21;
	v5 =	vld.idx.msk [tilespmem:v32+s3+$0x0], $0xffff;
	(pc) =	sbr.rel @p0 .LBB2_14-.Ltmp5, $4  }
0x142: {  	v22 =	vadd.s32 s0, v29;
	v25 =	vshll.u32 v31, $0x10;
	v13 =	vadd.f32 v31, v13;
	v9 =	vld.idx.msk [tilespmem:v27+s3+$0x0], $0xffff  }
0x143: {  	v23 =	vadd.s32 $0x4E20, v22;
	v27 =	vadd.s32 $0x9C40, v22;
	v16 =	vadd.f32 v25, v16;
	v25 =	vld.idx.msk [tilespmem:v17+s3+$0x0], $0xffff  }
0x144: {  	v1 =	vadd.f32 v24, v1;
	v17 =	vadd.s32 $0x2710, v22;
	v6 =	vadd.f32 v8, v6  }
0x145: {  	s31 =	sadd.s32 $0x10, s31;
	v28 =	vadd.s32 $0x7530, v22;
	v26 =	vadd.s32 $0xC350, v22;
	v24 =	vshll.u32 v24, $0x10  }
0x146: {  	_ =	sdelay $0x3  }
0x147: {  	v29 =	vld.idx.msk [tilespmem:v22+s3+$0x0], $0xffff  }
0x148: {  	v30 =	vadd.s32 $0xEA60, v22;
	v17 =	vld.idx.msk [tilespmem:v17+s3+$0x0], $0xffff  }
0x149: {  	v22 =	vadd.s32 $0x11170, v22;
	v23 =	vld.idx.msk [tilespmem:v23+s3+$0x0], $0xffff  }
0x14a: {  	v28 =	vld.idx.msk [tilespmem:v28+s3+$0x0], $0xffff  }
0x14b: {  	v27 =	vld.idx.msk [tilespmem:v27+s3+$0x0], $0xffff;
	v19 =	vadd.f32 v25, v19  }
0x14c: {  	v26 =	vld.idx.msk [tilespmem:v26+s3+$0x0], $0xffff;
	v4 =	vadd.f32 v18, v4;
	v13 =	vadd.f32 v29, v13  }
0x14d: {  	v31 =	vshll.u32 v25, $0x10;
	v30 =	vld.idx.msk [tilespmem:v30+s3+$0x0], $0xffff;
	v25 =	vshll.u32 v17, $0x10;
	v17 =	vadd.f32 v17, v19  }
0x14e: {  	v22 =	vld.idx.msk [tilespmem:v22+s3+$0x0], $0xffff;
	v6 =	vadd.f32 v23, v6;
	[tilespmem:$0x190C0] =	vst v13  }
0x14f: {  	v12 =	vadd.f32 v14, v12;
	v32 =	vshll.u32 v29, $0x10;
	v4 =	vadd.f32 v28, v4;
	[tilespmem:$0x191A0] =	vst v17  }
0x150: {  	v8 =	vshll.u32 v8, $0x10;
	v21 =	vadd.f32 v31, v21;
	v16 =	vadd.f32 v32, v16;
	[tilespmem:$0x19280] =	vst v6  }
0x151: {  	v8 =	vadd.f32 v8, v20;
	v29 =	vshll.u32 v18, $0x10;
	v1 =	vadd.f32 v27, v1;
	[tilespmem:$0x19360] =	vst v4  }
0x152: {  	v20 =	vadd.f32 v25, v21;
	v13 =	vadd.f32 v29, v15;
	[tilespmem:$0x19050] =	vst v16;
	v16 =	vshll.u32 v23, $0x10  }
0x153: {  	v2 =	vadd.f32 v5, v2;
	v15 =	vshll.u32 v28, $0x10;
	[tilespmem:$0x19440] =	vst v1;
	v8 =	vadd.f32 v16, v8  }
0x154: {  	v0 =	vadd.f32 v9, v0;
	v4 =	vshll.u32 v9, $0x10;
	[tilespmem:$0x19130] =	vst v20;
	v13 =	vadd.f32 v15, v13  }
0x155: {  	v1 =	vadd.f32 v4, v3;
	v2 =	vadd.f32 v30, v2;
	[tilespmem:$0x19210] =	vst v8  }
0x156: {  	v11 =	vadd.f32 v24, v11;
	v4 =	vshll.u32 v22, $0x10;
	v0 =	vadd.f32 v22, v0;
	[tilespmem:$0x192F0] =	vst v13  }
0x157: {  	v8 =	vshll.u32 v14, $0x10;
	v14 =	vshll.u32 v27, $0x10;
	v1 =	vadd.f32 v4, v1;
	[tilespmem:$0x19600] =	vst v2  }
0x158: {  	v6 =	vadd.f32 v8, v10;
	v8 =	vadd.f32 v14, v11;
	v10 =	vshll.u32 v5, $0x10;
	[tilespmem:$0x196E0] =	vst v0  }
0x159: {  	v11 =	vshll.u32 v26, $0x10;
	v5 =	vadd.f32 v26, v12;
	v7 =	vadd.f32 v10, v7;
	[tilespmem:$0x19670] =	vst v1  }
0x15a: {  	v6 =	vadd.f32 v11, v6;
	[tilespmem:$0x193D0] =	vst v8;
	v8 =	vshll.u32 v30, $0x10  }
0x15b: {  	[tilespmem:$0x19520] =	vst v5;
	v3 =	vadd.f32 v8, v7  }
0x15c: {  	[tilespmem:$0x194B0] =	vst v6  }
0x15d: {  	s0 =	simm.s32 $0x15E00;
	[tilespmem:$0x19590] =	vst v3  }
0x15e: {  	v0 =	vld [tilespmem:s0+$0x0];
	_ =	sdelay $0x3  }
0x15f: {  	s0 =	simm.s32 $0x0  }
0x160: {  	v0 =	vadd.s32 s0, v0  }
0x161: {  	v1 =	vadd.s32 $0x4E20, v0  }
0x162: {  	v2 =	vadd.s32 $0x9C40, v0  }
0x163: {  	s0 =	simm.s32 $0x15E10;
	v9 =	vadd.s32 $0xC350, v0  }
0x164: {  	v3 =	vld [tilespmem:s0+$0x0];
	v19 =	vadd.s32 $0x11170, v0  }
0x165: {  	v7 =	vadd.s32 $0x2710, v0;
	v5 =	vld.idx.msk [tilespmem:v0+s3+$0x0], $0xffff  }
0x166: {  	v8 =	vld.idx.msk [tilespmem:v1+s3+$0x0], $0xffff;
	v1 =	vadd.s32 $0x7530, v0  }
0x167: {  	v21 =	vimm.f32 $0.0e+00;
	v2 =	vld.idx.msk [tilespmem:v2+s3+$0x0], $0xffff  }
0x168: {  	v20 =	vimm.f32 $0.0e+00;
	v15 =	vimm.f32 $0.0e+00;
	v4 =	vimm.f32 $0.0e+00;
	v14 =	vld.idx.msk [tilespmem:v9+s3+$0x0], $0xffff  }
0x169: {  	v12 =	vimm.f32 $0.0e+00;
	v11 =	vimm.f32 $0.0e+00;
	s0 =	simm.s32 $0x64;
	v10 =	vadd.s32 $0xEA60, v0;
	v9 =	vld.idx.msk [tilespmem:v19+s3+$0x0], $0xffff  }
0x16a: {  	v22 =	vadd.s32 s0, v3;
	v19 =	vimm.f32 $0.0e+00;
	v3 =	vimm.f32 $0.0e+00;
	v25 =	vld.idx.msk [tilespmem:v7+s3+$0x0], $0xffff  }
0x16b: {  	v7 =	vimm.f32 $0.0e+00;
	v23 =	vadd.s32 $0x4E20, v22;
	v27 =	vadd.s32 $0x9C40, v22;
	v18 =	vld.idx.msk [tilespmem:v1+s3+$0x0], $0xffff  }
0x16c: {  	v17 =	vadd.s32 $0x2710, v22;
	v28 =	vadd.s32 $0x7530, v22;
	v0 =	vshll.u32 v5, $0x10  }
0x16d: {  	v26 =	vadd.s32 $0xC350, v22;
	v13 =	vadd.f32 v5, v4;
	v16 =	vadd.f32 v0, v4  }
0x16e: {  	v5 =	vld.idx.msk [tilespmem:v10+s3+$0x0], $0xffff;
	v10 =	vimm.f32 $0.0e+00;
	v6 =	vadd.f32 v8, v4;
	v1 =	vadd.f32 v2, v4  }
0x16f: {  	s30 =	simm.s32 $0xC8;
	s31 =	simm.s32 $0x15E20;
	v24 =	vshll.u32 v2, $0x10;
	v2 =	vimm.f32 $0.0e+00;
	v0 =	vimm.f32 $0.0e+00  }
.LBB2_16:
0x170: {  	v29 =	vld [tilespmem:s31+$0x0];
	p0 =	sne.s32 s30, $0x26AC;
	v30 =	vshll.u32 v18, $0x10;
	v4 =	vadd.f32 v18, v4;
	v12 =	vadd.f32 v14, v12;
	s0 =	smov.u32 s30;
	s30 =	sadd.s32 $0x64, s30  }
0x171: {  	v32 =	vadd.s32 $0xEA60, v22;
	v11 =	vadd.f32 v24, v11;
	v31 =	vld.idx.msk [tilespmem:v22+s3+$0x0], $0xffff;
	v15 =	vadd.f32 v30, v15  }
0x172: {  	v24 =	vld.idx.msk [tilespmem:v27+s3+$0x0], $0xffff;
	v27 =	vadd.s32 $0x11170, v22;
	v22 =	vshll.u32 v14, $0x10;
	v14 =	vshll.u32 v9, $0x10  }
0x173: {  	v2 =	vadd.f32 v5, v2;
	v30 =	vshll.u32 v8, $0x10;
	v0 =	vadd.f32 v9, v0;
	v8 =	vld.idx.msk [tilespmem:v23+s3+$0x0], $0xffff  }
0x174: {  	v5 =	vshll.u32 v5, $0x10;
	v19 =	vadd.f32 v25, v19;
	v3 =	vadd.f32 v14, v3;
	v18 =	vld.idx.msk [tilespmem:v28+s3+$0x0], $0xffff  }
0x175: {  	v7 =	vadd.f32 v5, v7;
	v9 =	vshll.u32 v25, $0x10;
	v10 =	vadd.f32 v22, v10;
	v14 =	vld.idx.msk [tilespmem:v26+s3+$0x0], $0xffff  }
.Ltmp6:
0x176: {  	v20 =	vadd.f32 v30, v20;
	v21 =	vadd.f32 v9, v21;
	v5 =	vld.idx.msk [tilespmem:v32+s3+$0x0], $0xffff;
	(pc) =	sbr.rel @p0 .LBB2_16-.Ltmp6, $4  }
0x177: {  	v22 =	vadd.s32 s0, v29;
	v25 =	vshll.u32 v31, $0x10;
	v13 =	vadd.f32 v31, v13;
	v9 =	vld.idx.msk [tilespmem:v27+s3+$0x0], $0xffff  }
0x178: {  	v23 =	vadd.s32 $0x4E20, v22;
	v27 =	vadd.s32 $0x9C40, v22;
	v16 =	vadd.f32 v25, v16;
	v25 =	vld.idx.msk [tilespmem:v17+s3+$0x0], $0xffff  }
0x179: {  	v1 =	vadd.f32 v24, v1;
	v17 =	vadd.s32 $0x2710, v22;
	v6 =	vadd.f32 v8, v6  }
0x17a: {  	s31 =	sadd.s32 $0x10, s31;
	v28 =	vadd.s32 $0x7530, v22;
	v26 =	vadd.s32 $0xC350, v22;
	v24 =	vshll.u32 v24, $0x10  }
0x17b: {  	_ =	sdelay $0x3  }
0x17c: {  	v29 =	vld.idx.msk [tilespmem:v22+s3+$0x0], $0xffff  }
0x17d: {  	v30 =	vadd.s32 $0xEA60, v22;
	v17 =	vld.idx.msk [tilespmem:v17+s3+$0x0], $0xffff  }
0x17e: {  	v22 =	vadd.s32 $0x11170, v22;
	v23 =	vld.idx.msk [tilespmem:v23+s3+$0x0], $0xffff  }
0x17f: {  	v28 =	vld.idx.msk [tilespmem:v28+s3+$0x0], $0xffff  }
0x180: {  	v27 =	vld.idx.msk [tilespmem:v27+s3+$0x0], $0xffff;
	v19 =	vadd.f32 v25, v19  }
0x181: {  	v26 =	vld.idx.msk [tilespmem:v26+s3+$0x0], $0xffff;
	v4 =	vadd.f32 v18, v4;
	v13 =	vadd.f32 v29, v13  }
0x182: {  	v31 =	vshll.u32 v25, $0x10;
	v30 =	vld.idx.msk [tilespmem:v30+s3+$0x0], $0xffff;
	v25 =	vshll.u32 v17, $0x10;
	v17 =	vadd.f32 v17, v19  }
0x183: {  	v22 =	vld.idx.msk [tilespmem:v22+s3+$0x0], $0xffff;
	v6 =	vadd.f32 v23, v6;
	[tilespmem:$0x190D0] =	vst v13  }
0x184: {  	v12 =	vadd.f32 v14, v12;
	v32 =	vshll.u32 v29, $0x10;
	v4 =	vadd.f32 v28, v4;
	[tilespmem:$0x191B0] =	vst v17  }
0x185: {  	v8 =	vshll.u32 v8, $0x10;
	v21 =	vadd.f32 v31, v21;
	v16 =	vadd.f32 v32, v16;
	[tilespmem:$0x19290] =	vst v6  }
0x186: {  	v8 =	vadd.f32 v8, v20;
	v29 =	vshll.u32 v18, $0x10;
	v1 =	vadd.f32 v27, v1;
	[tilespmem:$0x19370] =	vst v4  }
0x187: {  	v20 =	vadd.f32 v25, v21;
	v13 =	vadd.f32 v29, v15;
	[tilespmem:$0x19060] =	vst v16;
	v16 =	vshll.u32 v23, $0x10  }
0x188: {  	v2 =	vadd.f32 v5, v2;
	v15 =	vshll.u32 v28, $0x10;
	[tilespmem:$0x19450] =	vst v1;
	v8 =	vadd.f32 v16, v8  }
0x189: {  	v0 =	vadd.f32 v9, v0;
	v4 =	vshll.u32 v9, $0x10;
	[tilespmem:$0x19140] =	vst v20;
	v13 =	vadd.f32 v15, v13  }
0x18a: {  	v1 =	vadd.f32 v4, v3;
	v2 =	vadd.f32 v30, v2;
	[tilespmem:$0x19220] =	vst v8  }
0x18b: {  	v11 =	vadd.f32 v24, v11;
	v4 =	vshll.u32 v22, $0x10;
	v0 =	vadd.f32 v22, v0;
	[tilespmem:$0x19300] =	vst v13  }
0x18c: {  	v8 =	vshll.u32 v14, $0x10;
	v14 =	vshll.u32 v27, $0x10;
	v1 =	vadd.f32 v4, v1;
	[tilespmem:$0x19610] =	vst v2  }
0x18d: {  	v6 =	vadd.f32 v8, v10;
	v8 =	vadd.f32 v14, v11;
	v10 =	vshll.u32 v5, $0x10;
	[tilespmem:$0x196F0] =	vst v0  }
0x18e: {  	s0 =	smul.u32 $0xE0, s28;
	v11 =	vshll.u32 v26, $0x10;
	v5 =	vadd.f32 v26, v12;
	v7 =	vadd.f32 v10, v7;
	[tilespmem:$0x19680] =	vst v1  }
0x18f: {  	v6 =	vadd.f32 v11, v6;
	[tilespmem:$0x193E0] =	vst v8;
	v8 =	vshll.u32 v30, $0x10  }
0x190: {  	s0 =	sadd.s32 s0, s26;
	[tilespmem:$0x19530] =	vst v5;
	v3 =	vadd.f32 v8, v7  }
0x191: {  	p0 =	seq.s32 s28, $0x6;
	s0 =	sshrl.u32 s0, $0x3;
	[tilespmem:$0x194C0] =	vst v6  }
0x192: {  	s30 =	smul.u32 @!p0 $0xE, s28;
	s0 =	sadd.s32 s6, s0;
	[tilespmem:$0x195A0] =	vst v3  }
0x193: {  	[hbm4b:s0+s15] =	stream.strided.scatter [tilespmem:s17], [sflag:$0x3], $0x700, s16, s15, $0x38;
	[tilespmem:$0x19E00] =	vst v63  }
0x194: {  	s0 =	sadd.s32 @!p0 s30, s9  }
0x195: {  	_ =	swait.ge [sflag:s18], $0x2BC0;
	s0 =	smul.u32 @!p0 $0xC8, s0  }
0x196: {  	s31 =	simm.s32 @!p0 $0x13880;
	[sflag:s18] =	ssyncset.done $0x0  }
0x197: {  	s30 =	simm.s32 @!p0 $0x0;
	[sflag:s18] =	ssyncadd.s32 $0xFFFFD440;
	s0 =	sadd.s32 @!p0 s5, s0  }
0x198: {  	[tilespmem:s31], [sflag:$0x1] =	stream.linear.gather @!p0 [hbm4b:s0+s30], $0x2BC0, $0x38;
	[tilespmem:$0x19E00] =	vst v63  }
0x199: {  	s0 =	sadd.s32 s25, s29  }
0x19a: {  	p0 =	seq.s32 s0, $0x1  }
0x19b: {  	s0 =	simm.s32 @!p0 $0x4  }
0x19c: {  	_ =	swait.ge @!p0 [sflag:s0], $0x700  }
0x19d: {  	[sflag:s0] =	ssyncset.done @!p0 $0x0  }
0x19e: {  	[sflag:s0] =	ssyncadd.s32 @!p0 $0xFFFFF900;
	s0 =	simm.s32 $0x16440  }
0x19f: {  	v0 =	vld [tilespmem:s0+$0x0];
	_ =	sdelay $0x3  }
0x1a0: {  	s0 =	simm.s32 $0x0  }
0x1a1: {  	v0 =	vadd.s32 s0, v0  }
0x1a2: {  	v1 =	vadd.s32 $0x4E20, v0  }
0x1a3: {  	v2 =	vadd.s32 $0x9C40, v0  }
0x1a4: {  	s0 =	simm.s32 $0x16450;
	v9 =	vadd.s32 $0xC350, v0  }
0x1a5: {  	v3 =	vld [tilespmem:s0+$0x0];
	v19 =	vadd.s32 $0x11170, v0  }
0x1a6: {  	v7 =	vadd.s32 $0x2710, v0;
	v5 =	vld.idx.msk [tilespmem:v0+s3+$0x0], $0xffff  }
0x1a7: {  	v8 =	vld.idx.msk [tilespmem:v1+s3+$0x0], $0xffff;
	v1 =	vadd.s32 $0x7530, v0  }
0x1a8: {  	v21 =	vimm.f32 $0.0e+00;
	v2 =	vld.idx.msk [tilespmem:v2+s3+$0x0], $0xffff  }
0x1a9: {  	v20 =	vimm.f32 $0.0e+00;
	v15 =	vimm.f32 $0.0e+00;
	v4 =	vimm.f32 $0.0e+00;
	v14 =	vld.idx.msk [tilespmem:v9+s3+$0x0], $0xffff  }
0x1aa: {  	v12 =	vimm.f32 $0.0e+00;
	v11 =	vimm.f32 $0.0e+00;
	s0 =	simm.s32 $0x64;
	v10 =	vadd.s32 $0xEA60, v0;
	v9 =	vld.idx.msk [tilespmem:v19+s3+$0x0], $0xffff  }
0x1ab: {  	v22 =	vadd.s32 s0, v3;
	v19 =	vimm.f32 $0.0e+00;
	v3 =	vimm.f32 $0.0e+00;
	v25 =	vld.idx.msk [tilespmem:v7+s3+$0x0], $0xffff  }
0x1ac: {  	v7 =	vimm.f32 $0.0e+00;
	v23 =	vadd.s32 $0x4E20, v22;
	v27 =	vadd.s32 $0x9C40, v22;
	v18 =	vld.idx.msk [tilespmem:v1+s3+$0x0], $0xffff  }
0x1ad: {  	v17 =	vadd.s32 $0x2710, v22;
	v28 =	vadd.s32 $0x7530, v22;
	v0 =	vshll.u32 v5, $0x10  }
0x1ae: {  	v26 =	vadd.s32 $0xC350, v22;
	v13 =	vadd.f32 v5, v4;
	v16 =	vadd.f32 v0, v4  }
0x1af: {  	v5 =	vld.idx.msk [tilespmem:v10+s3+$0x0], $0xffff;
	v10 =	vimm.f32 $0.0e+00;
	v6 =	vadd.f32 v8, v4;
	v1 =	vadd.f32 v2, v4  }
0x1b0: {  	s30 =	simm.s32 $0xC8;
	s31 =	simm.s32 $0x16460;
	v24 =	vshll.u32 v2, $0x10;
	v2 =	vimm.f32 $0.0e+00;
	v0 =	vimm.f32 $0.0e+00  }
.LBB2_18:
0x1b1: {  	v29 =	vld [tilespmem:s31+$0x0];
	p0 =	sne.s32 s30, $0x26AC;
	v30 =	vshll.u32 v18, $0x10;
	v4 =	vadd.f32 v18, v4;
	v12 =	vadd.f32 v14, v12;
	s0 =	smov.u32 s30;
	s30 =	sadd.s32 $0x64, s30  }
0x1b2: {  	v32 =	vadd.s32 $0xEA60, v22;
	v11 =	vadd.f32 v24, v11;
	v31 =	vld.idx.msk [tilespmem:v22+s3+$0x0], $0xffff;
	v15 =	vadd.f32 v30, v15  }
0x1b3: {  	v24 =	vld.idx.msk [tilespmem:v27+s3+$0x0], $0xffff;
	v27 =	vadd.s32 $0x11170, v22;
	v22 =	vshll.u32 v14, $0x10;
	v14 =	vshll.u32 v9, $0x10  }
0x1b4: {  	v2 =	vadd.f32 v5, v2;
	v30 =	vshll.u32 v8, $0x10;
	v0 =	vadd.f32 v9, v0;
	v8 =	vld.idx.msk [tilespmem:v23+s3+$0x0], $0xffff  }
0x1b5: {  	v5 =	vshll.u32 v5, $0x10;
	v19 =	vadd.f32 v25, v19;
	v3 =	vadd.f32 v14, v3;
	v18 =	vld.idx.msk [tilespmem:v28+s3+$0x0], $0xffff  }
0x1b6: {  	v7 =	vadd.f32 v5, v7;
	v9 =	vshll.u32 v25, $0x10;
	v10 =	vadd.f32 v22, v10;
	v14 =	vld.idx.msk [tilespmem:v26+s3+$0x0], $0xffff  }
.Ltmp7:
0x1b7: {  	v20 =	vadd.f32 v30, v20;
	v21 =	vadd.f32 v9, v21;
	v5 =	vld.idx.msk [tilespmem:v32+s3+$0x0], $0xffff;
	(pc) =	sbr.rel @p0 .LBB2_18-.Ltmp7, $4  }
0x1b8: {  	v22 =	vadd.s32 s0, v29;
	v25 =	vshll.u32 v31, $0x10;
	v13 =	vadd.f32 v31, v13;
	v9 =	vld.idx.msk [tilespmem:v27+s3+$0x0], $0xffff  }
0x1b9: {  	v23 =	vadd.s32 $0x4E20, v22;
	v27 =	vadd.s32 $0x9C40, v22;
	v16 =	vadd.f32 v25, v16;
	v25 =	vld.idx.msk [tilespmem:v17+s3+$0x0], $0xffff  }
0x1ba: {  	v1 =	vadd.f32 v24, v1;
	v17 =	vadd.s32 $0x2710, v22;
	v6 =	vadd.f32 v8, v6  }
0x1bb: {  	s31 =	sadd.s32 $0x10, s31;
	v28 =	vadd.s32 $0x7530, v22;
	v26 =	vadd.s32 $0xC350, v22;
	v24 =	vshll.u32 v24, $0x10  }
0x1bc: {  	_ =	sdelay $0x3  }
0x1bd: {  	v29 =	vld.idx.msk [tilespmem:v22+s3+$0x0], $0xffff  }
0x1be: {  	v30 =	vadd.s32 $0xEA60, v22;
	v17 =	vld.idx.msk [tilespmem:v17+s3+$0x0], $0xffff  }
0x1bf: {  	v22 =	vadd.s32 $0x11170, v22;
	v23 =	vld.idx.msk [tilespmem:v23+s3+$0x0], $0xffff  }
0x1c0: {  	v28 =	vld.idx.msk [tilespmem:v28+s3+$0x0], $0xffff  }
0x1c1: {  	v27 =	vld.idx.msk [tilespmem:v27+s3+$0x0], $0xffff;
	v19 =	vadd.f32 v25, v19  }
0x1c2: {  	v26 =	vld.idx.msk [tilespmem:v26+s3+$0x0], $0xffff;
	v4 =	vadd.f32 v18, v4;
	v13 =	vadd.f32 v29, v13  }
0x1c3: {  	v31 =	vshll.u32 v25, $0x10;
	v30 =	vld.idx.msk [tilespmem:v30+s3+$0x0], $0xffff;
	v25 =	vshll.u32 v17, $0x10;
	v17 =	vadd.f32 v17, v19  }
0x1c4: {  	v22 =	vld.idx.msk [tilespmem:v22+s3+$0x0], $0xffff;
	v6 =	vadd.f32 v23, v6;
	[tilespmem:$0x19770] =	vst v13  }
0x1c5: {  	v12 =	vadd.f32 v14, v12;
	v32 =	vshll.u32 v29, $0x10;
	v4 =	vadd.f32 v28, v4;
	[tilespmem:$0x19850] =	vst v17  }
0x1c6: {  	v8 =	vshll.u32 v8, $0x10;
	v21 =	vadd.f32 v31, v21;
	v16 =	vadd.f32 v32, v16;
	[tilespmem:$0x19930] =	vst v6  }
0x1c7: {  	v8 =	vadd.f32 v8, v20;
	v29 =	vshll.u32 v18, $0x10;
	v1 =	vadd.f32 v27, v1;
	[tilespmem:$0x19A10] =	vst v4  }
0x1c8: {  	v20 =	vadd.f32 v25, v21;
	v13 =	vadd.f32 v29, v15;
	[tilespmem:$0x19700] =	vst v16;
	v16 =	vshll.u32 v23, $0x10  }
0x1c9: {  	v2 =	vadd.f32 v5, v2;
	v15 =	vshll.u32 v28, $0x10;
	[tilespmem:$0x19AF0] =	vst v1;
	v8 =	vadd.f32 v16, v8  }
0x1ca: {  	v0 =	vadd.f32 v9, v0;
	v4 =	vshll.u32 v9, $0x10;
	[tilespmem:$0x197E0] =	vst v20;
	v13 =	vadd.f32 v15, v13  }
0x1cb: {  	v1 =	vadd.f32 v4, v3;
	v2 =	vadd.f32 v30, v2;
	[tilespmem:$0x198C0] =	vst v8  }
0x1cc: {  	v11 =	vadd.f32 v24, v11;
	v4 =	vshll.u32 v22, $0x10;
	v0 =	vadd.f32 v22, v0;
	[tilespmem:$0x199A0] =	vst v13  }
0x1cd: {  	v8 =	vshll.u32 v14, $0x10;
	v14 =	vshll.u32 v27, $0x10;
	v1 =	vadd.f32 v4, v1;
	[tilespmem:$0x19CB0] =	vst v2  }
0x1ce: {  	v6 =	vadd.f32 v8, v10;
	v8 =	vadd.f32 v14, v11;
	v10 =	vshll.u32 v5, $0x10;
	[tilespmem:$0x19D90] =	vst v0  }
0x1cf: {  	v11 =	vshll.u32 v26, $0x10;
	v5 =	vadd.f32 v26, v12;
	v7 =	vadd.f32 v10, v7;
	[tilespmem:$0x19D20] =	vst v1  }
0x1d0: {  	v6 =	vadd.f32 v11, v6;
	[tilespmem:$0x19A80] =	vst v8;
	v8 =	vshll.u32 v30, $0x10  }
0x1d1: {  	[tilespmem:$0x19BD0] =	vst v5;
	v3 =	vadd.f32 v8, v7  }
0x1d2: {  	[tilespmem:$0x19B60] =	vst v6  }
0x1d3: {  	s0 =	simm.s32 $0x16A80;
	[tilespmem:$0x19C40] =	vst v3  }
0x1d4: {  	v0 =	vld [tilespmem:s0+$0x0];
	_ =	sdelay $0x3  }
0x1d5: {  	s0 =	simm.s32 $0x0  }
0x1d6: {  	v0 =	vadd.s32 s0, v0  }
0x1d7: {  	v1 =	vadd.s32 $0x4E20, v0  }
0x1d8: {  	v2 =	vadd.s32 $0x9C40, v0  }
0x1d9: {  	s0 =	simm.s32 $0x16A90;
	v9 =	vadd.s32 $0xC350, v0  }
0x1da: {  	v3 =	vld [tilespmem:s0+$0x0];
	v19 =	vadd.s32 $0x11170, v0  }
0x1db: {  	v7 =	vadd.s32 $0x2710, v0;
	v5 =	vld.idx.msk [tilespmem:v0+s3+$0x0], $0xffff  }
0x1dc: {  	v8 =	vld.idx.msk [tilespmem:v1+s3+$0x0], $0xffff;
	v1 =	vadd.s32 $0x7530, v0  }
0x1dd: {  	v21 =	vimm.f32 $0.0e+00;
	v2 =	vld.idx.msk [tilespmem:v2+s3+$0x0], $0xffff  }
0x1de: {  	v20 =	vimm.f32 $0.0e+00;
	v15 =	vimm.f32 $0.0e+00;
	v4 =	vimm.f32 $0.0e+00;
	v14 =	vld.idx.msk [tilespmem:v9+s3+$0x0], $0xffff  }
0x1df: {  	v12 =	vimm.f32 $0.0e+00;
	v11 =	vimm.f32 $0.0e+00;
	s0 =	simm.s32 $0x64;
	v10 =	vadd.s32 $0xEA60, v0;
	v9 =	vld.idx.msk [tilespmem:v19+s3+$0x0], $0xffff  }
0x1e0: {  	v22 =	vadd.s32 s0, v3;
	v19 =	vimm.f32 $0.0e+00;
	v3 =	vimm.f32 $0.0e+00;
	v25 =	vld.idx.msk [tilespmem:v7+s3+$0x0], $0xffff  }
0x1e1: {  	v7 =	vimm.f32 $0.0e+00;
	v23 =	vadd.s32 $0x4E20, v22;
	v27 =	vadd.s32 $0x9C40, v22;
	v18 =	vld.idx.msk [tilespmem:v1+s3+$0x0], $0xffff  }
0x1e2: {  	v17 =	vadd.s32 $0x2710, v22;
	v28 =	vadd.s32 $0x7530, v22;
	v0 =	vshll.u32 v5, $0x10  }
0x1e3: {  	v26 =	vadd.s32 $0xC350, v22;
	v13 =	vadd.f32 v5, v4;
	v16 =	vadd.f32 v0, v4  }
0x1e4: {  	v5 =	vld.idx.msk [tilespmem:v10+s3+$0x0], $0xffff;
	v10 =	vimm.f32 $0.0e+00;
	v6 =	vadd.f32 v8, v4;
	v1 =	vadd.f32 v2, v4  }
0x1e5: {  	s30 =	simm.s32 $0xC8;
	s31 =	simm.s32 $0x16AA0;
	v24 =	vshll.u32 v2, $0x10;
	v2 =	vimm.f32 $0.0e+00;
	v0 =	vimm.f32 $0.0e+00  }
.LBB2_20:
0x1e6: {  	v29 =	vld [tilespmem:s31+$0x0];
	p0 =	sne.s32 s30, $0x26AC;
	v30 =	vshll.u32 v18, $0x10;
	v4 =	vadd.f32 v18, v4;
	v12 =	vadd.f32 v14, v12;
	s0 =	smov.u32 s30;
	s30 =	sadd.s32 $0x64, s30  }
0x1e7: {  	v32 =	vadd.s32 $0xEA60, v22;
	v11 =	vadd.f32 v24, v11;
	v31 =	vld.idx.msk [tilespmem:v22+s3+$0x0], $0xffff;
	v15 =	vadd.f32 v30, v15  }
0x1e8: {  	v24 =	vld.idx.msk [tilespmem:v27+s3+$0x0], $0xffff;
	v27 =	vadd.s32 $0x11170, v22;
	v22 =	vshll.u32 v14, $0x10;
	v14 =	vshll.u32 v9, $0x10  }
0x1e9: {  	v2 =	vadd.f32 v5, v2;
	v30 =	vshll.u32 v8, $0x10;
	v0 =	vadd.f32 v9, v0;
	v8 =	vld.idx.msk [tilespmem:v23+s3+$0x0], $0xffff  }
0x1ea: {  	v5 =	vshll.u32 v5, $0x10;
	v19 =	vadd.f32 v25, v19;
	v3 =	vadd.f32 v14, v3;
	v18 =	vld.idx.msk [tilespmem:v28+s3+$0x0], $0xffff  }
0x1eb: {  	v7 =	vadd.f32 v5, v7;
	v9 =	vshll.u32 v25, $0x10;
	v10 =	vadd.f32 v22, v10;
	v14 =	vld.idx.msk [tilespmem:v26+s3+$0x0], $0xffff  }
.Ltmp8:
0x1ec: {  	v20 =	vadd.f32 v30, v20;
	v21 =	vadd.f32 v9, v21;
	v5 =	vld.idx.msk [tilespmem:v32+s3+$0x0], $0xffff;
	(pc) =	sbr.rel @p0 .LBB2_20-.Ltmp8, $4  }
0x1ed: {  	v22 =	vadd.s32 s0, v29;
	v25 =	vshll.u32 v31, $0x10;
	v13 =	vadd.f32 v31, v13;
	v9 =	vld.idx.msk [tilespmem:v27+s3+$0x0], $0xffff  }
0x1ee: {  	v23 =	vadd.s32 $0x4E20, v22;
	v27 =	vadd.s32 $0x9C40, v22;
	v16 =	vadd.f32 v25, v16;
	v25 =	vld.idx.msk [tilespmem:v17+s3+$0x0], $0xffff  }
0x1ef: {  	v1 =	vadd.f32 v24, v1;
	v17 =	vadd.s32 $0x2710, v22;
	v6 =	vadd.f32 v8, v6  }
0x1f0: {  	s31 =	sadd.s32 $0x10, s31;
	v28 =	vadd.s32 $0x7530, v22;
	v26 =	vadd.s32 $0xC350, v22;
	v24 =	vshll.u32 v24, $0x10  }
0x1f1: {  	_ =	sdelay $0x3  }
0x1f2: {  	v29 =	vld.idx.msk [tilespmem:v22+s3+$0x0], $0xffff  }
0x1f3: {  	v30 =	vadd.s32 $0xEA60, v22;
	v17 =	vld.idx.msk [tilespmem:v17+s3+$0x0], $0xffff  }
0x1f4: {  	v22 =	vadd.s32 $0x11170, v22;
	v23 =	vld.idx.msk [tilespmem:v23+s3+$0x0], $0xffff  }
0x1f5: {  	v28 =	vld.idx.msk [tilespmem:v28+s3+$0x0], $0xffff  }
0x1f6: {  	v27 =	vld.idx.msk [tilespmem:v27+s3+$0x0], $0xffff;
	v19 =	vadd.f32 v25, v19  }
0x1f7: {  	v26 =	vld.idx.msk [tilespmem:v26+s3+$0x0], $0xffff;
	v4 =	vadd.f32 v18, v4;
	v13 =	vadd.f32 v29, v13  }
0x1f8: {  	v31 =	vshll.u32 v25, $0x10;
	v30 =	vld.idx.msk [tilespmem:v30+s3+$0x0], $0xffff;
	v25 =	vshll.u32 v17, $0x10;
	v17 =	vadd.f32 v17, v19  }
0x1f9: {  	v22 =	vld.idx.msk [tilespmem:v22+s3+$0x0], $0xffff;
	v6 =	vadd.f32 v23, v6;
	[tilespmem:$0x19780] =	vst v13  }
0x1fa: {  	v12 =	vadd.f32 v14, v12;
	v32 =	vshll.u32 v29, $0x10;
	v4 =	vadd.f32 v28, v4;
	[tilespmem:$0x19860] =	vst v17  }
0x1fb: {  	v8 =	vshll.u32 v8, $0x10;
	v21 =	vadd.f32 v31, v21;
	v16 =	vadd.f32 v32, v16;
	[tilespmem:$0x19940] =	vst v6  }
0x1fc: {  	v8 =	vadd.f32 v8, v20;
	v29 =	vshll.u32 v18, $0x10;
	v1 =	vadd.f32 v27, v1;
	[tilespmem:$0x19A20] =	vst v4  }
0x1fd: {  	v20 =	vadd.f32 v25, v21;
	v13 =	vadd.f32 v29, v15;
	[tilespmem:$0x19710] =	vst v16;
	v16 =	vshll.u32 v23, $0x10  }
0x1fe: {  	v2 =	vadd.f32 v5, v2;
	v15 =	vshll.u32 v28, $0x10;
	[tilespmem:$0x19B00] =	vst v1;
	v8 =	vadd.f32 v16, v8  }
0x1ff: {  	v0 =	vadd.f32 v9, v0;
	v4 =	vshll.u32 v9, $0x10;
	[tilespmem:$0x197F0] =	vst v20;
	v13 =	vadd.f32 v15, v13  }
0x200: {  	v1 =	vadd.f32 v4, v3;
	v2 =	vadd.f32 v30, v2;
	[tilespmem:$0x198D0] =	vst v8  }
0x201: {  	v11 =	vadd.f32 v24, v11;
	v4 =	vshll.u32 v22, $0x10;
	v0 =	vadd.f32 v22, v0;
	[tilespmem:$0x199B0] =	vst v13  }
0x202: {  	v8 =	vshll.u32 v14, $0x10;
	v14 =	vshll.u32 v27, $0x10;
	v1 =	vadd.f32 v4, v1;
	[tilespmem:$0x19CC0] =	vst v2  }
0x203: {  	v6 =	vadd.f32 v8, v10;
	v8 =	vadd.f32 v14, v11;
	v10 =	vshll.u32 v5, $0x10;
	[tilespmem:$0x19DA0] =	vst v0  }
0x204: {  	v11 =	vshll.u32 v26, $0x10;
	v5 =	vadd.f32 v26, v12;
	v7 =	vadd.f32 v10, v7;
	[tilespmem:$0x19D30] =	vst v1  }
0x205: {  	v6 =	vadd.f32 v11, v6;
	[tilespmem:$0x19A90] =	vst v8;
	v8 =	vshll.u32 v30, $0x10  }
0x206: {  	[tilespmem:$0x19BE0] =	vst v5;
	v3 =	vadd.f32 v8, v7  }
0x207: {  	[tilespmem:$0x19B70] =	vst v6  }
0x208: {  	s0 =	simm.s32 $0x170C0;
	[tilespmem:$0x19C50] =	vst v3  }
0x209: {  	v0 =	vld [tilespmem:s0+$0x0];
	_ =	sdelay $0x3  }
0x20a: {  	s0 =	simm.s32 $0x0  }
0x20b: {  	v0 =	vadd.s32 s0, v0  }
0x20c: {  	v1 =	vadd.s32 $0x4E20, v0  }
0x20d: {  	v2 =	vadd.s32 $0x9C40, v0  }
0x20e: {  	s0 =	simm.s32 $0x170D0;
	v9 =	vadd.s32 $0xC350, v0  }
0x20f: {  	v3 =	vld [tilespmem:s0+$0x0];
	v19 =	vadd.s32 $0x11170, v0  }
0x210: {  	v7 =	vadd.s32 $0x2710, v0;
	v5 =	vld.idx.msk [tilespmem:v0+s3+$0x0], $0xffff  }
0x211: {  	v8 =	vld.idx.msk [tilespmem:v1+s3+$0x0], $0xffff;
	v1 =	vadd.s32 $0x7530, v0  }
0x212: {  	v21 =	vimm.f32 $0.0e+00;
	v2 =	vld.idx.msk [tilespmem:v2+s3+$0x0], $0xffff  }
0x213: {  	v20 =	vimm.f32 $0.0e+00;
	v15 =	vimm.f32 $0.0e+00;
	v4 =	vimm.f32 $0.0e+00;
	v14 =	vld.idx.msk [tilespmem:v9+s3+$0x0], $0xffff  }
0x214: {  	v12 =	vimm.f32 $0.0e+00;
	v11 =	vimm.f32 $0.0e+00;
	s0 =	simm.s32 $0x64;
	v10 =	vadd.s32 $0xEA60, v0;
	v9 =	vld.idx.msk [tilespmem:v19+s3+$0x0], $0xffff  }
0x215: {  	v22 =	vadd.s32 s0, v3;
	v19 =	vimm.f32 $0.0e+00;
	v3 =	vimm.f32 $0.0e+00;
	v25 =	vld.idx.msk [tilespmem:v7+s3+$0x0], $0xffff  }
0x216: {  	v7 =	vimm.f32 $0.0e+00;
	v23 =	vadd.s32 $0x4E20, v22;
	v27 =	vadd.s32 $0x9C40, v22;
	v18 =	vld.idx.msk [tilespmem:v1+s3+$0x0], $0xffff  }
0x217: {  	v17 =	vadd.s32 $0x2710, v22;
	v28 =	vadd.s32 $0x7530, v22;
	v0 =	vshll.u32 v5, $0x10  }
0x218: {  	v26 =	vadd.s32 $0xC350, v22;
	v13 =	vadd.f32 v5, v4;
	v16 =	vadd.f32 v0, v4  }
0x219: {  	v5 =	vld.idx.msk [tilespmem:v10+s3+$0x0], $0xffff;
	v10 =	vimm.f32 $0.0e+00;
	v6 =	vadd.f32 v8, v4;
	v1 =	vadd.f32 v2, v4  }
0x21a: {  	s30 =	simm.s32 $0xC8;
	s31 =	simm.s32 $0x170E0;
	v24 =	vshll.u32 v2, $0x10;
	v2 =	vimm.f32 $0.0e+00;
	v0 =	vimm.f32 $0.0e+00  }
.LBB2_22:
0x21b: {  	v29 =	vld [tilespmem:s31+$0x0];
	p0 =	sne.s32 s30, $0x26AC;
	v30 =	vshll.u32 v18, $0x10;
	v4 =	vadd.f32 v18, v4;
	v12 =	vadd.f32 v14, v12;
	s0 =	smov.u32 s30;
	s30 =	sadd.s32 $0x64, s30  }
0x21c: {  	v32 =	vadd.s32 $0xEA60, v22;
	v11 =	vadd.f32 v24, v11;
	v31 =	vld.idx.msk [tilespmem:v22+s3+$0x0], $0xffff;
	v15 =	vadd.f32 v30, v15  }
0x21d: {  	v24 =	vld.idx.msk [tilespmem:v27+s3+$0x0], $0xffff;
	v27 =	vadd.s32 $0x11170, v22;
	v22 =	vshll.u32 v14, $0x10;
	v14 =	vshll.u32 v9, $0x10  }
0x21e: {  	v2 =	vadd.f32 v5, v2;
	v30 =	vshll.u32 v8, $0x10;
	v0 =	vadd.f32 v9, v0;
	v8 =	vld.idx.msk [tilespmem:v23+s3+$0x0], $0xffff  }
0x21f: {  	v5 =	vshll.u32 v5, $0x10;
	v19 =	vadd.f32 v25, v19;
	v3 =	vadd.f32 v14, v3;
	v18 =	vld.idx.msk [tilespmem:v28+s3+$0x0], $0xffff  }
0x220: {  	v7 =	vadd.f32 v5, v7;
	v9 =	vshll.u32 v25, $0x10;
	v10 =	vadd.f32 v22, v10;
	v14 =	vld.idx.msk [tilespmem:v26+s3+$0x0], $0xffff  }
.Ltmp9:
0x221: {  	v20 =	vadd.f32 v30, v20;
	v21 =	vadd.f32 v9, v21;
	v5 =	vld.idx.msk [tilespmem:v32+s3+$0x0], $0xffff;
	(pc) =	sbr.rel @p0 .LBB2_22-.Ltmp9, $4  }
0x222: {  	v22 =	vadd.s32 s0, v29;
	v25 =	vshll.u32 v31, $0x10;
	v13 =	vadd.f32 v31, v13;
	v9 =	vld.idx.msk [tilespmem:v27+s3+$0x0], $0xffff  }
0x223: {  	v23 =	vadd.s32 $0x4E20, v22;
	v27 =	vadd.s32 $0x9C40, v22;
	v16 =	vadd.f32 v25, v16;
	v25 =	vld.idx.msk [tilespmem:v17+s3+$0x0], $0xffff  }
0x224: {  	v1 =	vadd.f32 v24, v1;
	v17 =	vadd.s32 $0x2710, v22;
	v6 =	vadd.f32 v8, v6  }
0x225: {  	s31 =	sadd.s32 $0x10, s31;
	v28 =	vadd.s32 $0x7530, v22;
	v26 =	vadd.s32 $0xC350, v22;
	v24 =	vshll.u32 v24, $0x10  }
0x226: {  	_ =	sdelay $0x3  }
0x227: {  	v29 =	vld.idx.msk [tilespmem:v22+s3+$0x0], $0xffff  }
0x228: {  	v30 =	vadd.s32 $0xEA60, v22;
	v17 =	vld.idx.msk [tilespmem:v17+s3+$0x0], $0xffff  }
0x229: {  	v22 =	vadd.s32 $0x11170, v22;
	v23 =	vld.idx.msk [tilespmem:v23+s3+$0x0], $0xffff  }
0x22a: {  	v28 =	vld.idx.msk [tilespmem:v28+s3+$0x0], $0xffff  }
0x22b: {  	v27 =	vld.idx.msk [tilespmem:v27+s3+$0x0], $0xffff;
	v19 =	vadd.f32 v25, v19  }
0x22c: {  	v26 =	vld.idx.msk [tilespmem:v26+s3+$0x0], $0xffff;
	v4 =	vadd.f32 v18, v4;
	v13 =	vadd.f32 v29, v13  }
0x22d: {  	v31 =	vshll.u32 v25, $0x10;
	v30 =	vld.idx.msk [tilespmem:v30+s3+$0x0], $0xffff;
	v25 =	vshll.u32 v17, $0x10;
	v17 =	vadd.f32 v17, v19  }
0x22e: {  	v22 =	vld.idx.msk [tilespmem:v22+s3+$0x0], $0xffff;
	v6 =	vadd.f32 v23, v6;
	[tilespmem:$0x19790] =	vst v13  }
0x22f: {  	v12 =	vadd.f32 v14, v12;
	v32 =	vshll.u32 v29, $0x10;
	v4 =	vadd.f32 v28, v4;
	[tilespmem:$0x19870] =	vst v17  }
0x230: {  	v8 =	vshll.u32 v8, $0x10;
	v21 =	vadd.f32 v31, v21;
	v16 =	vadd.f32 v32, v16;
	[tilespmem:$0x19950] =	vst v6  }
0x231: {  	v8 =	vadd.f32 v8, v20;
	v29 =	vshll.u32 v18, $0x10;
	v1 =	vadd.f32 v27, v1;
	[tilespmem:$0x19A30] =	vst v4  }
0x232: {  	v20 =	vadd.f32 v25, v21;
	v13 =	vadd.f32 v29, v15;
	[tilespmem:$0x19720] =	vst v16;
	v16 =	vshll.u32 v23, $0x10  }
0x233: {  	v2 =	vadd.f32 v5, v2;
	v15 =	vshll.u32 v28, $0x10;
	[tilespmem:$0x19B10] =	vst v1;
	v8 =	vadd.f32 v16, v8  }
0x234: {  	v0 =	vadd.f32 v9, v0;
	v4 =	vshll.u32 v9, $0x10;
	[tilespmem:$0x19800] =	vst v20;
	v13 =	vadd.f32 v15, v13  }
0x235: {  	v1 =	vadd.f32 v4, v3;
	v2 =	vadd.f32 v30, v2;
	[tilespmem:$0x198E0] =	vst v8  }
0x236: {  	v11 =	vadd.f32 v24, v11;
	v4 =	vshll.u32 v22, $0x10;
	v0 =	vadd.f32 v22, v0;
	[tilespmem:$0x199C0] =	vst v13  }
0x237: {  	v8 =	vshll.u32 v14, $0x10;
	v14 =	vshll.u32 v27, $0x10;
	v1 =	vadd.f32 v4, v1;
	[tilespmem:$0x19CD0] =	vst v2  }
0x238: {  	v6 =	vadd.f32 v8, v10;
	v8 =	vadd.f32 v14, v11;
	v10 =	vshll.u32 v5, $0x10;
	[tilespmem:$0x19DB0] =	vst v0  }
0x239: {  	v11 =	vshll.u32 v26, $0x10;
	v5 =	vadd.f32 v26, v12;
	v7 =	vadd.f32 v10, v7;
	[tilespmem:$0x19D40] =	vst v1  }
0x23a: {  	v6 =	vadd.f32 v11, v6;
	[tilespmem:$0x19AA0] =	vst v8;
	v8 =	vshll.u32 v30, $0x10  }
0x23b: {  	[tilespmem:$0x19BF0] =	vst v5;
	v3 =	vadd.f32 v8, v7  }
0x23c: {  	[tilespmem:$0x19B80] =	vst v6  }
0x23d: {  	s0 =	simm.s32 $0x17700;
	[tilespmem:$0x19C60] =	vst v3  }
0x23e: {  	v0 =	vld [tilespmem:s0+$0x0];
	_ =	sdelay $0x3  }
0x23f: {  	s0 =	simm.s32 $0x0  }
0x240: {  	v0 =	vadd.s32 s0, v0  }
0x241: {  	v1 =	vadd.s32 $0x4E20, v0  }
0x242: {  	v2 =	vadd.s32 $0x9C40, v0  }
0x243: {  	s0 =	simm.s32 $0x17710;
	v9 =	vadd.s32 $0xC350, v0  }
0x244: {  	v3 =	vld [tilespmem:s0+$0x0];
	v19 =	vadd.s32 $0x11170, v0  }
0x245: {  	v7 =	vadd.s32 $0x2710, v0;
	v5 =	vld.idx.msk [tilespmem:v0+s3+$0x0], $0xffff  }
0x246: {  	v8 =	vld.idx.msk [tilespmem:v1+s3+$0x0], $0xffff;
	v1 =	vadd.s32 $0x7530, v0  }
0x247: {  	v21 =	vimm.f32 $0.0e+00;
	v2 =	vld.idx.msk [tilespmem:v2+s3+$0x0], $0xffff  }
0x248: {  	v20 =	vimm.f32 $0.0e+00;
	v15 =	vimm.f32 $0.0e+00;
	v4 =	vimm.f32 $0.0e+00;
	v14 =	vld.idx.msk [tilespmem:v9+s3+$0x0], $0xffff  }
0x249: {  	v12 =	vimm.f32 $0.0e+00;
	v11 =	vimm.f32 $0.0e+00;
	s0 =	simm.s32 $0x64;
	v10 =	vadd.s32 $0xEA60, v0;
	v9 =	vld.idx.msk [tilespmem:v19+s3+$0x0], $0xffff  }
0x24a: {  	v22 =	vadd.s32 s0, v3;
	v19 =	vimm.f32 $0.0e+00;
	v3 =	vimm.f32 $0.0e+00;
	v25 =	vld.idx.msk [tilespmem:v7+s3+$0x0], $0xffff  }
0x24b: {  	v7 =	vimm.f32 $0.0e+00;
	v23 =	vadd.s32 $0x4E20, v22;
	v27 =	vadd.s32 $0x9C40, v22;
	v18 =	vld.idx.msk [tilespmem:v1+s3+$0x0], $0xffff  }
0x24c: {  	v17 =	vadd.s32 $0x2710, v22;
	v28 =	vadd.s32 $0x7530, v22;
	v0 =	vshll.u32 v5, $0x10  }
0x24d: {  	v26 =	vadd.s32 $0xC350, v22;
	v13 =	vadd.f32 v5, v4;
	v16 =	vadd.f32 v0, v4  }
0x24e: {  	v5 =	vld.idx.msk [tilespmem:v10+s3+$0x0], $0xffff;
	v10 =	vimm.f32 $0.0e+00;
	v6 =	vadd.f32 v8, v4;
	v1 =	vadd.f32 v2, v4  }
0x24f: {  	s30 =	simm.s32 $0xC8;
	s31 =	simm.s32 $0x17720;
	v24 =	vshll.u32 v2, $0x10;
	v2 =	vimm.f32 $0.0e+00;
	v0 =	vimm.f32 $0.0e+00  }
.LBB2_24:
0x250: {  	v29 =	vld [tilespmem:s31+$0x0];
	p0 =	sne.s32 s30, $0x26AC;
	v30 =	vshll.u32 v18, $0x10;
	v4 =	vadd.f32 v18, v4;
	v12 =	vadd.f32 v14, v12;
	s0 =	smov.u32 s30;
	s30 =	sadd.s32 $0x64, s30  }
0x251: {  	v32 =	vadd.s32 $0xEA60, v22;
	v11 =	vadd.f32 v24, v11;
	v31 =	vld.idx.msk [tilespmem:v22+s3+$0x0], $0xffff;
	v15 =	vadd.f32 v30, v15  }
0x252: {  	v24 =	vld.idx.msk [tilespmem:v27+s3+$0x0], $0xffff;
	v27 =	vadd.s32 $0x11170, v22;
	v22 =	vshll.u32 v14, $0x10;
	v14 =	vshll.u32 v9, $0x10  }
0x253: {  	v2 =	vadd.f32 v5, v2;
	v30 =	vshll.u32 v8, $0x10;
	v0 =	vadd.f32 v9, v0;
	v8 =	vld.idx.msk [tilespmem:v23+s3+$0x0], $0xffff  }
0x254: {  	v5 =	vshll.u32 v5, $0x10;
	v19 =	vadd.f32 v25, v19;
	v3 =	vadd.f32 v14, v3;
	v18 =	vld.idx.msk [tilespmem:v28+s3+$0x0], $0xffff  }
0x255: {  	v7 =	vadd.f32 v5, v7;
	v9 =	vshll.u32 v25, $0x10;
	v10 =	vadd.f32 v22, v10;
	v14 =	vld.idx.msk [tilespmem:v26+s3+$0x0], $0xffff  }
.Ltmp10:
0x256: {  	v20 =	vadd.f32 v30, v20;
	v21 =	vadd.f32 v9, v21;
	v5 =	vld.idx.msk [tilespmem:v32+s3+$0x0], $0xffff;
	(pc) =	sbr.rel @p0 .LBB2_24-.Ltmp10, $4  }
0x257: {  	v22 =	vadd.s32 s0, v29;
	v25 =	vshll.u32 v31, $0x10;
	v13 =	vadd.f32 v31, v13;
	v9 =	vld.idx.msk [tilespmem:v27+s3+$0x0], $0xffff  }
0x258: {  	v23 =	vadd.s32 $0x4E20, v22;
	v27 =	vadd.s32 $0x9C40, v22;
	v16 =	vadd.f32 v25, v16;
	v25 =	vld.idx.msk [tilespmem:v17+s3+$0x0], $0xffff  }
0x259: {  	v1 =	vadd.f32 v24, v1;
	v17 =	vadd.s32 $0x2710, v22;
	v6 =	vadd.f32 v8, v6  }
0x25a: {  	s31 =	sadd.s32 $0x10, s31;
	v28 =	vadd.s32 $0x7530, v22;
	v26 =	vadd.s32 $0xC350, v22;
	v24 =	vshll.u32 v24, $0x10  }
0x25b: {  	_ =	sdelay $0x3  }
0x25c: {  	v29 =	vld.idx.msk [tilespmem:v22+s3+$0x0], $0xffff  }
0x25d: {  	v30 =	vadd.s32 $0xEA60, v22;
	v17 =	vld.idx.msk [tilespmem:v17+s3+$0x0], $0xffff  }
0x25e: {  	v22 =	vadd.s32 $0x11170, v22;
	v23 =	vld.idx.msk [tilespmem:v23+s3+$0x0], $0xffff  }
0x25f: {  	v28 =	vld.idx.msk [tilespmem:v28+s3+$0x0], $0xffff  }
0x260: {  	v27 =	vld.idx.msk [tilespmem:v27+s3+$0x0], $0xffff;
	v19 =	vadd.f32 v25, v19  }
0x261: {  	v26 =	vld.idx.msk [tilespmem:v26+s3+$0x0], $0xffff;
	v4 =	vadd.f32 v18, v4;
	v13 =	vadd.f32 v29, v13  }
0x262: {  	v31 =	vshll.u32 v25, $0x10;
	v30 =	vld.idx.msk [tilespmem:v30+s3+$0x0], $0xffff;
	v25 =	vshll.u32 v17, $0x10;
	v17 =	vadd.f32 v17, v19  }
0x263: {  	v22 =	vld.idx.msk [tilespmem:v22+s3+$0x0], $0xffff;
	v6 =	vadd.f32 v23, v6;
	[tilespmem:$0x197A0] =	vst v13  }
0x264: {  	v12 =	vadd.f32 v14, v12;
	v32 =	vshll.u32 v29, $0x10;
	v4 =	vadd.f32 v28, v4;
	[tilespmem:$0x19880] =	vst v17  }
0x265: {  	v8 =	vshll.u32 v8, $0x10;
	v21 =	vadd.f32 v31, v21;
	v16 =	vadd.f32 v32, v16;
	[tilespmem:$0x19960] =	vst v6  }
0x266: {  	v8 =	vadd.f32 v8, v20;
	v29 =	vshll.u32 v18, $0x10;
	v1 =	vadd.f32 v27, v1;
	[tilespmem:$0x19A40] =	vst v4  }
0x267: {  	v20 =	vadd.f32 v25, v21;
	v13 =	vadd.f32 v29, v15;
	[tilespmem:$0x19730] =	vst v16;
	v16 =	vshll.u32 v23, $0x10  }
0x268: {  	v2 =	vadd.f32 v5, v2;
	v15 =	vshll.u32 v28, $0x10;
	[tilespmem:$0x19B20] =	vst v1;
	v8 =	vadd.f32 v16, v8  }
0x269: {  	v0 =	vadd.f32 v9, v0;
	v4 =	vshll.u32 v9, $0x10;
	[tilespmem:$0x19810] =	vst v20;
	v13 =	vadd.f32 v15, v13  }
0x26a: {  	v1 =	vadd.f32 v4, v3;
	v2 =	vadd.f32 v30, v2;
	[tilespmem:$0x198F0] =	vst v8  }
0x26b: {  	v11 =	vadd.f32 v24, v11;
	v4 =	vshll.u32 v22, $0x10;
	v0 =	vadd.f32 v22, v0;
	[tilespmem:$0x199D0] =	vst v13  }
0x26c: {  	v8 =	vshll.u32 v14, $0x10;
	v14 =	vshll.u32 v27, $0x10;
	v1 =	vadd.f32 v4, v1;
	[tilespmem:$0x19CE0] =	vst v2  }
0x26d: {  	v6 =	vadd.f32 v8, v10;
	v8 =	vadd.f32 v14, v11;
	v10 =	vshll.u32 v5, $0x10;
	[tilespmem:$0x19DC0] =	vst v0  }
0x26e: {  	v11 =	vshll.u32 v26, $0x10;
	v5 =	vadd.f32 v26, v12;
	v7 =	vadd.f32 v10, v7;
	[tilespmem:$0x19D50] =	vst v1  }
0x26f: {  	v6 =	vadd.f32 v11, v6;
	[tilespmem:$0x19AB0] =	vst v8;
	v8 =	vshll.u32 v30, $0x10  }
0x270: {  	[tilespmem:$0x19C00] =	vst v5;
	v3 =	vadd.f32 v8, v7  }
0x271: {  	[tilespmem:$0x19B90] =	vst v6  }
0x272: {  	s0 =	simm.s32 $0x17D40;
	[tilespmem:$0x19C70] =	vst v3  }
0x273: {  	v0 =	vld [tilespmem:s0+$0x0];
	_ =	sdelay $0x3  }
0x274: {  	s0 =	simm.s32 $0x0  }
0x275: {  	v0 =	vadd.s32 s0, v0  }
0x276: {  	v1 =	vadd.s32 $0x4E20, v0  }
0x277: {  	v2 =	vadd.s32 $0x9C40, v0  }
0x278: {  	s0 =	simm.s32 $0x17D50;
	v9 =	vadd.s32 $0xC350, v0  }
0x279: {  	v3 =	vld [tilespmem:s0+$0x0];
	v19 =	vadd.s32 $0x11170, v0  }
0x27a: {  	v7 =	vadd.s32 $0x2710, v0;
	v5 =	vld.idx.msk [tilespmem:v0+s3+$0x0], $0xffff  }
0x27b: {  	v8 =	vld.idx.msk [tilespmem:v1+s3+$0x0], $0xffff;
	v1 =	vadd.s32 $0x7530, v0  }
0x27c: {  	v21 =	vimm.f32 $0.0e+00;
	v2 =	vld.idx.msk [tilespmem:v2+s3+$0x0], $0xffff  }
0x27d: {  	v20 =	vimm.f32 $0.0e+00;
	v15 =	vimm.f32 $0.0e+00;
	v4 =	vimm.f32 $0.0e+00;
	v14 =	vld.idx.msk [tilespmem:v9+s3+$0x0], $0xffff  }
0x27e: {  	v12 =	vimm.f32 $0.0e+00;
	v11 =	vimm.f32 $0.0e+00;
	s0 =	simm.s32 $0x64;
	v10 =	vadd.s32 $0xEA60, v0;
	v9 =	vld.idx.msk [tilespmem:v19+s3+$0x0], $0xffff  }
0x27f: {  	v22 =	vadd.s32 s0, v3;
	v19 =	vimm.f32 $0.0e+00;
	v3 =	vimm.f32 $0.0e+00;
	v25 =	vld.idx.msk [tilespmem:v7+s3+$0x0], $0xffff  }
0x280: {  	v7 =	vimm.f32 $0.0e+00;
	v23 =	vadd.s32 $0x4E20, v22;
	v27 =	vadd.s32 $0x9C40, v22;
	v18 =	vld.idx.msk [tilespmem:v1+s3+$0x0], $0xffff  }
0x281: {  	v17 =	vadd.s32 $0x2710, v22;
	v28 =	vadd.s32 $0x7530, v22;
	v0 =	vshll.u32 v5, $0x10  }
0x282: {  	v26 =	vadd.s32 $0xC350, v22;
	v13 =	vadd.f32 v5, v4;
	v16 =	vadd.f32 v0, v4  }
0x283: {  	v5 =	vld.idx.msk [tilespmem:v10+s3+$0x0], $0xffff;
	v10 =	vimm.f32 $0.0e+00;
	v6 =	vadd.f32 v8, v4;
	v1 =	vadd.f32 v2, v4  }
0x284: {  	s30 =	simm.s32 $0xC8;
	s31 =	simm.s32 $0x17D60;
	v24 =	vshll.u32 v2, $0x10;
	v2 =	vimm.f32 $0.0e+00;
	v0 =	vimm.f32 $0.0e+00  }
.LBB2_26:
0x285: {  	v29 =	vld [tilespmem:s31+$0x0];
	p0 =	sne.s32 s30, $0x26AC;
	v30 =	vshll.u32 v18, $0x10;
	v4 =	vadd.f32 v18, v4;
	v12 =	vadd.f32 v14, v12;
	s0 =	smov.u32 s30;
	s30 =	sadd.s32 $0x64, s30  }
0x286: {  	v32 =	vadd.s32 $0xEA60, v22;
	v11 =	vadd.f32 v24, v11;
	v31 =	vld.idx.msk [tilespmem:v22+s3+$0x0], $0xffff;
	v15 =	vadd.f32 v30, v15  }
0x287: {  	v24 =	vld.idx.msk [tilespmem:v27+s3+$0x0], $0xffff;
	v27 =	vadd.s32 $0x11170, v22;
	v22 =	vshll.u32 v14, $0x10;
	v14 =	vshll.u32 v9, $0x10  }
0x288: {  	v2 =	vadd.f32 v5, v2;
	v30 =	vshll.u32 v8, $0x10;
	v0 =	vadd.f32 v9, v0;
	v8 =	vld.idx.msk [tilespmem:v23+s3+$0x0], $0xffff  }
0x289: {  	v5 =	vshll.u32 v5, $0x10;
	v19 =	vadd.f32 v25, v19;
	v3 =	vadd.f32 v14, v3;
	v18 =	vld.idx.msk [tilespmem:v28+s3+$0x0], $0xffff  }
0x28a: {  	v7 =	vadd.f32 v5, v7;
	v9 =	vshll.u32 v25, $0x10;
	v10 =	vadd.f32 v22, v10;
	v14 =	vld.idx.msk [tilespmem:v26+s3+$0x0], $0xffff  }
.Ltmp11:
0x28b: {  	v20 =	vadd.f32 v30, v20;
	v21 =	vadd.f32 v9, v21;
	v5 =	vld.idx.msk [tilespmem:v32+s3+$0x0], $0xffff;
	(pc) =	sbr.rel @p0 .LBB2_26-.Ltmp11, $4  }
0x28c: {  	v22 =	vadd.s32 s0, v29;
	v25 =	vshll.u32 v31, $0x10;
	v13 =	vadd.f32 v31, v13;
	v9 =	vld.idx.msk [tilespmem:v27+s3+$0x0], $0xffff  }
0x28d: {  	v23 =	vadd.s32 $0x4E20, v22;
	v27 =	vadd.s32 $0x9C40, v22;
	v16 =	vadd.f32 v25, v16;
	v25 =	vld.idx.msk [tilespmem:v17+s3+$0x0], $0xffff  }
0x28e: {  	v1 =	vadd.f32 v24, v1;
	v17 =	vadd.s32 $0x2710, v22;
	v6 =	vadd.f32 v8, v6  }
0x28f: {  	s31 =	sadd.s32 $0x10, s31;
	v28 =	vadd.s32 $0x7530, v22;
	v26 =	vadd.s32 $0xC350, v22;
	v24 =	vshll.u32 v24, $0x10  }
0x290: {  	_ =	sdelay $0x3  }
0x291: {  	v29 =	vld.idx.msk [tilespmem:v22+s3+$0x0], $0xffff  }
0x292: {  	v30 =	vadd.s32 $0xEA60, v22;
	v17 =	vld.idx.msk [tilespmem:v17+s3+$0x0], $0xffff  }
0x293: {  	v22 =	vadd.s32 $0x11170, v22;
	v23 =	vld.idx.msk [tilespmem:v23+s3+$0x0], $0xffff  }
0x294: {  	v28 =	vld.idx.msk [tilespmem:v28+s3+$0x0], $0xffff  }
0x295: {  	v27 =	vld.idx.msk [tilespmem:v27+s3+$0x0], $0xffff;
	v19 =	vadd.f32 v25, v19  }
0x296: {  	v26 =	vld.idx.msk [tilespmem:v26+s3+$0x0], $0xffff;
	v4 =	vadd.f32 v18, v4;
	v13 =	vadd.f32 v29, v13  }
0x297: {  	v31 =	vshll.u32 v25, $0x10;
	v30 =	vld.idx.msk [tilespmem:v30+s3+$0x0], $0xffff;
	v25 =	vshll.u32 v17, $0x10;
	v17 =	vadd.f32 v17, v19  }
0x298: {  	v22 =	vld.idx.msk [tilespmem:v22+s3+$0x0], $0xffff;
	v6 =	vadd.f32 v23, v6;
	[tilespmem:$0x197B0] =	vst v13  }
0x299: {  	v12 =	vadd.f32 v14, v12;
	v32 =	vshll.u32 v29, $0x10;
	v4 =	vadd.f32 v28, v4;
	[tilespmem:$0x19890] =	vst v17  }
0x29a: {  	v8 =	vshll.u32 v8, $0x10;
	v21 =	vadd.f32 v31, v21;
	v16 =	vadd.f32 v32, v16;
	[tilespmem:$0x19970] =	vst v6  }
0x29b: {  	v8 =	vadd.f32 v8, v20;
	v29 =	vshll.u32 v18, $0x10;
	v1 =	vadd.f32 v27, v1;
	[tilespmem:$0x19A50] =	vst v4  }
0x29c: {  	v20 =	vadd.f32 v25, v21;
	v13 =	vadd.f32 v29, v15;
	[tilespmem:$0x19740] =	vst v16;
	v16 =	vshll.u32 v23, $0x10  }
0x29d: {  	v2 =	vadd.f32 v5, v2;
	v15 =	vshll.u32 v28, $0x10;
	[tilespmem:$0x19B30] =	vst v1;
	v8 =	vadd.f32 v16, v8  }
0x29e: {  	v0 =	vadd.f32 v9, v0;
	v4 =	vshll.u32 v9, $0x10;
	[tilespmem:$0x19820] =	vst v20;
	v13 =	vadd.f32 v15, v13  }
0x29f: {  	v1 =	vadd.f32 v4, v3;
	v2 =	vadd.f32 v30, v2;
	[tilespmem:$0x19900] =	vst v8  }
0x2a0: {  	v11 =	vadd.f32 v24, v11;
	v4 =	vshll.u32 v22, $0x10;
	v0 =	vadd.f32 v22, v0;
	[tilespmem:$0x199E0] =	vst v13  }
0x2a1: {  	v8 =	vshll.u32 v14, $0x10;
	v14 =	vshll.u32 v27, $0x10;
	v1 =	vadd.f32 v4, v1;
	[tilespmem:$0x19CF0] =	vst v2  }
0x2a2: {  	v6 =	vadd.f32 v8, v10;
	v8 =	vadd.f32 v14, v11;
	v10 =	vshll.u32 v5, $0x10;
	[tilespmem:$0x19DD0] =	vst v0  }
0x2a3: {  	v11 =	vshll.u32 v26, $0x10;
	v5 =	vadd.f32 v26, v12;
	v7 =	vadd.f32 v10, v7;
	[tilespmem:$0x19D60] =	vst v1  }
0x2a4: {  	v6 =	vadd.f32 v11, v6;
	[tilespmem:$0x19AC0] =	vst v8;
	v8 =	vshll.u32 v30, $0x10  }
0x2a5: {  	[tilespmem:$0x19C10] =	vst v5;
	v3 =	vadd.f32 v8, v7  }
0x2a6: {  	[tilespmem:$0x19BA0] =	vst v6  }
0x2a7: {  	s0 =	simm.s32 $0x18380;
	[tilespmem:$0x19C80] =	vst v3  }
0x2a8: {  	v0 =	vld [tilespmem:s0+$0x0];
	_ =	sdelay $0x3  }
0x2a9: {  	s0 =	simm.s32 $0x0  }
0x2aa: {  	v0 =	vadd.s32 s0, v0  }
0x2ab: {  	v1 =	vadd.s32 $0x4E20, v0  }
0x2ac: {  	v2 =	vadd.s32 $0x9C40, v0  }
0x2ad: {  	s0 =	simm.s32 $0x18390;
	v9 =	vadd.s32 $0xC350, v0  }
0x2ae: {  	v3 =	vld [tilespmem:s0+$0x0];
	v19 =	vadd.s32 $0x11170, v0  }
0x2af: {  	v7 =	vadd.s32 $0x2710, v0;
	v5 =	vld.idx.msk [tilespmem:v0+s3+$0x0], $0xffff  }
0x2b0: {  	v8 =	vld.idx.msk [tilespmem:v1+s3+$0x0], $0xffff;
	v1 =	vadd.s32 $0x7530, v0  }
0x2b1: {  	v21 =	vimm.f32 $0.0e+00;
	v2 =	vld.idx.msk [tilespmem:v2+s3+$0x0], $0xffff  }
0x2b2: {  	v20 =	vimm.f32 $0.0e+00;
	v15 =	vimm.f32 $0.0e+00;
	v4 =	vimm.f32 $0.0e+00;
	v14 =	vld.idx.msk [tilespmem:v9+s3+$0x0], $0xffff  }
0x2b3: {  	v12 =	vimm.f32 $0.0e+00;
	v11 =	vimm.f32 $0.0e+00;
	s0 =	simm.s32 $0x64;
	v10 =	vadd.s32 $0xEA60, v0;
	v9 =	vld.idx.msk [tilespmem:v19+s3+$0x0], $0xffff  }
0x2b4: {  	v22 =	vadd.s32 s0, v3;
	v19 =	vimm.f32 $0.0e+00;
	v3 =	vimm.f32 $0.0e+00;
	v25 =	vld.idx.msk [tilespmem:v7+s3+$0x0], $0xffff  }
0x2b5: {  	v7 =	vimm.f32 $0.0e+00;
	v23 =	vadd.s32 $0x4E20, v22;
	v27 =	vadd.s32 $0x9C40, v22;
	v18 =	vld.idx.msk [tilespmem:v1+s3+$0x0], $0xffff  }
0x2b6: {  	v17 =	vadd.s32 $0x2710, v22;
	v28 =	vadd.s32 $0x7530, v22;
	v0 =	vshll.u32 v5, $0x10  }
0x2b7: {  	v26 =	vadd.s32 $0xC350, v22;
	v13 =	vadd.f32 v5, v4;
	v16 =	vadd.f32 v0, v4  }
0x2b8: {  	v5 =	vld.idx.msk [tilespmem:v10+s3+$0x0], $0xffff;
	v10 =	vimm.f32 $0.0e+00;
	v6 =	vadd.f32 v8, v4;
	v1 =	vadd.f32 v2, v4  }
0x2b9: {  	s30 =	simm.s32 $0xC8;
	s31 =	simm.s32 $0x183A0;
	v24 =	vshll.u32 v2, $0x10;
	v2 =	vimm.f32 $0.0e+00;
	v0 =	vimm.f32 $0.0e+00  }
.LBB2_28:
0x2ba: {  	v29 =	vld [tilespmem:s31+$0x0];
	p0 =	sne.s32 s30, $0x26AC;
	v30 =	vshll.u32 v18, $0x10;
	v4 =	vadd.f32 v18, v4;
	v12 =	vadd.f32 v14, v12;
	s0 =	smov.u32 s30;
	s30 =	sadd.s32 $0x64, s30  }
0x2bb: {  	v32 =	vadd.s32 $0xEA60, v22;
	v11 =	vadd.f32 v24, v11;
	v31 =	vld.idx.msk [tilespmem:v22+s3+$0x0], $0xffff;
	v15 =	vadd.f32 v30, v15  }
0x2bc: {  	v24 =	vld.idx.msk [tilespmem:v27+s3+$0x0], $0xffff;
	v27 =	vadd.s32 $0x11170, v22;
	v22 =	vshll.u32 v14, $0x10;
	v14 =	vshll.u32 v9, $0x10  }
0x2bd: {  	v2 =	vadd.f32 v5, v2;
	v30 =	vshll.u32 v8, $0x10;
	v0 =	vadd.f32 v9, v0;
	v8 =	vld.idx.msk [tilespmem:v23+s3+$0x0], $0xffff  }
0x2be: {  	v5 =	vshll.u32 v5, $0x10;
	v19 =	vadd.f32 v25, v19;
	v3 =	vadd.f32 v14, v3;
	v18 =	vld.idx.msk [tilespmem:v28+s3+$0x0], $0xffff  }
0x2bf: {  	v7 =	vadd.f32 v5, v7;
	v9 =	vshll.u32 v25, $0x10;
	v10 =	vadd.f32 v22, v10;
	v14 =	vld.idx.msk [tilespmem:v26+s3+$0x0], $0xffff  }
.Ltmp12:
0x2c0: {  	v20 =	vadd.f32 v30, v20;
	v21 =	vadd.f32 v9, v21;
	v5 =	vld.idx.msk [tilespmem:v32+s3+$0x0], $0xffff;
	(pc) =	sbr.rel @p0 .LBB2_28-.Ltmp12, $4  }
0x2c1: {  	v22 =	vadd.s32 s0, v29;
	v25 =	vshll.u32 v31, $0x10;
	v13 =	vadd.f32 v31, v13;
	v9 =	vld.idx.msk [tilespmem:v27+s3+$0x0], $0xffff  }
0x2c2: {  	v23 =	vadd.s32 $0x4E20, v22;
	v27 =	vadd.s32 $0x9C40, v22;
	v16 =	vadd.f32 v25, v16;
	v25 =	vld.idx.msk [tilespmem:v17+s3+$0x0], $0xffff  }
0x2c3: {  	v1 =	vadd.f32 v24, v1;
	v17 =	vadd.s32 $0x2710, v22;
	v6 =	vadd.f32 v8, v6  }
0x2c4: {  	s31 =	sadd.s32 $0x10, s31;
	v28 =	vadd.s32 $0x7530, v22;
	v26 =	vadd.s32 $0xC350, v22;
	v24 =	vshll.u32 v24, $0x10  }
0x2c5: {  	_ =	sdelay $0x3  }
0x2c6: {  	v29 =	vld.idx.msk [tilespmem:v22+s3+$0x0], $0xffff  }
0x2c7: {  	v30 =	vadd.s32 $0xEA60, v22;
	v17 =	vld.idx.msk [tilespmem:v17+s3+$0x0], $0xffff  }
0x2c8: {  	v22 =	vadd.s32 $0x11170, v22;
	v23 =	vld.idx.msk [tilespmem:v23+s3+$0x0], $0xffff  }
0x2c9: {  	v28 =	vld.idx.msk [tilespmem:v28+s3+$0x0], $0xffff  }
0x2ca: {  	v27 =	vld.idx.msk [tilespmem:v27+s3+$0x0], $0xffff;
	v19 =	vadd.f32 v25, v19  }
0x2cb: {  	v26 =	vld.idx.msk [tilespmem:v26+s3+$0x0], $0xffff;
	v4 =	vadd.f32 v18, v4;
	v13 =	vadd.f32 v29, v13  }
0x2cc: {  	v31 =	vshll.u32 v25, $0x10;
	v30 =	vld.idx.msk [tilespmem:v30+s3+$0x0], $0xffff;
	v25 =	vshll.u32 v17, $0x10;
	v17 =	vadd.f32 v17, v19  }
0x2cd: {  	v22 =	vld.idx.msk [tilespmem:v22+s3+$0x0], $0xffff;
	v6 =	vadd.f32 v23, v6;
	[tilespmem:$0x197C0] =	vst v13  }
0x2ce: {  	v12 =	vadd.f32 v14, v12;
	v32 =	vshll.u32 v29, $0x10;
	v4 =	vadd.f32 v28, v4;
	[tilespmem:$0x198A0] =	vst v17  }
0x2cf: {  	v8 =	vshll.u32 v8, $0x10;
	v21 =	vadd.f32 v31, v21;
	v16 =	vadd.f32 v32, v16;
	[tilespmem:$0x19980] =	vst v6  }
0x2d0: {  	v8 =	vadd.f32 v8, v20;
	v29 =	vshll.u32 v18, $0x10;
	v1 =	vadd.f32 v27, v1;
	[tilespmem:$0x19A60] =	vst v4  }
0x2d1: {  	v20 =	vadd.f32 v25, v21;
	v13 =	vadd.f32 v29, v15;
	[tilespmem:$0x19750] =	vst v16;
	v16 =	vshll.u32 v23, $0x10  }
0x2d2: {  	v2 =	vadd.f32 v5, v2;
	v15 =	vshll.u32 v28, $0x10;
	[tilespmem:$0x19B40] =	vst v1;
	v8 =	vadd.f32 v16, v8  }
0x2d3: {  	v0 =	vadd.f32 v9, v0;
	v4 =	vshll.u32 v9, $0x10;
	[tilespmem:$0x19830] =	vst v20;
	v13 =	vadd.f32 v15, v13  }
0x2d4: {  	v1 =	vadd.f32 v4, v3;
	v2 =	vadd.f32 v30, v2;
	[tilespmem:$0x19910] =	vst v8  }
0x2d5: {  	v11 =	vadd.f32 v24, v11;
	v4 =	vshll.u32 v22, $0x10;
	v0 =	vadd.f32 v22, v0;
	[tilespmem:$0x199F0] =	vst v13  }
0x2d6: {  	v8 =	vshll.u32 v14, $0x10;
	v14 =	vshll.u32 v27, $0x10;
	v1 =	vadd.f32 v4, v1;
	[tilespmem:$0x19D00] =	vst v2  }
0x2d7: {  	v6 =	vadd.f32 v8, v10;
	v8 =	vadd.f32 v14, v11;
	v10 =	vshll.u32 v5, $0x10;
	[tilespmem:$0x19DE0] =	vst v0  }
0x2d8: {  	v11 =	vshll.u32 v26, $0x10;
	v5 =	vadd.f32 v26, v12;
	v7 =	vadd.f32 v10, v7;
	[tilespmem:$0x19D70] =	vst v1  }
0x2d9: {  	v6 =	vadd.f32 v11, v6;
	[tilespmem:$0x19AD0] =	vst v8;
	v8 =	vshll.u32 v30, $0x10  }
0x2da: {  	[tilespmem:$0x19C20] =	vst v5;
	v3 =	vadd.f32 v8, v7  }
0x2db: {  	[tilespmem:$0x19BB0] =	vst v6  }
0x2dc: {  	s0 =	simm.s32 $0x189C0;
	[tilespmem:$0x19C90] =	vst v3  }
0x2dd: {  	v0 =	vld [tilespmem:s0+$0x0];
	_ =	sdelay $0x3  }
0x2de: {  	s0 =	simm.s32 $0x0  }
0x2df: {  	v0 =	vadd.s32 s0, v0  }
0x2e0: {  	v1 =	vadd.s32 $0x4E20, v0  }
0x2e1: {  	v2 =	vadd.s32 $0x9C40, v0  }
0x2e2: {  	s0 =	simm.s32 $0x189D0;
	v9 =	vadd.s32 $0xC350, v0  }
0x2e3: {  	v3 =	vld [tilespmem:s0+$0x0];
	v19 =	vadd.s32 $0x11170, v0  }
0x2e4: {  	v7 =	vadd.s32 $0x2710, v0;
	v5 =	vld.idx.msk [tilespmem:v0+s3+$0x0], $0xffff  }
0x2e5: {  	v8 =	vld.idx.msk [tilespmem:v1+s3+$0x0], $0xffff;
	v1 =	vadd.s32 $0x7530, v0  }
0x2e6: {  	v21 =	vimm.f32 $0.0e+00;
	v2 =	vld.idx.msk [tilespmem:v2+s3+$0x0], $0xffff  }
0x2e7: {  	v20 =	vimm.f32 $0.0e+00;
	v15 =	vimm.f32 $0.0e+00;
	v4 =	vimm.f32 $0.0e+00;
	v14 =	vld.idx.msk [tilespmem:v9+s3+$0x0], $0xffff  }
0x2e8: {  	v12 =	vimm.f32 $0.0e+00;
	v11 =	vimm.f32 $0.0e+00;
	s0 =	simm.s32 $0x64;
	v10 =	vadd.s32 $0xEA60, v0;
	v9 =	vld.idx.msk [tilespmem:v19+s3+$0x0], $0xffff  }
0x2e9: {  	v22 =	vadd.s32 s0, v3;
	v19 =	vimm.f32 $0.0e+00;
	v3 =	vimm.f32 $0.0e+00;
	v25 =	vld.idx.msk [tilespmem:v7+s3+$0x0], $0xffff  }
0x2ea: {  	v7 =	vimm.f32 $0.0e+00;
	v23 =	vadd.s32 $0x4E20, v22;
	v27 =	vadd.s32 $0x9C40, v22;
	v18 =	vld.idx.msk [tilespmem:v1+s3+$0x0], $0xffff  }
0x2eb: {  	v17 =	vadd.s32 $0x2710, v22;
	v28 =	vadd.s32 $0x7530, v22;
	v0 =	vshll.u32 v5, $0x10  }
0x2ec: {  	v26 =	vadd.s32 $0xC350, v22;
	v13 =	vadd.f32 v5, v4;
	v16 =	vadd.f32 v0, v4  }
0x2ed: {  	v5 =	vld.idx.msk [tilespmem:v10+s3+$0x0], $0xffff;
	v10 =	vimm.f32 $0.0e+00;
	v6 =	vadd.f32 v8, v4;
	v1 =	vadd.f32 v2, v4  }
0x2ee: {  	s30 =	simm.s32 $0xC8;
	s31 =	simm.s32 $0x189E0;
	v24 =	vshll.u32 v2, $0x10;
	v2 =	vimm.f32 $0.0e+00;
	v0 =	vimm.f32 $0.0e+00  }
.LBB2_30:
0x2ef: {  	v29 =	vld [tilespmem:s31+$0x0];
	p0 =	sne.s32 s30, $0x26AC;
	v30 =	vshll.u32 v18, $0x10;
	v4 =	vadd.f32 v18, v4;
	v12 =	vadd.f32 v14, v12;
	s0 =	smov.u32 s30;
	s30 =	sadd.s32 $0x64, s30  }
0x2f0: {  	v32 =	vadd.s32 $0xEA60, v22;
	v11 =	vadd.f32 v24, v11;
	v31 =	vld.idx.msk [tilespmem:v22+s3+$0x0], $0xffff;
	v15 =	vadd.f32 v30, v15  }
0x2f1: {  	v24 =	vld.idx.msk [tilespmem:v27+s3+$0x0], $0xffff;
	v27 =	vadd.s32 $0x11170, v22;
	v22 =	vshll.u32 v14, $0x10;
	v14 =	vshll.u32 v9, $0x10  }
0x2f2: {  	v2 =	vadd.f32 v5, v2;
	v30 =	vshll.u32 v8, $0x10;
	v0 =	vadd.f32 v9, v0;
	v8 =	vld.idx.msk [tilespmem:v23+s3+$0x0], $0xffff  }
0x2f3: {  	v5 =	vshll.u32 v5, $0x10;
	v19 =	vadd.f32 v25, v19;
	v3 =	vadd.f32 v14, v3;
	v18 =	vld.idx.msk [tilespmem:v28+s3+$0x0], $0xffff  }
0x2f4: {  	v7 =	vadd.f32 v5, v7;
	v9 =	vshll.u32 v25, $0x10;
	v10 =	vadd.f32 v22, v10;
	v14 =	vld.idx.msk [tilespmem:v26+s3+$0x0], $0xffff  }
.Ltmp13:
0x2f5: {  	v20 =	vadd.f32 v30, v20;
	v21 =	vadd.f32 v9, v21;
	v5 =	vld.idx.msk [tilespmem:v32+s3+$0x0], $0xffff;
	(pc) =	sbr.rel @p0 .LBB2_30-.Ltmp13, $4  }
0x2f6: {  	v22 =	vadd.s32 s0, v29;
	v25 =	vshll.u32 v31, $0x10;
	v13 =	vadd.f32 v31, v13;
	v9 =	vld.idx.msk [tilespmem:v27+s3+$0x0], $0xffff  }
0x2f7: {  	v23 =	vadd.s32 $0x4E20, v22;
	v27 =	vadd.s32 $0x9C40, v22;
	v16 =	vadd.f32 v25, v16;
	v25 =	vld.idx.msk [tilespmem:v17+s3+$0x0], $0xffff  }
0x2f8: {  	v1 =	vadd.f32 v24, v1;
	v17 =	vadd.s32 $0x2710, v22;
	v6 =	vadd.f32 v8, v6  }
0x2f9: {  	s31 =	sadd.s32 $0x10, s31;
	v28 =	vadd.s32 $0x7530, v22;
	v26 =	vadd.s32 $0xC350, v22;
	v24 =	vshll.u32 v24, $0x10  }
0x2fa: {  	_ =	sdelay $0x3  }
0x2fb: {  	v29 =	vld.idx.msk [tilespmem:v22+s3+$0x0], $0xffff  }
0x2fc: {  	v30 =	vadd.s32 $0xEA60, v22;
	v17 =	vld.idx.msk [tilespmem:v17+s3+$0x0], $0xffff  }
0x2fd: {  	v45 =	vadd.s32 $0x11170, v22;
	v23 =	vld.idx.msk [tilespmem:v23+s3+$0x0], $0xffff  }
0x2fe: {  	v28 =	vld.idx.msk [tilespmem:v28+s3+$0x0], $0xffff  }
0x2ff: {  	v27 =	vld.idx.msk [tilespmem:v27+s3+$0x0], $0xffff;
	v19 =	vadd.f32 v25, v19  }
0x300: {  	v26 =	vld.idx.msk [tilespmem:v26+s3+$0x0], $0xffff;
	v13 =	vadd.f32 v29, v13  }
0x301: {  	v4 =	vadd.f32 v18, v4;
	v30 =	vld.idx.msk [tilespmem:v30+s3+$0x0], $0xffff;
	v46 =	vshll.u32 v17, $0x10;
	v17 =	vadd.f32 v17, v19  }
0x302: {  	v22 =	vld.idx.msk [tilespmem:v45+s3+$0x0], $0xffff;
	v6 =	vadd.f32 v23, v6;
	[tilespmem:$0x197D0] =	vst v13  }
0x303: {  	v8 =	vshll.u32 v8, $0x10;
	v12 =	vadd.f32 v14, v12;
	v4 =	vadd.f32 v28, v4;
	[tilespmem:$0x198B0] =	vst v17  }
0x304: {  	v11 =	vadd.f32 v24, v11;
	v31 =	vshll.u32 v25, $0x10;
	v1 =	vadd.f32 v27, v1;
	[tilespmem:$0x19990] =	vst v6  }
0x305: {  	v21 =	vadd.f32 v31, v21;
	v32 =	vshll.u32 v29, $0x10;
	v59 =	vadd.f32 v26, v12;
	[tilespmem:$0x19A70] =	vst v4  }
0x306: {  	v47 =	vshll.u32 v18, $0x10;
	v8 =	vadd.f32 v8, v20;
	v16 =	vadd.f32 v32, v16;
	[tilespmem:$0x19B50] =	vst v1  }
0x307: {  	v52 =	vshll.u32 v14, $0x10;
	v49 =	vshll.u32 v23, $0x10;
	v48 =	vadd.f32 v46, v21;
	[tilespmem:$0x19C30] =	vst v59  }
0x308: {  	v50 =	vadd.f32 v47, v15;
	v53 =	vshll.u32 v27, $0x10;
	v8 =	vadd.f32 v49, v8;
	[tilespmem:$0x19760] =	vst v16  }
0x309: {  	v54 =	vadd.f32 v52, v10;
	v51 =	vshll.u32 v28, $0x10;
	v55 =	vadd.f32 v53, v11;
	[tilespmem:$0x19840] =	vst v48  }
0x30a: {  	v2 =	vadd.f32 v5, v2;
	v57 =	vshll.u32 v26, $0x10;
	v13 =	vadd.f32 v51, v50;
	[tilespmem:$0x19920] =	vst v8  }
0x30b: {  	v56 =	vshll.u32 v5, $0x10;
	v0 =	vadd.f32 v9, v0;
	v6 =	vadd.f32 v57, v54;
	[tilespmem:$0x19AE0] =	vst v55  }
0x30c: {  	s28 =	sadd.s32 $0x1, s28;
	v58 =	vshll.u32 v9, $0x10;
	v7 =	vadd.f32 v56, v7;
	[tilespmem:$0x19A00] =	vst v13;
	v2 =	vadd.f32 v30, v2  }
0x30d: {  	s0 =	smul.u32 $0x70, s29;
	p0 =	sne.s32 s28, $0x7;
	v61 =	vadd.f32 v58, v3;
	[tilespmem:$0x19BC0] =	vst v6;
	v60 =	vshll.u32 v30, $0x10;
	v0 =	vadd.f32 v22, v0  }
.Ltmp14:
0x30e: {  	v63 =	vshll.u32 v22, $0x10;
	v62 =	vadd.f32 v60, v7;
	[tilespmem:$0x19D10] =	vst v2;
	(pc) =	sbr.rel @p0 .LBB2_3-.Ltmp14, $4  }
0x30f: {  	s0 =	sadd.s32 s0, s26;
	v1 =	vadd.f32 v63, v61;
	[tilespmem:$0x19DF0] =	vst v0  }
0x310: {  	s0 =	sshrl.u32 s0, $0x3;
	[tilespmem:$0x19CA0] =	vst v62  }
0x311: {  	s0 =	sadd.s32 s6, s0;
	[tilespmem:$0x19D80] =	vst v1  }
0x312: {  	[hbm4b:s0+s15] =	stream.strided.scatter [tilespmem:s19], [sflag:$0x4], $0x700, s16, s15, $0x38;
	[tilespmem:$0x19E00] =	vst v63  }
0x313: {  	s23 =	sadd.s32 $0x1, s23  }
0x314: {  	p0 =	sne.s32 s23, $0x6  }
.Ltmp15:
0x315: {  	_ = 	snop;
	(pc) =	sbr.rel @p0 .LBB2_2-.Ltmp15, $1  }
0x316: {  	_ =	sdelay $0x3  }
0x317: {  	s22 =	sadd.s32 $0x1, s22  }
0x318: {  	_ =	swait.ge [sflag:s20], $0x700;
	p0 =	sne.s32 s22, s10  }
.Ltmp16:
0x319: {  	[sflag:s20] =	ssyncset.done $0x0;
	(pc) =	sbr.rel @p0 .LBB2_1-.Ltmp16, $4  }
0x31a: {  	[sflag:s20] =	ssyncadd.s32 $0xFFFFF900  }
0x31b: {  	_ =	swait.ge [sflag:s21], $0x700  }
0x31c: {  	[sflag:s21] =	ssyncset.done $0x0  }
0x31d: {  	[sflag:s21] =	ssyncadd.s32 $0xFFFFF900  }
0x31e: {  	_ =	sfence.sel $0x180000  }
0x31f: {  	[bflag:$0x0] =	sbarrier.arrive $0xFFFF  }
0x320: {  	_ =	strace $0x90000047  }
0x321: {  	[bflag:$0x2] =	sbarrier.arrive $0xFFFF  }
0x322: {  	p0 =	sne.s32 s1, $0x0;
	s0 =	rddreg [dreg:$0x2]  }
0x323: {  	s0 =	sadd.s32 @!p0 $0x100000, s0  }
0x324: {  	[sflag:s0] =	ssyncadd.tile.s32 @!p0 $0x1;
	_ =	shalt  }
.Lfunc_end2:
_tile_overlayer_lowered:
.L_overlay_start_2:
0x325: {  	(tag) =	ssettag $0x2  }
0x326: {  	s0 =	rddreg [dreg:$0x0];
	s2 =	stileid.u32  }
0x327: {  	s1 =	rddreg [dreg:$0x1];
	p0 =	sne.s32 s2, $0x0  }
0x328: {  	s3 =	rddreg [dreg:$0x2];
	[bflag:$0x3] =	sbarrier.arrive $0xFFFF;
	s2 =	simm.s32 @!p0 $0x1C05  }
0x329: {  	[timem:s3], [sflag:s2] =	dma.local @!p0 [hbm:s0], s1  }
0x32a: {  	s0 =	simm.s32 @!p0 $0x5  }
0x32b: {  	_ =	swait.ge @!p0 [sflag:s0], s1  }
0x32c: {  	s1 =	ssub.s32 @!p0 $0x0, s1;
	[sflag:s0] =	ssyncset.done @!p0 $0x0  }
0x32d: {  	[sflag:s0] =	ssyncadd.s32 @!p0 s1  }
0x32e: {  	[bflag:$0x3] =	sbarrier.arrive $0xFFFF  }
0x32f: {  	_ =	shalt  }

</sc_bundles>
